<compile_context>
chip_gen: v7x
topology: tpu7x:2x2x1
jax: 0.10.2.dev20260603
libtpu: 0.0.44.dev20260713+nightly
codegen_flags: <defaults>
</compile_context>

<pallas_src>
import functools

import jax
import jax.numpy as jnp
from jax import lax
from jax.experimental import pallas as pl
from jax.experimental.pallas import tpu as pltpu
from jax.experimental.pallas import tpu_sc as plsc

_N = 10000
_E = 160000
_DIN = 256
_H = 512
_C = 4
_CW = _H // _C
_NS = 16
_BATCH = 80
_NPAD = 10240
_RPT = _NPAD // _NS
_EPT = _E // _NS
_BN = 2000
_NB = _N // _BN


_sc_mesh = plsc.VectorSubcoreMesh(core_axis_name="c", subcore_axis_name="s")


_NBAT = _EPT // _BATCH


@functools.partial(
    pl.kernel,
    mesh=_sc_mesh,
    out_type=jax.ShapeDtypeStruct((_C * _NPAD, _CW), jnp.float32),
    scratch_types=[
        pltpu.VMEM((_EPT,), jnp.int32),
        pltpu.VMEM((_BATCH,), jnp.int32),
        pltpu.VMEM((_BATCH,), jnp.int32),
        pltpu.VMEM((_BATCH,), jnp.int32),
        pltpu.VMEM((_BATCH, _CW), jnp.float32),
        pltpu.VMEM((_BATCH, _CW), jnp.float32),
        pltpu.VMEM((_BATCH, _CW), jnp.float32),
        pltpu.VMEM_SHARED((_NPAD, _CW), jnp.float32),
        pltpu.SemaphoreType.DMA,
        pltpu.SemaphoreType.DMA,
        pltpu.SemaphoreType.DMA,
        pltpu.SemaphoreType.DMA,
        pltpu.SemaphoreType.DMA,
        pltpu.SemaphoreType.DMA,
        pltpu.SemaphoreType.DMA,
        pltpu.SemaphoreType.DMA,
        pltpu.SemaphoreType.DMA,
        pltpu.SemaphoreType.DMA,
        pltpu.SemaphoreType.DMA,
    ],
)
def _sc_scatter(h4, ei, out, src_off, dst_v0, dst_v1, dst_v2, rows0,
                rows1, rows2, acc_sh, sem0, sem1, sem2, semd0,
                semd1, semd2, sems0, sems1, sems2, semw0, semw1):
    cid = lax.axis_index("c")
    sid = lax.axis_index("s")
    ebase = sid * _EPT
    rbase = sid * _RPT
    z16 = jnp.zeros((16,), jnp.float32)
    slots = ((dst_v0, rows0, sem0, semd0, sems0),
             (dst_v1, rows1, sem1, semd1, sems1),
             (dst_v2, rows2, sem2, semd2, sems2))
    wrows = (rows0, rows1)
    wsems = (semw0, semw1)

    def dcopy(b, dv, sem):
        return pltpu.make_async_copy(
            ei.at[pl.ds(ebase + b * _BATCH, _BATCH)], dv, sem)

    def gcopy(b, rows, sem):
        return pltpu.make_async_copy(
            h4.at[src_off.at[pl.ds(b * _BATCH, _BATCH)]], rows, sem)

    def issue(b, slot):
        dcopy(b, slot[0], slot[3]).start()
        gcopy(b, slot[1], slot[2]).start()

    def drain_scatter(b, slot):
        gcopy(b, slot[1], slot[2]).wait()
        dcopy(b, slot[0], slot[3]).wait()
        pltpu.async_copy(slot[1], acc_sh.at[slot[0]], slot[4], add=True)

    def swait(slot):
        pltpu.make_async_copy(slot[1], acc_sh.at[slot[0]], slot[4]).wait()

    def prep(b, slot):
        swait(slot)
        issue(b, slot)

    for ci in range(2):
        chunk = cid * 2 + ci
        row_off = chunk * _N

        def zrow(i, carry):
            for j in range(_CW // 16):
                rows2[i, pl.ds(j * 16, 16)] = z16
            return carry

        lax.fori_loop(0, _BATCH, zrow, 0)

        def zcopy(k, carry):
            pltpu.sync_copy(rows2,
                            acc_sh.at[pl.ds(rbase + k * _BATCH, _BATCH)])
            return carry

        lax.fori_loop(0, _RPT // _BATCH, zcopy, 0)

        pltpu.sync_copy(ei.at[pl.ds(_E + ebase, _EPT)], src_off)

        def abody(k, carry):
            sl = pl.ds(k * 16, 16)
            src_off[sl] = src_off[sl] + row_off
            return carry

        lax.fori_loop(0, _EPT // 16, abody, 0)
        plsc.subcore_barrier()

        issue(0, slots[0])
        issue(1, slots[1])
        issue(2, slots[2])

        def pbody(p, carry):
            b0 = 3 * p
            drain_scatter(b0, slots[0])
            prep(b0 + 3, slots[0])
            drain_scatter(b0 + 1, slots[1])
            prep(b0 + 4, slots[1])
            drain_scatter(b0 + 2, slots[2])
            prep(b0 + 5, slots[2])
            return carry

        lax.fori_loop(0, (_NBAT - 5) // 3, pbody, 0)
        drain_scatter(_NBAT - 5, slots[0])
        prep(_NBAT - 2, slots[0])
        drain_scatter(_NBAT - 4, slots[1])
        prep(_NBAT - 1, slots[1])
        drain_scatter(_NBAT - 3, slots[2])
        drain_scatter(_NBAT - 2, slots[0])
        drain_scatter(_NBAT - 1, slots[1])
        for sl in slots:
            swait(sl)
        plsc.subcore_barrier()

        woff = chunk * _NPAD + rbase
        nwb = _RPT // _BATCH

        def wdesc(k, h):
            return pltpu.make_async_copy(
                wrows[h], out.at[pl.ds(woff + k * _BATCH, _BATCH)], wsems[h])

        for k in range(nwb):
            h = k % 2
            if k >= 2:
                wdesc(k - 2, h).wait()
            pltpu.sync_copy(acc_sh.at[pl.ds(rbase + k * _BATCH, _BATCH)],
                            wrows[h])
            wdesc(k, h).start()
        wdesc(nwb - 2, 0).wait()
        wdesc(nwb - 1, 1).wait()


def _emb_body(x_ref, w_ref, b_ref, o_ref):
    t = lax.dot_general(x_ref[...].astype(jnp.bfloat16),
                        w_ref[...].astype(jnp.bfloat16),
                        (((1,), (1,)), ((), ())),
                        preferred_element_type=jnp.float32)
    t = t + b_ref[...]
    for c in range(_C):
        o_ref[c] = t[:, c * _CW:(c + 1) * _CW]


_emb_call = pl.pallas_call(
    _emb_body,
    grid=(_NB,),
    in_specs=[
        pl.BlockSpec((_BN, _DIN), lambda i: (i, 0)),
        pl.BlockSpec((_H, _DIN), lambda i: (0, 0)),
        pl.BlockSpec((1, _H), lambda i: (0, 0)),
    ],
    out_specs=pl.BlockSpec((_C, _BN, _CW), lambda i: (0, i, 0)),
    out_shape=jax.ShapeDtypeStruct((_C, _N, _CW), jnp.float32),
)


def _gate_norm(agg4, res4, w, g, b, kap):
    t = None
    for c in range(_C):
        p = lax.dot_general(agg4[c].astype(jnp.bfloat16),
                            w[:, c * _CW:(c + 1) * _CW].astype(jnp.bfloat16),
                            (((1,), (1,)), ((), ())),
                            preferred_element_type=jnp.float32)
        t = p if t is None else t + p
    xs = jnp.clip(t, -10.0, 10.0)
    x2 = xs * xs
    gate = jax.nn.sigmoid(kap / (0.5 + 1e-08) - x2 * x2 * 0.01)
    h = t * gate
    res = jnp.concatenate([res4[c] for c in range(_C)], axis=1)
    y = h + res
    mu = jnp.mean(y, axis=1, keepdims=True)
    var = jnp.mean((y - mu) ** 2, axis=1, keepdims=True)
    return (y - mu) / jnp.sqrt(var + 1e-05) * g + b


def _mid_body(agg_ref, res_ref, w_ref, g_ref, b_ref, kap_ref, o_ref):
    hn = _gate_norm(agg_ref[...], res_ref[...], w_ref[...], g_ref[...],
                    b_ref[...], kap_ref[0, 0])
    for c in range(_C):
        o_ref[c] = hn[:, c * _CW:(c + 1) * _CW]


_mid_call = pl.pallas_call(
    _mid_body,
    grid=(_NB,),
    in_specs=[
        pl.BlockSpec((_C, _BN, _CW), lambda i: (0, i, 0)),
        pl.BlockSpec((_C, _BN, _CW), lambda i: (0, i, 0)),
        pl.BlockSpec((_H, _H), lambda i: (0, 0)),
        pl.BlockSpec((1, _H), lambda i: (0, 0)),
        pl.BlockSpec((1, _H), lambda i: (0, 0)),
        pl.BlockSpec((1, 1), lambda i: (0, 0)),
    ],
    out_specs=pl.BlockSpec((_C, _BN, _CW), lambda i: (0, i, 0)),
    out_shape=jax.ShapeDtypeStruct((_C, _N, _CW), jnp.float32),
)


def _final_body(agg_ref, res_ref, w_ref, g_ref, b_ref, kap_ref, ro_ref,
                rob_ref, o_ref):
    hn = _gate_norm(agg_ref[...], res_ref[...], w_ref[...], g_ref[...],
                    b_ref[...], kap_ref[0, 0])
    logits = jnp.sum(hn * ro_ref[...], axis=1, keepdims=True)
    o_ref[...] = jax.nn.sigmoid(logits + rob_ref[0, 0])


_final_call = pl.pallas_call(
    _final_body,
    grid=(_NB,),
    in_specs=[
        pl.BlockSpec((_C, _BN, _CW), lambda i: (0, i, 0)),
        pl.BlockSpec((_C, _BN, _CW), lambda i: (0, i, 0)),
        pl.BlockSpec((_H, _H), lambda i: (0, 0)),
        pl.BlockSpec((1, _H), lambda i: (0, 0)),
        pl.BlockSpec((1, _H), lambda i: (0, 0)),
        pl.BlockSpec((1, 1), lambda i: (0, 0)),
        pl.BlockSpec((1, _H), lambda i: (0, 0)),
        pl.BlockSpec((1, 1), lambda i: (0, 0)),
    ],
    out_specs=pl.BlockSpec((_BN, 1), lambda i: (i, 0)),
    out_shape=jax.ShapeDtypeStruct((_N, 1), jnp.float32),
)


def kernel(x, edge_index, emb_W, emb_b, e8_W, q_W, q_b, k_W, k_b, tau, kappa,
           ln_g, ln_b, ro_W, ro_b):
    ei = edge_index.reshape(-1)
    emb_b2 = emb_b.reshape(1, _H)
    g2 = ln_g.reshape(1, _H)
    b2 = ln_b.reshape(1, _H)
    kap2 = kappa.reshape(1, 1)
    rob2 = ro_b.reshape(1, 1)

    h4 = _emb_call(x, emb_W, emb_b2)
    agg = _sc_scatter(h4.reshape(_C * _N, _CW), ei)
    h4b = _mid_call(agg.reshape(_C, _NPAD, _CW), h4,
                    e8_W, g2, b2, kap2)
    agg2 = _sc_scatter(h4b.reshape(_C * _N, _CW), ei)
    out = _final_call(agg2.reshape(_C, _NPAD, _CW), h4b, e8_W, g2, b2, kap2,
                      ro_W, rob2)
    return out

# --- scband reference (transcript-rebuilt; emitter-appended) ---
"""Pipeline reference for scband-resmagraph-15951508537574 (READ-ONLY COPY).

The authoritative reference and input builder live on the scoring server;
editing this copy changes nothing except your own understanding.
"""

import jax, jax.numpy as jnp
import numpy as np

N = 10000
E = 160000
D_IN = 256
H = 512


def setup_inputs(seed: int = 0) -> dict:
    key = jax.random.key(seed)
    ks = jax.random.split(key, 12)
    x = jax.random.normal(ks[0], (N, D_IN), dtype=jnp.float32)
    edge_index = jax.random.randint(ks[1], (2, E), 0, N, dtype=jnp.int32)
    s_in = 1.0 / np.sqrt(D_IN)
    s_h = 1.0 / np.sqrt(H)
    emb_W = jax.random.uniform(ks[2], (H, D_IN), dtype=jnp.float32, minval=-s_in, maxval=s_in)
    emb_b = jax.random.uniform(ks[3], (H,), dtype=jnp.float32, minval=-s_in, maxval=s_in)
    a = np.sqrt(6.0 / (H + H))
    e8_W = jax.random.uniform(ks[4], (H, H), dtype=jnp.float32, minval=-a, maxval=a)
    q_W = jax.random.uniform(ks[5], (H, H), dtype=jnp.float32, minval=-s_h, maxval=s_h)
    q_b = jax.random.uniform(ks[6], (H,), dtype=jnp.float32, minval=-s_h, maxval=s_h)
    k_W = jax.random.uniform(ks[7], (H, H), dtype=jnp.float32, minval=-s_h, maxval=s_h)
    k_b = jax.random.uniform(ks[8], (H,), dtype=jnp.float32, minval=-s_h, maxval=s_h)
    tau = jnp.array(0.5, dtype=jnp.float32)
    kappa = jnp.array(1.0, dtype=jnp.float32)
    ln_g = jnp.ones((H,), dtype=jnp.float32)
    ln_b = jnp.zeros((H,), dtype=jnp.float32)
    ro_W = jax.random.uniform(ks[9], (1, H), dtype=jnp.float32, minval=-s_h, maxval=s_h)
    ro_b = jax.random.uniform(ks[10], (1,), dtype=jnp.float32, minval=-s_h, maxval=s_h)
    return {"x": x, "edge_index": edge_index, "emb_W": emb_W, "emb_b": emb_b,
            "e8_W": e8_W, "q_W": q_W, "q_b": q_b, "k_W": k_W, "k_b": k_b,
            "tau": tau, "kappa": kappa, "ln_g": ln_g, "ln_b": ln_b,
            "ro_W": ro_W, "ro_b": ro_b}


def reference(x, edge_index, emb_W, emb_b, e8_W, q_W, q_b, k_W, k_b, tau, kappa, ln_g, ln_b, ro_W, ro_b):
    src = edge_index[1]
    dst = edge_index[0]
    h = x @ emb_W.T + emb_b
    for _ in range(2):
        res = h
        # E8LatticeLayer: sparse adjacency matmul (scatter-add over edges), then linear
        agg = jnp.zeros((N, H), dtype=h.dtype).at[dst].add(h[src])
        h = agg @ e8_W.T
        # RicciCurvatureAttention (2D input -> unsqueeze(1): per-node length-1 attention)
        h3 = h[:, None, :]
        q = h3 @ q_W.T + q_b
        k = h3 @ k_W.T + k_b
        metric = jnp.matmul(q, jnp.swapaxes(k, -2, -1)) * tau
        attn = jax.nn.softmax(metric, axis=-1)
        h = jnp.squeeze(jnp.matmul(attn, h3), axis=1)
        # PTSymmetricActivation (threshold = chi*omega = 0.5)
        x_safe = jnp.clip(h, -10.0, 10.0)
        coherence = kappa / (0.5 + 1e-08)
        zeeman = jnp.power(jnp.abs(x_safe), 4.0) * 0.01
        gate = jax.nn.sigmoid(coherence - zeeman)
        h = h * gate
        # LayerNorm(h + res), eps=1e-5, biased variance
        y = h + res
        mu = jnp.mean(y, axis=-1, keepdims=True)
        var = jnp.mean((y - mu) ** 2, axis=-1, keepdims=True)
        h = (y - mu) / jnp.sqrt(var + 1e-5) * ln_g + ln_b
    return jax.nn.sigmoid(h @ ro_W.T + ro_b)

if __name__ == "__main__":
    import jax
    _d = setup_inputs()
    print(jax.jit(kernel)(*tuple(_d.values())))

</pallas_src>

<mosaic_0001>
#map = affine_map<(d0, d1) -> (0, 0)>
#map1 = affine_map<(d0, d1) -> (0)>
module attributes {stable_mosaic.version = 14 : i64} {
  func.func @_sc_scatter(%arg0: i32, %arg1: i32, %arg2: memref<40000x128xf32, #tpu.memory_space<hbm>>, %arg3: memref<320000xi32, #tpu.memory_space<hbm>>, %arg4: memref<40960x128xf32, #tpu.memory_space<hbm>>, %arg5: memref<10000xi32, #tpu.memory_space<vmem>>, %arg6: memref<80xi32, #tpu.memory_space<vmem>>, %arg7: memref<80xi32, #tpu.memory_space<vmem>>, %arg8: memref<80xi32, #tpu.memory_space<vmem>>, %arg9: memref<80x128xf32, #tpu.memory_space<vmem>>, %arg10: memref<80x128xf32, #tpu.memory_space<vmem>>, %arg11: memref<80x128xf32, #tpu.memory_space<vmem>>, %arg12: memref<10240x128xf32, #tpu.memory_space<vmem_shared>>, %arg13: memref<!tpu.dma_semaphore, #tpu.memory_space<semaphore_mem>>, %arg14: memref<!tpu.dma_semaphore, #tpu.memory_space<semaphore_mem>>, %arg15: memref<!tpu.dma_semaphore, #tpu.memory_space<semaphore_mem>>, %arg16: memref<!tpu.dma_semaphore, #tpu.memory_space<semaphore_mem>>, %arg17: memref<!tpu.dma_semaphore, #tpu.memory_space<semaphore_mem>>, %arg18: memref<!tpu.dma_semaphore, #tpu.memory_space<semaphore_mem>>, %arg19: memref<!tpu.dma_semaphore, #tpu.memory_space<semaphore_mem>>, %arg20: memref<!tpu.dma_semaphore, #tpu.memory_space<semaphore_mem>>, %arg21: memref<!tpu.dma_semaphore, #tpu.memory_space<semaphore_mem>>, %arg22: memref<!tpu.dma_semaphore, #tpu.memory_space<semaphore_mem>>, %arg23: memref<!tpu.dma_semaphore, #tpu.memory_space<semaphore_mem>>) attributes {dimension_semantics = [#tpu.dimension_semantics<core_parallel>, #tpu.dimension_semantics<subcore_parallel>], iteration_bounds = array<i64: 2, 16>, scalar_prefetch = 0 : i64, scratch_operands = 19 : i64, tpu.core_type = #tpu.core_type<sc_vector_subcore>, window_params = [{transform_indices = #map}, {transform_indices = #map1}, {transform_indices = #map}]} {
    %mul3A = arith.constant 10000 : i32
    %mul3A_0 = arith.muli %arg1, %mul3A : i32
    %mul3A_1 = arith.constant 640 : i32
    %mul3A_2 = arith.muli %arg1, %mul3A_1 : i32
    %broadcast_in_dim3A = arith.constant 0.000000e+00 : f32
    %broadcast_in_dim3A_3 = vector.broadcast %broadcast_in_dim3A : f32 to vector<16xf32>
    %mul3A_4 = arith.constant 2 : i32
    %mul3A_5 = arith.muli %arg0, %mul3A_4 : i32
    %add3A = arith.constant 0 : i32
    %add3A_6 = arith.addi %mul3A_5, %add3A : i32
    %mul3A_7 = arith.constant 10000 : i32
    %mul3A_8 = arith.muli %add3A_6, %mul3A_7 : i32
    %scan3A = arith.constant 0 : i32
    %scan3A_9 = arith.constant 0 : i32
    %scan3A_10 = arith.constant 80 : i32
    %scan3A_11 = arith.addi %scan3A_9, %scan3A_10 : i32
    %scan3A_12 = arith.constant 1 : i32
    scf.for %scan3A_537 = %scan3A_9 to %scan3A_11 step %scan3A_12  : i32 {
      %swap3A = arith.index_cast %scan3A_537 : i32 to index
      %swap3A_538 = arith.constant 0 : index
      %swap3A_539 = tpu.vector_load %arg11[%swap3A, %swap3A_538] {strides = array<i32>} : memref<80x128xf32, #tpu.memory_space<vmem>>, vector<1x16xf32>,
      %swap3A_540 = vector.shape_cast %swap3A_539 : vector<1x16xf32> to vector<16xf32>
      %swap3A_541 = vector.shape_cast %broadcast_in_dim3A_3 : vector<16xf32> to vector<1x16xf32>
      tpu.vector_store %arg11[%swap3A, %swap3A_538], %swap3A_541 {strides = array<i32>} : memref<80x128xf32, #tpu.memory_space<vmem>>, vector<1x16xf32>,
      %swap3A_542 = arith.index_cast %scan3A_537 : i32 to index
      %swap3A_543 = arith.constant 16 : index
      %swap3A_544 = tpu.vector_load %arg11[%swap3A_542, %swap3A_543] {strides = array<i32>} : memref<80x128xf32, #tpu.memory_space<vmem>>, vector<1x16xf32>,
      %swap3A_545 = vector.shape_cast %swap3A_544 : vector<1x16xf32> to vector<16xf32>
      %swap3A_546 = vector.shape_cast %broadcast_in_dim3A_3 : vector<16xf32> to vector<1x16xf32>
      tpu.vector_store %arg11[%swap3A_542, %swap3A_543], %swap3A_546 {strides = array<i32>} : memref<80x128xf32, #tpu.memory_space<vmem>>, vector<1x16xf32>,
      %swap3A_547 = arith.index_cast %scan3A_537 : i32 to index
      %swap3A_548 = arith.constant 32 : index
      %swap3A_549 = tpu.vector_load %arg11[%swap3A_547, %swap3A_548] {strides = array<i32>} : memref<80x128xf32, #tpu.memory_space<vmem>>, vector<1x16xf32>,
      %swap3A_550 = vector.shape_cast %swap3A_549 : vector<1x16xf32> to vector<16xf32>
      %swap3A_551 = vector.shape_cast %broadcast_in_dim3A_3 : vector<16xf32> to vector<1x16xf32>
      tpu.vector_store %arg11[%swap3A_547, %swap3A_548], %swap3A_551 {strides = array<i32>} : memref<80x128xf32, #tpu.memory_space<vmem>>, vector<1x16xf32>,
      %swap3A_552 = arith.index_cast %scan3A_537 : i32 to index
      %swap3A_553 = arith.constant 48 : index
      %swap3A_554 = tpu.vector_load %arg11[%swap3A_552, %swap3A_553] {strides = array<i32>} : memref<80x128xf32, #tpu.memory_space<vmem>>, vector<1x16xf32>,
      %swap3A_555 = vector.shape_cast %swap3A_554 : vector<1x16xf32> to vector<16xf32>
      %swap3A_556 = vector.shape_cast %broadcast_in_dim3A_3 : vector<16xf32> to vector<1x16xf32>
      tpu.vector_store %arg11[%swap3A_552, %swap3A_553], %swap3A_556 {strides = array<i32>} : memref<80x128xf32, #tpu.memory_space<vmem>>, vector<1x16xf32>,
      %swap3A_557 = arith.index_cast %scan3A_537 : i32 to index
      %swap3A_558 = arith.constant 64 : index
      %swap3A_559 = tpu.vector_load %arg11[%swap3A_557, %swap3A_558] {strides = array<i32>} : memref<80x128xf32, #tpu.memory_space<vmem>>, vector<1x16xf32>,
      %swap3A_560 = vector.shape_cast %swap3A_559 : vector<1x16xf32> to vector<16xf32>
      %swap3A_561 = vector.shape_cast %broadcast_in_dim3A_3 : vector<16xf32> to vector<1x16xf32>
      tpu.vector_store %arg11[%swap3A_557, %swap3A_558], %swap3A_561 {strides = array<i32>} : memref<80x128xf32, #tpu.memory_space<vmem>>, vector<1x16xf32>,
      %swap3A_562 = arith.index_cast %scan3A_537 : i32 to index
      %swap3A_563 = arith.constant 80 : index
      %swap3A_564 = tpu.vector_load %arg11[%swap3A_562, %swap3A_563] {strides = array<i32>} : memref<80x128xf32, #tpu.memory_space<vmem>>, vector<1x16xf32>,
      %swap3A_565 = vector.shape_cast %swap3A_564 : vector<1x16xf32> to vector<16xf32>
      %swap3A_566 = vector.shape_cast %broadcast_in_dim3A_3 : vector<16xf32> to vector<1x16xf32>
      tpu.vector_store %arg11[%swap3A_562, %swap3A_563], %swap3A_566 {strides = array<i32>} : memref<80x128xf32, #tpu.memory_space<vmem>>, vector<1x16xf32>,
      %swap3A_567 = arith.index_cast %scan3A_537 : i32 to index
      %swap3A_568 = arith.constant 96 : index
      %swap3A_569 = tpu.vector_load %arg11[%swap3A_567, %swap3A_568] {strides = array<i32>} : memref<80x128xf32, #tpu.memory_space<vmem>>, vector<1x16xf32>,
      %swap3A_570 = vector.shape_cast %swap3A_569 : vector<1x16xf32> to vector<16xf32>
      %swap3A_571 = vector.shape_cast %broadcast_in_dim3A_3 : vector<16xf32> to vector<1x16xf32>
      tpu.vector_store %arg11[%swap3A_567, %swap3A_568], %swap3A_571 {strides = array<i32>} : memref<80x128xf32, #tpu.memory_space<vmem>>, vector<1x16xf32>,
      %swap3A_572 = arith.index_cast %scan3A_537 : i32 to index
      %swap3A_573 = arith.constant 112 : index
      %swap3A_574 = tpu.vector_load %arg11[%swap3A_572, %swap3A_573] {strides = array<i32>} : memref<80x128xf32, #tpu.memory_space<vmem>>, vector<1x16xf32>,
      %swap3A_575 = vector.shape_cast %swap3A_574 : vector<1x16xf32> to vector<16xf32>
      %swap3A_576 = vector.shape_cast %broadcast_in_dim3A_3 : vector<16xf32> to vector<1x16xf32>
      tpu.vector_store %arg11[%swap3A_572, %swap3A_573], %swap3A_576 {strides = array<i32>} : memref<80x128xf32, #tpu.memory_space<vmem>>, vector<1x16xf32>,
    }
    %scan3A_13 = arith.constant 80 : i32
    %scan3A_14 = arith.constant 0 : i32
    %scan3A_15 = arith.constant 0 : i32
    %scan3A_16 = arith.constant 8 : i32
    %scan3A_17 = arith.addi %scan3A_15, %scan3A_16 : i32
    %scan3A_18 = arith.constant 1 : i32
    scf.for %scan3A_537 = %scan3A_15 to %scan3A_17 step %scan3A_18  : i32 {
      %mul3A_538 = arith.constant 80 : i32
      %mul3A_539 = arith.muli %scan3A_537, %mul3A_538 : i32
      %add3A_540 = arith.addi %mul3A_2, %mul3A_539 : i32
      "tpu.region"() ({
        %run_scoped3A = tpu.sem_alloc : memref<!tpu.dma_semaphore, #tpu.memory_space<semaphore_mem>>
        %dma_start3A_541 = arith.constant 0 : i32
        %dma_start3A_542 = tpu.memref_slice %arg12[%add3A_540, %dma_start3A_541] : memref<10240x128xf32, #tpu.memory_space<vmem_shared>> -> memref<80x128xf32, #tpu.memory_space<vmem_shared>>
        %dma_start3A_543 = arith.constant 0 : i32
        %dma_start3A_544 = tpu.memref_slice %arg12[%add3A_540, %dma_start3A_543] : memref<10240x128xf32, #tpu.memory_space<vmem_shared>> -> memref<80x128xf32, #tpu.memory_space<vmem_shared>>
        tpu.enqueue_dma source(%arg11 : memref<80x128xf32, #tpu.memory_space<vmem>>) target(%dma_start3A_544 : memref<80x128xf32, #tpu.memory_space<vmem_shared>>) target_semaphore(%run_scoped3A : memref<!tpu.dma_semaphore, #tpu.memory_space<semaphore_mem>>)
        %dma_wait3A_545 = arith.constant 0 : i32
        %dma_wait3A_546 = tpu.memref_slice %arg12[%add3A_540, %dma_wait3A_545] : memref<10240x128xf32, #tpu.memory_space<vmem_shared>> -> memref<80x128xf32, #tpu.memory_space<vmem_shared>>
        %dma_wait3A_547 = arith.constant 0 : i32
        %dma_wait3A_548 = tpu.memref_slice %arg12[%add3A_540, %dma_wait3A_547] : memref<10240x128xf32, #tpu.memory_space<vmem_shared>> -> memref<80x128xf32, #tpu.memory_space<vmem_shared>>
        tpu.wait_dma2 semaphore(%run_scoped3A : memref<!tpu.dma_semaphore, #tpu.memory_space<semaphore_mem>>) src(%arg11 : memref<80x128xf32, #tpu.memory_space<vmem>>) dst(%dma_wait3A_548 : memref<80x128xf32, #tpu.memory_space<vmem_shared>>)
        tpu.yield
      }) : () -> ()
    }
    %scan3A_19 = arith.constant 8 : i32
    %add3A_20 = arith.constant 160000 : i32
    %add3A_21 = arith.addi %add3A_20, %mul3A_0 : i32
    "tpu.region"() ({
      %run_scoped3A = tpu.sem_alloc : memref<!tpu.dma_semaphore, #tpu.memory_space<semaphore_mem>>
      %dma_start3A_537 = tpu.memref_slice %arg3[%add3A_21] : memref<320000xi32, #tpu.memory_space<hbm>> -> memref<10000xi32, #tpu.memory_space<hbm>>
      %dma_start3A_538 = tpu.memref_slice %arg3[%add3A_21] : memref<320000xi32, #tpu.memory_space<hbm>> -> memref<10000xi32, #tpu.memory_space<hbm>>
      tpu.enqueue_dma source(%dma_start3A_538 : memref<10000xi32, #tpu.memory_space<hbm>>) target(%arg5 : memref<10000xi32, #tpu.memory_space<vmem>>) target_semaphore(%run_scoped3A : memref<!tpu.dma_semaphore, #tpu.memory_space<semaphore_mem>>)
      %dma_wait3A_539 = tpu.memref_slice %arg3[%add3A_21] : memref<320000xi32, #tpu.memory_space<hbm>> -> memref<10000xi32, #tpu.memory_space<hbm>>
      %dma_wait3A_540 = tpu.memref_slice %arg3[%add3A_21] : memref<320000xi32, #tpu.memory_space<hbm>> -> memref<10000xi32, #tpu.memory_space<hbm>>
      tpu.wait_dma2 semaphore(%run_scoped3A : memref<!tpu.dma_semaphore, #tpu.memory_space<semaphore_mem>>) src(%dma_wait3A_540 : memref<10000xi32, #tpu.memory_space<hbm>>) dst(%arg5 : memref<10000xi32, #tpu.memory_space<vmem>>)
      tpu.yield
    }) : () -> ()
    %scan3A_22 = arith.constant 0 : i32
    %scan3A_23 = arith.constant 0 : i32
    %scan3A_24 = arith.constant 625 : i32
    %scan3A_25 = arith.addi %scan3A_23, %scan3A_24 : i32
    %scan3A_26 = arith.constant 1 : i32
    scf.for %scan3A_537 = %scan3A_23 to %scan3A_25 step %scan3A_26  : i32 {
      %mul3A_538 = arith.constant 16 : i32
      %mul3A_539 = arith.muli %scan3A_537, %mul3A_538 : i32
      %get3A = arith.index_cast %mul3A_539 : i32 to index
      %get3A_540 = tpu.vector_load %arg5[%get3A] {strides = array<i32>} : memref<10000xi32, #tpu.memory_space<vmem>>, vector<16xi32>,
      %get3A_541 = vector.shape_cast %get3A_540 : vector<16xi32> to vector<16xi32>
      %add3A_542 = vector.broadcast %mul3A_8 : i32 to vector<16xi32>
      %add3A_543 = arith.addi %get3A_541, %add3A_542 : vector<16xi32>
      %swap3A = arith.index_cast %mul3A_539 : i32 to index
      %swap3A_544 = tpu.vector_load %arg5[%swap3A] {strides = array<i32>} : memref<10000xi32, #tpu.memory_space<vmem>>, vector<16xi32>,
      %swap3A_545 = vector.shape_cast %swap3A_544 : vector<16xi32> to vector<16xi32>
      %swap3A_546 = vector.shape_cast %add3A_543 : vector<16xi32> to vector<16xi32>
      tpu.vector_store %arg5[%swap3A], %swap3A_546 {strides = array<i32>} : memref<10000xi32, #tpu.memory_space<vmem>>, vector<16xi32>,
    }
    %scan3A_27 = arith.constant 625 : i32
    %barrier3A = arith.constant 0 : index
    tpu.barrier barrier_id(%barrier3A)
    %add3A_28 = arith.constant 0 : i32
    %add3A_29 = arith.addi %mul3A_0, %add3A_28 : i32
    %dma_start3A = tpu.memref_slice %arg3[%add3A_29] : memref<320000xi32, #tpu.memory_space<hbm>> -> memref<80xi32, #tpu.memory_space<hbm>>
    %dma_start3A_30 = tpu.memref_slice %arg3[%add3A_29] : memref<320000xi32, #tpu.memory_space<hbm>> -> memref<80xi32, #tpu.memory_space<hbm>>
    tpu.enqueue_dma source(%dma_start3A_30 : memref<80xi32, #tpu.memory_space<hbm>>) target(%arg6 : memref<80xi32, #tpu.memory_space<vmem>>) target_semaphore(%arg16 : memref<!tpu.dma_semaphore, #tpu.memory_space<semaphore_mem>>)
    %dma_start3A_31 = arith.constant 0 : i32
    %dma_start3A_32 = tpu.memref_slice %arg5[%dma_start3A_31] : memref<10000xi32, #tpu.memory_space<vmem>> -> memref<80xi32, #tpu.memory_space<vmem>>
    %dma_start3A_33 = arith.constant 0 : i32
    %dma_start3A_34 = arith.constant 0 : i32
    %dma_start3A_35 = tpu.memref_slice %arg2[%dma_start3A_33, %dma_start3A_34] : memref<40000x128xf32, #tpu.memory_space<hbm>> -> memref<40000x128xf32, #tpu.memory_space<hbm>>
    tpu.enqueue_indirect_dma source(%dma_start3A_35 : memref<40000x128xf32, #tpu.memory_space<hbm>>) target(%arg9 : memref<80x128xf32, #tpu.memory_space<vmem>>) offsets(%dma_start3A_32 : memref<80xi32, #tpu.memory_space<vmem>>) semaphore(%arg13 : memref<!tpu.dma_semaphore, #tpu.memory_space<semaphore_mem>>)
    %add3A_36 = arith.constant 80 : i32
    %add3A_37 = arith.addi %mul3A_0, %add3A_36 : i32
    %dma_start3A_38 = tpu.memref_slice %arg3[%add3A_37] : memref<320000xi32, #tpu.memory_space<hbm>> -> memref<80xi32, #tpu.memory_space<hbm>>
    %dma_start3A_39 = tpu.memref_slice %arg3[%add3A_37] : memref<320000xi32, #tpu.memory_space<hbm>> -> memref<80xi32, #tpu.memory_space<hbm>>
    tpu.enqueue_dma source(%dma_start3A_39 : memref<80xi32, #tpu.memory_space<hbm>>) target(%arg7 : memref<80xi32, #tpu.memory_space<vmem>>) target_semaphore(%arg17 : memref<!tpu.dma_semaphore, #tpu.memory_space<semaphore_mem>>)
    %dma_start3A_40 = arith.constant 80 : i32
    %dma_start3A_41 = tpu.memref_slice %arg5[%dma_start3A_40] : memref<10000xi32, #tpu.memory_space<vmem>> -> memref<80xi32, #tpu.memory_space<vmem>>
    %dma_start3A_42 = arith.constant 0 : i32
    %dma_start3A_43 = arith.constant 0 : i32
    %dma_start3A_44 = tpu.memref_slice %arg2[%dma_start3A_42, %dma_start3A_43] : memref<40000x128xf32, #tpu.memory_space<hbm>> -> memref<40000x128xf32, #tpu.memory_space<hbm>>
    tpu.enqueue_indirect_dma source(%dma_start3A_44 : memref<40000x128xf32, #tpu.memory_space<hbm>>) target(%arg10 : memref<80x128xf32, #tpu.memory_space<vmem>>) offsets(%dma_start3A_41 : memref<80xi32, #tpu.memory_space<vmem>>) semaphore(%arg14 : memref<!tpu.dma_semaphore, #tpu.memory_space<semaphore_mem>>)
    %add3A_45 = arith.constant 160 : i32
    %add3A_46 = arith.addi %mul3A_0, %add3A_45 : i32
    %dma_start3A_47 = tpu.memref_slice %arg3[%add3A_46] : memref<320000xi32, #tpu.memory_space<hbm>> -> memref<80xi32, #tpu.memory_space<hbm>>
    %dma_start3A_48 = tpu.memref_slice %arg3[%add3A_46] : memref<320000xi32, #tpu.memory_space<hbm>> -> memref<80xi32, #tpu.memory_space<hbm>>
    tpu.enqueue_dma source(%dma_start3A_48 : memref<80xi32, #tpu.memory_space<hbm>>) target(%arg8 : memref<80xi32, #tpu.memory_space<vmem>>) target_semaphore(%arg18 : memref<!tpu.dma_semaphore, #tpu.memory_space<semaphore_mem>>)
    %dma_start3A_49 = arith.constant 160 : i32
    %dma_start3A_50 = tpu.memref_slice %arg5[%dma_start3A_49] : memref<10000xi32, #tpu.memory_space<vmem>> -> memref<80xi32, #tpu.memory_space<vmem>>
    %dma_start3A_51 = arith.constant 0 : i32
    %dma_start3A_52 = arith.constant 0 : i32
    %dma_start3A_53 = tpu.memref_slice %arg2[%dma_start3A_51, %dma_start3A_52] : memref<40000x128xf32, #tpu.memory_space<hbm>> -> memref<40000x128xf32, #tpu.memory_space<hbm>>
    tpu.enqueue_indirect_dma source(%dma_start3A_53 : memref<40000x128xf32, #tpu.memory_space<hbm>>) target(%arg11 : memref<80x128xf32, #tpu.memory_space<vmem>>) offsets(%dma_start3A_50 : memref<80xi32, #tpu.memory_space<vmem>>) semaphore(%arg15 : memref<!tpu.dma_semaphore, #tpu.memory_space<semaphore_mem>>)
    %scan3A_54 = arith.constant 0 : i32
    %scan3A_55 = arith.constant 0 : i32
    %scan3A_56 = arith.constant 40 : i32
    %scan3A_57 = arith.addi %scan3A_55, %scan3A_56 : i32
    %scan3A_58 = arith.constant 1 : i32
    scf.for %scan3A_537 = %scan3A_55 to %scan3A_57 step %scan3A_58  : i32 {
      %mul3A_538 = arith.constant 3 : i32
      %mul3A_539 = arith.muli %mul3A_538, %scan3A_537 : i32
      %mul3A_540 = arith.constant 80 : i32
      %mul3A_541 = arith.muli %mul3A_539, %mul3A_540 : i32
      %dma_wait3A_542 = tpu.memref_slice %arg5[%mul3A_541] : memref<10000xi32, #tpu.memory_space<vmem>> -> memref<80xi32, #tpu.memory_space<vmem>>
      %dma_wait3A_543 = arith.constant 0 : i32
      %dma_wait3A_544 = arith.constant 0 : i32
      %dma_wait3A_545 = tpu.memref_slice %arg2[%dma_wait3A_543, %dma_wait3A_544] : memref<40000x128xf32, #tpu.memory_space<hbm>> -> memref<40000x128xf32, #tpu.memory_space<hbm>>
      tpu.wait_indirect_dma semaphore(%arg13 : memref<!tpu.dma_semaphore, #tpu.memory_space<semaphore_mem>>) src(%dma_wait3A_545 : memref<40000x128xf32, #tpu.memory_space<hbm>>) dst(%arg9 : memref<80x128xf32, #tpu.memory_space<vmem>>)
      %mul3A_546 = arith.constant 80 : i32
      %mul3A_547 = arith.muli %mul3A_539, %mul3A_546 : i32
      %add3A_548 = arith.addi %mul3A_0, %mul3A_547 : i32
      %dma_wait3A_549 = tpu.memref_slice %arg3[%add3A_548] : memref<320000xi32, #tpu.memory_space<hbm>> -> memref<80xi32, #tpu.memory_space<hbm>>
      %dma_wait3A_550 = tpu.memref_slice %arg3[%add3A_548] : memref<320000xi32, #tpu.memory_space<hbm>> -> memref<80xi32, #tpu.memory_space<hbm>>
      tpu.wait_dma2 semaphore(%arg16 : memref<!tpu.dma_semaphore, #tpu.memory_space<semaphore_mem>>) src(%dma_wait3A_550 : memref<80xi32, #tpu.memory_space<hbm>>) dst(%arg6 : memref<80xi32, #tpu.memory_space<vmem>>)
      %dma_start3A_551 = arith.constant 0 : i32
      %dma_start3A_552 = arith.constant 0 : i32
      %dma_start3A_553 = tpu.memref_slice %arg12[%dma_start3A_551, %dma_start3A_552] : memref<10240x128xf32, #tpu.memory_space<vmem_shared>> -> memref<10240x128xf32, #tpu.memory_space<vmem_shared>>
      tpu.enqueue_indirect_dma source(%arg9 : memref<80x128xf32, #tpu.memory_space<vmem>>) target(%dma_start3A_553 : memref<10240x128xf32, #tpu.memory_space<vmem_shared>>) offsets(%arg6 : memref<80xi32, #tpu.memory_space<vmem>>) semaphore(%arg19 : memref<!tpu.dma_semaphore, #tpu.memory_space<semaphore_mem>>) {add = true}
      %add3A_554 = arith.constant 3 : i32
      %add3A_555 = arith.addi %mul3A_539, %add3A_554 : i32
      %dma_wait3A_556 = arith.constant 0 : i32
      %dma_wait3A_557 = arith.constant 0 : i32
      %dma_wait3A_558 = tpu.memref_slice %arg12[%dma_wait3A_556, %dma_wait3A_557] : memref<10240x128xf32, #tpu.memory_space<vmem_shared>> -> memref<10240x128xf32, #tpu.memory_space<vmem_shared>>
      tpu.wait_indirect_dma semaphore(%arg19 : memref<!tpu.dma_semaphore, #tpu.memory_space<semaphore_mem>>) src(%arg9 : memref<80x128xf32, #tpu.memory_space<vmem>>) dst(%dma_wait3A_558 : memref<10240x128xf32, #tpu.memory_space<vmem_shared>>)
      %mul3A_559 = arith.constant 80 : i32
      %mul3A_560 = arith.muli %add3A_555, %mul3A_559 : i32
      %add3A_561 = arith.addi %mul3A_0, %mul3A_560 : i32
      %dma_start3A_562 = tpu.memref_slice %arg3[%add3A_561] : memref<320000xi32, #tpu.memory_space<hbm>> -> memref<80xi32, #tpu.memory_space<hbm>>
      %dma_start3A_563 = tpu.memref_slice %arg3[%add3A_561] : memref<320000xi32, #tpu.memory_space<hbm>> -> memref<80xi32, #tpu.memory_space<hbm>>
      tpu.enqueue_dma source(%dma_start3A_563 : memref<80xi32, #tpu.memory_space<hbm>>) target(%arg6 : memref<80xi32, #tpu.memory_space<vmem>>) target_semaphore(%arg16 : memref<!tpu.dma_semaphore, #tpu.memory_space<semaphore_mem>>)
      %mul3A_564 = arith.constant 80 : i32
      %mul3A_565 = arith.muli %add3A_555, %mul3A_564 : i32
      %dma_start3A_566 = tpu.memref_slice %arg5[%mul3A_565] : memref<10000xi32, #tpu.memory_space<vmem>> -> memref<80xi32, #tpu.memory_space<vmem>>
      %dma_start3A_567 = arith.constant 0 : i32
      %dma_start3A_568 = arith.constant 0 : i32
      %dma_start3A_569 = tpu.memref_slice %arg2[%dma_start3A_567, %dma_start3A_568] : memref<40000x128xf32, #tpu.memory_space<hbm>> -> memref<40000x128xf32, #tpu.memory_space<hbm>>
      tpu.enqueue_indirect_dma source(%dma_start3A_569 : memref<40000x128xf32, #tpu.memory_space<hbm>>) target(%arg9 : memref<80x128xf32, #tpu.memory_space<vmem>>) offsets(%dma_start3A_566 : memref<80xi32, #tpu.memory_space<vmem>>) semaphore(%arg13 : memref<!tpu.dma_semaphore, #tpu.memory_space<semaphore_mem>>)
      %add3A_570 = arith.constant 1 : i32
      %add3A_571 = arith.addi %mul3A_539, %add3A_570 : i32
      %mul3A_572 = arith.constant 80 : i32
      %mul3A_573 = arith.muli %add3A_571, %mul3A_572 : i32
      %dma_wait3A_574 = tpu.memref_slice %arg5[%mul3A_573] : memref<10000xi32, #tpu.memory_space<vmem>> -> memref<80xi32, #tpu.memory_space<vmem>>
      %dma_wait3A_575 = arith.constant 0 : i32
      %dma_wait3A_576 = arith.constant 0 : i32
      %dma_wait3A_577 = tpu.memref_slice %arg2[%dma_wait3A_575, %dma_wait3A_576] : memref<40000x128xf32, #tpu.memory_space<hbm>> -> memref<40000x128xf32, #tpu.memory_space<hbm>>
      tpu.wait_indirect_dma semaphore(%arg14 : memref<!tpu.dma_semaphore, #tpu.memory_space<semaphore_mem>>) src(%dma_wait3A_577 : memref<40000x128xf32, #tpu.memory_space<hbm>>) dst(%arg10 : memref<80x128xf32, #tpu.memory_space<vmem>>)
      %mul3A_578 = arith.constant 80 : i32
      %mul3A_579 = arith.muli %add3A_571, %mul3A_578 : i32
      %add3A_580 = arith.addi %mul3A_0, %mul3A_579 : i32
      %dma_wait3A_581 = tpu.memref_slice %arg3[%add3A_580] : memref<320000xi32, #tpu.memory_space<hbm>> -> memref<80xi32, #tpu.memory_space<hbm>>
      %dma_wait3A_582 = tpu.memref_slice %arg3[%add3A_580] : memref<320000xi32, #tpu.memory_space<hbm>> -> memref<80xi32, #tpu.memory_space<hbm>>
      tpu.wait_dma2 semaphore(%arg17 : memref<!tpu.dma_semaphore, #tpu.memory_space<semaphore_mem>>) src(%dma_wait3A_582 : memref<80xi32, #tpu.memory_space<hbm>>) dst(%arg7 : memref<80xi32, #tpu.memory_space<vmem>>)
      %dma_start3A_583 = arith.constant 0 : i32
      %dma_start3A_584 = arith.constant 0 : i32
      %dma_start3A_585 = tpu.memref_slice %arg12[%dma_start3A_583, %dma_start3A_584] : memref<10240x128xf32, #tpu.memory_space<vmem_shared>> -> memref<10240x128xf32, #tpu.memory_space<vmem_shared>>
      tpu.enqueue_indirect_dma source(%arg10 : memref<80x128xf32, #tpu.memory_space<vmem>>) target(%dma_start3A_585 : memref<10240x128xf32, #tpu.memory_space<vmem_shared>>) offsets(%arg7 : memref<80xi32, #tpu.memory_space<vmem>>) semaphore(%arg20 : memref<!tpu.dma_semaphore, #tpu.memory_space<semaphore_mem>>) {add = true}
      %add3A_586 = arith.constant 4 : i32
      %add3A_587 = arith.addi %mul3A_539, %add3A_586 : i32
      %dma_wait3A_588 = arith.constant 0 : i32
      %dma_wait3A_589 = arith.constant 0 : i32
      %dma_wait3A_590 = tpu.memref_slice %arg12[%dma_wait3A_588, %dma_wait3A_589] : memref<10240x128xf32, #tpu.memory_space<vmem_shared>> -> memref<10240x128xf32, #tpu.memory_space<vmem_shared>>
      tpu.wait_indirect_dma semaphore(%arg20 : memref<!tpu.dma_semaphore, #tpu.memory_space<semaphore_mem>>) src(%arg10 : memref<80x128xf32, #tpu.memory_space<vmem>>) dst(%dma_wait3A_590 : memref<10240x128xf32, #tpu.memory_space<vmem_shared>>)
      %mul3A_591 = arith.constant 80 : i32
      %mul3A_592 = arith.muli %add3A_587, %mul3A_591 : i32
      %add3A_593 = arith.addi %mul3A_0, %mul3A_592 : i32
      %dma_start3A_594 = tpu.memref_slice %arg3[%add3A_593] : memref<320000xi32, #tpu.memory_space<hbm>> -> memref<80xi32, #tpu.memory_space<hbm>>
      %dma_start3A_595 = tpu.memref_slice %arg3[%add3A_593] : memref<320000xi32, #tpu.memory_space<hbm>> -> memref<80xi32, #tpu.memory_space<hbm>>
      tpu.enqueue_dma source(%dma_start3A_595 : memref<80xi32, #tpu.memory_space<hbm>>) target(%arg7 : memref<80xi32, #tpu.memory_space<vmem>>) target_semaphore(%arg17 : memref<!tpu.dma_semaphore, #tpu.memory_space<semaphore_mem>>)
      %mul3A_596 = arith.constant 80 : i32
      %mul3A_597 = arith.muli %add3A_587, %mul3A_596 : i32
      %dma_start3A_598 = tpu.memref_slice %arg5[%mul3A_597] : memref<10000xi32, #tpu.memory_space<vmem>> -> memref<80xi32, #tpu.memory_space<vmem>>
      %dma_start3A_599 = arith.constant 0 : i32
      %dma_start3A_600 = arith.constant 0 : i32
      %dma_start3A_601 = tpu.memref_slice %arg2[%dma_start3A_599, %dma_start3A_600] : memref<40000x128xf32, #tpu.memory_space<hbm>> -> memref<40000x128xf32, #tpu.memory_space<hbm>>
      tpu.enqueue_indirect_dma source(%dma_start3A_601 : memref<40000x128xf32, #tpu.memory_space<hbm>>) target(%arg10 : memref<80x128xf32, #tpu.memory_space<vmem>>) offsets(%dma_start3A_598 : memref<80xi32, #tpu.memory_space<vmem>>) semaphore(%arg14 : memref<!tpu.dma_semaphore, #tpu.memory_space<semaphore_mem>>)
      %add3A_602 = arith.constant 2 : i32
      %add3A_603 = arith.addi %mul3A_539, %add3A_602 : i32
      %mul3A_604 = arith.constant 80 : i32
      %mul3A_605 = arith.muli %add3A_603, %mul3A_604 : i32
      %dma_wait3A_606 = tpu.memref_slice %arg5[%mul3A_605] : memref<10000xi32, #tpu.memory_space<vmem>> -> memref<80xi32, #tpu.memory_space<vmem>>
      %dma_wait3A_607 = arith.constant 0 : i32
      %dma_wait3A_608 = arith.constant 0 : i32
      %dma_wait3A_609 = tpu.memref_slice %arg2[%dma_wait3A_607, %dma_wait3A_608] : memref<40000x128xf32, #tpu.memory_space<hbm>> -> memref<40000x128xf32, #tpu.memory_space<hbm>>
      tpu.wait_indirect_dma semaphore(%arg15 : memref<!tpu.dma_semaphore, #tpu.memory_space<semaphore_mem>>) src(%dma_wait3A_609 : memref<40000x128xf32, #tpu.memory_space<hbm>>) dst(%arg11 : memref<80x128xf32, #tpu.memory_space<vmem>>)
      %mul3A_610 = arith.constant 80 : i32
      %mul3A_611 = arith.muli %add3A_603, %mul3A_610 : i32
      %add3A_612 = arith.addi %mul3A_0, %mul3A_611 : i32
      %dma_wait3A_613 = tpu.memref_slice %arg3[%add3A_612] : memref<320000xi32, #tpu.memory_space<hbm>> -> memref<80xi32, #tpu.memory_space<hbm>>
      %dma_wait3A_614 = tpu.memref_slice %arg3[%add3A_612] : memref<320000xi32, #tpu.memory_space<hbm>> -> memref<80xi32, #tpu.memory_space<hbm>>
      tpu.wait_dma2 semaphore(%arg18 : memref<!tpu.dma_semaphore, #tpu.memory_space<semaphore_mem>>) src(%dma_wait3A_614 : memref<80xi32, #tpu.memory_space<hbm>>) dst(%arg8 : memref<80xi32, #tpu.memory_space<vmem>>)
      %dma_start3A_615 = arith.constant 0 : i32
      %dma_start3A_616 = arith.constant 0 : i32
      %dma_start3A_617 = tpu.memref_slice %arg12[%dma_start3A_615, %dma_start3A_616] : memref<10240x128xf32, #tpu.memory_space<vmem_shared>> -> memref<10240x128xf32, #tpu.memory_space<vmem_shared>>
      tpu.enqueue_indirect_dma source(%arg11 : memref<80x128xf32, #tpu.memory_space<vmem>>) target(%dma_start3A_617 : memref<10240x128xf32, #tpu.memory_space<vmem_shared>>) offsets(%arg8 : memref<80xi32, #tpu.memory_space<vmem>>) semaphore(%arg21 : memref<!tpu.dma_semaphore, #tpu.memory_space<semaphore_mem>>) {add = true}
      %add3A_618 = arith.constant 5 : i32
      %add3A_619 = arith.addi %mul3A_539, %add3A_618 : i32
      %dma_wait3A_620 = arith.constant 0 : i32
      %dma_wait3A_621 = arith.constant 0 : i32
      %dma_wait3A_622 = tpu.memref_slice %arg12[%dma_wait3A_620, %dma_wait3A_621] : memref<10240x128xf32, #tpu.memory_space<vmem_shared>> -> memref<10240x128xf32, #tpu.memory_space<vmem_shared>>
      tpu.wait_indirect_dma semaphore(%arg21 : memref<!tpu.dma_semaphore, #tpu.memory_space<semaphore_mem>>) src(%arg11 : memref<80x128xf32, #tpu.memory_space<vmem>>) dst(%dma_wait3A_622 : memref<10240x128xf32, #tpu.memory_space<vmem_shared>>)
      %mul3A_623 = arith.constant 80 : i32
      %mul3A_624 = arith.muli %add3A_619, %mul3A_623 : i32
      %add3A_625 = arith.addi %mul3A_0, %mul3A_624 : i32
      %dma_start3A_626 = tpu.memref_slice %arg3[%add3A_625] : memref<320000xi32, #tpu.memory_space<hbm>> -> memref<80xi32, #tpu.memory_space<hbm>>
      %dma_start3A_627 = tpu.memref_slice %arg3[%add3A_625] : memref<320000xi32, #tpu.memory_space<hbm>> -> memref<80xi32, #tpu.memory_space<hbm>>
      tpu.enqueue_dma source(%dma_start3A_627 : memref<80xi32, #tpu.memory_space<hbm>>) target(%arg8 : memref<80xi32, #tpu.memory_space<vmem>>) target_semaphore(%arg18 : memref<!tpu.dma_semaphore, #tpu.memory_space<semaphore_mem>>)
      %mul3A_628 = arith.constant 80 : i32
      %mul3A_629 = arith.muli %add3A_619, %mul3A_628 : i32
      %dma_start3A_630 = tpu.memref_slice %arg5[%mul3A_629] : memref<10000xi32, #tpu.memory_space<vmem>> -> memref<80xi32, #tpu.memory_space<vmem>>
      %dma_start3A_631 = arith.constant 0 : i32
      %dma_start3A_632 = arith.constant 0 : i32
      %dma_start3A_633 = tpu.memref_slice %arg2[%dma_start3A_631, %dma_start3A_632] : memref<40000x128xf32, #tpu.memory_space<hbm>> -> memref<40000x128xf32, #tpu.memory_space<hbm>>
      tpu.enqueue_indirect_dma source(%dma_start3A_633 : memref<40000x128xf32, #tpu.memory_space<hbm>>) target(%arg11 : memref<80x128xf32, #tpu.memory_space<vmem>>) offsets(%dma_start3A_630 : memref<80xi32, #tpu.memory_space<vmem>>) semaphore(%arg15 : memref<!tpu.dma_semaphore, #tpu.memory_space<semaphore_mem>>)
    }
    %scan3A_59 = arith.constant 40 : i32
    %dma_wait3A = arith.constant 9600 : i32
    %dma_wait3A_60 = tpu.memref_slice %arg5[%dma_wait3A] : memref<10000xi32, #tpu.memory_space<vmem>> -> memref<80xi32, #tpu.memory_space<vmem>>
    %dma_wait3A_61 = arith.constant 0 : i32
    %dma_wait3A_62 = arith.constant 0 : i32
    %dma_wait3A_63 = tpu.memref_slice %arg2[%dma_wait3A_61, %dma_wait3A_62] : memref<40000x128xf32, #tpu.memory_space<hbm>> -> memref<40000x128xf32, #tpu.memory_space<hbm>>
    tpu.wait_indirect_dma semaphore(%arg13 : memref<!tpu.dma_semaphore, #tpu.memory_space<semaphore_mem>>) src(%dma_wait3A_63 : memref<40000x128xf32, #tpu.memory_space<hbm>>) dst(%arg9 : memref<80x128xf32, #tpu.memory_space<vmem>>)
    %add3A_64 = arith.constant 9600 : i32
    %add3A_65 = arith.addi %mul3A_0, %add3A_64 : i32
    %dma_wait3A_66 = tpu.memref_slice %arg3[%add3A_65] : memref<320000xi32, #tpu.memory_space<hbm>> -> memref<80xi32, #tpu.memory_space<hbm>>
    %dma_wait3A_67 = tpu.memref_slice %arg3[%add3A_65] : memref<320000xi32, #tpu.memory_space<hbm>> -> memref<80xi32, #tpu.memory_space<hbm>>
    tpu.wait_dma2 semaphore(%arg16 : memref<!tpu.dma_semaphore, #tpu.memory_space<semaphore_mem>>) src(%dma_wait3A_67 : memref<80xi32, #tpu.memory_space<hbm>>) dst(%arg6 : memref<80xi32, #tpu.memory_space<vmem>>)
    %dma_start3A_68 = arith.constant 0 : i32
    %dma_start3A_69 = arith.constant 0 : i32
    %dma_start3A_70 = tpu.memref_slice %arg12[%dma_start3A_68, %dma_start3A_69] : memref<10240x128xf32, #tpu.memory_space<vmem_shared>> -> memref<10240x128xf32, #tpu.memory_space<vmem_shared>>
    tpu.enqueue_indirect_dma source(%arg9 : memref<80x128xf32, #tpu.memory_space<vmem>>) target(%dma_start3A_70 : memref<10240x128xf32, #tpu.memory_space<vmem_shared>>) offsets(%arg6 : memref<80xi32, #tpu.memory_space<vmem>>) semaphore(%arg19 : memref<!tpu.dma_semaphore, #tpu.memory_space<semaphore_mem>>) {add = true}
    %dma_wait3A_71 = arith.constant 0 : i32
    %dma_wait3A_72 = arith.constant 0 : i32
    %dma_wait3A_73 = tpu.memref_slice %arg12[%dma_wait3A_71, %dma_wait3A_72] : memref<10240x128xf32, #tpu.memory_space<vmem_shared>> -> memref<10240x128xf32, #tpu.memory_space<vmem_shared>>
    tpu.wait_indirect_dma semaphore(%arg19 : memref<!tpu.dma_semaphore, #tpu.memory_space<semaphore_mem>>) src(%arg9 : memref<80x128xf32, #tpu.memory_space<vmem>>) dst(%dma_wait3A_73 : memref<10240x128xf32, #tpu.memory_space<vmem_shared>>)
    %add3A_74 = arith.constant 9840 : i32
    %add3A_75 = arith.addi %mul3A_0, %add3A_74 : i32
    %dma_start3A_76 = tpu.memref_slice %arg3[%add3A_75] : memref<320000xi32, #tpu.memory_space<hbm>> -> memref<80xi32, #tpu.memory_space<hbm>>
    %dma_start3A_77 = tpu.memref_slice %arg3[%add3A_75] : memref<320000xi32, #tpu.memory_space<hbm>> -> memref<80xi32, #tpu.memory_space<hbm>>
    tpu.enqueue_dma source(%dma_start3A_77 : memref<80xi32, #tpu.memory_space<hbm>>) target(%arg6 : memref<80xi32, #tpu.memory_space<vmem>>) target_semaphore(%arg16 : memref<!tpu.dma_semaphore, #tpu.memory_space<semaphore_mem>>)
    %dma_start3A_78 = arith.constant 9840 : i32
    %dma_start3A_79 = tpu.memref_slice %arg5[%dma_start3A_78] : memref<10000xi32, #tpu.memory_space<vmem>> -> memref<80xi32, #tpu.memory_space<vmem>>
    %dma_start3A_80 = arith.constant 0 : i32
    %dma_start3A_81 = arith.constant 0 : i32
    %dma_start3A_82 = tpu.memref_slice %arg2[%dma_start3A_80, %dma_start3A_81] : memref<40000x128xf32, #tpu.memory_space<hbm>> -> memref<40000x128xf32, #tpu.memory_space<hbm>>
    tpu.enqueue_indirect_dma source(%dma_start3A_82 : memref<40000x128xf32, #tpu.memory_space<hbm>>) target(%arg9 : memref<80x128xf32, #tpu.memory_space<vmem>>) offsets(%dma_start3A_79 : memref<80xi32, #tpu.memory_space<vmem>>) semaphore(%arg13 : memref<!tpu.dma_semaphore, #tpu.memory_space<semaphore_mem>>)
    %dma_wait3A_83 = arith.constant 9680 : i32
    %dma_wait3A_84 = tpu.memref_slice %arg5[%dma_wait3A_83] : memref<10000xi32, #tpu.memory_space<vmem>> -> memref<80xi32, #tpu.memory_space<vmem>>
    %dma_wait3A_85 = arith.constant 0 : i32
    %dma_wait3A_86 = arith.constant 0 : i32
    %dma_wait3A_87 = tpu.memref_slice %arg2[%dma_wait3A_85, %dma_wait3A_86] : memref<40000x128xf32, #tpu.memory_space<hbm>> -> memref<40000x128xf32, #tpu.memory_space<hbm>>
    tpu.wait_indirect_dma semaphore(%arg14 : memref<!tpu.dma_semaphore, #tpu.memory_space<semaphore_mem>>) src(%dma_wait3A_87 : memref<40000x128xf32, #tpu.memory_space<hbm>>) dst(%arg10 : memref<80x128xf32, #tpu.memory_space<vmem>>)
    %add3A_88 = arith.constant 9680 : i32
    %add3A_89 = arith.addi %mul3A_0, %add3A_88 : i32
    %dma_wait3A_90 = tpu.memref_slice %arg3[%add3A_89] : memref<320000xi32, #tpu.memory_space<hbm>> -> memref<80xi32, #tpu.memory_space<hbm>>
    %dma_wait3A_91 = tpu.memref_slice %arg3[%add3A_89] : memref<320000xi32, #tpu.memory_space<hbm>> -> memref<80xi32, #tpu.memory_space<hbm>>
    tpu.wait_dma2 semaphore(%arg17 : memref<!tpu.dma_semaphore, #tpu.memory_space<semaphore_mem>>) src(%dma_wait3A_91 : memref<80xi32, #tpu.memory_space<hbm>>) dst(%arg7 : memref<80xi32, #tpu.memory_space<vmem>>)
    %dma_start3A_92 = arith.constant 0 : i32
    %dma_start3A_93 = arith.constant 0 : i32
    %dma_start3A_94 = tpu.memref_slice %arg12[%dma_start3A_92, %dma_start3A_93] : memref<10240x128xf32, #tpu.memory_space<vmem_shared>> -> memref<10240x128xf32, #tpu.memory_space<vmem_shared>>
    tpu.enqueue_indirect_dma source(%arg10 : memref<80x128xf32, #tpu.memory_space<vmem>>) target(%dma_start3A_94 : memref<10240x128xf32, #tpu.memory_space<vmem_shared>>) offsets(%arg7 : memref<80xi32, #tpu.memory_space<vmem>>) semaphore(%arg20 : memref<!tpu.dma_semaphore, #tpu.memory_space<semaphore_mem>>) {add = true}
    %dma_wait3A_95 = arith.constant 0 : i32
    %dma_wait3A_96 = arith.constant 0 : i32
    %dma_wait3A_97 = tpu.memref_slice %arg12[%dma_wait3A_95, %dma_wait3A_96] : memref<10240x128xf32, #tpu.memory_space<vmem_shared>> -> memref<10240x128xf32, #tpu.memory_space<vmem_shared>>
    tpu.wait_indirect_dma semaphore(%arg20 : memref<!tpu.dma_semaphore, #tpu.memory_space<semaphore_mem>>) src(%arg10 : memref<80x128xf32, #tpu.memory_space<vmem>>) dst(%dma_wait3A_97 : memref<10240x128xf32, #tpu.memory_space<vmem_shared>>)
    %add3A_98 = arith.constant 9920 : i32
    %add3A_99 = arith.addi %mul3A_0, %add3A_98 : i32
    %dma_start3A_100 = tpu.memref_slice %arg3[%add3A_99] : memref<320000xi32, #tpu.memory_space<hbm>> -> memref<80xi32, #tpu.memory_space<hbm>>
    %dma_start3A_101 = tpu.memref_slice %arg3[%add3A_99] : memref<320000xi32, #tpu.memory_space<hbm>> -> memref<80xi32, #tpu.memory_space<hbm>>
    tpu.enqueue_dma source(%dma_start3A_101 : memref<80xi32, #tpu.memory_space<hbm>>) target(%arg7 : memref<80xi32, #tpu.memory_space<vmem>>) target_semaphore(%arg17 : memref<!tpu.dma_semaphore, #tpu.memory_space<semaphore_mem>>)
    %dma_start3A_102 = arith.constant 9920 : i32
    %dma_start3A_103 = tpu.memref_slice %arg5[%dma_start3A_102] : memref<10000xi32, #tpu.memory_space<vmem>> -> memref<80xi32, #tpu.memory_space<vmem>>
    %dma_start3A_104 = arith.constant 0 : i32
    %dma_start3A_105 = arith.constant 0 : i32
    %dma_start3A_106 = tpu.memref_slice %arg2[%dma_start3A_104, %dma_start3A_105] : memref<40000x128xf32, #tpu.memory_space<hbm>> -> memref<40000x128xf32, #tpu.memory_space<hbm>>
    tpu.enqueue_indirect_dma source(%dma_start3A_106 : memref<40000x128xf32, #tpu.memory_space<hbm>>) target(%arg10 : memref<80x128xf32, #tpu.memory_space<vmem>>) offsets(%dma_start3A_103 : memref<80xi32, #tpu.memory_space<vmem>>) semaphore(%arg14 : memref<!tpu.dma_semaphore, #tpu.memory_space<semaphore_mem>>)
    %dma_wait3A_107 = arith.constant 9760 : i32
    %dma_wait3A_108 = tpu.memref_slice %arg5[%dma_wait3A_107] : memref<10000xi32, #tpu.memory_space<vmem>> -> memref<80xi32, #tpu.memory_space<vmem>>
    %dma_wait3A_109 = arith.constant 0 : i32
    %dma_wait3A_110 = arith.constant 0 : i32
    %dma_wait3A_111 = tpu.memref_slice %arg2[%dma_wait3A_109, %dma_wait3A_110] : memref<40000x128xf32, #tpu.memory_space<hbm>> -> memref<40000x128xf32, #tpu.memory_space<hbm>>
    tpu.wait_indirect_dma semaphore(%arg15 : memref<!tpu.dma_semaphore, #tpu.memory_space<semaphore_mem>>) src(%dma_wait3A_111 : memref<40000x128xf32, #tpu.memory_space<hbm>>) dst(%arg11 : memref<80x128xf32, #tpu.memory_space<vmem>>)
    %add3A_112 = arith.constant 9760 : i32
    %add3A_113 = arith.addi %mul3A_0, %add3A_112 : i32
    %dma_wait3A_114 = tpu.memref_slice %arg3[%add3A_113] : memref<320000xi32, #tpu.memory_space<hbm>> -> memref<80xi32, #tpu.memory_space<hbm>>
    %dma_wait3A_115 = tpu.memref_slice %arg3[%add3A_113] : memref<320000xi32, #tpu.memory_space<hbm>> -> memref<80xi32, #tpu.memory_space<hbm>>
    tpu.wait_dma2 semaphore(%arg18 : memref<!tpu.dma_semaphore, #tpu.memory_space<semaphore_mem>>) src(%dma_wait3A_115 : memref<80xi32, #tpu.memory_space<hbm>>) dst(%arg8 : memref<80xi32, #tpu.memory_space<vmem>>)
    %dma_start3A_116 = arith.constant 0 : i32
    %dma_start3A_117 = arith.constant 0 : i32
    %dma_start3A_118 = tpu.memref_slice %arg12[%dma_start3A_116, %dma_start3A_117] : memref<10240x128xf32, #tpu.memory_space<vmem_shared>> -> memref<10240x128xf32, #tpu.memory_space<vmem_shared>>
    tpu.enqueue_indirect_dma source(%arg11 : memref<80x128xf32, #tpu.memory_space<vmem>>) target(%dma_start3A_118 : memref<10240x128xf32, #tpu.memory_space<vmem_shared>>) offsets(%arg8 : memref<80xi32, #tpu.memory_space<vmem>>) semaphore(%arg21 : memref<!tpu.dma_semaphore, #tpu.memory_space<semaphore_mem>>) {add = true}
    %dma_wait3A_119 = arith.constant 9840 : i32
    %dma_wait3A_120 = tpu.memref_slice %arg5[%dma_wait3A_119] : memref<10000xi32, #tpu.memory_space<vmem>> -> memref<80xi32, #tpu.memory_space<vmem>>
    %dma_wait3A_121 = arith.constant 0 : i32
    %dma_wait3A_122 = arith.constant 0 : i32
    %dma_wait3A_123 = tpu.memref_slice %arg2[%dma_wait3A_121, %dma_wait3A_122] : memref<40000x128xf32, #tpu.memory_space<hbm>> -> memref<40000x128xf32, #tpu.memory_space<hbm>>
    tpu.wait_indirect_dma semaphore(%arg13 : memref<!tpu.dma_semaphore, #tpu.memory_space<semaphore_mem>>) src(%dma_wait3A_123 : memref<40000x128xf32, #tpu.memory_space<hbm>>) dst(%arg9 : memref<80x128xf32, #tpu.memory_space<vmem>>)
    %add3A_124 = arith.constant 9840 : i32
    %add3A_125 = arith.addi %mul3A_0, %add3A_124 : i32
    %dma_wait3A_126 = tpu.memref_slice %arg3[%add3A_125] : memref<320000xi32, #tpu.memory_space<hbm>> -> memref<80xi32, #tpu.memory_space<hbm>>
    %dma_wait3A_127 = tpu.memref_slice %arg3[%add3A_125] : memref<320000xi32, #tpu.memory_space<hbm>> -> memref<80xi32, #tpu.memory_space<hbm>>
    tpu.wait_dma2 semaphore(%arg16 : memref<!tpu.dma_semaphore, #tpu.memory_space<semaphore_mem>>) src(%dma_wait3A_127 : memref<80xi32, #tpu.memory_space<hbm>>) dst(%arg6 : memref<80xi32, #tpu.memory_space<vmem>>)
    %dma_start3A_128 = arith.constant 0 : i32
    %dma_start3A_129 = arith.constant 0 : i32
    %dma_start3A_130 = tpu.memref_slice %arg12[%dma_start3A_128, %dma_start3A_129] : memref<10240x128xf32, #tpu.memory_space<vmem_shared>> -> memref<10240x128xf32, #tpu.memory_space<vmem_shared>>
    tpu.enqueue_indirect_dma source(%arg9 : memref<80x128xf32, #tpu.memory_space<vmem>>) target(%dma_start3A_130 : memref<10240x128xf32, #tpu.memory_space<vmem_shared>>) offsets(%arg6 : memref<80xi32, #tpu.memory_space<vmem>>) semaphore(%arg19 : memref<!tpu.dma_semaphore, #tpu.memory_space<semaphore_mem>>) {add = true}
    %dma_wait3A_131 = arith.constant 9920 : i32
    %dma_wait3A_132 = tpu.memref_slice %arg5[%dma_wait3A_131] : memref<10000xi32, #tpu.memory_space<vmem>> -> memref<80xi32, #tpu.memory_space<vmem>>
    %dma_wait3A_133 = arith.constant 0 : i32
    %dma_wait3A_134 = arith.constant 0 : i32
    %dma_wait3A_135 = tpu.memref_slice %arg2[%dma_wait3A_133, %dma_wait3A_134] : memref<40000x128xf32, #tpu.memory_space<hbm>> -> memref<40000x128xf32, #tpu.memory_space<hbm>>
    tpu.wait_indirect_dma semaphore(%arg14 : memref<!tpu.dma_semaphore, #tpu.memory_space<semaphore_mem>>) src(%dma_wait3A_135 : memref<40000x128xf32, #tpu.memory_space<hbm>>) dst(%arg10 : memref<80x128xf32, #tpu.memory_space<vmem>>)
    %add3A_136 = arith.constant 9920 : i32
    %add3A_137 = arith.addi %mul3A_0, %add3A_136 : i32
    %dma_wait3A_138 = tpu.memref_slice %arg3[%add3A_137] : memref<320000xi32, #tpu.memory_space<hbm>> -> memref<80xi32, #tpu.memory_space<hbm>>
    %dma_wait3A_139 = tpu.memref_slice %arg3[%add3A_137] : memref<320000xi32, #tpu.memory_space<hbm>> -> memref<80xi32, #tpu.memory_space<hbm>>
    tpu.wait_dma2 semaphore(%arg17 : memref<!tpu.dma_semaphore, #tpu.memory_space<semaphore_mem>>) src(%dma_wait3A_139 : memref<80xi32, #tpu.memory_space<hbm>>) dst(%arg7 : memref<80xi32, #tpu.memory_space<vmem>>)
    %dma_start3A_140 = arith.constant 0 : i32
    %dma_start3A_141 = arith.constant 0 : i32
    %dma_start3A_142 = tpu.memref_slice %arg12[%dma_start3A_140, %dma_start3A_141] : memref<10240x128xf32, #tpu.memory_space<vmem_shared>> -> memref<10240x128xf32, #tpu.memory_space<vmem_shared>>
    tpu.enqueue_indirect_dma source(%arg10 : memref<80x128xf32, #tpu.memory_space<vmem>>) target(%dma_start3A_142 : memref<10240x128xf32, #tpu.memory_space<vmem_shared>>) offsets(%arg7 : memref<80xi32, #tpu.memory_space<vmem>>) semaphore(%arg20 : memref<!tpu.dma_semaphore, #tpu.memory_space<semaphore_mem>>) {add = true}
    %dma_wait3A_143 = arith.constant 0 : i32
    %dma_wait3A_144 = arith.constant 0 : i32
    %dma_wait3A_145 = tpu.memref_slice %arg12[%dma_wait3A_143, %dma_wait3A_144] : memref<10240x128xf32, #tpu.memory_space<vmem_shared>> -> memref<10240x128xf32, #tpu.memory_space<vmem_shared>>
    tpu.wait_indirect_dma semaphore(%arg19 : memref<!tpu.dma_semaphore, #tpu.memory_space<semaphore_mem>>) src(%arg9 : memref<80x128xf32, #tpu.memory_space<vmem>>) dst(%dma_wait3A_145 : memref<10240x128xf32, #tpu.memory_space<vmem_shared>>)
    %dma_wait3A_146 = arith.constant 0 : i32
    %dma_wait3A_147 = arith.constant 0 : i32
    %dma_wait3A_148 = tpu.memref_slice %arg12[%dma_wait3A_146, %dma_wait3A_147] : memref<10240x128xf32, #tpu.memory_space<vmem_shared>> -> memref<10240x128xf32, #tpu.memory_space<vmem_shared>>
    tpu.wait_indirect_dma semaphore(%arg20 : memref<!tpu.dma_semaphore, #tpu.memory_space<semaphore_mem>>) src(%arg10 : memref<80x128xf32, #tpu.memory_space<vmem>>) dst(%dma_wait3A_148 : memref<10240x128xf32, #tpu.memory_space<vmem_shared>>)
    %dma_wait3A_149 = arith.constant 0 : i32
    %dma_wait3A_150 = arith.constant 0 : i32
    %dma_wait3A_151 = tpu.memref_slice %arg12[%dma_wait3A_149, %dma_wait3A_150] : memref<10240x128xf32, #tpu.memory_space<vmem_shared>> -> memref<10240x128xf32, #tpu.memory_space<vmem_shared>>
    tpu.wait_indirect_dma semaphore(%arg21 : memref<!tpu.dma_semaphore, #tpu.memory_space<semaphore_mem>>) src(%arg11 : memref<80x128xf32, #tpu.memory_space<vmem>>) dst(%dma_wait3A_151 : memref<10240x128xf32, #tpu.memory_space<vmem_shared>>)
    %barrier3A_152 = arith.constant 0 : index
    tpu.barrier barrier_id(%barrier3A_152)
    %mul3A_153 = arith.constant 10240 : i32
    %mul3A_154 = arith.muli %add3A_6, %mul3A_153 : i32
    %add3A_155 = arith.addi %mul3A_154, %mul3A_2 : i32
    %add3A_156 = arith.constant 0 : i32
    %add3A_157 = arith.addi %mul3A_2, %add3A_156 : i32
    "tpu.region"() ({
      %run_scoped3A = tpu.sem_alloc : memref<!tpu.dma_semaphore, #tpu.memory_space<semaphore_mem>>
      %dma_start3A_537 = arith.constant 0 : i32
      %dma_start3A_538 = tpu.memref_slice %arg12[%add3A_157, %dma_start3A_537] : memref<10240x128xf32, #tpu.memory_space<vmem_shared>> -> memref<80x128xf32, #tpu.memory_space<vmem_shared>>
      %dma_start3A_539 = arith.constant 0 : i32
      %dma_start3A_540 = tpu.memref_slice %arg12[%add3A_157, %dma_start3A_539] : memref<10240x128xf32, #tpu.memory_space<vmem_shared>> -> memref<80x128xf32, #tpu.memory_space<vmem_shared>>
      tpu.enqueue_dma source(%dma_start3A_540 : memref<80x128xf32, #tpu.memory_space<vmem_shared>>) target(%arg9 : memref<80x128xf32, #tpu.memory_space<vmem>>) target_semaphore(%run_scoped3A : memref<!tpu.dma_semaphore, #tpu.memory_space<semaphore_mem>>)
      %dma_wait3A_541 = arith.constant 0 : i32
      %dma_wait3A_542 = tpu.memref_slice %arg12[%add3A_157, %dma_wait3A_541] : memref<10240x128xf32, #tpu.memory_space<vmem_shared>> -> memref<80x128xf32, #tpu.memory_space<vmem_shared>>
      %dma_wait3A_543 = arith.constant 0 : i32
      %dma_wait3A_544 = tpu.memref_slice %arg12[%add3A_157, %dma_wait3A_543] : memref<10240x128xf32, #tpu.memory_space<vmem_shared>> -> memref<80x128xf32, #tpu.memory_space<vmem_shared>>
      tpu.wait_dma2 semaphore(%run_scoped3A : memref<!tpu.dma_semaphore, #tpu.memory_space<semaphore_mem>>) src(%dma_wait3A_544 : memref<80x128xf32, #tpu.memory_space<vmem_shared>>) dst(%arg9 : memref<80x128xf32, #tpu.memory_space<vmem>>)
      tpu.yield
    }) : () -> ()
    %add3A_158 = arith.constant 0 : i32
    %add3A_159 = arith.addi %add3A_155, %add3A_158 : i32
    %dma_start3A_160 = arith.constant 0 : i32
    %dma_start3A_161 = tpu.memref_slice %arg4[%add3A_159, %dma_start3A_160] : memref<40960x128xf32, #tpu.memory_space<hbm>> -> memref<80x128xf32, #tpu.memory_space<hbm>>
    %dma_start3A_162 = arith.constant 0 : i32
    %dma_start3A_163 = tpu.memref_slice %arg4[%add3A_159, %dma_start3A_162] : memref<40960x128xf32, #tpu.memory_space<hbm>> -> memref<80x128xf32, #tpu.memory_space<hbm>>
    tpu.enqueue_dma source(%arg9 : memref<80x128xf32, #tpu.memory_space<vmem>>) target(%dma_start3A_163 : memref<80x128xf32, #tpu.memory_space<hbm>>) target_semaphore(%arg22 : memref<!tpu.dma_semaphore, #tpu.memory_space<semaphore_mem>>)
    %add3A_164 = arith.constant 80 : i32
    %add3A_165 = arith.addi %mul3A_2, %add3A_164 : i32
    "tpu.region"() ({
      %run_scoped3A = tpu.sem_alloc : memref<!tpu.dma_semaphore, #tpu.memory_space<semaphore_mem>>
      %dma_start3A_537 = arith.constant 0 : i32
      %dma_start3A_538 = tpu.memref_slice %arg12[%add3A_165, %dma_start3A_537] : memref<10240x128xf32, #tpu.memory_space<vmem_shared>> -> memref<80x128xf32, #tpu.memory_space<vmem_shared>>
      %dma_start3A_539 = arith.constant 0 : i32
      %dma_start3A_540 = tpu.memref_slice %arg12[%add3A_165, %dma_start3A_539] : memref<10240x128xf32, #tpu.memory_space<vmem_shared>> -> memref<80x128xf32, #tpu.memory_space<vmem_shared>>
      tpu.enqueue_dma source(%dma_start3A_540 : memref<80x128xf32, #tpu.memory_space<vmem_shared>>) target(%arg10 : memref<80x128xf32, #tpu.memory_space<vmem>>) target_semaphore(%run_scoped3A : memref<!tpu.dma_semaphore, #tpu.memory_space<semaphore_mem>>)
      %dma_wait3A_541 = arith.constant 0 : i32
      %dma_wait3A_542 = tpu.memref_slice %arg12[%add3A_165, %dma_wait3A_541] : memref<10240x128xf32, #tpu.memory_space<vmem_shared>> -> memref<80x128xf32, #tpu.memory_space<vmem_shared>>
      %dma_wait3A_543 = arith.constant 0 : i32
      %dma_wait3A_544 = tpu.memref_slice %arg12[%add3A_165, %dma_wait3A_543] : memref<10240x128xf32, #tpu.memory_space<vmem_shared>> -> memref<80x128xf32, #tpu.memory_space<vmem_shared>>
      tpu.wait_dma2 semaphore(%run_scoped3A : memref<!tpu.dma_semaphore, #tpu.memory_space<semaphore_mem>>) src(%dma_wait3A_544 : memref<80x128xf32, #tpu.memory_space<vmem_shared>>) dst(%arg10 : memref<80x128xf32, #tpu.memory_space<vmem>>)
      tpu.yield
    }) : () -> ()
    %add3A_166 = arith.constant 80 : i32
    %add3A_167 = arith.addi %add3A_155, %add3A_166 : i32
    %dma_start3A_168 = arith.constant 0 : i32
    %dma_start3A_169 = tpu.memref_slice %arg4[%add3A_167, %dma_start3A_168] : memref<40960x128xf32, #tpu.memory_space<hbm>> -> memref<80x128xf32, #tpu.memory_space<hbm>>
    %dma_start3A_170 = arith.constant 0 : i32
    %dma_start3A_171 = tpu.memref_slice %arg4[%add3A_167, %dma_start3A_170] : memref<40960x128xf32, #tpu.memory_space<hbm>> -> memref<80x128xf32, #tpu.memory_space<hbm>>
    tpu.enqueue_dma source(%arg10 : memref<80x128xf32, #tpu.memory_space<vmem>>) target(%dma_start3A_171 : memref<80x128xf32, #tpu.memory_space<hbm>>) target_semaphore(%arg23 : memref<!tpu.dma_semaphore, #tpu.memory_space<semaphore_mem>>)
    %add3A_172 = arith.constant 0 : i32
    %add3A_173 = arith.addi %add3A_155, %add3A_172 : i32
    %dma_wait3A_174 = arith.constant 0 : i32
    %dma_wait3A_175 = tpu.memref_slice %arg4[%add3A_173, %dma_wait3A_174] : memref<40960x128xf32, #tpu.memory_space<hbm>> -> memref<80x128xf32, #tpu.memory_space<hbm>>
    %dma_wait3A_176 = arith.constant 0 : i32
    %dma_wait3A_177 = tpu.memref_slice %arg4[%add3A_173, %dma_wait3A_176] : memref<40960x128xf32, #tpu.memory_space<hbm>> -> memref<80x128xf32, #tpu.memory_space<hbm>>
    tpu.wait_dma2 semaphore(%arg22 : memref<!tpu.dma_semaphore, #tpu.memory_space<semaphore_mem>>) src(%arg9 : memref<80x128xf32, #tpu.memory_space<vmem>>) dst(%dma_wait3A_177 : memref<80x128xf32, #tpu.memory_space<hbm>>)
    %add3A_178 = arith.constant 160 : i32
    %add3A_179 = arith.addi %mul3A_2, %add3A_178 : i32
    "tpu.region"() ({
      %run_scoped3A = tpu.sem_alloc : memref<!tpu.dma_semaphore, #tpu.memory_space<semaphore_mem>>
      %dma_start3A_537 = arith.constant 0 : i32
      %dma_start3A_538 = tpu.memref_slice %arg12[%add3A_179, %dma_start3A_537] : memref<10240x128xf32, #tpu.memory_space<vmem_shared>> -> memref<80x128xf32, #tpu.memory_space<vmem_shared>>
      %dma_start3A_539 = arith.constant 0 : i32
      %dma_start3A_540 = tpu.memref_slice %arg12[%add3A_179, %dma_start3A_539] : memref<10240x128xf32, #tpu.memory_space<vmem_shared>> -> memref<80x128xf32, #tpu.memory_space<vmem_shared>>
      tpu.enqueue_dma source(%dma_start3A_540 : memref<80x128xf32, #tpu.memory_space<vmem_shared>>) target(%arg9 : memref<80x128xf32, #tpu.memory_space<vmem>>) target_semaphore(%run_scoped3A : memref<!tpu.dma_semaphore, #tpu.memory_space<semaphore_mem>>)
      %dma_wait3A_541 = arith.constant 0 : i32
      %dma_wait3A_542 = tpu.memref_slice %arg12[%add3A_179, %dma_wait3A_541] : memref<10240x128xf32, #tpu.memory_space<vmem_shared>> -> memref<80x128xf32, #tpu.memory_space<vmem_shared>>
      %dma_wait3A_543 = arith.constant 0 : i32
      %dma_wait3A_544 = tpu.memref_slice %arg12[%add3A_179, %dma_wait3A_543] : memref<10240x128xf32, #tpu.memory_space<vmem_shared>> -> memref<80x128xf32, #tpu.memory_space<vmem_shared>>
      tpu.wait_dma2 semaphore(%run_scoped3A : memref<!tpu.dma_semaphore, #tpu.memory_space<semaphore_mem>>) src(%dma_wait3A_544 : memref<80x128xf32, #tpu.memory_space<vmem_shared>>) dst(%arg9 : memref<80x128xf32, #tpu.memory_space<vmem>>)
      tpu.yield
    }) : () -> ()
    %add3A_180 = arith.constant 160 : i32
    %add3A_181 = arith.addi %add3A_155, %add3A_180 : i32
    %dma_start3A_182 = arith.constant 0 : i32
    %dma_start3A_183 = tpu.memref_slice %arg4[%add3A_181, %dma_start3A_182] : memref<40960x128xf32, #tpu.memory_space<hbm>> -> memref<80x128xf32, #tpu.memory_space<hbm>>
    %dma_start3A_184 = arith.constant 0 : i32
    %dma_start3A_185 = tpu.memref_slice %arg4[%add3A_181, %dma_start3A_184] : memref<40960x128xf32, #tpu.memory_space<hbm>> -> memref<80x128xf32, #tpu.memory_space<hbm>>
    tpu.enqueue_dma source(%arg9 : memref<80x128xf32, #tpu.memory_space<vmem>>) target(%dma_start3A_185 : memref<80x128xf32, #tpu.memory_space<hbm>>) target_semaphore(%arg22 : memref<!tpu.dma_semaphore, #tpu.memory_space<semaphore_mem>>)
    %add3A_186 = arith.constant 80 : i32
    %add3A_187 = arith.addi %add3A_155, %add3A_186 : i32
    %dma_wait3A_188 = arith.constant 0 : i32
    %dma_wait3A_189 = tpu.memref_slice %arg4[%add3A_187, %dma_wait3A_188] : memref<40960x128xf32, #tpu.memory_space<hbm>> -> memref<80x128xf32, #tpu.memory_space<hbm>>
    %dma_wait3A_190 = arith.constant 0 : i32
    %dma_wait3A_191 = tpu.memref_slice %arg4[%add3A_187, %dma_wait3A_190] : memref<40960x128xf32, #tpu.memory_space<hbm>> -> memref<80x128xf32, #tpu.memory_space<hbm>>
    tpu.wait_dma2 semaphore(%arg23 : memref<!tpu.dma_semaphore, #tpu.memory_space<semaphore_mem>>) src(%arg10 : memref<80x128xf32, #tpu.memory_space<vmem>>) dst(%dma_wait3A_191 : memref<80x128xf32, #tpu.memory_space<hbm>>)
    %add3A_192 = arith.constant 240 : i32
    %add3A_193 = arith.addi %mul3A_2, %add3A_192 : i32
    "tpu.region"() ({
      %run_scoped3A = tpu.sem_alloc : memref<!tpu.dma_semaphore, #tpu.memory_space<semaphore_mem>>
      %dma_start3A_537 = arith.constant 0 : i32
      %dma_start3A_538 = tpu.memref_slice %arg12[%add3A_193, %dma_start3A_537] : memref<10240x128xf32, #tpu.memory_space<vmem_shared>> -> memref<80x128xf32, #tpu.memory_space<vmem_shared>>
      %dma_start3A_539 = arith.constant 0 : i32
      %dma_start3A_540 = tpu.memref_slice %arg12[%add3A_193, %dma_start3A_539] : memref<10240x128xf32, #tpu.memory_space<vmem_shared>> -> memref<80x128xf32, #tpu.memory_space<vmem_shared>>
      tpu.enqueue_dma source(%dma_start3A_540 : memref<80x128xf32, #tpu.memory_space<vmem_shared>>) target(%arg10 : memref<80x128xf32, #tpu.memory_space<vmem>>) target_semaphore(%run_scoped3A : memref<!tpu.dma_semaphore, #tpu.memory_space<semaphore_mem>>)
      %dma_wait3A_541 = arith.constant 0 : i32
      %dma_wait3A_542 = tpu.memref_slice %arg12[%add3A_193, %dma_wait3A_541] : memref<10240x128xf32, #tpu.memory_space<vmem_shared>> -> memref<80x128xf32, #tpu.memory_space<vmem_shared>>
      %dma_wait3A_543 = arith.constant 0 : i32
      %dma_wait3A_544 = tpu.memref_slice %arg12[%add3A_193, %dma_wait3A_543] : memref<10240x128xf32, #tpu.memory_space<vmem_shared>> -> memref<80x128xf32, #tpu.memory_space<vmem_shared>>
      tpu.wait_dma2 semaphore(%run_scoped3A : memref<!tpu.dma_semaphore, #tpu.memory_space<semaphore_mem>>) src(%dma_wait3A_544 : memref<80x128xf32, #tpu.memory_space<vmem_shared>>) dst(%arg10 : memref<80x128xf32, #tpu.memory_space<vmem>>)
      tpu.yield
    }) : () -> ()
    %add3A_194 = arith.constant 240 : i32
    %add3A_195 = arith.addi %add3A_155, %add3A_194 : i32
    %dma_start3A_196 = arith.constant 0 : i32
    %dma_start3A_197 = tpu.memref_slice %arg4[%add3A_195, %dma_start3A_196] : memref<40960x128xf32, #tpu.memory_space<hbm>> -> memref<80x128xf32, #tpu.memory_space<hbm>>
    %dma_start3A_198 = arith.constant 0 : i32
    %dma_start3A_199 = tpu.memref_slice %arg4[%add3A_195, %dma_start3A_198] : memref<40960x128xf32, #tpu.memory_space<hbm>> -> memref<80x128xf32, #tpu.memory_space<hbm>>
    tpu.enqueue_dma source(%arg10 : memref<80x128xf32, #tpu.memory_space<vmem>>) target(%dma_start3A_199 : memref<80x128xf32, #tpu.memory_space<hbm>>) target_semaphore(%arg23 : memref<!tpu.dma_semaphore, #tpu.memory_space<semaphore_mem>>)
    %add3A_200 = arith.constant 160 : i32
    %add3A_201 = arith.addi %add3A_155, %add3A_200 : i32
    %dma_wait3A_202 = arith.constant 0 : i32
    %dma_wait3A_203 = tpu.memref_slice %arg4[%add3A_201, %dma_wait3A_202] : memref<40960x128xf32, #tpu.memory_space<hbm>> -> memref<80x128xf32, #tpu.memory_space<hbm>>
    %dma_wait3A_204 = arith.constant 0 : i32
    %dma_wait3A_205 = tpu.memref_slice %arg4[%add3A_201, %dma_wait3A_204] : memref<40960x128xf32, #tpu.memory_space<hbm>> -> memref<80x128xf32, #tpu.memory_space<hbm>>
    tpu.wait_dma2 semaphore(%arg22 : memref<!tpu.dma_semaphore, #tpu.memory_space<semaphore_mem>>) src(%arg9 : memref<80x128xf32, #tpu.memory_space<vmem>>) dst(%dma_wait3A_205 : memref<80x128xf32, #tpu.memory_space<hbm>>)
    %add3A_206 = arith.constant 320 : i32
    %add3A_207 = arith.addi %mul3A_2, %add3A_206 : i32
    "tpu.region"() ({
      %run_scoped3A = tpu.sem_alloc : memref<!tpu.dma_semaphore, #tpu.memory_space<semaphore_mem>>
      %dma_start3A_537 = arith.constant 0 : i32
      %dma_start3A_538 = tpu.memref_slice %arg12[%add3A_207, %dma_start3A_537] : memref<10240x128xf32, #tpu.memory_space<vmem_shared>> -> memref<80x128xf32, #tpu.memory_space<vmem_shared>>
      %dma_start3A_539 = arith.constant 0 : i32
      %dma_start3A_540 = tpu.memref_slice %arg12[%add3A_207, %dma_start3A_539] : memref<10240x128xf32, #tpu.memory_space<vmem_shared>> -> memref<80x128xf32, #tpu.memory_space<vmem_shared>>
      tpu.enqueue_dma source(%dma_start3A_540 : memref<80x128xf32, #tpu.memory_space<vmem_shared>>) target(%arg9 : memref<80x128xf32, #tpu.memory_space<vmem>>) target_semaphore(%run_scoped3A : memref<!tpu.dma_semaphore, #tpu.memory_space<semaphore_mem>>)
      %dma_wait3A_541 = arith.constant 0 : i32
      %dma_wait3A_542 = tpu.memref_slice %arg12[%add3A_207, %dma_wait3A_541] : memref<10240x128xf32, #tpu.memory_space<vmem_shared>> -> memref<80x128xf32, #tpu.memory_space<vmem_shared>>
      %dma_wait3A_543 = arith.constant 0 : i32
      %dma_wait3A_544 = tpu.memref_slice %arg12[%add3A_207, %dma_wait3A_543] : memref<10240x128xf32, #tpu.memory_space<vmem_shared>> -> memref<80x128xf32, #tpu.memory_space<vmem_shared>>
      tpu.wait_dma2 semaphore(%run_scoped3A : memref<!tpu.dma_semaphore, #tpu.memory_space<semaphore_mem>>) src(%dma_wait3A_544 : memref<80x128xf32, #tpu.memory_space<vmem_shared>>) dst(%arg9 : memref<80x128xf32, #tpu.memory_space<vmem>>)
      tpu.yield
    }) : () -> ()
    %add3A_208 = arith.constant 320 : i32
    %add3A_209 = arith.addi %add3A_155, %add3A_208 : i32
    %dma_start3A_210 = arith.constant 0 : i32
    %dma_start3A_211 = tpu.memref_slice %arg4[%add3A_209, %dma_start3A_210] : memref<40960x128xf32, #tpu.memory_space<hbm>> -> memref<80x128xf32, #tpu.memory_space<hbm>>
    %dma_start3A_212 = arith.constant 0 : i32
    %dma_start3A_213 = tpu.memref_slice %arg4[%add3A_209, %dma_start3A_212] : memref<40960x128xf32, #tpu.memory_space<hbm>> -> memref<80x128xf32, #tpu.memory_space<hbm>>
    tpu.enqueue_dma source(%arg9 : memref<80x128xf32, #tpu.memory_space<vmem>>) target(%dma_start3A_213 : memref<80x128xf32, #tpu.memory_space<hbm>>) target_semaphore(%arg22 : memref<!tpu.dma_semaphore, #tpu.memory_space<semaphore_mem>>)
    %add3A_214 = arith.constant 240 : i32
    %add3A_215 = arith.addi %add3A_155, %add3A_214 : i32
    %dma_wait3A_216 = arith.constant 0 : i32
    %dma_wait3A_217 = tpu.memref_slice %arg4[%add3A_215, %dma_wait3A_216] : memref<40960x128xf32, #tpu.memory_space<hbm>> -> memref<80x128xf32, #tpu.memory_space<hbm>>
    %dma_wait3A_218 = arith.constant 0 : i32
    %dma_wait3A_219 = tpu.memref_slice %arg4[%add3A_215, %dma_wait3A_218] : memref<40960x128xf32, #tpu.memory_space<hbm>> -> memref<80x128xf32, #tpu.memory_space<hbm>>
    tpu.wait_dma2 semaphore(%arg23 : memref<!tpu.dma_semaphore, #tpu.memory_space<semaphore_mem>>) src(%arg10 : memref<80x128xf32, #tpu.memory_space<vmem>>) dst(%dma_wait3A_219 : memref<80x128xf32, #tpu.memory_space<hbm>>)
    %add3A_220 = arith.constant 400 : i32
    %add3A_221 = arith.addi %mul3A_2, %add3A_220 : i32
    "tpu.region"() ({
      %run_scoped3A = tpu.sem_alloc : memref<!tpu.dma_semaphore, #tpu.memory_space<semaphore_mem>>
      %dma_start3A_537 = arith.constant 0 : i32
      %dma_start3A_538 = tpu.memref_slice %arg12[%add3A_221, %dma_start3A_537] : memref<10240x128xf32, #tpu.memory_space<vmem_shared>> -> memref<80x128xf32, #tpu.memory_space<vmem_shared>>
      %dma_start3A_539 = arith.constant 0 : i32
      %dma_start3A_540 = tpu.memref_slice %arg12[%add3A_221, %dma_start3A_539] : memref<10240x128xf32, #tpu.memory_space<vmem_shared>> -> memref<80x128xf32, #tpu.memory_space<vmem_shared>>
      tpu.enqueue_dma source(%dma_start3A_540 : memref<80x128xf32, #tpu.memory_space<vmem_shared>>) target(%arg10 : memref<80x128xf32, #tpu.memory_space<vmem>>) target_semaphore(%run_scoped3A : memref<!tpu.dma_semaphore, #tpu.memory_space<semaphore_mem>>)
      %dma_wait3A_541 = arith.constant 0 : i32
      %dma_wait3A_542 = tpu.memref_slice %arg12[%add3A_221, %dma_wait3A_541] : memref<10240x128xf32, #tpu.memory_space<vmem_shared>> -> memref<80x128xf32, #tpu.memory_space<vmem_shared>>
      %dma_wait3A_543 = arith.constant 0 : i32
      %dma_wait3A_544 = tpu.memref_slice %arg12[%add3A_221, %dma_wait3A_543] : memref<10240x128xf32, #tpu.memory_space<vmem_shared>> -> memref<80x128xf32, #tpu.memory_space<vmem_shared>>
      tpu.wait_dma2 semaphore(%run_scoped3A : memref<!tpu.dma_semaphore, #tpu.memory_space<semaphore_mem>>) src(%dma_wait3A_544 : memref<80x128xf32, #tpu.memory_space<vmem_shared>>) dst(%arg10 : memref<80x128xf32, #tpu.memory_space<vmem>>)
      tpu.yield
    }) : () -> ()
    %add3A_222 = arith.constant 400 : i32
    %add3A_223 = arith.addi %add3A_155, %add3A_222 : i32
    %dma_start3A_224 = arith.constant 0 : i32
    %dma_start3A_225 = tpu.memref_slice %arg4[%add3A_223, %dma_start3A_224] : memref<40960x128xf32, #tpu.memory_space<hbm>> -> memref<80x128xf32, #tpu.memory_space<hbm>>
    %dma_start3A_226 = arith.constant 0 : i32
    %dma_start3A_227 = tpu.memref_slice %arg4[%add3A_223, %dma_start3A_226] : memref<40960x128xf32, #tpu.memory_space<hbm>> -> memref<80x128xf32, #tpu.memory_space<hbm>>
    tpu.enqueue_dma source(%arg10 : memref<80x128xf32, #tpu.memory_space<vmem>>) target(%dma_start3A_227 : memref<80x128xf32, #tpu.memory_space<hbm>>) target_semaphore(%arg23 : memref<!tpu.dma_semaphore, #tpu.memory_space<semaphore_mem>>)
    %add3A_228 = arith.constant 320 : i32
    %add3A_229 = arith.addi %add3A_155, %add3A_228 : i32
    %dma_wait3A_230 = arith.constant 0 : i32
    %dma_wait3A_231 = tpu.memref_slice %arg4[%add3A_229, %dma_wait3A_230] : memref<40960x128xf32, #tpu.memory_space<hbm>> -> memref<80x128xf32, #tpu.memory_space<hbm>>
    %dma_wait3A_232 = arith.constant 0 : i32
    %dma_wait3A_233 = tpu.memref_slice %arg4[%add3A_229, %dma_wait3A_232] : memref<40960x128xf32, #tpu.memory_space<hbm>> -> memref<80x128xf32, #tpu.memory_space<hbm>>
    tpu.wait_dma2 semaphore(%arg22 : memref<!tpu.dma_semaphore, #tpu.memory_space<semaphore_mem>>) src(%arg9 : memref<80x128xf32, #tpu.memory_space<vmem>>) dst(%dma_wait3A_233 : memref<80x128xf32, #tpu.memory_space<hbm>>)
    %add3A_234 = arith.constant 480 : i32
    %add3A_235 = arith.addi %mul3A_2, %add3A_234 : i32
    "tpu.region"() ({
      %run_scoped3A = tpu.sem_alloc : memref<!tpu.dma_semaphore, #tpu.memory_space<semaphore_mem>>
      %dma_start3A_537 = arith.constant 0 : i32
      %dma_start3A_538 = tpu.memref_slice %arg12[%add3A_235, %dma_start3A_537] : memref<10240x128xf32, #tpu.memory_space<vmem_shared>> -> memref<80x128xf32, #tpu.memory_space<vmem_shared>>
      %dma_start3A_539 = arith.constant 0 : i32
      %dma_start3A_540 = tpu.memref_slice %arg12[%add3A_235, %dma_start3A_539] : memref<10240x128xf32, #tpu.memory_space<vmem_shared>> -> memref<80x128xf32, #tpu.memory_space<vmem_shared>>
      tpu.enqueue_dma source(%dma_start3A_540 : memref<80x128xf32, #tpu.memory_space<vmem_shared>>) target(%arg9 : memref<80x128xf32, #tpu.memory_space<vmem>>) target_semaphore(%run_scoped3A : memref<!tpu.dma_semaphore, #tpu.memory_space<semaphore_mem>>)
      %dma_wait3A_541 = arith.constant 0 : i32
      %dma_wait3A_542 = tpu.memref_slice %arg12[%add3A_235, %dma_wait3A_541] : memref<10240x128xf32, #tpu.memory_space<vmem_shared>> -> memref<80x128xf32, #tpu.memory_space<vmem_shared>>
      %dma_wait3A_543 = arith.constant 0 : i32
      %dma_wait3A_544 = tpu.memref_slice %arg12[%add3A_235, %dma_wait3A_543] : memref<10240x128xf32, #tpu.memory_space<vmem_shared>> -> memref<80x128xf32, #tpu.memory_space<vmem_shared>>
      tpu.wait_dma2 semaphore(%run_scoped3A : memref<!tpu.dma_semaphore, #tpu.memory_space<semaphore_mem>>) src(%dma_wait3A_544 : memref<80x128xf32, #tpu.memory_space<vmem_shared>>) dst(%arg9 : memref<80x128xf32, #tpu.memory_space<vmem>>)
      tpu.yield
    }) : () -> ()
    %add3A_236 = arith.constant 480 : i32
    %add3A_237 = arith.addi %add3A_155, %add3A_236 : i32
    %dma_start3A_238 = arith.constant 0 : i32
    %dma_start3A_239 = tpu.memref_slice %arg4[%add3A_237, %dma_start3A_238] : memref<40960x128xf32, #tpu.memory_space<hbm>> -> memref<80x128xf32, #tpu.memory_space<hbm>>
    %dma_start3A_240 = arith.constant 0 : i32
    %dma_start3A_241 = tpu.memref_slice %arg4[%add3A_237, %dma_start3A_240] : memref<40960x128xf32, #tpu.memory_space<hbm>> -> memref<80x128xf32, #tpu.memory_space<hbm>>
    tpu.enqueue_dma source(%arg9 : memref<80x128xf32, #tpu.memory_space<vmem>>) target(%dma_start3A_241 : memref<80x128xf32, #tpu.memory_space<hbm>>) target_semaphore(%arg22 : memref<!tpu.dma_semaphore, #tpu.memory_space<semaphore_mem>>)
    %add3A_242 = arith.constant 400 : i32
    %add3A_243 = arith.addi %add3A_155, %add3A_242 : i32
    %dma_wait3A_244 = arith.constant 0 : i32
    %dma_wait3A_245 = tpu.memref_slice %arg4[%add3A_243, %dma_wait3A_244] : memref<40960x128xf32, #tpu.memory_space<hbm>> -> memref<80x128xf32, #tpu.memory_space<hbm>>
    %dma_wait3A_246 = arith.constant 0 : i32
    %dma_wait3A_247 = tpu.memref_slice %arg4[%add3A_243, %dma_wait3A_246] : memref<40960x128xf32, #tpu.memory_space<hbm>> -> memref<80x128xf32, #tpu.memory_space<hbm>>
    tpu.wait_dma2 semaphore(%arg23 : memref<!tpu.dma_semaphore, #tpu.memory_space<semaphore_mem>>) src(%arg10 : memref<80x128xf32, #tpu.memory_space<vmem>>) dst(%dma_wait3A_247 : memref<80x128xf32, #tpu.memory_space<hbm>>)
    %add3A_248 = arith.constant 560 : i32
    %add3A_249 = arith.addi %mul3A_2, %add3A_248 : i32
    "tpu.region"() ({
      %run_scoped3A = tpu.sem_alloc : memref<!tpu.dma_semaphore, #tpu.memory_space<semaphore_mem>>
      %dma_start3A_537 = arith.constant 0 : i32
      %dma_start3A_538 = tpu.memref_slice %arg12[%add3A_249, %dma_start3A_537] : memref<10240x128xf32, #tpu.memory_space<vmem_shared>> -> memref<80x128xf32, #tpu.memory_space<vmem_shared>>
      %dma_start3A_539 = arith.constant 0 : i32
      %dma_start3A_540 = tpu.memref_slice %arg12[%add3A_249, %dma_start3A_539] : memref<10240x128xf32, #tpu.memory_space<vmem_shared>> -> memref<80x128xf32, #tpu.memory_space<vmem_shared>>
      tpu.enqueue_dma source(%dma_start3A_540 : memref<80x128xf32, #tpu.memory_space<vmem_shared>>) target(%arg10 : memref<80x128xf32, #tpu.memory_space<vmem>>) target_semaphore(%run_scoped3A : memref<!tpu.dma_semaphore, #tpu.memory_space<semaphore_mem>>)
      %dma_wait3A_541 = arith.constant 0 : i32
      %dma_wait3A_542 = tpu.memref_slice %arg12[%add3A_249, %dma_wait3A_541] : memref<10240x128xf32, #tpu.memory_space<vmem_shared>> -> memref<80x128xf32, #tpu.memory_space<vmem_shared>>
      %dma_wait3A_543 = arith.constant 0 : i32
      %dma_wait3A_544 = tpu.memref_slice %arg12[%add3A_249, %dma_wait3A_543] : memref<10240x128xf32, #tpu.memory_space<vmem_shared>> -> memref<80x128xf32, #tpu.memory_space<vmem_shared>>
      tpu.wait_dma2 semaphore(%run_scoped3A : memref<!tpu.dma_semaphore, #tpu.memory_space<semaphore_mem>>) src(%dma_wait3A_544 : memref<80x128xf32, #tpu.memory_space<vmem_shared>>) dst(%arg10 : memref<80x128xf32, #tpu.memory_space<vmem>>)
      tpu.yield
    }) : () -> ()
    %add3A_250 = arith.constant 560 : i32
    %add3A_251 = arith.addi %add3A_155, %add3A_250 : i32
    %dma_start3A_252 = arith.constant 0 : i32
    %dma_start3A_253 = tpu.memref_slice %arg4[%add3A_251, %dma_start3A_252] : memref<40960x128xf32, #tpu.memory_space<hbm>> -> memref<80x128xf32, #tpu.memory_space<hbm>>
    %dma_start3A_254 = arith.constant 0 : i32
    %dma_start3A_255 = tpu.memref_slice %arg4[%add3A_251, %dma_start3A_254] : memref<40960x128xf32, #tpu.memory_space<hbm>> -> memref<80x128xf32, #tpu.memory_space<hbm>>
    tpu.enqueue_dma source(%arg10 : memref<80x128xf32, #tpu.memory_space<vmem>>) target(%dma_start3A_255 : memref<80x128xf32, #tpu.memory_space<hbm>>) target_semaphore(%arg23 : memref<!tpu.dma_semaphore, #tpu.memory_space<semaphore_mem>>)
    %add3A_256 = arith.constant 480 : i32
    %add3A_257 = arith.addi %add3A_155, %add3A_256 : i32
    %dma_wait3A_258 = arith.constant 0 : i32
    %dma_wait3A_259 = tpu.memref_slice %arg4[%add3A_257, %dma_wait3A_258] : memref<40960x128xf32, #tpu.memory_space<hbm>> -> memref<80x128xf32, #tpu.memory_space<hbm>>
    %dma_wait3A_260 = arith.constant 0 : i32
    %dma_wait3A_261 = tpu.memref_slice %arg4[%add3A_257, %dma_wait3A_260] : memref<40960x128xf32, #tpu.memory_space<hbm>> -> memref<80x128xf32, #tpu.memory_space<hbm>>
    tpu.wait_dma2 semaphore(%arg22 : memref<!tpu.dma_semaphore, #tpu.memory_space<semaphore_mem>>) src(%arg9 : memref<80x128xf32, #tpu.memory_space<vmem>>) dst(%dma_wait3A_261 : memref<80x128xf32, #tpu.memory_space<hbm>>)
    %add3A_262 = arith.constant 560 : i32
    %add3A_263 = arith.addi %add3A_155, %add3A_262 : i32
    %dma_wait3A_264 = arith.constant 0 : i32
    %dma_wait3A_265 = tpu.memref_slice %arg4[%add3A_263, %dma_wait3A_264] : memref<40960x128xf32, #tpu.memory_space<hbm>> -> memref<80x128xf32, #tpu.memory_space<hbm>>
    %dma_wait3A_266 = arith.constant 0 : i32
    %dma_wait3A_267 = tpu.memref_slice %arg4[%add3A_263, %dma_wait3A_266] : memref<40960x128xf32, #tpu.memory_space<hbm>> -> memref<80x128xf32, #tpu.memory_space<hbm>>
    tpu.wait_dma2 semaphore(%arg23 : memref<!tpu.dma_semaphore, #tpu.memory_space<semaphore_mem>>) src(%arg10 : memref<80x128xf32, #tpu.memory_space<vmem>>) dst(%dma_wait3A_267 : memref<80x128xf32, #tpu.memory_space<hbm>>)
    %mul3A_268 = arith.constant 2 : i32
    %mul3A_269 = arith.muli %arg0, %mul3A_268 : i32
    %add3A_270 = arith.constant 1 : i32
    %add3A_271 = arith.addi %mul3A_269, %add3A_270 : i32
    %mul3A_272 = arith.constant 10000 : i32
    %mul3A_273 = arith.muli %add3A_271, %mul3A_272 : i32
    %scan3A_274 = arith.constant 0 : i32
    %scan3A_275 = arith.constant 0 : i32
    %scan3A_276 = arith.constant 80 : i32
    %scan3A_277 = arith.addi %scan3A_275, %scan3A_276 : i32
    %scan3A_278 = arith.constant 1 : i32
    scf.for %scan3A_537 = %scan3A_275 to %scan3A_277 step %scan3A_278  : i32 {
      %swap3A = arith.index_cast %scan3A_537 : i32 to index
      %swap3A_538 = arith.constant 0 : index
      %swap3A_539 = tpu.vector_load %arg11[%swap3A, %swap3A_538] {strides = array<i32>} : memref<80x128xf32, #tpu.memory_space<vmem>>, vector<1x16xf32>,
      %swap3A_540 = vector.shape_cast %swap3A_539 : vector<1x16xf32> to vector<16xf32>
      %swap3A_541 = vector.shape_cast %broadcast_in_dim3A_3 : vector<16xf32> to vector<1x16xf32>
      tpu.vector_store %arg11[%swap3A, %swap3A_538], %swap3A_541 {strides = array<i32>} : memref<80x128xf32, #tpu.memory_space<vmem>>, vector<1x16xf32>,
      %swap3A_542 = arith.index_cast %scan3A_537 : i32 to index
      %swap3A_543 = arith.constant 16 : index
      %swap3A_544 = tpu.vector_load %arg11[%swap3A_542, %swap3A_543] {strides = array<i32>} : memref<80x128xf32, #tpu.memory_space<vmem>>, vector<1x16xf32>,
      %swap3A_545 = vector.shape_cast %swap3A_544 : vector<1x16xf32> to vector<16xf32>
      %swap3A_546 = vector.shape_cast %broadcast_in_dim3A_3 : vector<16xf32> to vector<1x16xf32>
      tpu.vector_store %arg11[%swap3A_542, %swap3A_543], %swap3A_546 {strides = array<i32>} : memref<80x128xf32, #tpu.memory_space<vmem>>, vector<1x16xf32>,
      %swap3A_547 = arith.index_cast %scan3A_537 : i32 to index
      %swap3A_548 = arith.constant 32 : index
      %swap3A_549 = tpu.vector_load %arg11[%swap3A_547, %swap3A_548] {strides = array<i32>} : memref<80x128xf32, #tpu.memory_space<vmem>>, vector<1x16xf32>,
      %swap3A_550 = vector.shape_cast %swap3A_549 : vector<1x16xf32> to vector<16xf32>
      %swap3A_551 = vector.shape_cast %broadcast_in_dim3A_3 : vector<16xf32> to vector<1x16xf32>
      tpu.vector_store %arg11[%swap3A_547, %swap3A_548], %swap3A_551 {strides = array<i32>} : memref<80x128xf32, #tpu.memory_space<vmem>>, vector<1x16xf32>,
      %swap3A_552 = arith.index_cast %scan3A_537 : i32 to index
      %swap3A_553 = arith.constant 48 : index
      %swap3A_554 = tpu.vector_load %arg11[%swap3A_552, %swap3A_553] {strides = array<i32>} : memref<80x128xf32, #tpu.memory_space<vmem>>, vector<1x16xf32>,
      %swap3A_555 = vector.shape_cast %swap3A_554 : vector<1x16xf32> to vector<16xf32>
      %swap3A_556 = vector.shape_cast %broadcast_in_dim3A_3 : vector<16xf32> to vector<1x16xf32>
      tpu.vector_store %arg11[%swap3A_552, %swap3A_553], %swap3A_556 {strides = array<i32>} : memref<80x128xf32, #tpu.memory_space<vmem>>, vector<1x16xf32>,
      %swap3A_557 = arith.index_cast %scan3A_537 : i32 to index
      %swap3A_558 = arith.constant 64 : index
      %swap3A_559 = tpu.vector_load %arg11[%swap3A_557, %swap3A_558] {strides = array<i32>} : memref<80x128xf32, #tpu.memory_space<vmem>>, vector<1x16xf32>,
      %swap3A_560 = vector.shape_cast %swap3A_559 : vector<1x16xf32> to vector<16xf32>
      %swap3A_561 = vector.shape_cast %broadcast_in_dim3A_3 : vector<16xf32> to vector<1x16xf32>
      tpu.vector_store %arg11[%swap3A_557, %swap3A_558], %swap3A_561 {strides = array<i32>} : memref<80x128xf32, #tpu.memory_space<vmem>>, vector<1x16xf32>,
      %swap3A_562 = arith.index_cast %scan3A_537 : i32 to index
      %swap3A_563 = arith.constant 80 : index
      %swap3A_564 = tpu.vector_load %arg11[%swap3A_562, %swap3A_563] {strides = array<i32>} : memref<80x128xf32, #tpu.memory_space<vmem>>, vector<1x16xf32>,
      %swap3A_565 = vector.shape_cast %swap3A_564 : vector<1x16xf32> to vector<16xf32>
      %swap3A_566 = vector.shape_cast %broadcast_in_dim3A_3 : vector<16xf32> to vector<1x16xf32>
      tpu.vector_store %arg11[%swap3A_562, %swap3A_563], %swap3A_566 {strides = array<i32>} : memref<80x128xf32, #tpu.memory_space<vmem>>, vector<1x16xf32>,
      %swap3A_567 = arith.index_cast %scan3A_537 : i32 to index
      %swap3A_568 = arith.constant 96 : index
      %swap3A_569 = tpu.vector_load %arg11[%swap3A_567, %swap3A_568] {strides = array<i32>} : memref<80x128xf32, #tpu.memory_space<vmem>>, vector<1x16xf32>,
      %swap3A_570 = vector.shape_cast %swap3A_569 : vector<1x16xf32> to vector<16xf32>
      %swap3A_571 = vector.shape_cast %broadcast_in_dim3A_3 : vector<16xf32> to vector<1x16xf32>
      tpu.vector_store %arg11[%swap3A_567, %swap3A_568], %swap3A_571 {strides = array<i32>} : memref<80x128xf32, #tpu.memory_space<vmem>>, vector<1x16xf32>,
      %swap3A_572 = arith.index_cast %scan3A_537 : i32 to index
      %swap3A_573 = arith.constant 112 : index
      %swap3A_574 = tpu.vector_load %arg11[%swap3A_572, %swap3A_573] {strides = array<i32>} : memref<80x128xf32, #tpu.memory_space<vmem>>, vector<1x16xf32>,
      %swap3A_575 = vector.shape_cast %swap3A_574 : vector<1x16xf32> to vector<16xf32>
      %swap3A_576 = vector.shape_cast %broadcast_in_dim3A_3 : vector<16xf32> to vector<1x16xf32>
      tpu.vector_store %arg11[%swap3A_572, %swap3A_573], %swap3A_576 {strides = array<i32>} : memref<80x128xf32, #tpu.memory_space<vmem>>, vector<1x16xf32>,
    }
    %scan3A_279 = arith.constant 80 : i32
    %scan3A_280 = arith.constant 0 : i32
    %scan3A_281 = arith.constant 0 : i32
    %scan3A_282 = arith.constant 8 : i32
    %scan3A_283 = arith.addi %scan3A_281, %scan3A_282 : i32
    %scan3A_284 = arith.constant 1 : i32
    scf.for %scan3A_537 = %scan3A_281 to %scan3A_283 step %scan3A_284  : i32 {
      %mul3A_538 = arith.constant 80 : i32
      %mul3A_539 = arith.muli %scan3A_537, %mul3A_538 : i32
      %add3A_540 = arith.addi %mul3A_2, %mul3A_539 : i32
      "tpu.region"() ({
        %run_scoped3A = tpu.sem_alloc : memref<!tpu.dma_semaphore, #tpu.memory_space<semaphore_mem>>
        %dma_start3A_541 = arith.constant 0 : i32
        %dma_start3A_542 = tpu.memref_slice %arg12[%add3A_540, %dma_start3A_541] : memref<10240x128xf32, #tpu.memory_space<vmem_shared>> -> memref<80x128xf32, #tpu.memory_space<vmem_shared>>
        %dma_start3A_543 = arith.constant 0 : i32
        %dma_start3A_544 = tpu.memref_slice %arg12[%add3A_540, %dma_start3A_543] : memref<10240x128xf32, #tpu.memory_space<vmem_shared>> -> memref<80x128xf32, #tpu.memory_space<vmem_shared>>
        tpu.enqueue_dma source(%arg11 : memref<80x128xf32, #tpu.memory_space<vmem>>) target(%dma_start3A_544 : memref<80x128xf32, #tpu.memory_space<vmem_shared>>) target_semaphore(%run_scoped3A : memref<!tpu.dma_semaphore, #tpu.memory_space<semaphore_mem>>)
        %dma_wait3A_545 = arith.constant 0 : i32
        %dma_wait3A_546 = tpu.memref_slice %arg12[%add3A_540, %dma_wait3A_545] : memref<10240x128xf32, #tpu.memory_space<vmem_shared>> -> memref<80x128xf32, #tpu.memory_space<vmem_shared>>
        %dma_wait3A_547 = arith.constant 0 : i32
        %dma_wait3A_548 = tpu.memref_slice %arg12[%add3A_540, %dma_wait3A_547] : memref<10240x128xf32, #tpu.memory_space<vmem_shared>> -> memref<80x128xf32, #tpu.memory_space<vmem_shared>>
        tpu.wait_dma2 semaphore(%run_scoped3A : memref<!tpu.dma_semaphore, #tpu.memory_space<semaphore_mem>>) src(%arg11 : memref<80x128xf32, #tpu.memory_space<vmem>>) dst(%dma_wait3A_548 : memref<80x128xf32, #tpu.memory_space<vmem_shared>>)
        tpu.yield
      }) : () -> ()
    }
    %scan3A_285 = arith.constant 8 : i32
    %add3A_286 = arith.constant 160000 : i32
    %add3A_287 = arith.addi %add3A_286, %mul3A_0 : i32
    "tpu.region"() ({
      %run_scoped3A = tpu.sem_alloc : memref<!tpu.dma_semaphore, #tpu.memory_space<semaphore_mem>>
      %dma_start3A_537 = tpu.memref_slice %arg3[%add3A_287] : memref<320000xi32, #tpu.memory_space<hbm>> -> memref<10000xi32, #tpu.memory_space<hbm>>
      %dma_start3A_538 = tpu.memref_slice %arg3[%add3A_287] : memref<320000xi32, #tpu.memory_space<hbm>> -> memref<10000xi32, #tpu.memory_space<hbm>>
      tpu.enqueue_dma source(%dma_start3A_538 : memref<10000xi32, #tpu.memory_space<hbm>>) target(%arg5 : memref<10000xi32, #tpu.memory_space<vmem>>) target_semaphore(%run_scoped3A : memref<!tpu.dma_semaphore, #tpu.memory_space<semaphore_mem>>)
      %dma_wait3A_539 = tpu.memref_slice %arg3[%add3A_287] : memref<320000xi32, #tpu.memory_space<hbm>> -> memref<10000xi32, #tpu.memory_space<hbm>>
      %dma_wait3A_540 = tpu.memref_slice %arg3[%add3A_287] : memref<320000xi32, #tpu.memory_space<hbm>> -> memref<10000xi32, #tpu.memory_space<hbm>>
      tpu.wait_dma2 semaphore(%run_scoped3A : memref<!tpu.dma_semaphore, #tpu.memory_space<semaphore_mem>>) src(%dma_wait3A_540 : memref<10000xi32, #tpu.memory_space<hbm>>) dst(%arg5 : memref<10000xi32, #tpu.memory_space<vmem>>)
      tpu.yield
    }) : () -> ()
    %scan3A_288 = arith.constant 0 : i32
    %scan3A_289 = arith.constant 0 : i32
    %scan3A_290 = arith.constant 625 : i32
    %scan3A_291 = arith.addi %scan3A_289, %scan3A_290 : i32
    %scan3A_292 = arith.constant 1 : i32
    scf.for %scan3A_537 = %scan3A_289 to %scan3A_291 step %scan3A_292  : i32 {
      %mul3A_538 = arith.constant 16 : i32
      %mul3A_539 = arith.muli %scan3A_537, %mul3A_538 : i32
      %get3A = arith.index_cast %mul3A_539 : i32 to index
      %get3A_540 = tpu.vector_load %arg5[%get3A] {strides = array<i32>} : memref<10000xi32, #tpu.memory_space<vmem>>, vector<16xi32>,
      %get3A_541 = vector.shape_cast %get3A_540 : vector<16xi32> to vector<16xi32>
      %add3A_542 = vector.broadcast %mul3A_273 : i32 to vector<16xi32>
      %add3A_543 = arith.addi %get3A_541, %add3A_542 : vector<16xi32>
      %swap3A = arith.index_cast %mul3A_539 : i32 to index
      %swap3A_544 = tpu.vector_load %arg5[%swap3A] {strides = array<i32>} : memref<10000xi32, #tpu.memory_space<vmem>>, vector<16xi32>,
      %swap3A_545 = vector.shape_cast %swap3A_544 : vector<16xi32> to vector<16xi32>
      %swap3A_546 = vector.shape_cast %add3A_543 : vector<16xi32> to vector<16xi32>
      tpu.vector_store %arg5[%swap3A], %swap3A_546 {strides = array<i32>} : memref<10000xi32, #tpu.memory_space<vmem>>, vector<16xi32>,
    }
    %scan3A_293 = arith.constant 625 : i32
    %barrier3A_294 = arith.constant 0 : index
    tpu.barrier barrier_id(%barrier3A_294)
    %add3A_295 = arith.constant 0 : i32
    %add3A_296 = arith.addi %mul3A_0, %add3A_295 : i32
    %dma_start3A_297 = tpu.memref_slice %arg3[%add3A_296] : memref<320000xi32, #tpu.memory_space<hbm>> -> memref<80xi32, #tpu.memory_space<hbm>>
    %dma_start3A_298 = tpu.memref_slice %arg3[%add3A_296] : memref<320000xi32, #tpu.memory_space<hbm>> -> memref<80xi32, #tpu.memory_space<hbm>>
    tpu.enqueue_dma source(%dma_start3A_298 : memref<80xi32, #tpu.memory_space<hbm>>) target(%arg6 : memref<80xi32, #tpu.memory_space<vmem>>) target_semaphore(%arg16 : memref<!tpu.dma_semaphore, #tpu.memory_space<semaphore_mem>>)
    %dma_start3A_299 = arith.constant 0 : i32
    %dma_start3A_300 = tpu.memref_slice %arg5[%dma_start3A_299] : memref<10000xi32, #tpu.memory_space<vmem>> -> memref<80xi32, #tpu.memory_space<vmem>>
    %dma_start3A_301 = arith.constant 0 : i32
    %dma_start3A_302 = arith.constant 0 : i32
    %dma_start3A_303 = tpu.memref_slice %arg2[%dma_start3A_301, %dma_start3A_302] : memref<40000x128xf32, #tpu.memory_space<hbm>> -> memref<40000x128xf32, #tpu.memory_space<hbm>>
    tpu.enqueue_indirect_dma source(%dma_start3A_303 : memref<40000x128xf32, #tpu.memory_space<hbm>>) target(%arg9 : memref<80x128xf32, #tpu.memory_space<vmem>>) offsets(%dma_start3A_300 : memref<80xi32, #tpu.memory_space<vmem>>) semaphore(%arg13 : memref<!tpu.dma_semaphore, #tpu.memory_space<semaphore_mem>>)
    %add3A_304 = arith.constant 80 : i32
    %add3A_305 = arith.addi %mul3A_0, %add3A_304 : i32
    %dma_start3A_306 = tpu.memref_slice %arg3[%add3A_305] : memref<320000xi32, #tpu.memory_space<hbm>> -> memref<80xi32, #tpu.memory_space<hbm>>
    %dma_start3A_307 = tpu.memref_slice %arg3[%add3A_305] : memref<320000xi32, #tpu.memory_space<hbm>> -> memref<80xi32, #tpu.memory_space<hbm>>
    tpu.enqueue_dma source(%dma_start3A_307 : memref<80xi32, #tpu.memory_space<hbm>>) target(%arg7 : memref<80xi32, #tpu.memory_space<vmem>>) target_semaphore(%arg17 : memref<!tpu.dma_semaphore, #tpu.memory_space<semaphore_mem>>)
    %dma_start3A_308 = arith.constant 80 : i32
    %dma_start3A_309 = tpu.memref_slice %arg5[%dma_start3A_308] : memref<10000xi32, #tpu.memory_space<vmem>> -> memref<80xi32, #tpu.memory_space<vmem>>
    %dma_start3A_310 = arith.constant 0 : i32
    %dma_start3A_311 = arith.constant 0 : i32
    %dma_start3A_312 = tpu.memref_slice %arg2[%dma_start3A_310, %dma_start3A_311] : memref<40000x128xf32, #tpu.memory_space<hbm>> -> memref<40000x128xf32, #tpu.memory_space<hbm>>
    tpu.enqueue_indirect_dma source(%dma_start3A_312 : memref<40000x128xf32, #tpu.memory_space<hbm>>) target(%arg10 : memref<80x128xf32, #tpu.memory_space<vmem>>) offsets(%dma_start3A_309 : memref<80xi32, #tpu.memory_space<vmem>>) semaphore(%arg14 : memref<!tpu.dma_semaphore, #tpu.memory_space<semaphore_mem>>)
    %add3A_313 = arith.constant 160 : i32
    %add3A_314 = arith.addi %mul3A_0, %add3A_313 : i32
    %dma_start3A_315 = tpu.memref_slice %arg3[%add3A_314] : memref<320000xi32, #tpu.memory_space<hbm>> -> memref<80xi32, #tpu.memory_space<hbm>>
    %dma_start3A_316 = tpu.memref_slice %arg3[%add3A_314] : memref<320000xi32, #tpu.memory_space<hbm>> -> memref<80xi32, #tpu.memory_space<hbm>>
    tpu.enqueue_dma source(%dma_start3A_316 : memref<80xi32, #tpu.memory_space<hbm>>) target(%arg8 : memref<80xi32, #tpu.memory_space<vmem>>) target_semaphore(%arg18 : memref<!tpu.dma_semaphore, #tpu.memory_space<semaphore_mem>>)
    %dma_start3A_317 = arith.constant 160 : i32
    %dma_start3A_318 = tpu.memref_slice %arg5[%dma_start3A_317] : memref<10000xi32, #tpu.memory_space<vmem>> -> memref<80xi32, #tpu.memory_space<vmem>>
    %dma_start3A_319 = arith.constant 0 : i32
    %dma_start3A_320 = arith.constant 0 : i32
    %dma_start3A_321 = tpu.memref_slice %arg2[%dma_start3A_319, %dma_start3A_320] : memref<40000x128xf32, #tpu.memory_space<hbm>> -> memref<40000x128xf32, #tpu.memory_space<hbm>>
    tpu.enqueue_indirect_dma source(%dma_start3A_321 : memref<40000x128xf32, #tpu.memory_space<hbm>>) target(%arg11 : memref<80x128xf32, #tpu.memory_space<vmem>>) offsets(%dma_start3A_318 : memref<80xi32, #tpu.memory_space<vmem>>) semaphore(%arg15 : memref<!tpu.dma_semaphore, #tpu.memory_space<semaphore_mem>>)
    %scan3A_322 = arith.constant 0 : i32
    %scan3A_323 = arith.constant 0 : i32
    %scan3A_324 = arith.constant 40 : i32
    %scan3A_325 = arith.addi %scan3A_323, %scan3A_324 : i32
    %scan3A_326 = arith.constant 1 : i32
    scf.for %scan3A_537 = %scan3A_323 to %scan3A_325 step %scan3A_326  : i32 {
      %mul3A_538 = arith.constant 3 : i32
      %mul3A_539 = arith.muli %mul3A_538, %scan3A_537 : i32
      %mul3A_540 = arith.constant 80 : i32
      %mul3A_541 = arith.muli %mul3A_539, %mul3A_540 : i32
      %dma_wait3A_542 = tpu.memref_slice %arg5[%mul3A_541] : memref<10000xi32, #tpu.memory_space<vmem>> -> memref<80xi32, #tpu.memory_space<vmem>>
      %dma_wait3A_543 = arith.constant 0 : i32
      %dma_wait3A_544 = arith.constant 0 : i32
      %dma_wait3A_545 = tpu.memref_slice %arg2[%dma_wait3A_543, %dma_wait3A_544] : memref<40000x128xf32, #tpu.memory_space<hbm>> -> memref<40000x128xf32, #tpu.memory_space<hbm>>
      tpu.wait_indirect_dma semaphore(%arg13 : memref<!tpu.dma_semaphore, #tpu.memory_space<semaphore_mem>>) src(%dma_wait3A_545 : memref<40000x128xf32, #tpu.memory_space<hbm>>) dst(%arg9 : memref<80x128xf32, #tpu.memory_space<vmem>>)
      %mul3A_546 = arith.constant 80 : i32
      %mul3A_547 = arith.muli %mul3A_539, %mul3A_546 : i32
      %add3A_548 = arith.addi %mul3A_0, %mul3A_547 : i32
      %dma_wait3A_549 = tpu.memref_slice %arg3[%add3A_548] : memref<320000xi32, #tpu.memory_space<hbm>> -> memref<80xi32, #tpu.memory_space<hbm>>
      %dma_wait3A_550 = tpu.memref_slice %arg3[%add3A_548] : memref<320000xi32, #tpu.memory_space<hbm>> -> memref<80xi32, #tpu.memory_space<hbm>>
      tpu.wait_dma2 semaphore(%arg16 : memref<!tpu.dma_semaphore, #tpu.memory_space<semaphore_mem>>) src(%dma_wait3A_550 : memref<80xi32, #tpu.memory_space<hbm>>) dst(%arg6 : memref<80xi32, #tpu.memory_space<vmem>>)
      %dma_start3A_551 = arith.constant 0 : i32
      %dma_start3A_552 = arith.constant 0 : i32
      %dma_start3A_553 = tpu.memref_slice %arg12[%dma_start3A_551, %dma_start3A_552] : memref<10240x128xf32, #tpu.memory_space<vmem_shared>> -> memref<10240x128xf32, #tpu.memory_space<vmem_shared>>
      tpu.enqueue_indirect_dma source(%arg9 : memref<80x128xf32, #tpu.memory_space<vmem>>) target(%dma_start3A_553 : memref<10240x128xf32, #tpu.memory_space<vmem_shared>>) offsets(%arg6 : memref<80xi32, #tpu.memory_space<vmem>>) semaphore(%arg19 : memref<!tpu.dma_semaphore, #tpu.memory_space<semaphore_mem>>) {add = true}
      %add3A_554 = arith.constant 3 : i32
      %add3A_555 = arith.addi %mul3A_539, %add3A_554 : i32
      %dma_wait3A_556 = arith.constant 0 : i32
      %dma_wait3A_557 = arith.constant 0 : i32
      %dma_wait3A_558 = tpu.memref_slice %arg12[%dma_wait3A_556, %dma_wait3A_557] : memref<10240x128xf32, #tpu.memory_space<vmem_shared>> -> memref<10240x128xf32, #tpu.memory_space<vmem_shared>>
      tpu.wait_indirect_dma semaphore(%arg19 : memref<!tpu.dma_semaphore, #tpu.memory_space<semaphore_mem>>) src(%arg9 : memref<80x128xf32, #tpu.memory_space<vmem>>) dst(%dma_wait3A_558 : memref<10240x128xf32, #tpu.memory_space<vmem_shared>>)
      %mul3A_559 = arith.constant 80 : i32
      %mul3A_560 = arith.muli %add3A_555, %mul3A_559 : i32
      %add3A_561 = arith.addi %mul3A_0, %mul3A_560 : i32
      %dma_start3A_562 = tpu.memref_slice %arg3[%add3A_561] : memref<320000xi32, #tpu.memory_space<hbm>> -> memref<80xi32, #tpu.memory_space<hbm>>
      %dma_start3A_563 = tpu.memref_slice %arg3[%add3A_561] : memref<320000xi32, #tpu.memory_space<hbm>> -> memref<80xi32, #tpu.memory_space<hbm>>
      tpu.enqueue_dma source(%dma_start3A_563 : memref<80xi32, #tpu.memory_space<hbm>>) target(%arg6 : memref<80xi32, #tpu.memory_space<vmem>>) target_semaphore(%arg16 : memref<!tpu.dma_semaphore, #tpu.memory_space<semaphore_mem>>)
      %mul3A_564 = arith.constant 80 : i32
      %mul3A_565 = arith.muli %add3A_555, %mul3A_564 : i32
      %dma_start3A_566 = tpu.memref_slice %arg5[%mul3A_565] : memref<10000xi32, #tpu.memory_space<vmem>> -> memref<80xi32, #tpu.memory_space<vmem>>
      %dma_start3A_567 = arith.constant 0 : i32
      %dma_start3A_568 = arith.constant 0 : i32
      %dma_start3A_569 = tpu.memref_slice %arg2[%dma_start3A_567, %dma_start3A_568] : memref<40000x128xf32, #tpu.memory_space<hbm>> -> memref<40000x128xf32, #tpu.memory_space<hbm>>
      tpu.enqueue_indirect_dma source(%dma_start3A_569 : memref<40000x128xf32, #tpu.memory_space<hbm>>) target(%arg9 : memref<80x128xf32, #tpu.memory_space<vmem>>) offsets(%dma_start3A_566 : memref<80xi32, #tpu.memory_space<vmem>>) semaphore(%arg13 : memref<!tpu.dma_semaphore, #tpu.memory_space<semaphore_mem>>)
      %add3A_570 = arith.constant 1 : i32
      %add3A_571 = arith.addi %mul3A_539, %add3A_570 : i32
      %mul3A_572 = arith.constant 80 : i32
      %mul3A_573 = arith.muli %add3A_571, %mul3A_572 : i32
      %dma_wait3A_574 = tpu.memref_slice %arg5[%mul3A_573] : memref<10000xi32, #tpu.memory_space<vmem>> -> memref<80xi32, #tpu.memory_space<vmem>>
      %dma_wait3A_575 = arith.constant 0 : i32
      %dma_wait3A_576 = arith.constant 0 : i32
      %dma_wait3A_577 = tpu.memref_slice %arg2[%dma_wait3A_575, %dma_wait3A_576] : memref<40000x128xf32, #tpu.memory_space<hbm>> -> memref<40000x128xf32, #tpu.memory_space<hbm>>
      tpu.wait_indirect_dma semaphore(%arg14 : memref<!tpu.dma_semaphore, #tpu.memory_space<semaphore_mem>>) src(%dma_wait3A_577 : memref<40000x128xf32, #tpu.memory_space<hbm>>) dst(%arg10 : memref<80x128xf32, #tpu.memory_space<vmem>>)
      %mul3A_578 = arith.constant 80 : i32
      %mul3A_579 = arith.muli %add3A_571, %mul3A_578 : i32
      %add3A_580 = arith.addi %mul3A_0, %mul3A_579 : i32
      %dma_wait3A_581 = tpu.memref_slice %arg3[%add3A_580] : memref<320000xi32, #tpu.memory_space<hbm>> -> memref<80xi32, #tpu.memory_space<hbm>>
      %dma_wait3A_582 = tpu.memref_slice %arg3[%add3A_580] : memref<320000xi32, #tpu.memory_space<hbm>> -> memref<80xi32, #tpu.memory_space<hbm>>
      tpu.wait_dma2 semaphore(%arg17 : memref<!tpu.dma_semaphore, #tpu.memory_space<semaphore_mem>>) src(%dma_wait3A_582 : memref<80xi32, #tpu.memory_space<hbm>>) dst(%arg7 : memref<80xi32, #tpu.memory_space<vmem>>)
      %dma_start3A_583 = arith.constant 0 : i32
      %dma_start3A_584 = arith.constant 0 : i32
      %dma_start3A_585 = tpu.memref_slice %arg12[%dma_start3A_583, %dma_start3A_584] : memref<10240x128xf32, #tpu.memory_space<vmem_shared>> -> memref<10240x128xf32, #tpu.memory_space<vmem_shared>>
      tpu.enqueue_indirect_dma source(%arg10 : memref<80x128xf32, #tpu.memory_space<vmem>>) target(%dma_start3A_585 : memref<10240x128xf32, #tpu.memory_space<vmem_shared>>) offsets(%arg7 : memref<80xi32, #tpu.memory_space<vmem>>) semaphore(%arg20 : memref<!tpu.dma_semaphore, #tpu.memory_space<semaphore_mem>>) {add = true}
      %add3A_586 = arith.constant 4 : i32
      %add3A_587 = arith.addi %mul3A_539, %add3A_586 : i32
      %dma_wait3A_588 = arith.constant 0 : i32
      %dma_wait3A_589 = arith.constant 0 : i32
      %dma_wait3A_590 = tpu.memref_slice %arg12[%dma_wait3A_588, %dma_wait3A_589] : memref<10240x128xf32, #tpu.memory_space<vmem_shared>> -> memref<10240x128xf32, #tpu.memory_space<vmem_shared>>
      tpu.wait_indirect_dma semaphore(%arg20 : memref<!tpu.dma_semaphore, #tpu.memory_space<semaphore_mem>>) src(%arg10 : memref<80x128xf32, #tpu.memory_space<vmem>>) dst(%dma_wait3A_590 : memref<10240x128xf32, #tpu.memory_space<vmem_shared>>)
      %mul3A_591 = arith.constant 80 : i32
      %mul3A_592 = arith.muli %add3A_587, %mul3A_591 : i32
      %add3A_593 = arith.addi %mul3A_0, %mul3A_592 : i32
      %dma_start3A_594 = tpu.memref_slice %arg3[%add3A_593] : memref<320000xi32, #tpu.memory_space<hbm>> -> memref<80xi32, #tpu.memory_space<hbm>>
      %dma_start3A_595 = tpu.memref_slice %arg3[%add3A_593] : memref<320000xi32, #tpu.memory_space<hbm>> -> memref<80xi32, #tpu.memory_space<hbm>>
      tpu.enqueue_dma source(%dma_start3A_595 : memref<80xi32, #tpu.memory_space<hbm>>) target(%arg7 : memref<80xi32, #tpu.memory_space<vmem>>) target_semaphore(%arg17 : memref<!tpu.dma_semaphore, #tpu.memory_space<semaphore_mem>>)
      %mul3A_596 = arith.constant 80 : i32
      %mul3A_597 = arith.muli %add3A_587, %mul3A_596 : i32
      %dma_start3A_598 = tpu.memref_slice %arg5[%mul3A_597] : memref<10000xi32, #tpu.memory_space<vmem>> -> memref<80xi32, #tpu.memory_space<vmem>>
      %dma_start3A_599 = arith.constant 0 : i32
      %dma_start3A_600 = arith.constant 0 : i32
      %dma_start3A_601 = tpu.memref_slice %arg2[%dma_start3A_599, %dma_start3A_600] : memref<40000x128xf32, #tpu.memory_space<hbm>> -> memref<40000x128xf32, #tpu.memory_space<hbm>>
      tpu.enqueue_indirect_dma source(%dma_start3A_601 : memref<40000x128xf32, #tpu.memory_space<hbm>>) target(%arg10 : memref<80x128xf32, #tpu.memory_space<vmem>>) offsets(%dma_start3A_598 : memref<80xi32, #tpu.memory_space<vmem>>) semaphore(%arg14 : memref<!tpu.dma_semaphore, #tpu.memory_space<semaphore_mem>>)
      %add3A_602 = arith.constant 2 : i32
      %add3A_603 = arith.addi %mul3A_539, %add3A_602 : i32
      %mul3A_604 = arith.constant 80 : i32
      %mul3A_605 = arith.muli %add3A_603, %mul3A_604 : i32
      %dma_wait3A_606 = tpu.memref_slice %arg5[%mul3A_605] : memref<10000xi32, #tpu.memory_space<vmem>> -> memref<80xi32, #tpu.memory_space<vmem>>
      %dma_wait3A_607 = arith.constant 0 : i32
      %dma_wait3A_608 = arith.constant 0 : i32
      %dma_wait3A_609 = tpu.memref_slice %arg2[%dma_wait3A_607, %dma_wait3A_608] : memref<40000x128xf32, #tpu.memory_space<hbm>> -> memref<40000x128xf32, #tpu.memory_space<hbm>>
      tpu.wait_indirect_dma semaphore(%arg15 : memref<!tpu.dma_semaphore, #tpu.memory_space<semaphore_mem>>) src(%dma_wait3A_609 : memref<40000x128xf32, #tpu.memory_space<hbm>>) dst(%arg11 : memref<80x128xf32, #tpu.memory_space<vmem>>)
      %mul3A_610 = arith.constant 80 : i32
      %mul3A_611 = arith.muli %add3A_603, %mul3A_610 : i32
      %add3A_612 = arith.addi %mul3A_0, %mul3A_611 : i32
      %dma_wait3A_613 = tpu.memref_slice %arg3[%add3A_612] : memref<320000xi32, #tpu.memory_space<hbm>> -> memref<80xi32, #tpu.memory_space<hbm>>
      %dma_wait3A_614 = tpu.memref_slice %arg3[%add3A_612] : memref<320000xi32, #tpu.memory_space<hbm>> -> memref<80xi32, #tpu.memory_space<hbm>>
      tpu.wait_dma2 semaphore(%arg18 : memref<!tpu.dma_semaphore, #tpu.memory_space<semaphore_mem>>) src(%dma_wait3A_614 : memref<80xi32, #tpu.memory_space<hbm>>) dst(%arg8 : memref<80xi32, #tpu.memory_space<vmem>>)
      %dma_start3A_615 = arith.constant 0 : i32
      %dma_start3A_616 = arith.constant 0 : i32
      %dma_start3A_617 = tpu.memref_slice %arg12[%dma_start3A_615, %dma_start3A_616] : memref<10240x128xf32, #tpu.memory_space<vmem_shared>> -> memref<10240x128xf32, #tpu.memory_space<vmem_shared>>
      tpu.enqueue_indirect_dma source(%arg11 : memref<80x128xf32, #tpu.memory_space<vmem>>) target(%dma_start3A_617 : memref<10240x128xf32, #tpu.memory_space<vmem_shared>>) offsets(%arg8 : memref<80xi32, #tpu.memory_space<vmem>>) semaphore(%arg21 : memref<!tpu.dma_semaphore, #tpu.memory_space<semaphore_mem>>) {add = true}
      %add3A_618 = arith.constant 5 : i32
      %add3A_619 = arith.addi %mul3A_539, %add3A_618 : i32
      %dma_wait3A_620 = arith.constant 0 : i32
      %dma_wait3A_621 = arith.constant 0 : i32
      %dma_wait3A_622 = tpu.memref_slice %arg12[%dma_wait3A_620, %dma_wait3A_621] : memref<10240x128xf32, #tpu.memory_space<vmem_shared>> -> memref<10240x128xf32, #tpu.memory_space<vmem_shared>>
      tpu.wait_indirect_dma semaphore(%arg21 : memref<!tpu.dma_semaphore, #tpu.memory_space<semaphore_mem>>) src(%arg11 : memref<80x128xf32, #tpu.memory_space<vmem>>) dst(%dma_wait3A_622 : memref<10240x128xf32, #tpu.memory_space<vmem_shared>>)
      %mul3A_623 = arith.constant 80 : i32
      %mul3A_624 = arith.muli %add3A_619, %mul3A_623 : i32
      %add3A_625 = arith.addi %mul3A_0, %mul3A_624 : i32
      %dma_start3A_626 = tpu.memref_slice %arg3[%add3A_625] : memref<320000xi32, #tpu.memory_space<hbm>> -> memref<80xi32, #tpu.memory_space<hbm>>
      %dma_start3A_627 = tpu.memref_slice %arg3[%add3A_625] : memref<320000xi32, #tpu.memory_space<hbm>> -> memref<80xi32, #tpu.memory_space<hbm>>
      tpu.enqueue_dma source(%dma_start3A_627 : memref<80xi32, #tpu.memory_space<hbm>>) target(%arg8 : memref<80xi32, #tpu.memory_space<vmem>>) target_semaphore(%arg18 : memref<!tpu.dma_semaphore, #tpu.memory_space<semaphore_mem>>)
      %mul3A_628 = arith.constant 80 : i32
      %mul3A_629 = arith.muli %add3A_619, %mul3A_628 : i32
      %dma_start3A_630 = tpu.memref_slice %arg5[%mul3A_629] : memref<10000xi32, #tpu.memory_space<vmem>> -> memref<80xi32, #tpu.memory_space<vmem>>
      %dma_start3A_631 = arith.constant 0 : i32
      %dma_start3A_632 = arith.constant 0 : i32
      %dma_start3A_633 = tpu.memref_slice %arg2[%dma_start3A_631, %dma_start3A_632] : memref<40000x128xf32, #tpu.memory_space<hbm>> -> memref<40000x128xf32, #tpu.memory_space<hbm>>
      tpu.enqueue_indirect_dma source(%dma_start3A_633 : memref<40000x128xf32, #tpu.memory_space<hbm>>) target(%arg11 : memref<80x128xf32, #tpu.memory_space<vmem>>) offsets(%dma_start3A_630 : memref<80xi32, #tpu.memory_space<vmem>>) semaphore(%arg15 : memref<!tpu.dma_semaphore, #tpu.memory_space<semaphore_mem>>)
    }
    %scan3A_327 = arith.constant 40 : i32
    %dma_wait3A_328 = arith.constant 9600 : i32
    %dma_wait3A_329 = tpu.memref_slice %arg5[%dma_wait3A_328] : memref<10000xi32, #tpu.memory_space<vmem>> -> memref<80xi32, #tpu.memory_space<vmem>>
    %dma_wait3A_330 = arith.constant 0 : i32
    %dma_wait3A_331 = arith.constant 0 : i32
    %dma_wait3A_332 = tpu.memref_slice %arg2[%dma_wait3A_330, %dma_wait3A_331] : memref<40000x128xf32, #tpu.memory_space<hbm>> -> memref<40000x128xf32, #tpu.memory_space<hbm>>
    tpu.wait_indirect_dma semaphore(%arg13 : memref<!tpu.dma_semaphore, #tpu.memory_space<semaphore_mem>>) src(%dma_wait3A_332 : memref<40000x128xf32, #tpu.memory_space<hbm>>) dst(%arg9 : memref<80x128xf32, #tpu.memory_space<vmem>>)
    %add3A_333 = arith.constant 9600 : i32
    %add3A_334 = arith.addi %mul3A_0, %add3A_333 : i32
    %dma_wait3A_335 = tpu.memref_slice %arg3[%add3A_334] : memref<320000xi32, #tpu.memory_space<hbm>> -> memref<80xi32, #tpu.memory_space<hbm>>
    %dma_wait3A_336 = tpu.memref_slice %arg3[%add3A_334] : memref<320000xi32, #tpu.memory_space<hbm>> -> memref<80xi32, #tpu.memory_space<hbm>>
    tpu.wait_dma2 semaphore(%arg16 : memref<!tpu.dma_semaphore, #tpu.memory_space<semaphore_mem>>) src(%dma_wait3A_336 : memref<80xi32, #tpu.memory_space<hbm>>) dst(%arg6 : memref<80xi32, #tpu.memory_space<vmem>>)
    %dma_start3A_337 = arith.constant 0 : i32
    %dma_start3A_338 = arith.constant 0 : i32
    %dma_start3A_339 = tpu.memref_slice %arg12[%dma_start3A_337, %dma_start3A_338] : memref<10240x128xf32, #tpu.memory_space<vmem_shared>> -> memref<10240x128xf32, #tpu.memory_space<vmem_shared>>
    tpu.enqueue_indirect_dma source(%arg9 : memref<80x128xf32, #tpu.memory_space<vmem>>) target(%dma_start3A_339 : memref<10240x128xf32, #tpu.memory_space<vmem_shared>>) offsets(%arg6 : memref<80xi32, #tpu.memory_space<vmem>>) semaphore(%arg19 : memref<!tpu.dma_semaphore, #tpu.memory_space<semaphore_mem>>) {add = true}
    %dma_wait3A_340 = arith.constant 0 : i32
    %dma_wait3A_341 = arith.constant 0 : i32
    %dma_wait3A_342 = tpu.memref_slice %arg12[%dma_wait3A_340, %dma_wait3A_341] : memref<10240x128xf32, #tpu.memory_space<vmem_shared>> -> memref<10240x128xf32, #tpu.memory_space<vmem_shared>>
    tpu.wait_indirect_dma semaphore(%arg19 : memref<!tpu.dma_semaphore, #tpu.memory_space<semaphore_mem>>) src(%arg9 : memref<80x128xf32, #tpu.memory_space<vmem>>) dst(%dma_wait3A_342 : memref<10240x128xf32, #tpu.memory_space<vmem_shared>>)
    %add3A_343 = arith.constant 9840 : i32
    %add3A_344 = arith.addi %mul3A_0, %add3A_343 : i32
    %dma_start3A_345 = tpu.memref_slice %arg3[%add3A_344] : memref<320000xi32, #tpu.memory_space<hbm>> -> memref<80xi32, #tpu.memory_space<hbm>>
    %dma_start3A_346 = tpu.memref_slice %arg3[%add3A_344] : memref<320000xi32, #tpu.memory_space<hbm>> -> memref<80xi32, #tpu.memory_space<hbm>>
    tpu.enqueue_dma source(%dma_start3A_346 : memref<80xi32, #tpu.memory_space<hbm>>) target(%arg6 : memref<80xi32, #tpu.memory_space<vmem>>) target_semaphore(%arg16 : memref<!tpu.dma_semaphore, #tpu.memory_space<semaphore_mem>>)
    %dma_start3A_347 = arith.constant 9840 : i32
    %dma_start3A_348 = tpu.memref_slice %arg5[%dma_start3A_347] : memref<10000xi32, #tpu.memory_space<vmem>> -> memref<80xi32, #tpu.memory_space<vmem>>
    %dma_start3A_349 = arith.constant 0 : i32
    %dma_start3A_350 = arith.constant 0 : i32
    %dma_start3A_351 = tpu.memref_slice %arg2[%dma_start3A_349, %dma_start3A_350] : memref<40000x128xf32, #tpu.memory_space<hbm>> -> memref<40000x128xf32, #tpu.memory_space<hbm>>
    tpu.enqueue_indirect_dma source(%dma_start3A_351 : memref<40000x128xf32, #tpu.memory_space<hbm>>) target(%arg9 : memref<80x128xf32, #tpu.memory_space<vmem>>) offsets(%dma_start3A_348 : memref<80xi32, #tpu.memory_space<vmem>>) semaphore(%arg13 : memref<!tpu.dma_semaphore, #tpu.memory_space<semaphore_mem>>)
    %dma_wait3A_352 = arith.constant 9680 : i32
    %dma_wait3A_353 = tpu.memref_slice %arg5[%dma_wait3A_352] : memref<10000xi32, #tpu.memory_space<vmem>> -> memref<80xi32, #tpu.memory_space<vmem>>
    %dma_wait3A_354 = arith.constant 0 : i32
    %dma_wait3A_355 = arith.constant 0 : i32
    %dma_wait3A_356 = tpu.memref_slice %arg2[%dma_wait3A_354, %dma_wait3A_355] : memref<40000x128xf32, #tpu.memory_space<hbm>> -> memref<40000x128xf32, #tpu.memory_space<hbm>>
    tpu.wait_indirect_dma semaphore(%arg14 : memref<!tpu.dma_semaphore, #tpu.memory_space<semaphore_mem>>) src(%dma_wait3A_356 : memref<40000x128xf32, #tpu.memory_space<hbm>>) dst(%arg10 : memref<80x128xf32, #tpu.memory_space<vmem>>)
    %add3A_357 = arith.constant 9680 : i32
    %add3A_358 = arith.addi %mul3A_0, %add3A_357 : i32
    %dma_wait3A_359 = tpu.memref_slice %arg3[%add3A_358] : memref<320000xi32, #tpu.memory_space<hbm>> -> memref<80xi32, #tpu.memory_space<hbm>>
    %dma_wait3A_360 = tpu.memref_slice %arg3[%add3A_358] : memref<320000xi32, #tpu.memory_space<hbm>> -> memref<80xi32, #tpu.memory_space<hbm>>
    tpu.wait_dma2 semaphore(%arg17 : memref<!tpu.dma_semaphore, #tpu.memory_space<semaphore_mem>>) src(%dma_wait3A_360 : memref<80xi32, #tpu.memory_space<hbm>>) dst(%arg7 : memref<80xi32, #tpu.memory_space<vmem>>)
    %dma_start3A_361 = arith.constant 0 : i32
    %dma_start3A_362 = arith.constant 0 : i32
    %dma_start3A_363 = tpu.memref_slice %arg12[%dma_start3A_361, %dma_start3A_362] : memref<10240x128xf32, #tpu.memory_space<vmem_shared>> -> memref<10240x128xf32, #tpu.memory_space<vmem_shared>>
    tpu.enqueue_indirect_dma source(%arg10 : memref<80x128xf32, #tpu.memory_space<vmem>>) target(%dma_start3A_363 : memref<10240x128xf32, #tpu.memory_space<vmem_shared>>) offsets(%arg7 : memref<80xi32, #tpu.memory_space<vmem>>) semaphore(%arg20 : memref<!tpu.dma_semaphore, #tpu.memory_space<semaphore_mem>>) {add = true}
    %dma_wait3A_364 = arith.constant 0 : i32
    %dma_wait3A_365 = arith.constant 0 : i32
    %dma_wait3A_366 = tpu.memref_slice %arg12[%dma_wait3A_364, %dma_wait3A_365] : memref<10240x128xf32, #tpu.memory_space<vmem_shared>> -> memref<10240x128xf32, #tpu.memory_space<vmem_shared>>
    tpu.wait_indirect_dma semaphore(%arg20 : memref<!tpu.dma_semaphore, #tpu.memory_space<semaphore_mem>>) src(%arg10 : memref<80x128xf32, #tpu.memory_space<vmem>>) dst(%dma_wait3A_366 : memref<10240x128xf32, #tpu.memory_space<vmem_shared>>)
    %add3A_367 = arith.constant 9920 : i32
    %add3A_368 = arith.addi %mul3A_0, %add3A_367 : i32
    %dma_start3A_369 = tpu.memref_slice %arg3[%add3A_368] : memref<320000xi32, #tpu.memory_space<hbm>> -> memref<80xi32, #tpu.memory_space<hbm>>
    %dma_start3A_370 = tpu.memref_slice %arg3[%add3A_368] : memref<320000xi32, #tpu.memory_space<hbm>> -> memref<80xi32, #tpu.memory_space<hbm>>
    tpu.enqueue_dma source(%dma_start3A_370 : memref<80xi32, #tpu.memory_space<hbm>>) target(%arg7 : memref<80xi32, #tpu.memory_space<vmem>>) target_semaphore(%arg17 : memref<!tpu.dma_semaphore, #tpu.memory_space<semaphore_mem>>)
    %dma_start3A_371 = arith.constant 9920 : i32
    %dma_start3A_372 = tpu.memref_slice %arg5[%dma_start3A_371] : memref<10000xi32, #tpu.memory_space<vmem>> -> memref<80xi32, #tpu.memory_space<vmem>>
    %dma_start3A_373 = arith.constant 0 : i32
    %dma_start3A_374 = arith.constant 0 : i32
    %dma_start3A_375 = tpu.memref_slice %arg2[%dma_start3A_373, %dma_start3A_374] : memref<40000x128xf32, #tpu.memory_space<hbm>> -> memref<40000x128xf32, #tpu.memory_space<hbm>>
    tpu.enqueue_indirect_dma source(%dma_start3A_375 : memref<40000x128xf32, #tpu.memory_space<hbm>>) target(%arg10 : memref<80x128xf32, #tpu.memory_space<vmem>>) offsets(%dma_start3A_372 : memref<80xi32, #tpu.memory_space<vmem>>) semaphore(%arg14 : memref<!tpu.dma_semaphore, #tpu.memory_space<semaphore_mem>>)
    %dma_wait3A_376 = arith.constant 9760 : i32
    %dma_wait3A_377 = tpu.memref_slice %arg5[%dma_wait3A_376] : memref<10000xi32, #tpu.memory_space<vmem>> -> memref<80xi32, #tpu.memory_space<vmem>>
    %dma_wait3A_378 = arith.constant 0 : i32
    %dma_wait3A_379 = arith.constant 0 : i32
    %dma_wait3A_380 = tpu.memref_slice %arg2[%dma_wait3A_378, %dma_wait3A_379] : memref<40000x128xf32, #tpu.memory_space<hbm>> -> memref<40000x128xf32, #tpu.memory_space<hbm>>
    tpu.wait_indirect_dma semaphore(%arg15 : memref<!tpu.dma_semaphore, #tpu.memory_space<semaphore_mem>>) src(%dma_wait3A_380 : memref<40000x128xf32, #tpu.memory_space<hbm>>) dst(%arg11 : memref<80x128xf32, #tpu.memory_space<vmem>>)
    %add3A_381 = arith.constant 9760 : i32
    %add3A_382 = arith.addi %mul3A_0, %add3A_381 : i32
    %dma_wait3A_383 = tpu.memref_slice %arg3[%add3A_382] : memref<320000xi32, #tpu.memory_space<hbm>> -> memref<80xi32, #tpu.memory_space<hbm>>
    %dma_wait3A_384 = tpu.memref_slice %arg3[%add3A_382] : memref<320000xi32, #tpu.memory_space<hbm>> -> memref<80xi32, #tpu.memory_space<hbm>>
    tpu.wait_dma2 semaphore(%arg18 : memref<!tpu.dma_semaphore, #tpu.memory_space<semaphore_mem>>) src(%dma_wait3A_384 : memref<80xi32, #tpu.memory_space<hbm>>) dst(%arg8 : memref<80xi32, #tpu.memory_space<vmem>>)
    %dma_start3A_385 = arith.constant 0 : i32
    %dma_start3A_386 = arith.constant 0 : i32
    %dma_start3A_387 = tpu.memref_slice %arg12[%dma_start3A_385, %dma_start3A_386] : memref<10240x128xf32, #tpu.memory_space<vmem_shared>> -> memref<10240x128xf32, #tpu.memory_space<vmem_shared>>
    tpu.enqueue_indirect_dma source(%arg11 : memref<80x128xf32, #tpu.memory_space<vmem>>) target(%dma_start3A_387 : memref<10240x128xf32, #tpu.memory_space<vmem_shared>>) offsets(%arg8 : memref<80xi32, #tpu.memory_space<vmem>>) semaphore(%arg21 : memref<!tpu.dma_semaphore, #tpu.memory_space<semaphore_mem>>) {add = true}
    %dma_wait3A_388 = arith.constant 9840 : i32
    %dma_wait3A_389 = tpu.memref_slice %arg5[%dma_wait3A_388] : memref<10000xi32, #tpu.memory_space<vmem>> -> memref<80xi32, #tpu.memory_space<vmem>>
    %dma_wait3A_390 = arith.constant 0 : i32
    %dma_wait3A_391 = arith.constant 0 : i32
    %dma_wait3A_392 = tpu.memref_slice %arg2[%dma_wait3A_390, %dma_wait3A_391] : memref<40000x128xf32, #tpu.memory_space<hbm>> -> memref<40000x128xf32, #tpu.memory_space<hbm>>
    tpu.wait_indirect_dma semaphore(%arg13 : memref<!tpu.dma_semaphore, #tpu.memory_space<semaphore_mem>>) src(%dma_wait3A_392 : memref<40000x128xf32, #tpu.memory_space<hbm>>) dst(%arg9 : memref<80x128xf32, #tpu.memory_space<vmem>>)
    %add3A_393 = arith.constant 9840 : i32
    %add3A_394 = arith.addi %mul3A_0, %add3A_393 : i32
    %dma_wait3A_395 = tpu.memref_slice %arg3[%add3A_394] : memref<320000xi32, #tpu.memory_space<hbm>> -> memref<80xi32, #tpu.memory_space<hbm>>
    %dma_wait3A_396 = tpu.memref_slice %arg3[%add3A_394] : memref<320000xi32, #tpu.memory_space<hbm>> -> memref<80xi32, #tpu.memory_space<hbm>>
    tpu.wait_dma2 semaphore(%arg16 : memref<!tpu.dma_semaphore, #tpu.memory_space<semaphore_mem>>) src(%dma_wait3A_396 : memref<80xi32, #tpu.memory_space<hbm>>) dst(%arg6 : memref<80xi32, #tpu.memory_space<vmem>>)
    %dma_start3A_397 = arith.constant 0 : i32
    %dma_start3A_398 = arith.constant 0 : i32
    %dma_start3A_399 = tpu.memref_slice %arg12[%dma_start3A_397, %dma_start3A_398] : memref<10240x128xf32, #tpu.memory_space<vmem_shared>> -> memref<10240x128xf32, #tpu.memory_space<vmem_shared>>
    tpu.enqueue_indirect_dma source(%arg9 : memref<80x128xf32, #tpu.memory_space<vmem>>) target(%dma_start3A_399 : memref<10240x128xf32, #tpu.memory_space<vmem_shared>>) offsets(%arg6 : memref<80xi32, #tpu.memory_space<vmem>>) semaphore(%arg19 : memref<!tpu.dma_semaphore, #tpu.memory_space<semaphore_mem>>) {add = true}
    %dma_wait3A_400 = arith.constant 9920 : i32
    %dma_wait3A_401 = tpu.memref_slice %arg5[%dma_wait3A_400] : memref<10000xi32, #tpu.memory_space<vmem>> -> memref<80xi32, #tpu.memory_space<vmem>>
    %dma_wait3A_402 = arith.constant 0 : i32
    %dma_wait3A_403 = arith.constant 0 : i32
    %dma_wait3A_404 = tpu.memref_slice %arg2[%dma_wait3A_402, %dma_wait3A_403] : memref<40000x128xf32, #tpu.memory_space<hbm>> -> memref<40000x128xf32, #tpu.memory_space<hbm>>
    tpu.wait_indirect_dma semaphore(%arg14 : memref<!tpu.dma_semaphore, #tpu.memory_space<semaphore_mem>>) src(%dma_wait3A_404 : memref<40000x128xf32, #tpu.memory_space<hbm>>) dst(%arg10 : memref<80x128xf32, #tpu.memory_space<vmem>>)
    %add3A_405 = arith.constant 9920 : i32
    %add3A_406 = arith.addi %mul3A_0, %add3A_405 : i32
    %dma_wait3A_407 = tpu.memref_slice %arg3[%add3A_406] : memref<320000xi32, #tpu.memory_space<hbm>> -> memref<80xi32, #tpu.memory_space<hbm>>
    %dma_wait3A_408 = tpu.memref_slice %arg3[%add3A_406] : memref<320000xi32, #tpu.memory_space<hbm>> -> memref<80xi32, #tpu.memory_space<hbm>>
    tpu.wait_dma2 semaphore(%arg17 : memref<!tpu.dma_semaphore, #tpu.memory_space<semaphore_mem>>) src(%dma_wait3A_408 : memref<80xi32, #tpu.memory_space<hbm>>) dst(%arg7 : memref<80xi32, #tpu.memory_space<vmem>>)
    %dma_start3A_409 = arith.constant 0 : i32
    %dma_start3A_410 = arith.constant 0 : i32
    %dma_start3A_411 = tpu.memref_slice %arg12[%dma_start3A_409, %dma_start3A_410] : memref<10240x128xf32, #tpu.memory_space<vmem_shared>> -> memref<10240x128xf32, #tpu.memory_space<vmem_shared>>
    tpu.enqueue_indirect_dma source(%arg10 : memref<80x128xf32, #tpu.memory_space<vmem>>) target(%dma_start3A_411 : memref<10240x128xf32, #tpu.memory_space<vmem_shared>>) offsets(%arg7 : memref<80xi32, #tpu.memory_space<vmem>>) semaphore(%arg20 : memref<!tpu.dma_semaphore, #tpu.memory_space<semaphore_mem>>) {add = true}
    %dma_wait3A_412 = arith.constant 0 : i32
    %dma_wait3A_413 = arith.constant 0 : i32
    %dma_wait3A_414 = tpu.memref_slice %arg12[%dma_wait3A_412, %dma_wait3A_413] : memref<10240x128xf32, #tpu.memory_space<vmem_shared>> -> memref<10240x128xf32, #tpu.memory_space<vmem_shared>>
    tpu.wait_indirect_dma semaphore(%arg19 : memref<!tpu.dma_semaphore, #tpu.memory_space<semaphore_mem>>) src(%arg9 : memref<80x128xf32, #tpu.memory_space<vmem>>) dst(%dma_wait3A_414 : memref<10240x128xf32, #tpu.memory_space<vmem_shared>>)
    %dma_wait3A_415 = arith.constant 0 : i32
    %dma_wait3A_416 = arith.constant 0 : i32
    %dma_wait3A_417 = tpu.memref_slice %arg12[%dma_wait3A_415, %dma_wait3A_416] : memref<10240x128xf32, #tpu.memory_space<vmem_shared>> -> memref<10240x128xf32, #tpu.memory_space<vmem_shared>>
    tpu.wait_indirect_dma semaphore(%arg20 : memref<!tpu.dma_semaphore, #tpu.memory_space<semaphore_mem>>) src(%arg10 : memref<80x128xf32, #tpu.memory_space<vmem>>) dst(%dma_wait3A_417 : memref<10240x128xf32, #tpu.memory_space<vmem_shared>>)
    %dma_wait3A_418 = arith.constant 0 : i32
    %dma_wait3A_419 = arith.constant 0 : i32
    %dma_wait3A_420 = tpu.memref_slice %arg12[%dma_wait3A_418, %dma_wait3A_419] : memref<10240x128xf32, #tpu.memory_space<vmem_shared>> -> memref<10240x128xf32, #tpu.memory_space<vmem_shared>>
    tpu.wait_indirect_dma semaphore(%arg21 : memref<!tpu.dma_semaphore, #tpu.memory_space<semaphore_mem>>) src(%arg11 : memref<80x128xf32, #tpu.memory_space<vmem>>) dst(%dma_wait3A_420 : memref<10240x128xf32, #tpu.memory_space<vmem_shared>>)
    %barrier3A_421 = arith.constant 0 : index
    tpu.barrier barrier_id(%barrier3A_421)
    %mul3A_422 = arith.constant 10240 : i32
    %mul3A_423 = arith.muli %add3A_271, %mul3A_422 : i32
    %add3A_424 = arith.addi %mul3A_423, %mul3A_2 : i32
    %add3A_425 = arith.constant 0 : i32
    %add3A_426 = arith.addi %mul3A_2, %add3A_425 : i32
    "tpu.region"() ({
      %run_scoped3A = tpu.sem_alloc : memref<!tpu.dma_semaphore, #tpu.memory_space<semaphore_mem>>
      %dma_start3A_537 = arith.constant 0 : i32
      %dma_start3A_538 = tpu.memref_slice %arg12[%add3A_426, %dma_start3A_537] : memref<10240x128xf32, #tpu.memory_space<vmem_shared>> -> memref<80x128xf32, #tpu.memory_space<vmem_shared>>
      %dma_start3A_539 = arith.constant 0 : i32
      %dma_start3A_540 = tpu.memref_slice %arg12[%add3A_426, %dma_start3A_539] : memref<10240x128xf32, #tpu.memory_space<vmem_shared>> -> memref<80x128xf32, #tpu.memory_space<vmem_shared>>
      tpu.enqueue_dma source(%dma_start3A_540 : memref<80x128xf32, #tpu.memory_space<vmem_shared>>) target(%arg9 : memref<80x128xf32, #tpu.memory_space<vmem>>) target_semaphore(%run_scoped3A : memref<!tpu.dma_semaphore, #tpu.memory_space<semaphore_mem>>)
      %dma_wait3A_541 = arith.constant 0 : i32
      %dma_wait3A_542 = tpu.memref_slice %arg12[%add3A_426, %dma_wait3A_541] : memref<10240x128xf32, #tpu.memory_space<vmem_shared>> -> memref<80x128xf32, #tpu.memory_space<vmem_shared>>
      %dma_wait3A_543 = arith.constant 0 : i32
      %dma_wait3A_544 = tpu.memref_slice %arg12[%add3A_426, %dma_wait3A_543] : memref<10240x128xf32, #tpu.memory_space<vmem_shared>> -> memref<80x128xf32, #tpu.memory_space<vmem_shared>>
      tpu.wait_dma2 semaphore(%run_scoped3A : memref<!tpu.dma_semaphore, #tpu.memory_space<semaphore_mem>>) src(%dma_wait3A_544 : memref<80x128xf32, #tpu.memory_space<vmem_shared>>) dst(%arg9 : memref<80x128xf32, #tpu.memory_space<vmem>>)
      tpu.yield
    }) : () -> ()
    %add3A_427 = arith.constant 0 : i32
    %add3A_428 = arith.addi %add3A_424, %add3A_427 : i32
    %dma_start3A_429 = arith.constant 0 : i32
    %dma_start3A_430 = tpu.memref_slice %arg4[%add3A_428, %dma_start3A_429] : memref<40960x128xf32, #tpu.memory_space<hbm>> -> memref<80x128xf32, #tpu.memory_space<hbm>>
    %dma_start3A_431 = arith.constant 0 : i32
    %dma_start3A_432 = tpu.memref_slice %arg4[%add3A_428, %dma_start3A_431] : memref<40960x128xf32, #tpu.memory_space<hbm>> -> memref<80x128xf32, #tpu.memory_space<hbm>>
    tpu.enqueue_dma source(%arg9 : memref<80x128xf32, #tpu.memory_space<vmem>>) target(%dma_start3A_432 : memref<80x128xf32, #tpu.memory_space<hbm>>) target_semaphore(%arg22 : memref<!tpu.dma_semaphore, #tpu.memory_space<semaphore_mem>>)
    %add3A_433 = arith.constant 80 : i32
    %add3A_434 = arith.addi %mul3A_2, %add3A_433 : i32
    "tpu.region"() ({
      %run_scoped3A = tpu.sem_alloc : memref<!tpu.dma_semaphore, #tpu.memory_space<semaphore_mem>>
      %dma_start3A_537 = arith.constant 0 : i32
      %dma_start3A_538 = tpu.memref_slice %arg12[%add3A_434, %dma_start3A_537] : memref<10240x128xf32, #tpu.memory_space<vmem_shared>> -> memref<80x128xf32, #tpu.memory_space<vmem_shared>>
      %dma_start3A_539 = arith.constant 0 : i32
      %dma_start3A_540 = tpu.memref_slice %arg12[%add3A_434, %dma_start3A_539] : memref<10240x128xf32, #tpu.memory_space<vmem_shared>> -> memref<80x128xf32, #tpu.memory_space<vmem_shared>>
      tpu.enqueue_dma source(%dma_start3A_540 : memref<80x128xf32, #tpu.memory_space<vmem_shared>>) target(%arg10 : memref<80x128xf32, #tpu.memory_space<vmem>>) target_semaphore(%run_scoped3A : memref<!tpu.dma_semaphore, #tpu.memory_space<semaphore_mem>>)
      %dma_wait3A_541 = arith.constant 0 : i32
      %dma_wait3A_542 = tpu.memref_slice %arg12[%add3A_434, %dma_wait3A_541] : memref<10240x128xf32, #tpu.memory_space<vmem_shared>> -> memref<80x128xf32, #tpu.memory_space<vmem_shared>>
      %dma_wait3A_543 = arith.constant 0 : i32
      %dma_wait3A_544 = tpu.memref_slice %arg12[%add3A_434, %dma_wait3A_543] : memref<10240x128xf32, #tpu.memory_space<vmem_shared>> -> memref<80x128xf32, #tpu.memory_space<vmem_shared>>
      tpu.wait_dma2 semaphore(%run_scoped3A : memref<!tpu.dma_semaphore, #tpu.memory_space<semaphore_mem>>) src(%dma_wait3A_544 : memref<80x128xf32, #tpu.memory_space<vmem_shared>>) dst(%arg10 : memref<80x128xf32, #tpu.memory_space<vmem>>)
      tpu.yield
    }) : () -> ()
    %add3A_435 = arith.constant 80 : i32
    %add3A_436 = arith.addi %add3A_424, %add3A_435 : i32
    %dma_start3A_437 = arith.constant 0 : i32
    %dma_start3A_438 = tpu.memref_slice %arg4[%add3A_436, %dma_start3A_437] : memref<40960x128xf32, #tpu.memory_space<hbm>> -> memref<80x128xf32, #tpu.memory_space<hbm>>
    %dma_start3A_439 = arith.constant 0 : i32
    %dma_start3A_440 = tpu.memref_slice %arg4[%add3A_436, %dma_start3A_439] : memref<40960x128xf32, #tpu.memory_space<hbm>> -> memref<80x128xf32, #tpu.memory_space<hbm>>
    tpu.enqueue_dma source(%arg10 : memref<80x128xf32, #tpu.memory_space<vmem>>) target(%dma_start3A_440 : memref<80x128xf32, #tpu.memory_space<hbm>>) target_semaphore(%arg23 : memref<!tpu.dma_semaphore, #tpu.memory_space<semaphore_mem>>)
    %add3A_441 = arith.constant 0 : i32
    %add3A_442 = arith.addi %add3A_424, %add3A_441 : i32
    %dma_wait3A_443 = arith.constant 0 : i32
    %dma_wait3A_444 = tpu.memref_slice %arg4[%add3A_442, %dma_wait3A_443] : memref<40960x128xf32, #tpu.memory_space<hbm>> -> memref<80x128xf32, #tpu.memory_space<hbm>>
    %dma_wait3A_445 = arith.constant 0 : i32
    %dma_wait3A_446 = tpu.memref_slice %arg4[%add3A_442, %dma_wait3A_445] : memref<40960x128xf32, #tpu.memory_space<hbm>> -> memref<80x128xf32, #tpu.memory_space<hbm>>
    tpu.wait_dma2 semaphore(%arg22 : memref<!tpu.dma_semaphore, #tpu.memory_space<semaphore_mem>>) src(%arg9 : memref<80x128xf32, #tpu.memory_space<vmem>>) dst(%dma_wait3A_446 : memref<80x128xf32, #tpu.memory_space<hbm>>)
    %add3A_447 = arith.constant 160 : i32
    %add3A_448 = arith.addi %mul3A_2, %add3A_447 : i32
    "tpu.region"() ({
      %run_scoped3A = tpu.sem_alloc : memref<!tpu.dma_semaphore, #tpu.memory_space<semaphore_mem>>
      %dma_start3A_537 = arith.constant 0 : i32
      %dma_start3A_538 = tpu.memref_slice %arg12[%add3A_448, %dma_start3A_537] : memref<10240x128xf32, #tpu.memory_space<vmem_shared>> -> memref<80x128xf32, #tpu.memory_space<vmem_shared>>
      %dma_start3A_539 = arith.constant 0 : i32
      %dma_start3A_540 = tpu.memref_slice %arg12[%add3A_448, %dma_start3A_539] : memref<10240x128xf32, #tpu.memory_space<vmem_shared>> -> memref<80x128xf32, #tpu.memory_space<vmem_shared>>
      tpu.enqueue_dma source(%dma_start3A_540 : memref<80x128xf32, #tpu.memory_space<vmem_shared>>) target(%arg9 : memref<80x128xf32, #tpu.memory_space<vmem>>) target_semaphore(%run_scoped3A : memref<!tpu.dma_semaphore, #tpu.memory_space<semaphore_mem>>)
      %dma_wait3A_541 = arith.constant 0 : i32
      %dma_wait3A_542 = tpu.memref_slice %arg12[%add3A_448, %dma_wait3A_541] : memref<10240x128xf32, #tpu.memory_space<vmem_shared>> -> memref<80x128xf32, #tpu.memory_space<vmem_shared>>
      %dma_wait3A_543 = arith.constant 0 : i32
      %dma_wait3A_544 = tpu.memref_slice %arg12[%add3A_448, %dma_wait3A_543] : memref<10240x128xf32, #tpu.memory_space<vmem_shared>> -> memref<80x128xf32, #tpu.memory_space<vmem_shared>>
      tpu.wait_dma2 semaphore(%run_scoped3A : memref<!tpu.dma_semaphore, #tpu.memory_space<semaphore_mem>>) src(%dma_wait3A_544 : memref<80x128xf32, #tpu.memory_space<vmem_shared>>) dst(%arg9 : memref<80x128xf32, #tpu.memory_space<vmem>>)
      tpu.yield
    }) : () -> ()
    %add3A_449 = arith.constant 160 : i32
    %add3A_450 = arith.addi %add3A_424, %add3A_449 : i32
    %dma_start3A_451 = arith.constant 0 : i32
    %dma_start3A_452 = tpu.memref_slice %arg4[%add3A_450, %dma_start3A_451] : memref<40960x128xf32, #tpu.memory_space<hbm>> -> memref<80x128xf32, #tpu.memory_space<hbm>>
    %dma_start3A_453 = arith.constant 0 : i32
    %dma_start3A_454 = tpu.memref_slice %arg4[%add3A_450, %dma_start3A_453] : memref<40960x128xf32, #tpu.memory_space<hbm>> -> memref<80x128xf32, #tpu.memory_space<hbm>>
    tpu.enqueue_dma source(%arg9 : memref<80x128xf32, #tpu.memory_space<vmem>>) target(%dma_start3A_454 : memref<80x128xf32, #tpu.memory_space<hbm>>) target_semaphore(%arg22 : memref<!tpu.dma_semaphore, #tpu.memory_space<semaphore_mem>>)
    %add3A_455 = arith.constant 80 : i32
    %add3A_456 = arith.addi %add3A_424, %add3A_455 : i32
    %dma_wait3A_457 = arith.constant 0 : i32
    %dma_wait3A_458 = tpu.memref_slice %arg4[%add3A_456, %dma_wait3A_457] : memref<40960x128xf32, #tpu.memory_space<hbm>> -> memref<80x128xf32, #tpu.memory_space<hbm>>
    %dma_wait3A_459 = arith.constant 0 : i32
    %dma_wait3A_460 = tpu.memref_slice %arg4[%add3A_456, %dma_wait3A_459] : memref<40960x128xf32, #tpu.memory_space<hbm>> -> memref<80x128xf32, #tpu.memory_space<hbm>>
    tpu.wait_dma2 semaphore(%arg23 : memref<!tpu.dma_semaphore, #tpu.memory_space<semaphore_mem>>) src(%arg10 : memref<80x128xf32, #tpu.memory_space<vmem>>) dst(%dma_wait3A_460 : memref<80x128xf32, #tpu.memory_space<hbm>>)
    %add3A_461 = arith.constant 240 : i32
    %add3A_462 = arith.addi %mul3A_2, %add3A_461 : i32
    "tpu.region"() ({
      %run_scoped3A = tpu.sem_alloc : memref<!tpu.dma_semaphore, #tpu.memory_space<semaphore_mem>>
      %dma_start3A_537 = arith.constant 0 : i32
      %dma_start3A_538 = tpu.memref_slice %arg12[%add3A_462, %dma_start3A_537] : memref<10240x128xf32, #tpu.memory_space<vmem_shared>> -> memref<80x128xf32, #tpu.memory_space<vmem_shared>>
      %dma_start3A_539 = arith.constant 0 : i32
      %dma_start3A_540 = tpu.memref_slice %arg12[%add3A_462, %dma_start3A_539] : memref<10240x128xf32, #tpu.memory_space<vmem_shared>> -> memref<80x128xf32, #tpu.memory_space<vmem_shared>>
      tpu.enqueue_dma source(%dma_start3A_540 : memref<80x128xf32, #tpu.memory_space<vmem_shared>>) target(%arg10 : memref<80x128xf32, #tpu.memory_space<vmem>>) target_semaphore(%run_scoped3A : memref<!tpu.dma_semaphore, #tpu.memory_space<semaphore_mem>>)
      %dma_wait3A_541 = arith.constant 0 : i32
      %dma_wait3A_542 = tpu.memref_slice %arg12[%add3A_462, %dma_wait3A_541] : memref<10240x128xf32, #tpu.memory_space<vmem_shared>> -> memref<80x128xf32, #tpu.memory_space<vmem_shared>>
      %dma_wait3A_543 = arith.constant 0 : i32
      %dma_wait3A_544 = tpu.memref_slice %arg12[%add3A_462, %dma_wait3A_543] : memref<10240x128xf32, #tpu.memory_space<vmem_shared>> -> memref<80x128xf32, #tpu.memory_space<vmem_shared>>
      tpu.wait_dma2 semaphore(%run_scoped3A : memref<!tpu.dma_semaphore, #tpu.memory_space<semaphore_mem>>) src(%dma_wait3A_544 : memref<80x128xf32, #tpu.memory_space<vmem_shared>>) dst(%arg10 : memref<80x128xf32, #tpu.memory_space<vmem>>)
      tpu.yield
    }) : () -> ()
    %add3A_463 = arith.constant 240 : i32
    %add3A_464 = arith.addi %add3A_424, %add3A_463 : i32
    %dma_start3A_465 = arith.constant 0 : i32
    %dma_start3A_466 = tpu.memref_slice %arg4[%add3A_464, %dma_start3A_465] : memref<40960x128xf32, #tpu.memory_space<hbm>> -> memref<80x128xf32, #tpu.memory_space<hbm>>
    %dma_start3A_467 = arith.constant 0 : i32
    %dma_start3A_468 = tpu.memref_slice %arg4[%add3A_464, %dma_start3A_467] : memref<40960x128xf32, #tpu.memory_space<hbm>> -> memref<80x128xf32, #tpu.memory_space<hbm>>
    tpu.enqueue_dma source(%arg10 : memref<80x128xf32, #tpu.memory_space<vmem>>) target(%dma_start3A_468 : memref<80x128xf32, #tpu.memory_space<hbm>>) target_semaphore(%arg23 : memref<!tpu.dma_semaphore, #tpu.memory_space<semaphore_mem>>)
    %add3A_469 = arith.constant 160 : i32
    %add3A_470 = arith.addi %add3A_424, %add3A_469 : i32
    %dma_wait3A_471 = arith.constant 0 : i32
    %dma_wait3A_472 = tpu.memref_slice %arg4[%add3A_470, %dma_wait3A_471] : memref<40960x128xf32, #tpu.memory_space<hbm>> -> memref<80x128xf32, #tpu.memory_space<hbm>>
    %dma_wait3A_473 = arith.constant 0 : i32
    %dma_wait3A_474 = tpu.memref_slice %arg4[%add3A_470, %dma_wait3A_473] : memref<40960x128xf32, #tpu.memory_space<hbm>> -> memref<80x128xf32, #tpu.memory_space<hbm>>
    tpu.wait_dma2 semaphore(%arg22 : memref<!tpu.dma_semaphore, #tpu.memory_space<semaphore_mem>>) src(%arg9 : memref<80x128xf32, #tpu.memory_space<vmem>>) dst(%dma_wait3A_474 : memref<80x128xf32, #tpu.memory_space<hbm>>)
    %add3A_475 = arith.constant 320 : i32
    %add3A_476 = arith.addi %mul3A_2, %add3A_475 : i32
    "tpu.region"() ({
      %run_scoped3A = tpu.sem_alloc : memref<!tpu.dma_semaphore, #tpu.memory_space<semaphore_mem>>
      %dma_start3A_537 = arith.constant 0 : i32
      %dma_start3A_538 = tpu.memref_slice %arg12[%add3A_476, %dma_start3A_537] : memref<10240x128xf32, #tpu.memory_space<vmem_shared>> -> memref<80x128xf32, #tpu.memory_space<vmem_shared>>
      %dma_start3A_539 = arith.constant 0 : i32
      %dma_start3A_540 = tpu.memref_slice %arg12[%add3A_476, %dma_start3A_539] : memref<10240x128xf32, #tpu.memory_space<vmem_shared>> -> memref<80x128xf32, #tpu.memory_space<vmem_shared>>
      tpu.enqueue_dma source(%dma_start3A_540 : memref<80x128xf32, #tpu.memory_space<vmem_shared>>) target(%arg9 : memref<80x128xf32, #tpu.memory_space<vmem>>) target_semaphore(%run_scoped3A : memref<!tpu.dma_semaphore, #tpu.memory_space<semaphore_mem>>)
      %dma_wait3A_541 = arith.constant 0 : i32
      %dma_wait3A_542 = tpu.memref_slice %arg12[%add3A_476, %dma_wait3A_541] : memref<10240x128xf32, #tpu.memory_space<vmem_shared>> -> memref<80x128xf32, #tpu.memory_space<vmem_shared>>
      %dma_wait3A_543 = arith.constant 0 : i32
      %dma_wait3A_544 = tpu.memref_slice %arg12[%add3A_476, %dma_wait3A_543] : memref<10240x128xf32, #tpu.memory_space<vmem_shared>> -> memref<80x128xf32, #tpu.memory_space<vmem_shared>>
      tpu.wait_dma2 semaphore(%run_scoped3A : memref<!tpu.dma_semaphore, #tpu.memory_space<semaphore_mem>>) src(%dma_wait3A_544 : memref<80x128xf32, #tpu.memory_space<vmem_shared>>) dst(%arg9 : memref<80x128xf32, #tpu.memory_space<vmem>>)
      tpu.yield
    }) : () -> ()
    %add3A_477 = arith.constant 320 : i32
    %add3A_478 = arith.addi %add3A_424, %add3A_477 : i32
    %dma_start3A_479 = arith.constant 0 : i32
    %dma_start3A_480 = tpu.memref_slice %arg4[%add3A_478, %dma_start3A_479] : memref<40960x128xf32, #tpu.memory_space<hbm>> -> memref<80x128xf32, #tpu.memory_space<hbm>>
    %dma_start3A_481 = arith.constant 0 : i32
    %dma_start3A_482 = tpu.memref_slice %arg4[%add3A_478, %dma_start3A_481] : memref<40960x128xf32, #tpu.memory_space<hbm>> -> memref<80x128xf32, #tpu.memory_space<hbm>>
    tpu.enqueue_dma source(%arg9 : memref<80x128xf32, #tpu.memory_space<vmem>>) target(%dma_start3A_482 : memref<80x128xf32, #tpu.memory_space<hbm>>) target_semaphore(%arg22 : memref<!tpu.dma_semaphore, #tpu.memory_space<semaphore_mem>>)
    %add3A_483 = arith.constant 240 : i32
    %add3A_484 = arith.addi %add3A_424, %add3A_483 : i32
    %dma_wait3A_485 = arith.constant 0 : i32
    %dma_wait3A_486 = tpu.memref_slice %arg4[%add3A_484, %dma_wait3A_485] : memref<40960x128xf32, #tpu.memory_space<hbm>> -> memref<80x128xf32, #tpu.memory_space<hbm>>
    %dma_wait3A_487 = arith.constant 0 : i32
    %dma_wait3A_488 = tpu.memref_slice %arg4[%add3A_484, %dma_wait3A_487] : memref<40960x128xf32, #tpu.memory_space<hbm>> -> memref<80x128xf32, #tpu.memory_space<hbm>>
    tpu.wait_dma2 semaphore(%arg23 : memref<!tpu.dma_semaphore, #tpu.memory_space<semaphore_mem>>) src(%arg10 : memref<80x128xf32, #tpu.memory_space<vmem>>) dst(%dma_wait3A_488 : memref<80x128xf32, #tpu.memory_space<hbm>>)
    %add3A_489 = arith.constant 400 : i32
    %add3A_490 = arith.addi %mul3A_2, %add3A_489 : i32
    "tpu.region"() ({
      %run_scoped3A = tpu.sem_alloc : memref<!tpu.dma_semaphore, #tpu.memory_space<semaphore_mem>>
      %dma_start3A_537 = arith.constant 0 : i32
      %dma_start3A_538 = tpu.memref_slice %arg12[%add3A_490, %dma_start3A_537] : memref<10240x128xf32, #tpu.memory_space<vmem_shared>> -> memref<80x128xf32, #tpu.memory_space<vmem_shared>>
      %dma_start3A_539 = arith.constant 0 : i32
      %dma_start3A_540 = tpu.memref_slice %arg12[%add3A_490, %dma_start3A_539] : memref<10240x128xf32, #tpu.memory_space<vmem_shared>> -> memref<80x128xf32, #tpu.memory_space<vmem_shared>>
      tpu.enqueue_dma source(%dma_start3A_540 : memref<80x128xf32, #tpu.memory_space<vmem_shared>>) target(%arg10 : memref<80x128xf32, #tpu.memory_space<vmem>>) target_semaphore(%run_scoped3A : memref<!tpu.dma_semaphore, #tpu.memory_space<semaphore_mem>>)
      %dma_wait3A_541 = arith.constant 0 : i32
      %dma_wait3A_542 = tpu.memref_slice %arg12[%add3A_490, %dma_wait3A_541] : memref<10240x128xf32, #tpu.memory_space<vmem_shared>> -> memref<80x128xf32, #tpu.memory_space<vmem_shared>>
      %dma_wait3A_543 = arith.constant 0 : i32
      %dma_wait3A_544 = tpu.memref_slice %arg12[%add3A_490, %dma_wait3A_543] : memref<10240x128xf32, #tpu.memory_space<vmem_shared>> -> memref<80x128xf32, #tpu.memory_space<vmem_shared>>
      tpu.wait_dma2 semaphore(%run_scoped3A : memref<!tpu.dma_semaphore, #tpu.memory_space<semaphore_mem>>) src(%dma_wait3A_544 : memref<80x128xf32, #tpu.memory_space<vmem_shared>>) dst(%arg10 : memref<80x128xf32, #tpu.memory_space<vmem>>)
      tpu.yield
    }) : () -> ()
    %add3A_491 = arith.constant 400 : i32
    %add3A_492 = arith.addi %add3A_424, %add3A_491 : i32
    %dma_start3A_493 = arith.constant 0 : i32
    %dma_start3A_494 = tpu.memref_slice %arg4[%add3A_492, %dma_start3A_493] : memref<40960x128xf32, #tpu.memory_space<hbm>> -> memref<80x128xf32, #tpu.memory_space<hbm>>
    %dma_start3A_495 = arith.constant 0 : i32
    %dma_start3A_496 = tpu.memref_slice %arg4[%add3A_492, %dma_start3A_495] : memref<40960x128xf32, #tpu.memory_space<hbm>> -> memref<80x128xf32, #tpu.memory_space<hbm>>
    tpu.enqueue_dma source(%arg10 : memref<80x128xf32, #tpu.memory_space<vmem>>) target(%dma_start3A_496 : memref<80x128xf32, #tpu.memory_space<hbm>>) target_semaphore(%arg23 : memref<!tpu.dma_semaphore, #tpu.memory_space<semaphore_mem>>)
    %add3A_497 = arith.constant 320 : i32
    %add3A_498 = arith.addi %add3A_424, %add3A_497 : i32
    %dma_wait3A_499 = arith.constant 0 : i32
    %dma_wait3A_500 = tpu.memref_slice %arg4[%add3A_498, %dma_wait3A_499] : memref<40960x128xf32, #tpu.memory_space<hbm>> -> memref<80x128xf32, #tpu.memory_space<hbm>>
    %dma_wait3A_501 = arith.constant 0 : i32
    %dma_wait3A_502 = tpu.memref_slice %arg4[%add3A_498, %dma_wait3A_501] : memref<40960x128xf32, #tpu.memory_space<hbm>> -> memref<80x128xf32, #tpu.memory_space<hbm>>
    tpu.wait_dma2 semaphore(%arg22 : memref<!tpu.dma_semaphore, #tpu.memory_space<semaphore_mem>>) src(%arg9 : memref<80x128xf32, #tpu.memory_space<vmem>>) dst(%dma_wait3A_502 : memref<80x128xf32, #tpu.memory_space<hbm>>)
    %add3A_503 = arith.constant 480 : i32
    %add3A_504 = arith.addi %mul3A_2, %add3A_503 : i32
    "tpu.region"() ({
      %run_scoped3A = tpu.sem_alloc : memref<!tpu.dma_semaphore, #tpu.memory_space<semaphore_mem>>
      %dma_start3A_537 = arith.constant 0 : i32
      %dma_start3A_538 = tpu.memref_slice %arg12[%add3A_504, %dma_start3A_537] : memref<10240x128xf32, #tpu.memory_space<vmem_shared>> -> memref<80x128xf32, #tpu.memory_space<vmem_shared>>
      %dma_start3A_539 = arith.constant 0 : i32
      %dma_start3A_540 = tpu.memref_slice %arg12[%add3A_504, %dma_start3A_539] : memref<10240x128xf32, #tpu.memory_space<vmem_shared>> -> memref<80x128xf32, #tpu.memory_space<vmem_shared>>
      tpu.enqueue_dma source(%dma_start3A_540 : memref<80x128xf32, #tpu.memory_space<vmem_shared>>) target(%arg9 : memref<80x128xf32, #tpu.memory_space<vmem>>) target_semaphore(%run_scoped3A : memref<!tpu.dma_semaphore, #tpu.memory_space<semaphore_mem>>)
      %dma_wait3A_541 = arith.constant 0 : i32
      %dma_wait3A_542 = tpu.memref_slice %arg12[%add3A_504, %dma_wait3A_541] : memref<10240x128xf32, #tpu.memory_space<vmem_shared>> -> memref<80x128xf32, #tpu.memory_space<vmem_shared>>
      %dma_wait3A_543 = arith.constant 0 : i32
      %dma_wait3A_544 = tpu.memref_slice %arg12[%add3A_504, %dma_wait3A_543] : memref<10240x128xf32, #tpu.memory_space<vmem_shared>> -> memref<80x128xf32, #tpu.memory_space<vmem_shared>>
      tpu.wait_dma2 semaphore(%run_scoped3A : memref<!tpu.dma_semaphore, #tpu.memory_space<semaphore_mem>>) src(%dma_wait3A_544 : memref<80x128xf32, #tpu.memory_space<vmem_shared>>) dst(%arg9 : memref<80x128xf32, #tpu.memory_space<vmem>>)
      tpu.yield
    }) : () -> ()
    %add3A_505 = arith.constant 480 : i32
    %add3A_506 = arith.addi %add3A_424, %add3A_505 : i32
    %dma_start3A_507 = arith.constant 0 : i32
    %dma_start3A_508 = tpu.memref_slice %arg4[%add3A_506, %dma_start3A_507] : memref<40960x128xf32, #tpu.memory_space<hbm>> -> memref<80x128xf32, #tpu.memory_space<hbm>>
    %dma_start3A_509 = arith.constant 0 : i32
    %dma_start3A_510 = tpu.memref_slice %arg4[%add3A_506, %dma_start3A_509] : memref<40960x128xf32, #tpu.memory_space<hbm>> -> memref<80x128xf32, #tpu.memory_space<hbm>>
    tpu.enqueue_dma source(%arg9 : memref<80x128xf32, #tpu.memory_space<vmem>>) target(%dma_start3A_510 : memref<80x128xf32, #tpu.memory_space<hbm>>) target_semaphore(%arg22 : memref<!tpu.dma_semaphore, #tpu.memory_space<semaphore_mem>>)
    %add3A_511 = arith.constant 400 : i32
    %add3A_512 = arith.addi %add3A_424, %add3A_511 : i32
    %dma_wait3A_513 = arith.constant 0 : i32
    %dma_wait3A_514 = tpu.memref_slice %arg4[%add3A_512, %dma_wait3A_513] : memref<40960x128xf32, #tpu.memory_space<hbm>> -> memref<80x128xf32, #tpu.memory_space<hbm>>
    %dma_wait3A_515 = arith.constant 0 : i32
    %dma_wait3A_516 = tpu.memref_slice %arg4[%add3A_512, %dma_wait3A_515] : memref<40960x128xf32, #tpu.memory_space<hbm>> -> memref<80x128xf32, #tpu.memory_space<hbm>>
    tpu.wait_dma2 semaphore(%arg23 : memref<!tpu.dma_semaphore, #tpu.memory_space<semaphore_mem>>) src(%arg10 : memref<80x128xf32, #tpu.memory_space<vmem>>) dst(%dma_wait3A_516 : memref<80x128xf32, #tpu.memory_space<hbm>>)
    %add3A_517 = arith.constant 560 : i32
    %add3A_518 = arith.addi %mul3A_2, %add3A_517 : i32
    "tpu.region"() ({
      %run_scoped3A = tpu.sem_alloc : memref<!tpu.dma_semaphore, #tpu.memory_space<semaphore_mem>>
      %dma_start3A_537 = arith.constant 0 : i32
      %dma_start3A_538 = tpu.memref_slice %arg12[%add3A_518, %dma_start3A_537] : memref<10240x128xf32, #tpu.memory_space<vmem_shared>> -> memref<80x128xf32, #tpu.memory_space<vmem_shared>>
      %dma_start3A_539 = arith.constant 0 : i32
      %dma_start3A_540 = tpu.memref_slice %arg12[%add3A_518, %dma_start3A_539] : memref<10240x128xf32, #tpu.memory_space<vmem_shared>> -> memref<80x128xf32, #tpu.memory_space<vmem_shared>>
      tpu.enqueue_dma source(%dma_start3A_540 : memref<80x128xf32, #tpu.memory_space<vmem_shared>>) target(%arg10 : memref<80x128xf32, #tpu.memory_space<vmem>>) target_semaphore(%run_scoped3A : memref<!tpu.dma_semaphore, #tpu.memory_space<semaphore_mem>>)
      %dma_wait3A_541 = arith.constant 0 : i32
      %dma_wait3A_542 = tpu.memref_slice %arg12[%add3A_518, %dma_wait3A_541] : memref<10240x128xf32, #tpu.memory_space<vmem_shared>> -> memref<80x128xf32, #tpu.memory_space<vmem_shared>>
      %dma_wait3A_543 = arith.constant 0 : i32
      %dma_wait3A_544 = tpu.memref_slice %arg12[%add3A_518, %dma_wait3A_543] : memref<10240x128xf32, #tpu.memory_space<vmem_shared>> -> memref<80x128xf32, #tpu.memory_space<vmem_shared>>
      tpu.wait_dma2 semaphore(%run_scoped3A : memref<!tpu.dma_semaphore, #tpu.memory_space<semaphore_mem>>) src(%dma_wait3A_544 : memref<80x128xf32, #tpu.memory_space<vmem_shared>>) dst(%arg10 : memref<80x128xf32, #tpu.memory_space<vmem>>)
      tpu.yield
    }) : () -> ()
    %add3A_519 = arith.constant 560 : i32
    %add3A_520 = arith.addi %add3A_424, %add3A_519 : i32
    %dma_start3A_521 = arith.constant 0 : i32
    %dma_start3A_522 = tpu.memref_slice %arg4[%add3A_520, %dma_start3A_521] : memref<40960x128xf32, #tpu.memory_space<hbm>> -> memref<80x128xf32, #tpu.memory_space<hbm>>
    %dma_start3A_523 = arith.constant 0 : i32
    %dma_start3A_524 = tpu.memref_slice %arg4[%add3A_520, %dma_start3A_523] : memref<40960x128xf32, #tpu.memory_space<hbm>> -> memref<80x128xf32, #tpu.memory_space<hbm>>
    tpu.enqueue_dma source(%arg10 : memref<80x128xf32, #tpu.memory_space<vmem>>) target(%dma_start3A_524 : memref<80x128xf32, #tpu.memory_space<hbm>>) target_semaphore(%arg23 : memref<!tpu.dma_semaphore, #tpu.memory_space<semaphore_mem>>)
    %add3A_525 = arith.constant 480 : i32
    %add3A_526 = arith.addi %add3A_424, %add3A_525 : i32
    %dma_wait3A_527 = arith.constant 0 : i32
    %dma_wait3A_528 = tpu.memref_slice %arg4[%add3A_526, %dma_wait3A_527] : memref<40960x128xf32, #tpu.memory_space<hbm>> -> memref<80x128xf32, #tpu.memory_space<hbm>>
    %dma_wait3A_529 = arith.constant 0 : i32
    %dma_wait3A_530 = tpu.memref_slice %arg4[%add3A_526, %dma_wait3A_529] : memref<40960x128xf32, #tpu.memory_space<hbm>> -> memref<80x128xf32, #tpu.memory_space<hbm>>
    tpu.wait_dma2 semaphore(%arg22 : memref<!tpu.dma_semaphore, #tpu.memory_space<semaphore_mem>>) src(%arg9 : memref<80x128xf32, #tpu.memory_space<vmem>>) dst(%dma_wait3A_530 : memref<80x128xf32, #tpu.memory_space<hbm>>)
    %add3A_531 = arith.constant 560 : i32
    %add3A_532 = arith.addi %add3A_424, %add3A_531 : i32
    %dma_wait3A_533 = arith.constant 0 : i32
    %dma_wait3A_534 = tpu.memref_slice %arg4[%add3A_532, %dma_wait3A_533] : memref<40960x128xf32, #tpu.memory_space<hbm>> -> memref<80x128xf32, #tpu.memory_space<hbm>>
    %dma_wait3A_535 = arith.constant 0 : i32
    %dma_wait3A_536 = tpu.memref_slice %arg4[%add3A_532, %dma_wait3A_535] : memref<40960x128xf32, #tpu.memory_space<hbm>> -> memref<80x128xf32, #tpu.memory_space<hbm>>
    tpu.wait_dma2 semaphore(%arg23 : memref<!tpu.dma_semaphore, #tpu.memory_space<semaphore_mem>>) src(%arg10 : memref<80x128xf32, #tpu.memory_space<vmem>>) dst(%dma_wait3A_536 : memref<80x128xf32, #tpu.memory_space<hbm>>)
    return
  }
}

#map = affine_map<(d0, d1) -> (0, 0)>
#map1 = affine_map<(d0, d1) -> (0)>
module attributes {stable_mosaic.version = 14 : i64} {
  func.func @_sc_scatter(%arg0: i32, %arg1: i32, %arg2: memref<40000x128xf32, #tpu.memory_space<hbm>>, %arg3: memref<320000xi32, #tpu.memory_space<hbm>>, %arg4: memref<40960x128xf32, #tpu.memory_space<hbm>>, %arg5: memref<10000xi32, #tpu.memory_space<vmem>>, %arg6: memref<80xi32, #tpu.memory_space<vmem>>, %arg7: memref<80xi32, #tpu.memory_space<vmem>>, %arg8: memref<80xi32, #tpu.memory_space<vmem>>, %arg9: memref<80x128xf32, #tpu.memory_space<vmem>>, %arg10: memref<80x128xf32, #tpu.memory_space<vmem>>, %arg11: memref<80x128xf32, #tpu.memory_space<vmem>>, %arg12: memref<10240x128xf32, #tpu.memory_space<vmem_shared>>, %arg13: memref<!tpu.dma_semaphore, #tpu.memory_space<semaphore_mem>>, %arg14: memref<!tpu.dma_semaphore, #tpu.memory_space<semaphore_mem>>, %arg15: memref<!tpu.dma_semaphore, #tpu.memory_space<semaphore_mem>>, %arg16: memref<!tpu.dma_semaphore, #tpu.memory_space<semaphore_mem>>, %arg17: memref<!tpu.dma_semaphore, #tpu.memory_space<semaphore_mem>>, %arg18: memref<!tpu.dma_semaphore, #tpu.memory_space<semaphore_mem>>, %arg19: memref<!tpu.dma_semaphore, #tpu.memory_space<semaphore_mem>>, %arg20: memref<!tpu.dma_semaphore, #tpu.memory_space<semaphore_mem>>, %arg21: memref<!tpu.dma_semaphore, #tpu.memory_space<semaphore_mem>>, %arg22: memref<!tpu.dma_semaphore, #tpu.memory_space<semaphore_mem>>, %arg23: memref<!tpu.dma_semaphore, #tpu.memory_space<semaphore_mem>>) attributes {dimension_semantics = [#tpu.dimension_semantics<core_parallel>, #tpu.dimension_semantics<subcore_parallel>], iteration_bounds = array<i64: 2, 16>, scalar_prefetch = 0 : i64, scratch_operands = 19 : i64, tpu.core_type = #tpu.core_type<sc_vector_subcore>, window_params = [{transform_indices = #map}, {transform_indices = #map1}, {transform_indices = #map}]} {
    %mul3A = arith.constant 10000 : i32
    %mul3A_0 = arith.muli %arg1, %mul3A : i32
    %mul3A_1 = arith.constant 640 : i32
    %mul3A_2 = arith.muli %arg1, %mul3A_1 : i32
    %broadcast_in_dim3A = arith.constant 0.000000e+00 : f32
    %broadcast_in_dim3A_3 = vector.broadcast %broadcast_in_dim3A : f32 to vector<16xf32>
    %mul3A_4 = arith.constant 2 : i32
    %mul3A_5 = arith.muli %arg0, %mul3A_4 : i32
    %add3A = arith.constant 0 : i32
    %add3A_6 = arith.addi %mul3A_5, %add3A : i32
    %mul3A_7 = arith.constant 10000 : i32
    %mul3A_8 = arith.muli %add3A_6, %mul3A_7 : i32
    %scan3A = arith.constant 0 : i32
    %scan3A_9 = arith.constant 0 : i32
    %scan3A_10 = arith.constant 80 : i32
    %scan3A_11 = arith.addi %scan3A_9, %scan3A_10 : i32
    %scan3A_12 = arith.constant 1 : i32
    scf.for %scan3A_537 = %scan3A_9 to %scan3A_11 step %scan3A_12  : i32 {
      %swap3A = arith.index_cast %scan3A_537 : i32 to index
      %swap3A_538 = arith.constant 0 : index
      %swap3A_539 = tpu.vector_load %arg11[%swap3A, %swap3A_538] {strides = array<i32>} : memref<80x128xf32, #tpu.memory_space<vmem>>, vector<1x16xf32>,
      %swap3A_540 = vector.shape_cast %swap3A_539 : vector<1x16xf32> to vector<16xf32>
      %swap3A_541 = vector.shape_cast %broadcast_in_dim3A_3 : vector<16xf32> to vector<1x16xf32>
      tpu.vector_store %arg11[%swap3A, %swap3A_538], %swap3A_541 {strides = array<i32>} : memref<80x128xf32, #tpu.memory_space<vmem>>, vector<1x16xf32>,
      %swap3A_542 = arith.index_cast %scan3A_537 : i32 to index
      %swap3A_543 = arith.constant 16 : index
      %swap3A_544 = tpu.vector_load %arg11[%swap3A_542, %swap3A_543] {strides = array<i32>} : memref<80x128xf32, #tpu.memory_space<vmem>>, vector<1x16xf32>,
      %swap3A_545 = vector.shape_cast %swap3A_544 : vector<1x16xf32> to vector<16xf32>
      %swap3A_546 = vector.shape_cast %broadcast_in_dim3A_3 : vector<16xf32> to vector<1x16xf32>
      tpu.vector_store %arg11[%swap3A_542, %swap3A_543], %swap3A_546 {strides = array<i32>} : memref<80x128xf32, #tpu.memory_space<vmem>>, vector<1x16xf32>,
      %swap3A_547 = arith.index_cast %scan3A_537 : i32 to index
      %swap3A_548 = arith.constant 32 : index
      %swap3A_549 = tpu.vector_load %arg11[%swap3A_547, %swap3A_548] {strides = array<i32>} : memref<80x128xf32, #tpu.memory_space<vmem>>, vector<1x16xf32>,
      %swap3A_550 = vector.shape_cast %swap3A_549 : vector<1x16xf32> to vector<16xf32>
      %swap3A_551 = vector.shape_cast %broadcast_in_dim3A_3 : vector<16xf32> to vector<1x16xf32>
      tpu.vector_store %arg11[%swap3A_547, %swap3A_548], %swap3A_551 {strides = array<i32>} : memref<80x128xf32, #tpu.memory_space<vmem>>, vector<1x16xf32>,
      %swap3A_552 = arith.index_cast %scan3A_537 : i32 to index
      %swap3A_553 = arith.constant 48 : index
      %swap3A_554 = tpu.vector_load %arg11[%swap3A_552, %swap3A_553] {strides = array<i32>} : memref<80x128xf32, #tpu.memory_space<vmem>>, vector<1x16xf32>,
      %swap3A_555 = vector.shape_cast %swap3A_554 : vector<1x16xf32> to vector<16xf32>
      %swap3A_556 = vector.shape_cast %broadcast_in_dim3A_3 : vector<16xf32> to vector<1x16xf32>
      tpu.vector_store %arg11[%swap3A_552, %swap3A_553], %swap3A_556 {strides = array<i32>} : memref<80x128xf32, #tpu.memory_space<vmem>>, vector<1x16xf32>,
      %swap3A_557 = arith.index_cast %scan3A_537 : i32 to index
      %swap3A_558 = arith.constant 64 : index
      %swap3A_559 = tpu.vector_load %arg11[%swap3A_557, %swap3A_558] {strides = array<i32>} : memref<80x128xf32, #tpu.memory_space<vmem>>, vector<1x16xf32>,
      %swap3A_560 = vector.shape_cast %swap3A_559 : vector<1x16xf32> to vector<16xf32>
      %swap3A_561 = vector.shape_cast %broadcast_in_dim3A_3 : vector<16xf32> to vector<1x16xf32>
      tpu.vector_store %arg11[%swap3A_557, %swap3A_558], %swap3A_561 {strides = array<i32>} : memref<80x128xf32, #tpu.memory_space<vmem>>, vector<1x16xf32>,
      %swap3A_562 = arith.index_cast %scan3A_537 : i32 to index
      %swap3A_563 = arith.constant 80 : index
      %swap3A_564 = tpu.vector_load %arg11[%swap3A_562, %swap3A_563] {strides = array<i32>} : memref<80x128xf32, #tpu.memory_space<vmem>>, vector<1x16xf32>,
      %swap3A_565 = vector.shape_cast %swap3A_564 : vector<1x16xf32> to vector<16xf32>
      %swap3A_566 = vector.shape_cast %broadcast_in_dim3A_3 : vector<16xf32> to vector<1x16xf32>
      tpu.vector_store %arg11[%swap3A_562, %swap3A_563], %swap3A_566 {strides = array<i32>} : memref<80x128xf32, #tpu.memory_space<vmem>>, vector<1x16xf32>,
      %swap3A_567 = arith.index_cast %scan3A_537 : i32 to index
      %swap3A_568 = arith.constant 96 : index
      %swap3A_569 = tpu.vector_load %arg11[%swap3A_567, %swap3A_568] {strides = array<i32>} : memref<80x128xf32, #tpu.memory_space<vmem>>, vector<1x16xf32>,
      %swap3A_570 = vector.shape_cast %swap3A_569 : vector<1x16xf32> to vector<16xf32>
      %swap3A_571 = vector.shape_cast %broadcast_in_dim3A_3 : vector<16xf32> to vector<1x16xf32>
      tpu.vector_store %arg11[%swap3A_567, %swap3A_568], %swap3A_571 {strides = array<i32>} : memref<80x128xf32, #tpu.memory_space<vmem>>, vector<1x16xf32>,
      %swap3A_572 = arith.index_cast %scan3A_537 : i32 to index
      %swap3A_573 = arith.constant 112 : index
      %swap3A_574 = tpu.vector_load %arg11[%swap3A_572, %swap3A_573] {strides = array<i32>} : memref<80x128xf32, #tpu.memory_space<vmem>>, vector<1x16xf32>,
      %swap3A_575 = vector.shape_cast %swap3A_574 : vector<1x16xf32> to vector<16xf32>
      %swap3A_576 = vector.shape_cast %broadcast_in_dim3A_3 : vector<16xf32> to vector<1x16xf32>
      tpu.vector_store %arg11[%swap3A_572, %swap3A_573], %swap3A_576 {strides = array<i32>} : memref<80x128xf32, #tpu.memory_space<vmem>>, vector<1x16xf32>,
    }
    %scan3A_13 = arith.constant 80 : i32
    %scan3A_14 = arith.constant 0 : i32
    %scan3A_15 = arith.constant 0 : i32
    %scan3A_16 = arith.constant 8 : i32
    %scan3A_17 = arith.addi %scan3A_15, %scan3A_16 : i32
    %scan3A_18 = arith.constant 1 : i32
    scf.for %scan3A_537 = %scan3A_15 to %scan3A_17 step %scan3A_18  : i32 {
      %mul3A_538 = arith.constant 80 : i32
      %mul3A_539 = arith.muli %scan3A_537, %mul3A_538 : i32
      %add3A_540 = arith.addi %mul3A_2, %mul3A_539 : i32
      "tpu.region"() ({
        %run_scoped3A = tpu.sem_alloc : memref<!tpu.dma_semaphore, #tpu.memory_space<semaphore_mem>>
        %dma_start3A_541 = arith.constant 0 : i32
        %dma_start3A_542 = tpu.memref_slice %arg12[%add3A_540, %dma_start3A_541] : memref<10240x128xf32, #tpu.memory_space<vmem_shared>> -> memref<80x128xf32, #tpu.memory_space<vmem_shared>>
        %dma_start3A_543 = arith.constant 0 : i32
        %dma_start3A_544 = tpu.memref_slice %arg12[%add3A_540, %dma_start3A_543] : memref<10240x128xf32, #tpu.memory_space<vmem_shared>> -> memref<80x128xf32, #tpu.memory_space<vmem_shared>>
        tpu.enqueue_dma source(%arg11 : memref<80x128xf32, #tpu.memory_space<vmem>>) target(%dma_start3A_544 : memref<80x128xf32, #tpu.memory_space<vmem_shared>>) target_semaphore(%run_scoped3A : memref<!tpu.dma_semaphore, #tpu.memory_space<semaphore_mem>>)
        %dma_wait3A_545 = arith.constant 0 : i32
        %dma_wait3A_546 = tpu.memref_slice %arg12[%add3A_540, %dma_wait3A_545] : memref<10240x128xf32, #tpu.memory_space<vmem_shared>> -> memref<80x128xf32, #tpu.memory_space<vmem_shared>>
        %dma_wait3A_547 = arith.constant 0 : i32
        %dma_wait3A_548 = tpu.memref_slice %arg12[%add3A_540, %dma_wait3A_547] : memref<10240x128xf32, #tpu.memory_space<vmem_shared>> -> memref<80x128xf32, #tpu.memory_space<vmem_shared>>
        tpu.wait_dma2 semaphore(%run_scoped3A : memref<!tpu.dma_semaphore, #tpu.memory_space<semaphore_mem>>) src(%arg11 : memref<80x128xf32, #tpu.memory_space<vmem>>) dst(%dma_wait3A_548 : memref<80x128xf32, #tpu.memory_space<vmem_shared>>)
        tpu.yield
      }) : () -> ()
    }
    %scan3A_19 = arith.constant 8 : i32
    %add3A_20 = arith.constant 160000 : i32
    %add3A_21 = arith.addi %add3A_20, %mul3A_0 : i32
    "tpu.region"() ({
      %run_scoped3A = tpu.sem_alloc : memref<!tpu.dma_semaphore, #tpu.memory_space<semaphore_mem>>
      %dma_start3A_537 = tpu.memref_slice %arg3[%add3A_21] : memref<320000xi32, #tpu.memory_space<hbm>> -> memref<10000xi32, #tpu.memory_space<hbm>>
      %dma_start3A_538 = tpu.memref_slice %arg3[%add3A_21] : memref<320000xi32, #tpu.memory_space<hbm>> -> memref<10000xi32, #tpu.memory_space<hbm>>
      tpu.enqueue_dma source(%dma_start3A_538 : memref<10000xi32, #tpu.memory_space<hbm>>) target(%arg5 : memref<10000xi32, #tpu.memory_space<vmem>>) target_semaphore(%run_scoped3A : memref<!tpu.dma_semaphore, #tpu.memory_space<semaphore_mem>>)
      %dma_wait3A_539 = tpu.memref_slice %arg3[%add3A_21] : memref<320000xi32, #tpu.memory_space<hbm>> -> memref<10000xi32, #tpu.memory_space<hbm>>
      %dma_wait3A_540 = tpu.memref_slice %arg3[%add3A_21] : memref<320000xi32, #tpu.memory_space<hbm>> -> memref<10000xi32, #tpu.memory_space<hbm>>
      tpu.wait_dma2 semaphore(%run_scoped3A : memref<!tpu.dma_semaphore, #tpu.memory_space<semaphore_mem>>) src(%dma_wait3A_540 : memref<10000xi32, #tpu.memory_space<hbm>>) dst(%arg5 : memref<10000xi32, #tpu.memory_space<vmem>>)
      tpu.yield
    }) : () -> ()
    %scan3A_22 = arith.constant 0 : i32
    %scan3A_23 = arith.constant 0 : i32
    %scan3A_24 = arith.constant 625 : i32
    %scan3A_25 = arith.addi %scan3A_23, %scan3A_24 : i32
    %scan3A_26 = arith.constant 1 : i32
    scf.for %scan3A_537 = %scan3A_23 to %scan3A_25 step %scan3A_26  : i32 {
      %mul3A_538 = arith.constant 16 : i32
      %mul3A_539 = arith.muli %scan3A_537, %mul3A_538 : i32
      %get3A = arith.index_cast %mul3A_539 : i32 to index
      %get3A_540 = tpu.vector_load %arg5[%get3A] {strides = array<i32>} : memref<10000xi32, #tpu.memory_space<vmem>>, vector<16xi32>,
      %get3A_541 = vector.shape_cast %get3A_540 : vector<16xi32> to vector<16xi32>
      %add3A_542 = vector.broadcast %mul3A_8 : i32 to vector<16xi32>
      %add3A_543 = arith.addi %get3A_541, %add3A_542 : vector<16xi32>
      %swap3A = arith.index_cast %mul3A_539 : i32 to index
      %swap3A_544 = tpu.vector_load %arg5[%swap3A] {strides = array<i32>} : memref<10000xi32, #tpu.memory_space<vmem>>, vector<16xi32>,
      %swap3A_545 = vector.shape_cast %swap3A_544 : vector<16xi32> to vector<16xi32>
      %swap3A_546 = vector.shape_cast %add3A_543 : vector<16xi32> to vector<16xi32>
      tpu.vector_store %arg5[%swap3A], %swap3A_546 {strides = array<i32>} : memref<10000xi32, #tpu.memory_space<vmem>>, vector<16xi32>,
    }
    %scan3A_27 = arith.constant 625 : i32
    %barrier3A = arith.constant 0 : index
    tpu.barrier barrier_id(%barrier3A)
    %add3A_28 = arith.constant 0 : i32
    %add3A_29 = arith.addi %mul3A_0, %add3A_28 : i32
    %dma_start3A = tpu.memref_slice %arg3[%add3A_29] : memref<320000xi32, #tpu.memory_space<hbm>> -> memref<80xi32, #tpu.memory_space<hbm>>
    %dma_start3A_30 = tpu.memref_slice %arg3[%add3A_29] : memref<320000xi32, #tpu.memory_space<hbm>> -> memref<80xi32, #tpu.memory_space<hbm>>
    tpu.enqueue_dma source(%dma_start3A_30 : memref<80xi32, #tpu.memory_space<hbm>>) target(%arg6 : memref<80xi32, #tpu.memory_space<vmem>>) target_semaphore(%arg16 : memref<!tpu.dma_semaphore, #tpu.memory_space<semaphore_mem>>)
    %dma_start3A_31 = arith.constant 0 : i32
    %dma_start3A_32 = tpu.memref_slice %arg5[%dma_start3A_31] : memref<10000xi32, #tpu.memory_space<vmem>> -> memref<80xi32, #tpu.memory_space<vmem>>
    %dma_start3A_33 = arith.constant 0 : i32
    %dma_start3A_34 = arith.constant 0 : i32
    %dma_start3A_35 = tpu.memref_slice %arg2[%dma_start3A_33, %dma_start3A_34] : memref<40000x128xf32, #tpu.memory_space<hbm>> -> memref<40000x128xf32, #tpu.memory_space<hbm>>
    tpu.enqueue_indirect_dma source(%dma_start3A_35 : memref<40000x128xf32, #tpu.memory_space<hbm>>) target(%arg9 : memref<80x128xf32, #tpu.memory_space<vmem>>) offsets(%dma_start3A_32 : memref<80xi32, #tpu.memory_space<vmem>>) semaphore(%arg13 : memref<!tpu.dma_semaphore, #tpu.memory_space<semaphore_mem>>)
    %add3A_36 = arith.constant 80 : i32
    %add3A_37 = arith.addi %mul3A_0, %add3A_36 : i32
    %dma_start3A_38 = tpu.memref_slice %arg3[%add3A_37] : memref<320000xi32, #tpu.memory_space<hbm>> -> memref<80xi32, #tpu.memory_space<hbm>>
    %dma_start3A_39 = tpu.memref_slice %arg3[%add3A_37] : memref<320000xi32, #tpu.memory_space<hbm>> -> memref<80xi32, #tpu.memory_space<hbm>>
    tpu.enqueue_dma source(%dma_start3A_39 : memref<80xi32, #tpu.memory_space<hbm>>) target(%arg7 : memref<80xi32, #tpu.memory_space<vmem>>) target_semaphore(%arg17 : memref<!tpu.dma_semaphore, #tpu.memory_space<semaphore_mem>>)
    %dma_start3A_40 = arith.constant 80 : i32
    %dma_start3A_41 = tpu.memref_slice %arg5[%dma_start3A_40] : memref<10000xi32, #tpu.memory_space<vmem>> -> memref<80xi32, #tpu.memory_space<vmem>>
    %dma_start3A_42 = arith.constant 0 : i32
    %dma_start3A_43 = arith.constant 0 : i32
    %dma_start3A_44 = tpu.memref_slice %arg2[%dma_start3A_42, %dma_start3A_43] : memref<40000x128xf32, #tpu.memory_space<hbm>> -> memref<40000x128xf32, #tpu.memory_space<hbm>>
    tpu.enqueue_indirect_dma source(%dma_start3A_44 : memref<40000x128xf32, #tpu.memory_space<hbm>>) target(%arg10 : memref<80x128xf32, #tpu.memory_space<vmem>>) offsets(%dma_start3A_41 : memref<80xi32, #tpu.memory_space<vmem>>) semaphore(%arg14 : memref<!tpu.dma_semaphore, #tpu.memory_space<semaphore_mem>>)
    %add3A_45 = arith.constant 160 : i32
    %add3A_46 = arith.addi %mul3A_0, %add3A_45 : i32
    %dma_start3A_47 = tpu.memref_slice %arg3[%add3A_46] : memref<320000xi32, #tpu.memory_space<hbm>> -> memref<80xi32, #tpu.memory_space<hbm>>
    %dma_start3A_48 = tpu.memref_slice %arg3[%add3A_46] : memref<320000xi32, #tpu.memory_space<hbm>> -> memref<80xi32, #tpu.memory_space<hbm>>
    tpu.enqueue_dma source(%dma_start3A_48 : memref<80xi32, #tpu.memory_space<hbm>>) target(%arg8 : memref<80xi32, #tpu.memory_space<vmem>>) target_semaphore(%arg18 : memref<!tpu.dma_semaphore, #tpu.memory_space<semaphore_mem>>)
    %dma_start3A_49 = arith.constant 160 : i32
    %dma_start3A_50 = tpu.memref_slice %arg5[%dma_start3A_49] : memref<10000xi32, #tpu.memory_space<vmem>> -> memref<80xi32, #tpu.memory_space<vmem>>
    %dma_start3A_51 = arith.constant 0 : i32
    %dma_start3A_52 = arith.constant 0 : i32
    %dma_start3A_53 = tpu.memref_slice %arg2[%dma_start3A_51, %dma_start3A_52] : memref<40000x128xf32, #tpu.memory_space<hbm>> -> memref<40000x128xf32, #tpu.memory_space<hbm>>
    tpu.enqueue_indirect_dma source(%dma_start3A_53 : memref<40000x128xf32, #tpu.memory_space<hbm>>) target(%arg11 : memref<80x128xf32, #tpu.memory_space<vmem>>) offsets(%dma_start3A_50 : memref<80xi32, #tpu.memory_space<vmem>>) semaphore(%arg15 : memref<!tpu.dma_semaphore, #tpu.memory_space<semaphore_mem>>)
    %scan3A_54 = arith.constant 0 : i32
    %scan3A_55 = arith.constant 0 : i32
    %scan3A_56 = arith.constant 40 : i32
    %scan3A_57 = arith.addi %scan3A_55, %scan3A_56 : i32
    %scan3A_58 = arith.constant 1 : i32
    scf.for %scan3A_537 = %scan3A_55 to %scan3A_57 step %scan3A_58  : i32 {
      %mul3A_538 = arith.constant 3 : i32
      %mul3A_539 = arith.muli %mul3A_538, %scan3A_537 : i32
      %mul3A_540 = arith.constant 80 : i32
      %mul3A_541 = arith.muli %mul3A_539, %mul3A_540 : i32
      %dma_wait3A_542 = tpu.memref_slice %arg5[%mul3A_541] : memref<10000xi32, #tpu.memory_space<vmem>> -> memref<80xi32, #tpu.memory_space<vmem>>
      %dma_wait3A_543 = arith.constant 0 : i32
      %dma_wait3A_544 = arith.constant 0 : i32
      %dma_wait3A_545 = tpu.memref_slice %arg2[%dma_wait3A_543, %dma_wait3A_544] : memref<40000x128xf32, #tpu.memory_space<hbm>> -> memref<40000x128xf32, #tpu.memory_space<hbm>>
      tpu.wait_indirect_dma semaphore(%arg13 : memref<!tpu.dma_semaphore, #tpu.memory_space<semaphore_mem>>) src(%dma_wait3A_545 : memref<40000x128xf32, #tpu.memory_space<hbm>>) dst(%arg9 : memref<80x128xf32, #tpu.memory_space<vmem>>)
      %mul3A_546 = arith.constant 80 : i32
      %mul3A_547 = arith.muli %mul3A_539, %mul3A_546 : i32
      %add3A_548 = arith.addi %mul3A_0, %mul3A_547 : i32
      %dma_wait3A_549 = tpu.memref_slice %arg3[%add3A_548] : memref<320000xi32, #tpu.memory_space<hbm>> -> memref<80xi32, #tpu.memory_space<hbm>>
      %dma_wait3A_550 = tpu.memref_slice %arg3[%add3A_548] : memref<320000xi32, #tpu.memory_space<hbm>> -> memref<80xi32, #tpu.memory_space<hbm>>
      tpu.wait_dma2 semaphore(%arg16 : memref<!tpu.dma_semaphore, #tpu.memory_space<semaphore_mem>>) src(%dma_wait3A_550 : memref<80xi32, #tpu.memory_space<hbm>>) dst(%arg6 : memref<80xi32, #tpu.memory_space<vmem>>)
      %dma_start3A_551 = arith.constant 0 : i32
      %dma_start3A_552 = arith.constant 0 : i32
      %dma_start3A_553 = tpu.memref_slice %arg12[%dma_start3A_551, %dma_start3A_552] : memref<10240x128xf32, #tpu.memory_space<vmem_shared>> -> memref<10240x128xf32, #tpu.memory_space<vmem_shared>>
      tpu.enqueue_indirect_dma source(%arg9 : memref<80x128xf32, #tpu.memory_space<vmem>>) target(%dma_start3A_553 : memref<10240x128xf32, #tpu.memory_space<vmem_shared>>) offsets(%arg6 : memref<80xi32, #tpu.memory_space<vmem>>) semaphore(%arg19 : memref<!tpu.dma_semaphore, #tpu.memory_space<semaphore_mem>>) {add = true}
      %add3A_554 = arith.constant 3 : i32
      %add3A_555 = arith.addi %mul3A_539, %add3A_554 : i32
      %dma_wait3A_556 = arith.constant 0 : i32
      %dma_wait3A_557 = arith.constant 0 : i32
      %dma_wait3A_558 = tpu.memref_slice %arg12[%dma_wait3A_556, %dma_wait3A_557] : memref<10240x128xf32, #tpu.memory_space<vmem_shared>> -> memref<10240x128xf32, #tpu.memory_space<vmem_shared>>
      tpu.wait_indirect_dma semaphore(%arg19 : memref<!tpu.dma_semaphore, #tpu.memory_space<semaphore_mem>>) src(%arg9 : memref<80x128xf32, #tpu.memory_space<vmem>>) dst(%dma_wait3A_558 : memref<10240x128xf32, #tpu.memory_space<vmem_shared>>)
      %mul3A_559 = arith.constant 80 : i32
      %mul3A_560 = arith.muli %add3A_555, %mul3A_559 : i32
      %add3A_561 = arith.addi %mul3A_0, %mul3A_560 : i32
      %dma_start3A_562 = tpu.memref_slice %arg3[%add3A_561] : memref<320000xi32, #tpu.memory_space<hbm>> -> memref<80xi32, #tpu.memory_space<hbm>>
      %dma_start3A_563 = tpu.memref_slice %arg3[%add3A_561] : memref<320000xi32, #tpu.memory_space<hbm>> -> memref<80xi32, #tpu.memory_space<hbm>>
      tpu.enqueue_dma source(%dma_start3A_563 : memref<80xi32, #tpu.memory_space<hbm>>) target(%arg6 : memref<80xi32, #tpu.memory_space<vmem>>) target_semaphore(%arg16 : memref<!tpu.dma_semaphore, #tpu.memory_space<semaphore_mem>>)
      %mul3A_564 = arith.constant 80 : i32
      %mul3A_565 = arith.muli %add3A_555, %mul3A_564 : i32
      %dma_start3A_566 = tpu.memref_slice %arg5[%mul3A_565] : memref<10000xi32, #tpu.memory_space<vmem>> -> memref<80xi32, #tpu.memory_space<vmem>>
      %dma_start3A_567 = arith.constant 0 : i32
      %dma_start3A_568 = arith.constant 0 : i32
      %dma_start3A_569 = tpu.memref_slice %arg2[%dma_start3A_567, %dma_start3A_568] : memref<40000x128xf32, #tpu.memory_space<hbm>> -> memref<40000x128xf32, #tpu.memory_space<hbm>>
      tpu.enqueue_indirect_dma source(%dma_start3A_569 : memref<40000x128xf32, #tpu.memory_space<hbm>>) target(%arg9 : memref<80x128xf32, #tpu.memory_space<vmem>>) offsets(%dma_start3A_566 : memref<80xi32, #tpu.memory_space<vmem>>) semaphore(%arg13 : memref<!tpu.dma_semaphore, #tpu.memory_space<semaphore_mem>>)
      %add3A_570 = arith.constant 1 : i32
      %add3A_571 = arith.addi %mul3A_539, %add3A_570 : i32
      %mul3A_572 = arith.constant 80 : i32
      %mul3A_573 = arith.muli %add3A_571, %mul3A_572 : i32
      %dma_wait3A_574 = tpu.memref_slice %arg5[%mul3A_573] : memref<10000xi32, #tpu.memory_space<vmem>> -> memref<80xi32, #tpu.memory_space<vmem>>
      %dma_wait3A_575 = arith.constant 0 : i32
      %dma_wait3A_576 = arith.constant 0 : i32
      %dma_wait3A_577 = tpu.memref_slice %arg2[%dma_wait3A_575, %dma_wait3A_576] : memref<40000x128xf32, #tpu.memory_space<hbm>> -> memref<40000x128xf32, #tpu.memory_space<hbm>>
      tpu.wait_indirect_dma semaphore(%arg14 : memref<!tpu.dma_semaphore, #tpu.memory_space<semaphore_mem>>) src(%dma_wait3A_577 : memref<40000x128xf32, #tpu.memory_space<hbm>>) dst(%arg10 : memref<80x128xf32, #tpu.memory_space<vmem>>)
      %mul3A_578 = arith.constant 80 : i32
      %mul3A_579 = arith.muli %add3A_571, %mul3A_578 : i32
      %add3A_580 = arith.addi %mul3A_0, %mul3A_579 : i32
      %dma_wait3A_581 = tpu.memref_slice %arg3[%add3A_580] : memref<320000xi32, #tpu.memory_space<hbm>> -> memref<80xi32, #tpu.memory_space<hbm>>
      %dma_wait3A_582 = tpu.memref_slice %arg3[%add3A_580] : memref<320000xi32, #tpu.memory_space<hbm>> -> memref<80xi32, #tpu.memory_space<hbm>>
      tpu.wait_dma2 semaphore(%arg17 : memref<!tpu.dma_semaphore, #tpu.memory_space<semaphore_mem>>) src(%dma_wait3A_582 : memref<80xi32, #tpu.memory_space<hbm>>) dst(%arg7 : memref<80xi32, #tpu.memory_space<vmem>>)
      %dma_start3A_583 = arith.constant 0 : i32
      %dma_start3A_584 = arith.constant 0 : i32
      %dma_start3A_585 = tpu.memref_slice %arg12[%dma_start3A_583, %dma_start3A_584] : memref<10240x128xf32, #tpu.memory_space<vmem_shared>> -> memref<10240x128xf32, #tpu.memory_space<vmem_shared>>
      tpu.enqueue_indirect_dma source(%arg10 : memref<80x128xf32, #tpu.memory_space<vmem>>) target(%dma_start3A_585 : memref<10240x128xf32, #tpu.memory_space<vmem_shared>>) offsets(%arg7 : memref<80xi32, #tpu.memory_space<vmem>>) semaphore(%arg20 : memref<!tpu.dma_semaphore, #tpu.memory_space<semaphore_mem>>) {add = true}
      %add3A_586 = arith.constant 4 : i32
      %add3A_587 = arith.addi %mul3A_539, %add3A_586 : i32
      %dma_wait3A_588 = arith.constant 0 : i32
      %dma_wait3A_589 = arith.constant 0 : i32
      %dma_wait3A_590 = tpu.memref_slice %arg12[%dma_wait3A_588, %dma_wait3A_589] : memref<10240x128xf32, #tpu.memory_space<vmem_shared>> -> memref<10240x128xf32, #tpu.memory_space<vmem_shared>>
      tpu.wait_indirect_dma semaphore(%arg20 : memref<!tpu.dma_semaphore, #tpu.memory_space<semaphore_mem>>) src(%arg10 : memref<80x128xf32, #tpu.memory_space<vmem>>) dst(%dma_wait3A_590 : memref<10240x128xf32, #tpu.memory_space<vmem_shared>>)
      %mul3A_591 = arith.constant 80 : i32
      %mul3A_592 = arith.muli %add3A_587, %mul3A_591 : i32
      %add3A_593 = arith.addi %mul3A_0, %mul3A_592 : i32
      %dma_start3A_594 = tpu.memref_slice %arg3[%add3A_593] : memref<320000xi32, #tpu.memory_space<hbm>> -> memref<80xi32, #tpu.memory_space<hbm>>
      %dma_start3A_595 = tpu.memref_slice %arg3[%add3A_593] : memref<320000xi32, #tpu.memory_space<hbm>> -> memref<80xi32, #tpu.memory_space<hbm>>
      tpu.enqueue_dma source(%dma_start3A_595 : memref<80xi32, #tpu.memory_space<hbm>>) target(%arg7 : memref<80xi32, #tpu.memory_space<vmem>>) target_semaphore(%arg17 : memref<!tpu.dma_semaphore, #tpu.memory_space<semaphore_mem>>)
      %mul3A_596 = arith.constant 80 : i32
      %mul3A_597 = arith.muli %add3A_587, %mul3A_596 : i32
      %dma_start3A_598 = tpu.memref_slice %arg5[%mul3A_597] : memref<10000xi32, #tpu.memory_space<vmem>> -> memref<80xi32, #tpu.memory_space<vmem>>
      %dma_start3A_599 = arith.constant 0 : i32
      %dma_start3A_600 = arith.constant 0 : i32
      %dma_start3A_601 = tpu.memref_slice %arg2[%dma_start3A_599, %dma_start3A_600] : memref<40000x128xf32, #tpu.memory_space<hbm>> -> memref<40000x128xf32, #tpu.memory_space<hbm>>
      tpu.enqueue_indirect_dma source(%dma_start3A_601 : memref<40000x128xf32, #tpu.memory_space<hbm>>) target(%arg10 : memref<80x128xf32, #tpu.memory_space<vmem>>) offsets(%dma_start3A_598 : memref<80xi32, #tpu.memory_space<vmem>>) semaphore(%arg14 : memref<!tpu.dma_semaphore, #tpu.memory_space<semaphore_mem>>)
      %add3A_602 = arith.constant 2 : i32
      %add3A_603 = arith.addi %mul3A_539, %add3A_602 : i32
      %mul3A_604 = arith.constant 80 : i32
      %mul3A_605 = arith.muli %add3A_603, %mul3A_604 : i32
      %dma_wait3A_606 = tpu.memref_slice %arg5[%mul3A_605] : memref<10000xi32, #tpu.memory_space<vmem>> -> memref<80xi32, #tpu.memory_space<vmem>>
      %dma_wait3A_607 = arith.constant 0 : i32
      %dma_wait3A_608 = arith.constant 0 : i32
      %dma_wait3A_609 = tpu.memref_slice %arg2[%dma_wait3A_607, %dma_wait3A_608] : memref<40000x128xf32, #tpu.memory_space<hbm>> -> memref<40000x128xf32, #tpu.memory_space<hbm>>
      tpu.wait_indirect_dma semaphore(%arg15 : memref<!tpu.dma_semaphore, #tpu.memory_space<semaphore_mem>>) src(%dma_wait3A_609 : memref<40000x128xf32, #tpu.memory_space<hbm>>) dst(%arg11 : memref<80x128xf32, #tpu.memory_space<vmem>>)
      %mul3A_610 = arith.constant 80 : i32
      %mul3A_611 = arith.muli %add3A_603, %mul3A_610 : i32
      %add3A_612 = arith.addi %mul3A_0, %mul3A_611 : i32
      %dma_wait3A_613 = tpu.memref_slice %arg3[%add3A_612] : memref<320000xi32, #tpu.memory_space<hbm>> -> memref<80xi32, #tpu.memory_space<hbm>>
      %dma_wait3A_614 = tpu.memref_slice %arg3[%add3A_612] : memref<320000xi32, #tpu.memory_space<hbm>> -> memref<80xi32, #tpu.memory_space<hbm>>
      tpu.wait_dma2 semaphore(%arg18 : memref<!tpu.dma_semaphore, #tpu.memory_space<semaphore_mem>>) src(%dma_wait3A_614 : memref<80xi32, #tpu.memory_space<hbm>>) dst(%arg8 : memref<80xi32, #tpu.memory_space<vmem>>)
      %dma_start3A_615 = arith.constant 0 : i32
      %dma_start3A_616 = arith.constant 0 : i32
      %dma_start3A_617 = tpu.memref_slice %arg12[%dma_start3A_615, %dma_start3A_616] : memref<10240x128xf32, #tpu.memory_space<vmem_shared>> -> memref<10240x128xf32, #tpu.memory_space<vmem_shared>>
      tpu.enqueue_indirect_dma source(%arg11 : memref<80x128xf32, #tpu.memory_space<vmem>>) target(%dma_start3A_617 : memref<10240x128xf32, #tpu.memory_space<vmem_shared>>) offsets(%arg8 : memref<80xi32, #tpu.memory_space<vmem>>) semaphore(%arg21 : memref<!tpu.dma_semaphore, #tpu.memory_space<semaphore_mem>>) {add = true}
      %add3A_618 = arith.constant 5 : i32
      %add3A_619 = arith.addi %mul3A_539, %add3A_618 : i32
      %dma_wait3A_620 = arith.constant 0 : i32
      %dma_wait3A_621 = arith.constant 0 : i32
      %dma_wait3A_622 = tpu.memref_slice %arg12[%dma_wait3A_620, %dma_wait3A_621] : memref<10240x128xf32, #tpu.memory_space<vmem_shared>> -> memref<10240x128xf32, #tpu.memory_space<vmem_shared>>
      tpu.wait_indirect_dma semaphore(%arg21 : memref<!tpu.dma_semaphore, #tpu.memory_space<semaphore_mem>>) src(%arg11 : memref<80x128xf32, #tpu.memory_space<vmem>>) dst(%dma_wait3A_622 : memref<10240x128xf32, #tpu.memory_space<vmem_shared>>)
      %mul3A_623 = arith.constant 80 : i32
      %mul3A_624 = arith.muli %add3A_619, %mul3A_623 : i32
      %add3A_625 = arith.addi %mul3A_0, %mul3A_624 : i32
      %dma_start3A_626 = tpu.memref_slice %arg3[%add3A_625] : memref<320000xi32, #tpu.memory_space<hbm>> -> memref<80xi32, #tpu.memory_space<hbm>>
      %dma_start3A_627 = tpu.memref_slice %arg3[%add3A_625] : memref<320000xi32, #tpu.memory_space<hbm>> -> memref<80xi32, #tpu.memory_space<hbm>>
      tpu.enqueue_dma source(%dma_start3A_627 : memref<80xi32, #tpu.memory_space<hbm>>) target(%arg8 : memref<80xi32, #tpu.memory_space<vmem>>) target_semaphore(%arg18 : memref<!tpu.dma_semaphore, #tpu.memory_space<semaphore_mem>>)
      %mul3A_628 = arith.constant 80 : i32
      %mul3A_629 = arith.muli %add3A_619, %mul3A_628 : i32
      %dma_start3A_630 = tpu.memref_slice %arg5[%mul3A_629] : memref<10000xi32, #tpu.memory_space<vmem>> -> memref<80xi32, #tpu.memory_space<vmem>>
      %dma_start3A_631 = arith.constant 0 : i32
      %dma_start3A_632 = arith.constant 0 : i32
      %dma_start3A_633 = tpu.memref_slice %arg2[%dma_start3A_631, %dma_start3A_632] : memref<40000x128xf32, #tpu.memory_space<hbm>> -> memref<40000x128xf32, #tpu.memory_space<hbm>>
      tpu.enqueue_indirect_dma source(%dma_start3A_633 : memref<40000x128xf32, #tpu.memory_space<hbm>>) target(%arg11 : memref<80x128xf32, #tpu.memory_space<vmem>>) offsets(%dma_start3A_630 : memref<80xi32, #tpu.memory_space<vmem>>) semaphore(%arg15 : memref<!tpu.dma_semaphore, #tpu.memory_space<semaphore_mem>>)
    }
    %scan3A_59 = arith.constant 40 : i32
    %dma_wait3A = arith.constant 9600 : i32
    %dma_wait3A_60 = tpu.memref_slice %arg5[%dma_wait3A] : memref<10000xi32, #tpu.memory_space<vmem>> -> memref<80xi32, #tpu.memory_space<vmem>>
    %dma_wait3A_61 = arith.constant 0 : i32
    %dma_wait3A_62 = arith.constant 0 : i32
    %dma_wait3A_63 = tpu.memref_slice %arg2[%dma_wait3A_61, %dma_wait3A_62] : memref<40000x128xf32, #tpu.memory_space<hbm>> -> memref<40000x128xf32, #tpu.memory_space<hbm>>
    tpu.wait_indirect_dma semaphore(%arg13 : memref<!tpu.dma_semaphore, #tpu.memory_space<semaphore_mem>>) src(%dma_wait3A_63 : memref<40000x128xf32, #tpu.memory_space<hbm>>) dst(%arg9 : memref<80x128xf32, #tpu.memory_space<vmem>>)
    %add3A_64 = arith.constant 9600 : i32
    %add3A_65 = arith.addi %mul3A_0, %add3A_64 : i32
    %dma_wait3A_66 = tpu.memref_slice %arg3[%add3A_65] : memref<320000xi32, #tpu.memory_space<hbm>> -> memref<80xi32, #tpu.memory_space<hbm>>
    %dma_wait3A_67 = tpu.memref_slice %arg3[%add3A_65] : memref<320000xi32, #tpu.memory_space<hbm>> -> memref<80xi32, #tpu.memory_space<hbm>>
    tpu.wait_dma2 semaphore(%arg16 : memref<!tpu.dma_semaphore, #tpu.memory_space<semaphore_mem>>) src(%dma_wait3A_67 : memref<80xi32, #tpu.memory_space<hbm>>) dst(%arg6 : memref<80xi32, #tpu.memory_space<vmem>>)
    %dma_start3A_68 = arith.constant 0 : i32
    %dma_start3A_69 = arith.constant 0 : i32
    %dma_start3A_70 = tpu.memref_slice %arg12[%dma_start3A_68, %dma_start3A_69] : memref<10240x128xf32, #tpu.memory_space<vmem_shared>> -> memref<10240x128xf32, #tpu.memory_space<vmem_shared>>
    tpu.enqueue_indirect_dma source(%arg9 : memref<80x128xf32, #tpu.memory_space<vmem>>) target(%dma_start3A_70 : memref<10240x128xf32, #tpu.memory_space<vmem_shared>>) offsets(%arg6 : memref<80xi32, #tpu.memory_space<vmem>>) semaphore(%arg19 : memref<!tpu.dma_semaphore, #tpu.memory_space<semaphore_mem>>) {add = true}
    %dma_wait3A_71 = arith.constant 0 : i32
    %dma_wait3A_72 = arith.constant 0 : i32
    %dma_wait3A_73 = tpu.memref_slice %arg12[%dma_wait3A_71, %dma_wait3A_72] : memref<10240x128xf32, #tpu.memory_space<vmem_shared>> -> memref<10240x128xf32, #tpu.memory_space<vmem_shared>>
    tpu.wait_indirect_dma semaphore(%arg19 : memref<!tpu.dma_semaphore, #tpu.memory_space<semaphore_mem>>) src(%arg9 : memref<80x128xf32, #tpu.memory_space<vmem>>) dst(%dma_wait3A_73 : memref<10240x128xf32, #tpu.memory_space<vmem_shared>>)
    %add3A_74 = arith.constant 9840 : i32
    %add3A_75 = arith.addi %mul3A_0, %add3A_74 : i32
    %dma_start3A_76 = tpu.memref_slice %arg3[%add3A_75] : memref<320000xi32, #tpu.memory_space<hbm>> -> memref<80xi32, #tpu.memory_space<hbm>>
    %dma_start3A_77 = tpu.memref_slice %arg3[%add3A_75] : memref<320000xi32, #tpu.memory_space<hbm>> -> memref<80xi32, #tpu.memory_space<hbm>>
    tpu.enqueue_dma source(%dma_start3A_77 : memref<80xi32, #tpu.memory_space<hbm>>) target(%arg6 : memref<80xi32, #tpu.memory_space<vmem>>) target_semaphore(%arg16 : memref<!tpu.dma_semaphore, #tpu.memory_space<semaphore_mem>>)
    %dma_start3A_78 = arith.constant 9840 : i32
    %dma_start3A_79 = tpu.memref_slice %arg5[%dma_start3A_78] : memref<10000xi32, #tpu.memory_space<vmem>> -> memref<80xi32, #tpu.memory_space<vmem>>
    %dma_start3A_80 = arith.constant 0 : i32
    %dma_start3A_81 = arith.constant 0 : i32
    %dma_start3A_82 = tpu.memref_slice %arg2[%dma_start3A_80, %dma_start3A_81] : memref<40000x128xf32, #tpu.memory_space<hbm>> -> memref<40000x128xf32, #tpu.memory_space<hbm>>
    tpu.enqueue_indirect_dma source(%dma_start3A_82 : memref<40000x128xf32, #tpu.memory_space<hbm>>) target(%arg9 : memref<80x128xf32, #tpu.memory_space<vmem>>) offsets(%dma_start3A_79 : memref<80xi32, #tpu.memory_space<vmem>>) semaphore(%arg13 : memref<!tpu.dma_semaphore, #tpu.memory_space<semaphore_mem>>)
    %dma_wait3A_83 = arith.constant 9680 : i32
    %dma_wait3A_84 = tpu.memref_slice %arg5[%dma_wait3A_83] : memref<10000xi32, #tpu.memory_space<vmem>> -> memref<80xi32, #tpu.memory_space<vmem>>
    %dma_wait3A_85 = arith.constant 0 : i32
    %dma_wait3A_86 = arith.constant 0 : i32
    %dma_wait3A_87 = tpu.memref_slice %arg2[%dma_wait3A_85, %dma_wait3A_86] : memref<40000x128xf32, #tpu.memory_space<hbm>> -> memref<40000x128xf32, #tpu.memory_space<hbm>>
    tpu.wait_indirect_dma semaphore(%arg14 : memref<!tpu.dma_semaphore, #tpu.memory_space<semaphore_mem>>) src(%dma_wait3A_87 : memref<40000x128xf32, #tpu.memory_space<hbm>>) dst(%arg10 : memref<80x128xf32, #tpu.memory_space<vmem>>)
    %add3A_88 = arith.constant 9680 : i32
    %add3A_89 = arith.addi %mul3A_0, %add3A_88 : i32
    %dma_wait3A_90 = tpu.memref_slice %arg3[%add3A_89] : memref<320000xi32, #tpu.memory_space<hbm>> -> memref<80xi32, #tpu.memory_space<hbm>>
    %dma_wait3A_91 = tpu.memref_slice %arg3[%add3A_89] : memref<320000xi32, #tpu.memory_space<hbm>> -> memref<80xi32, #tpu.memory_space<hbm>>
    tpu.wait_dma2 semaphore(%arg17 : memref<!tpu.dma_semaphore, #tpu.memory_space<semaphore_mem>>) src(%dma_wait3A_91 : memref<80xi32, #tpu.memory_space<hbm>>) dst(%arg7 : memref<80xi32, #tpu.memory_space<vmem>>)
    %dma_start3A_92 = arith.constant 0 : i32
    %dma_start3A_93 = arith.constant 0 : i32
    %dma_start3A_94 = tpu.memref_slice %arg12[%dma_start3A_92, %dma_start3A_93] : memref<10240x128xf32, #tpu.memory_space<vmem_shared>> -> memref<10240x128xf32, #tpu.memory_space<vmem_shared>>
    tpu.enqueue_indirect_dma source(%arg10 : memref<80x128xf32, #tpu.memory_space<vmem>>) target(%dma_start3A_94 : memref<10240x128xf32, #tpu.memory_space<vmem_shared>>) offsets(%arg7 : memref<80xi32, #tpu.memory_space<vmem>>) semaphore(%arg20 : memref<!tpu.dma_semaphore, #tpu.memory_space<semaphore_mem>>) {add = true}
    %dma_wait3A_95 = arith.constant 0 : i32
    %dma_wait3A_96 = arith.constant 0 : i32
    %dma_wait3A_97 = tpu.memref_slice %arg12[%dma_wait3A_95, %dma_wait3A_96] : memref<10240x128xf32, #tpu.memory_space<vmem_shared>> -> memref<10240x128xf32, #tpu.memory_space<vmem_shared>>
    tpu.wait_indirect_dma semaphore(%arg20 : memref<!tpu.dma_semaphore, #tpu.memory_space<semaphore_mem>>) src(%arg10 : memref<80x128xf32, #tpu.memory_space<vmem>>) dst(%dma_wait3A_97 : memref<10240x128xf32, #tpu.memory_space<vmem_shared>>)
    %add3A_98 = arith.constant 9920 : i32
    %add3A_99 = arith.addi %mul3A_0, %add3A_98 : i32
    %dma_start3A_100 = tpu.memref_slice %arg3[%add3A_99] : memref<320000xi32, #tpu.memory_space<hbm>> -> memref<80xi32, #tpu.memory_space<hbm>>
    %dma_start3A_101 = tpu.memref_slice %arg3[%add3A_99] : memref<320000xi32, #tpu.memory_space<hbm>> -> memref<80xi32, #tpu.memory_space<hbm>>
    tpu.enqueue_dma source(%dma_start3A_101 : memref<80xi32, #tpu.memory_space<hbm>>) target(%arg7 : memref<80xi32, #tpu.memory_space<vmem>>) target_semaphore(%arg17 : memref<!tpu.dma_semaphore, #tpu.memory_space<semaphore_mem>>)
    %dma_start3A_102 = arith.constant 9920 : i32
    %dma_start3A_103 = tpu.memref_slice %arg5[%dma_start3A_102] : memref<10000xi32, #tpu.memory_space<vmem>> -> memref<80xi32, #tpu.memory_space<vmem>>
    %dma_start3A_104 = arith.constant 0 : i32
    %dma_start3A_105 = arith.constant 0 : i32
    %dma_start3A_106 = tpu.memref_slice %arg2[%dma_start3A_104, %dma_start3A_105] : memref<40000x128xf32, #tpu.memory_space<hbm>> -> memref<40000x128xf32, #tpu.memory_space<hbm>>
    tpu.enqueue_indirect_dma source(%dma_start3A_106 : memref<40000x128xf32, #tpu.memory_space<hbm>>) target(%arg10 : memref<80x128xf32, #tpu.memory_space<vmem>>) offsets(%dma_start3A_103 : memref<80xi32, #tpu.memory_space<vmem>>) semaphore(%arg14 : memref<!tpu.dma_semaphore, #tpu.memory_space<semaphore_mem>>)
    %dma_wait3A_107 = arith.constant 9760 : i32
    %dma_wait3A_108 = tpu.memref_slice %arg5[%dma_wait3A_107] : memref<10000xi32, #tpu.memory_space<vmem>> -> memref<80xi32, #tpu.memory_space<vmem>>
    %dma_wait3A_109 = arith.constant 0 : i32
    %dma_wait3A_110 = arith.constant 0 : i32
    %dma_wait3A_111 = tpu.memref_slice %arg2[%dma_wait3A_109, %dma_wait3A_110] : memref<40000x128xf32, #tpu.memory_space<hbm>> -> memref<40000x128xf32, #tpu.memory_space<hbm>>
    tpu.wait_indirect_dma semaphore(%arg15 : memref<!tpu.dma_semaphore, #tpu.memory_space<semaphore_mem>>) src(%dma_wait3A_111 : memref<40000x128xf32, #tpu.memory_space<hbm>>) dst(%arg11 : memref<80x128xf32, #tpu.memory_space<vmem>>)
    %add3A_112 = arith.constant 9760 : i32
    %add3A_113 = arith.addi %mul3A_0, %add3A_112 : i32
    %dma_wait3A_114 = tpu.memref_slice %arg3[%add3A_113] : memref<320000xi32, #tpu.memory_space<hbm>> -> memref<80xi32, #tpu.memory_space<hbm>>
    %dma_wait3A_115 = tpu.memref_slice %arg3[%add3A_113] : memref<320000xi32, #tpu.memory_space<hbm>> -> memref<80xi32, #tpu.memory_space<hbm>>
    tpu.wait_dma2 semaphore(%arg18 : memref<!tpu.dma_semaphore, #tpu.memory_space<semaphore_mem>>) src(%dma_wait3A_115 : memref<80xi32, #tpu.memory_space<hbm>>) dst(%arg8 : memref<80xi32, #tpu.memory_space<vmem>>)
    %dma_start3A_116 = arith.constant 0 : i32
    %dma_start3A_117 = arith.constant 0 : i32
    %dma_start3A_118 = tpu.memref_slice %arg12[%dma_start3A_116, %dma_start3A_117] : memref<10240x128xf32, #tpu.memory_space<vmem_shared>> -> memref<10240x128xf32, #tpu.memory_space<vmem_shared>>
    tpu.enqueue_indirect_dma source(%arg11 : memref<80x128xf32, #tpu.memory_space<vmem>>) target(%dma_start3A_118 : memref<10240x128xf32, #tpu.memory_space<vmem_shared>>) offsets(%arg8 : memref<80xi32, #tpu.memory_space<vmem>>) semaphore(%arg21 : memref<!tpu.dma_semaphore, #tpu.memory_space<semaphore_mem>>) {add = true}
    %dma_wait3A_119 = arith.constant 9840 : i32
    %dma_wait3A_120 = tpu.memref_slice %arg5[%dma_wait3A_119] : memref<10000xi32, #tpu.memory_space<vmem>> -> memref<80xi32, #tpu.memory_space<vmem>>
    %dma_wait3A_121 = arith.constant 0 : i32
    %dma_wait3A_122 = arith.constant 0 : i32
    %dma_wait3A_123 = tpu.memref_slice %arg2[%dma_wait3A_121, %dma_wait3A_122] : memref<40000x128xf32, #tpu.memory_space<hbm>> -> memref<40000x128xf32, #tpu.memory_space<hbm>>
    tpu.wait_indirect_dma semaphore(%arg13 : memref<!tpu.dma_semaphore, #tpu.memory_space<semaphore_mem>>) src(%dma_wait3A_123 : memref<40000x128xf32, #tpu.memory_space<hbm>>) dst(%arg9 : memref<80x128xf32, #tpu.memory_space<vmem>>)
    %add3A_124 = arith.constant 9840 : i32
    %add3A_125 = arith.addi %mul3A_0, %add3A_124 : i32
    %dma_wait3A_126 = tpu.memref_slice %arg3[%add3A_125] : memref<320000xi32, #tpu.memory_space<hbm>> -> memref<80xi32, #tpu.memory_space<hbm>>
    %dma_wait3A_127 = tpu.memref_slice %arg3[%add3A_125] : memref<320000xi32, #tpu.memory_space<hbm>> -> memref<80xi32, #tpu.memory_space<hbm>>
    tpu.wait_dma2 semaphore(%arg16 : memref<!tpu.dma_semaphore, #tpu.memory_space<semaphore_mem>>) src(%dma_wait3A_127 : memref<80xi32, #tpu.memory_space<hbm>>) dst(%arg6 : memref<80xi32, #tpu.memory_space<vmem>>)
    %dma_start3A_128 = arith.constant 0 : i32
    %dma_start3A_129 = arith.constant 0 : i32
    %dma_start3A_130 = tpu.memref_slice %arg12[%dma_start3A_128, %dma_start3A_129] : memref<10240x128xf32, #tpu.memory_space<vmem_shared>> -> memref<10240x128xf32, #tpu.memory_space<vmem_shared>>
    tpu.enqueue_indirect_dma source(%arg9 : memref<80x128xf32, #tpu.memory_space<vmem>>) target(%dma_start3A_130 : memref<10240x128xf32, #tpu.memory_space<vmem_shared>>) offsets(%arg6 : memref<80xi32, #tpu.memory_space<vmem>>) semaphore(%arg19 : memref<!tpu.dma_semaphore, #tpu.memory_space<semaphore_mem>>) {add = true}
    %dma_wait3A_131 = arith.constant 9920 : i32
    %dma_wait3A_132 = tpu.memref_slice %arg5[%dma_wait3A_131] : memref<10000xi32, #tpu.memory_space<vmem>> -> memref<80xi32, #tpu.memory_space<vmem>>
    %dma_wait3A_133 = arith.constant 0 : i32
    %dma_wait3A_134 = arith.constant 0 : i32
    %dma_wait3A_135 = tpu.memref_slice %arg2[%dma_wait3A_133, %dma_wait3A_134] : memref<40000x128xf32, #tpu.memory_space<hbm>> -> memref<40000x128xf32, #tpu.memory_space<hbm>>
    tpu.wait_indirect_dma semaphore(%arg14 : memref<!tpu.dma_semaphore, #tpu.memory_space<semaphore_mem>>) src(%dma_wait3A_135 : memref<40000x128xf32, #tpu.memory_space<hbm>>) dst(%arg10 : memref<80x128xf32, #tpu.memory_space<vmem>>)
    %add3A_136 = arith.constant 9920 : i32
    %add3A_137 = arith.addi %mul3A_0, %add3A_136 : i32
    %dma_wait3A_138 = tpu.memref_slice %arg3[%add3A_137] : memref<320000xi32, #tpu.memory_space<hbm>> -> memref<80xi32, #tpu.memory_space<hbm>>
    %dma_wait3A_139 = tpu.memref_slice %arg3[%add3A_137] : memref<320000xi32, #tpu.memory_space<hbm>> -> memref<80xi32, #tpu.memory_space<hbm>>
    tpu.wait_dma2 semaphore(%arg17 : memref<!tpu.dma_semaphore, #tpu.memory_space<semaphore_mem>>) src(%dma_wait3A_139 : memref<80xi32, #tpu.memory_space<hbm>>) dst(%arg7 : memref<80xi32, #tpu.memory_space<vmem>>)
    %dma_start3A_140 = arith.constant 0 : i32
    %dma_start3A_141 = arith.constant 0 : i32
    %dma_start3A_142 = tpu.memref_slice %arg12[%dma_start3A_140, %dma_start3A_141] : memref<10240x128xf32, #tpu.memory_space<vmem_shared>> -> memref<10240x128xf32, #tpu.memory_space<vmem_shared>>
    tpu.enqueue_indirect_dma source(%arg10 : memref<80x128xf32, #tpu.memory_space<vmem>>) target(%dma_start3A_142 : memref<10240x128xf32, #tpu.memory_space<vmem_shared>>) offsets(%arg7 : memref<80xi32, #tpu.memory_space<vmem>>) semaphore(%arg20 : memref<!tpu.dma_semaphore, #tpu.memory_space<semaphore_mem>>) {add = true}
    %dma_wait3A_143 = arith.constant 0 : i32
    %dma_wait3A_144 = arith.constant 0 : i32
    %dma_wait3A_145 = tpu.memref_slice %arg12[%dma_wait3A_143, %dma_wait3A_144] : memref<10240x128xf32, #tpu.memory_space<vmem_shared>> -> memref<10240x128xf32, #tpu.memory_space<vmem_shared>>
    tpu.wait_indirect_dma semaphore(%arg19 : memref<!tpu.dma_semaphore, #tpu.memory_space<semaphore_mem>>) src(%arg9 : memref<80x128xf32, #tpu.memory_space<vmem>>) dst(%dma_wait3A_145 : memref<10240x128xf32, #tpu.memory_space<vmem_shared>>)
    %dma_wait3A_146 = arith.constant 0 : i32
    %dma_wait3A_147 = arith.constant 0 : i32
    %dma_wait3A_148 = tpu.memref_slice %arg12[%dma_wait3A_146, %dma_wait3A_147] : memref<10240x128xf32, #tpu.memory_space<vmem_shared>> -> memref<10240x128xf32, #tpu.memory_space<vmem_shared>>
    tpu.wait_indirect_dma semaphore(%arg20 : memref<!tpu.dma_semaphore, #tpu.memory_space<semaphore_mem>>) src(%arg10 : memref<80x128xf32, #tpu.memory_space<vmem>>) dst(%dma_wait3A_148 : memref<10240x128xf32, #tpu.memory_space<vmem_shared>>)
    %dma_wait3A_149 = arith.constant 0 : i32
    %dma_wait3A_150 = arith.constant 0 : i32
    %dma_wait3A_151 = tpu.memref_slice %arg12[%dma_wait3A_149, %dma_wait3A_150] : memref<10240x128xf32, #tpu.memory_space<vmem_shared>> -> memref<10240x128xf32, #tpu.memory_space<vmem_shared>>
    tpu.wait_indirect_dma semaphore(%arg21 : memref<!tpu.dma_semaphore, #tpu.memory_space<semaphore_mem>>) src(%arg11 : memref<80x128xf32, #tpu.memory_space<vmem>>) dst(%dma_wait3A_151 : memref<10240x128xf32, #tpu.memory_space<vmem_shared>>)
    %barrier3A_152 = arith.constant 0 : index
    tpu.barrier barrier_id(%barrier3A_152)
    %mul3A_153 = arith.constant 10240 : i32
    %mul3A_154 = arith.muli %add3A_6, %mul3A_153 : i32
    %add3A_155 = arith.addi %mul3A_154, %mul3A_2 : i32
    %add3A_156 = arith.constant 0 : i32
    %add3A_157 = arith.addi %mul3A_2, %add3A_156 : i32
    "tpu.region"() ({
      %run_scoped3A = tpu.sem_alloc : memref<!tpu.dma_semaphore, #tpu.memory_space<semaphore_mem>>
      %dma_start3A_537 = arith.constant 0 : i32
      %dma_start3A_538 = tpu.memref_slice %arg12[%add3A_157, %dma_start3A_537] : memref<10240x128xf32, #tpu.memory_space<vmem_shared>> -> memref<80x128xf32, #tpu.memory_space<vmem_shared>>
      %dma_start3A_539 = arith.constant 0 : i32
      %dma_start3A_540 = tpu.memref_slice %arg12[%add3A_157, %dma_start3A_539] : memref<10240x128xf32, #tpu.memory_space<vmem_shared>> -> memref<80x128xf32, #tpu.memory_space<vmem_shared>>
      tpu.enqueue_dma source(%dma_start3A_540 : memref<80x128xf32, #tpu.memory_space<vmem_shared>>) target(%arg9 : memref<80x128xf32, #tpu.memory_space<vmem>>) target_semaphore(%run_scoped3A : memref<!tpu.dma_semaphore, #tpu.memory_space<semaphore_mem>>)
      %dma_wait3A_541 = arith.constant 0 : i32
      %dma_wait3A_542 = tpu.memref_slice %arg12[%add3A_157, %dma_wait3A_541] : memref<10240x128xf32, #tpu.memory_space<vmem_shared>> -> memref<80x128xf32, #tpu.memory_space<vmem_shared>>
      %dma_wait3A_543 = arith.constant 0 : i32
      %dma_wait3A_544 = tpu.memref_slice %arg12[%add3A_157, %dma_wait3A_543] : memref<10240x128xf32, #tpu.memory_space<vmem_shared>> -> memref<80x128xf32, #tpu.memory_space<vmem_shared>>
      tpu.wait_dma2 semaphore(%run_scoped3A : memref<!tpu.dma_semaphore, #tpu.memory_space<semaphore_mem>>) src(%dma_wait3A_544 : memref<80x128xf32, #tpu.memory_space<vmem_shared>>) dst(%arg9 : memref<80x128xf32, #tpu.memory_space<vmem>>)
      tpu.yield
    }) : () -> ()
    %add3A_158 = arith.constant 0 : i32
    %add3A_159 = arith.addi %add3A_155, %add3A_158 : i32
    %dma_start3A_160 = arith.constant 0 : i32
    %dma_start3A_161 = tpu.memref_slice %arg4[%add3A_159, %dma_start3A_160] : memref<40960x128xf32, #tpu.memory_space<hbm>> -> memref<80x128xf32, #tpu.memory_space<hbm>>
    %dma_start3A_162 = arith.constant 0 : i32
    %dma_start3A_163 = tpu.memref_slice %arg4[%add3A_159, %dma_start3A_162] : memref<40960x128xf32, #tpu.memory_space<hbm>> -> memref<80x128xf32, #tpu.memory_space<hbm>>
    tpu.enqueue_dma source(%arg9 : memref<80x128xf32, #tpu.memory_space<vmem>>) target(%dma_start3A_163 : memref<80x128xf32, #tpu.memory_space<hbm>>) target_semaphore(%arg22 : memref<!tpu.dma_semaphore, #tpu.memory_space<semaphore_mem>>)
    %add3A_164 = arith.constant 80 : i32
    %add3A_165 = arith.addi %mul3A_2, %add3A_164 : i32
    "tpu.region"() ({
      %run_scoped3A = tpu.sem_alloc : memref<!tpu.dma_semaphore, #tpu.memory_space<semaphore_mem>>
      %dma_start3A_537 = arith.constant 0 : i32
      %dma_start3A_538 = tpu.memref_slice %arg12[%add3A_165, %dma_start3A_537] : memref<10240x128xf32, #tpu.memory_space<vmem_shared>> -> memref<80x128xf32, #tpu.memory_space<vmem_shared>>
      %dma_start3A_539 = arith.constant 0 : i32
      %dma_start3A_540 = tpu.memref_slice %arg12[%add3A_165, %dma_start3A_539] : memref<10240x128xf32, #tpu.memory_space<vmem_shared>> -> memref<80x128xf32, #tpu.memory_space<vmem_shared>>
      tpu.enqueue_dma source(%dma_start3A_540 : memref<80x128xf32, #tpu.memory_space<vmem_shared>>) target(%arg10 : memref<80x128xf32, #tpu.memory_space<vmem>>) target_semaphore(%run_scoped3A : memref<!tpu.dma_semaphore, #tpu.memory_space<semaphore_mem>>)
      %dma_wait3A_541 = arith.constant 0 : i32
      %dma_wait3A_542 = tpu.memref_slice %arg12[%add3A_165, %dma_wait3A_541] : memref<10240x128xf32, #tpu.memory_space<vmem_shared>> -> memref<80x128xf32, #tpu.memory_space<vmem_shared>>
      %dma_wait3A_543 = arith.constant 0 : i32
      %dma_wait3A_544 = tpu.memref_slice %arg12[%add3A_165, %dma_wait3A_543] : memref<10240x128xf32, #tpu.memory_space<vmem_shared>> -> memref<80x128xf32, #tpu.memory_space<vmem_shared>>
      tpu.wait_dma2 semaphore(%run_scoped3A : memref<!tpu.dma_semaphore, #tpu.memory_space<semaphore_mem>>) src(%dma_wait3A_544 : memref<80x128xf32, #tpu.memory_space<vmem_shared>>) dst(%arg10 : memref<80x128xf32, #tpu.memory_space<vmem>>)
      tpu.yield
    }) : () -> ()
    %add3A_166 = arith.constant 80 : i32
    %add3A_167 = arith.addi %add3A_155, %add3A_166 : i32
    %dma_start3A_168 = arith.constant 0 : i32
    %dma_start3A_169 = tpu.memref_slice %arg4[%add3A_167, %dma_start3A_168] : memref<40960x128xf32, #tpu.memory_space<hbm>> -> memref<80x128xf32, #tpu.memory_space<hbm>>
    %dma_start3A_170 = arith.constant 0 : i32
    %dma_start3A_171 = tpu.memref_slice %arg4[%add3A_167, %dma_start3A_170] : memref<40960x128xf32, #tpu.memory_space<hbm>> -> memref<80x128xf32, #tpu.memory_space<hbm>>
    tpu.enqueue_dma source(%arg10 : memref<80x128xf32, #tpu.memory_space<vmem>>) target(%dma_start3A_171 : memref<80x128xf32, #tpu.memory_space<hbm>>) target_semaphore(%arg23 : memref<!tpu.dma_semaphore, #tpu.memory_space<semaphore_mem>>)
    %add3A_172 = arith.constant 0 : i32
    %add3A_173 = arith.addi %add3A_155, %add3A_172 : i32
    %dma_wait3A_174 = arith.constant 0 : i32
    %dma_wait3A_175 = tpu.memref_slice %arg4[%add3A_173, %dma_wait3A_174] : memref<40960x128xf32, #tpu.memory_space<hbm>> -> memref<80x128xf32, #tpu.memory_space<hbm>>
    %dma_wait3A_176 = arith.constant 0 : i32
    %dma_wait3A_177 = tpu.memref_slice %arg4[%add3A_173, %dma_wait3A_176] : memref<40960x128xf32, #tpu.memory_space<hbm>> -> memref<80x128xf32, #tpu.memory_space<hbm>>
    tpu.wait_dma2 semaphore(%arg22 : memref<!tpu.dma_semaphore, #tpu.memory_space<semaphore_mem>>) src(%arg9 : memref<80x128xf32, #tpu.memory_space<vmem>>) dst(%dma_wait3A_177 : memref<80x128xf32, #tpu.memory_space<hbm>>)
    %add3A_178 = arith.constant 160 : i32
    %add3A_179 = arith.addi %mul3A_2, %add3A_178 : i32
    "tpu.region"() ({
      %run_scoped3A = tpu.sem_alloc : memref<!tpu.dma_semaphore, #tpu.memory_space<semaphore_mem>>
      %dma_start3A_537 = arith.constant 0 : i32
      %dma_start3A_538 = tpu.memref_slice %arg12[%add3A_179, %dma_start3A_537] : memref<10240x128xf32, #tpu.memory_space<vmem_shared>> -> memref<80x128xf32, #tpu.memory_space<vmem_shared>>
      %dma_start3A_539 = arith.constant 0 : i32
      %dma_start3A_540 = tpu.memref_slice %arg12[%add3A_179, %dma_start3A_539] : memref<10240x128xf32, #tpu.memory_space<vmem_shared>> -> memref<80x128xf32, #tpu.memory_space<vmem_shared>>
      tpu.enqueue_dma source(%dma_start3A_540 : memref<80x128xf32, #tpu.memory_space<vmem_shared>>) target(%arg9 : memref<80x128xf32, #tpu.memory_space<vmem>>) target_semaphore(%run_scoped3A : memref<!tpu.dma_semaphore, #tpu.memory_space<semaphore_mem>>)
      %dma_wait3A_541 = arith.constant 0 : i32
      %dma_wait3A_542 = tpu.memref_slice %arg12[%add3A_179, %dma_wait3A_541] : memref<10240x128xf32, #tpu.memory_space<vmem_shared>> -> memref<80x128xf32, #tpu.memory_space<vmem_shared>>
      %dma_wait3A_543 = arith.constant 0 : i32
      %dma_wait3A_544 = tpu.memref_slice %arg12[%add3A_179, %dma_wait3A_543] : memref<10240x128xf32, #tpu.memory_space<vmem_shared>> -> memref<80x128xf32, #tpu.memory_space<vmem_shared>>
      tpu.wait_dma2 semaphore(%run_scoped3A : memref<!tpu.dma_semaphore, #tpu.memory_space<semaphore_mem>>) src(%dma_wait3A_544 : memref<80x128xf32, #tpu.memory_space<vmem_shared>>) dst(%arg9 : memref<80x128xf32, #tpu.memory_space<vmem>>)
      tpu.yield
    }) : () -> ()
    %add3A_180 = arith.constant 160 : i32
    %add3A_181 = arith.addi %add3A_155, %add3A_180 : i32
    %dma_start3A_182 = arith.constant 0 : i32
    %dma_start3A_183 = tpu.memref_slice %arg4[%add3A_181, %dma_start3A_182] : memref<40960x128xf32, #tpu.memory_space<hbm>> -> memref<80x128xf32, #tpu.memory_space<hbm>>
    %dma_start3A_184 = arith.constant 0 : i32
    %dma_start3A_185 = tpu.memref_slice %arg4[%add3A_181, %dma_start3A_184] : memref<40960x128xf32, #tpu.memory_space<hbm>> -> memref<80x128xf32, #tpu.memory_space<hbm>>
    tpu.enqueue_dma source(%arg9 : memref<80x128xf32, #tpu.memory_space<vmem>>) target(%dma_start3A_185 : memref<80x128xf32, #tpu.memory_space<hbm>>) target_semaphore(%arg22 : memref<!tpu.dma_semaphore, #tpu.memory_space<semaphore_mem>>)
    %add3A_186 = arith.constant 80 : i32
    %add3A_187 = arith.addi %add3A_155, %add3A_186 : i32
    %dma_wait3A_188 = arith.constant 0 : i32
    %dma_wait3A_189 = tpu.memref_slice %arg4[%add3A_187, %dma_wait3A_188] : memref<40960x128xf32, #tpu.memory_space<hbm>> -> memref<80x128xf32, #tpu.memory_space<hbm>>
    %dma_wait3A_190 = arith.constant 0 : i32
    %dma_wait3A_191 = tpu.memref_slice %arg4[%add3A_187, %dma_wait3A_190] : memref<40960x128xf32, #tpu.memory_space<hbm>> -> memref<80x128xf32, #tpu.memory_space<hbm>>
    tpu.wait_dma2 semaphore(%arg23 : memref<!tpu.dma_semaphore, #tpu.memory_space<semaphore_mem>>) src(%arg10 : memref<80x128xf32, #tpu.memory_space<vmem>>) dst(%dma_wait3A_191 : memref<80x128xf32, #tpu.memory_space<hbm>>)
    %add3A_192 = arith.constant 240 : i32
    %add3A_193 = arith.addi %mul3A_2, %add3A_192 : i32
    "tpu.region"() ({
      %run_scoped3A = tpu.sem_alloc : memref<!tpu.dma_semaphore, #tpu.memory_space<semaphore_mem>>
      %dma_start3A_537 = arith.constant 0 : i32
      %dma_start3A_538 = tpu.memref_slice %arg12[%add3A_193, %dma_start3A_537] : memref<10240x128xf32, #tpu.memory_space<vmem_shared>> -> memref<80x128xf32, #tpu.memory_space<vmem_shared>>
      %dma_start3A_539 = arith.constant 0 : i32
      %dma_start3A_540 = tpu.memref_slice %arg12[%add3A_193, %dma_start3A_539] : memref<10240x128xf32, #tpu.memory_space<vmem_shared>> -> memref<80x128xf32, #tpu.memory_space<vmem_shared>>
      tpu.enqueue_dma source(%dma_start3A_540 : memref<80x128xf32, #tpu.memory_space<vmem_shared>>) target(%arg10 : memref<80x128xf32, #tpu.memory_space<vmem>>) target_semaphore(%run_scoped3A : memref<!tpu.dma_semaphore, #tpu.memory_space<semaphore_mem>>)
      %dma_wait3A_541 = arith.constant 0 : i32
      %dma_wait3A_542 = tpu.memref_slice %arg12[%add3A_193, %dma_wait3A_541] : memref<10240x128xf32, #tpu.memory_space<vmem_shared>> -> memref<80x128xf32, #tpu.memory_space<vmem_shared>>
      %dma_wait3A_543 = arith.constant 0 : i32
      %dma_wait3A_544 = tpu.memref_slice %arg12[%add3A_193, %dma_wait3A_543] : memref<10240x128xf32, #tpu.memory_space<vmem_shared>> -> memref<80x128xf32, #tpu.memory_space<vmem_shared>>
      tpu.wait_dma2 semaphore(%run_scoped3A : memref<!tpu.dma_semaphore, #tpu.memory_space<semaphore_mem>>) src(%dma_wait3A_544 : memref<80x128xf32, #tpu.memory_space<vmem_shared>>) dst(%arg10 : memref<80x128xf32, #tpu.memory_space<vmem>>)
      tpu.yield
    }) : () -> ()
    %add3A_194 = arith.constant 240 : i32
    %add3A_195 = arith.addi %add3A_155, %add3A_194 : i32
    %dma_start3A_196 = arith.constant 0 : i32
    %dma_start3A_197 = tpu.memref_slice %arg4[%add3A_195, %dma_start3A_196] : memref<40960x128xf32, #tpu.memory_space<hbm>> -> memref<80x128xf32, #tpu.memory_space<hbm>>
    %dma_start3A_198 = arith.constant 0 : i32
    %dma_start3A_199 = tpu.memref_slice %arg4[%add3A_195, %dma_start3A_198] : memref<40960x128xf32, #tpu.memory_space<hbm>> -> memref<80x128xf32, #tpu.memory_space<hbm>>
    tpu.enqueue_dma source(%arg10 : memref<80x128xf32, #tpu.memory_space<vmem>>) target(%dma_start3A_199 : memref<80x128xf32, #tpu.memory_space<hbm>>) target_semaphore(%arg23 : memref<!tpu.dma_semaphore, #tpu.memory_space<semaphore_mem>>)
    %add3A_200 = arith.constant 160 : i32
    %add3A_201 = arith.addi %add3A_155, %add3A_200 : i32
    %dma_wait3A_202 = arith.constant 0 : i32
    %dma_wait3A_203 = tpu.memref_slice %arg4[%add3A_201, %dma_wait3A_202] : memref<40960x128xf32, #tpu.memory_space<hbm>> -> memref<80x128xf32, #tpu.memory_space<hbm>>
    %dma_wait3A_204 = arith.constant 0 : i32
    %dma_wait3A_205 = tpu.memref_slice %arg4[%add3A_201, %dma_wait3A_204] : memref<40960x128xf32, #tpu.memory_space<hbm>> -> memref<80x128xf32, #tpu.memory_space<hbm>>
    tpu.wait_dma2 semaphore(%arg22 : memref<!tpu.dma_semaphore, #tpu.memory_space<semaphore_mem>>) src(%arg9 : memref<80x128xf32, #tpu.memory_space<vmem>>) dst(%dma_wait3A_205 : memref<80x128xf32, #tpu.memory_space<hbm>>)
    %add3A_206 = arith.constant 320 : i32
    %add3A_207 = arith.addi %mul3A_2, %add3A_206 : i32
    "tpu.region"() ({
      %run_scoped3A = tpu.sem_alloc : memref<!tpu.dma_semaphore, #tpu.memory_space<semaphore_mem>>
      %dma_start3A_537 = arith.constant 0 : i32
      %dma_start3A_538 = tpu.memref_slice %arg12[%add3A_207, %dma_start3A_537] : memref<10240x128xf32, #tpu.memory_space<vmem_shared>> -> memref<80x128xf32, #tpu.memory_space<vmem_shared>>
      %dma_start3A_539 = arith.constant 0 : i32
      %dma_start3A_540 = tpu.memref_slice %arg12[%add3A_207, %dma_start3A_539] : memref<10240x128xf32, #tpu.memory_space<vmem_shared>> -> memref<80x128xf32, #tpu.memory_space<vmem_shared>>
      tpu.enqueue_dma source(%dma_start3A_540 : memref<80x128xf32, #tpu.memory_space<vmem_shared>>) target(%arg9 : memref<80x128xf32, #tpu.memory_space<vmem>>) target_semaphore(%run_scoped3A : memref<!tpu.dma_semaphore, #tpu.memory_space<semaphore_mem>>)
      %dma_wait3A_541 = arith.constant 0 : i32
      %dma_wait3A_542 = tpu.memref_slice %arg12[%add3A_207, %dma_wait3A_541] : memref<10240x128xf32, #tpu.memory_space<vmem_shared>> -> memref<80x128xf32, #tpu.memory_space<vmem_shared>>
      %dma_wait3A_543 = arith.constant 0 : i32
      %dma_wait3A_544 = tpu.memref_slice %arg12[%add3A_207, %dma_wait3A_543] : memref<10240x128xf32, #tpu.memory_space<vmem_shared>> -> memref<80x128xf32, #tpu.memory_space<vmem_shared>>
      tpu.wait_dma2 semaphore(%run_scoped3A : memref<!tpu.dma_semaphore, #tpu.memory_space<semaphore_mem>>) src(%dma_wait3A_544 : memref<80x128xf32, #tpu.memory_space<vmem_shared>>) dst(%arg9 : memref<80x128xf32, #tpu.memory_space<vmem>>)
      tpu.yield
    }) : () -> ()
    %add3A_208 = arith.constant 320 : i32
    %add3A_209 = arith.addi %add3A_155, %add3A_208 : i32
    %dma_start3A_210 = arith.constant 0 : i32
    %dma_start3A_211 = tpu.memref_slice %arg4[%add3A_209, %dma_start3A_210] : memref<40960x128xf32, #tpu.memory_space<hbm>> -> memref<80x128xf32, #tpu.memory_space<hbm>>
    %dma_start3A_212 = arith.constant 0 : i32
    %dma_start3A_213 = tpu.memref_slice %arg4[%add3A_209, %dma_start3A_212] : memref<40960x128xf32, #tpu.memory_space<hbm>> -> memref<80x128xf32, #tpu.memory_space<hbm>>
    tpu.enqueue_dma source(%arg9 : memref<80x128xf32, #tpu.memory_space<vmem>>) target(%dma_start3A_213 : memref<80x128xf32, #tpu.memory_space<hbm>>) target_semaphore(%arg22 : memref<!tpu.dma_semaphore, #tpu.memory_space<semaphore_mem>>)
    %add3A_214 = arith.constant 240 : i32
    %add3A_215 = arith.addi %add3A_155, %add3A_214 : i32
    %dma_wait3A_216 = arith.constant 0 : i32
    %dma_wait3A_217 = tpu.memref_slice %arg4[%add3A_215, %dma_wait3A_216] : memref<40960x128xf32, #tpu.memory_space<hbm>> -> memref<80x128xf32, #tpu.memory_space<hbm>>
    %dma_wait3A_218 = arith.constant 0 : i32
    %dma_wait3A_219 = tpu.memref_slice %arg4[%add3A_215, %dma_wait3A_218] : memref<40960x128xf32, #tpu.memory_space<hbm>> -> memref<80x128xf32, #tpu.memory_space<hbm>>
    tpu.wait_dma2 semaphore(%arg23 : memref<!tpu.dma_semaphore, #tpu.memory_space<semaphore_mem>>) src(%arg10 : memref<80x128xf32, #tpu.memory_space<vmem>>) dst(%dma_wait3A_219 : memref<80x128xf32, #tpu.memory_space<hbm>>)
    %add3A_220 = arith.constant 400 : i32
    %add3A_221 = arith.addi %mul3A_2, %add3A_220 : i32
    "tpu.region"() ({
      %run_scoped3A = tpu.sem_alloc : memref<!tpu.dma_semaphore, #tpu.memory_space<semaphore_mem>>
      %dma_start3A_537 = arith.constant 0 : i32
      %dma_start3A_538 = tpu.memref_slice %arg12[%add3A_221, %dma_start3A_537] : memref<10240x128xf32, #tpu.memory_space<vmem_shared>> -> memref<80x128xf32, #tpu.memory_space<vmem_shared>>
      %dma_start3A_539 = arith.constant 0 : i32
      %dma_start3A_540 = tpu.memref_slice %arg12[%add3A_221, %dma_start3A_539] : memref<10240x128xf32, #tpu.memory_space<vmem_shared>> -> memref<80x128xf32, #tpu.memory_space<vmem_shared>>
      tpu.enqueue_dma source(%dma_start3A_540 : memref<80x128xf32, #tpu.memory_space<vmem_shared>>) target(%arg10 : memref<80x128xf32, #tpu.memory_space<vmem>>) target_semaphore(%run_scoped3A : memref<!tpu.dma_semaphore, #tpu.memory_space<semaphore_mem>>)
      %dma_wait3A_541 = arith.constant 0 : i32
      %dma_wait3A_542 = tpu.memref_slice %arg12[%add3A_221, %dma_wait3A_541] : memref<10240x128xf32, #tpu.memory_space<vmem_shared>> -> memref<80x128xf32, #tpu.memory_space<vmem_shared>>
      %dma_wait3A_543 = arith.constant 0 : i32
      %dma_wait3A_544 = tpu.memref_slice %arg12[%add3A_221, %dma_wait3A_543] : memref<10240x128xf32, #tpu.memory_space<vmem_shared>> -> memref<80x128xf32, #tpu.memory_space<vmem_shared>>
      tpu.wait_dma2 semaphore(%run_scoped3A : memref<!tpu.dma_semaphore, #tpu.memory_space<semaphore_mem>>) src(%dma_wait3A_544 : memref<80x128xf32, #tpu.memory_space<vmem_shared>>) dst(%arg10 : memref<80x128xf32, #tpu.memory_space<vmem>>)
      tpu.yield
    }) : () -> ()
    %add3A_222 = arith.constant 400 : i32
    %add3A_223 = arith.addi %add3A_155, %add3A_222 : i32
    %dma_start3A_224 = arith.constant 0 : i32
    %dma_start3A_225 = tpu.memref_slice %arg4[%add3A_223, %dma_start3A_224] : memref<40960x128xf32, #tpu.memory_space<hbm>> -> memref<80x128xf32, #tpu.memory_space<hbm>>
    %dma_start3A_226 = arith.constant 0 : i32
    %dma_start3A_227 = tpu.memref_slice %arg4[%add3A_223, %dma_start3A_226] : memref<40960x128xf32, #tpu.memory_space<hbm>> -> memref<80x128xf32, #tpu.memory_space<hbm>>
    tpu.enqueue_dma source(%arg10 : memref<80x128xf32, #tpu.memory_space<vmem>>) target(%dma_start3A_227 : memref<80x128xf32, #tpu.memory_space<hbm>>) target_semaphore(%arg23 : memref<!tpu.dma_semaphore, #tpu.memory_space<semaphore_mem>>)
    %add3A_228 = arith.constant 320 : i32
    %add3A_229 = arith.addi %add3A_155, %add3A_228 : i32
    %dma_wait3A_230 = arith.constant 0 : i32
    %dma_wait3A_231 = tpu.memref_slice %arg4[%add3A_229, %dma_wait3A_230] : memref<40960x128xf32, #tpu.memory_space<hbm>> -> memref<80x128xf32, #tpu.memory_space<hbm>>
    %dma_wait3A_232 = arith.constant 0 : i32
    %dma_wait3A_233 = tpu.memref_slice %arg4[%add3A_229, %dma_wait3A_232] : memref<40960x128xf32, #tpu.memory_space<hbm>> -> memref<80x128xf32, #tpu.memory_space<hbm>>
    tpu.wait_dma2 semaphore(%arg22 : memref<!tpu.dma_semaphore, #tpu.memory_space<semaphore_mem>>) src(%arg9 : memref<80x128xf32, #tpu.memory_space<vmem>>) dst(%dma_wait3A_233 : memref<80x128xf32, #tpu.memory_space<hbm>>)
    %add3A_234 = arith.constant 480 : i32
    %add3A_235 = arith.addi %mul3A_2, %add3A_234 : i32
    "tpu.region"() ({
      %run_scoped3A = tpu.sem_alloc : memref<!tpu.dma_semaphore, #tpu.memory_space<semaphore_mem>>
      %dma_start3A_537 = arith.constant 0 : i32
      %dma_start3A_538 = tpu.memref_slice %arg12[%add3A_235, %dma_start3A_537] : memref<10240x128xf32, #tpu.memory_space<vmem_shared>> -> memref<80x128xf32, #tpu.memory_space<vmem_shared>>
      %dma_start3A_539 = arith.constant 0 : i32
      %dma_start3A_540 = tpu.memref_slice %arg12[%add3A_235, %dma_start3A_539] : memref<10240x128xf32, #tpu.memory_space<vmem_shared>> -> memref<80x128xf32, #tpu.memory_space<vmem_shared>>
      tpu.enqueue_dma source(%dma_start3A_540 : memref<80x128xf32, #tpu.memory_space<vmem_shared>>) target(%arg9 : memref<80x128xf32, #tpu.memory_space<vmem>>) target_semaphore(%run_scoped3A : memref<!tpu.dma_semaphore, #tpu.memory_space<semaphore_mem>>)
      %dma_wait3A_541 = arith.constant 0 : i32
      %dma_wait3A_542 = tpu.memref_slice %arg12[%add3A_235, %dma_wait3A_541] : memref<10240x128xf32, #tpu.memory_space<vmem_shared>> -> memref<80x128xf32, #tpu.memory_space<vmem_shared>>
      %dma_wait3A_543 = arith.constant 0 : i32
      %dma_wait3A_544 = tpu.memref_slice %arg12[%add3A_235, %dma_wait3A_543] : memref<10240x128xf32, #tpu.memory_space<vmem_shared>> -> memref<80x128xf32, #tpu.memory_space<vmem_shared>>
      tpu.wait_dma2 semaphore(%run_scoped3A : memref<!tpu.dma_semaphore, #tpu.memory_space<semaphore_mem>>) src(%dma_wait3A_544 : memref<80x128xf32, #tpu.memory_space<vmem_shared>>) dst(%arg9 : memref<80x128xf32, #tpu.memory_space<vmem>>)
      tpu.yield
    }) : () -> ()
    %add3A_236 = arith.constant 480 : i32
    %add3A_237 = arith.addi %add3A_155, %add3A_236 : i32
    %dma_start3A_238 = arith.constant 0 : i32
    %dma_start3A_239 = tpu.memref_slice %arg4[%add3A_237, %dma_start3A_238] : memref<40960x128xf32, #tpu.memory_space<hbm>> -> memref<80x128xf32, #tpu.memory_space<hbm>>
    %dma_start3A_240 = arith.constant 0 : i32
    %dma_start3A_241 = tpu.memref_slice %arg4[%add3A_237, %dma_start3A_240] : memref<40960x128xf32, #tpu.memory_space<hbm>> -> memref<80x128xf32, #tpu.memory_space<hbm>>
    tpu.enqueue_dma source(%arg9 : memref<80x128xf32, #tpu.memory_space<vmem>>) target(%dma_start3A_241 : memref<80x128xf32, #tpu.memory_space<hbm>>) target_semaphore(%arg22 : memref<!tpu.dma_semaphore, #tpu.memory_space<semaphore_mem>>)
    %add3A_242 = arith.constant 400 : i32
    %add3A_243 = arith.addi %add3A_155, %add3A_242 : i32
    %dma_wait3A_244 = arith.constant 0 : i32
    %dma_wait3A_245 = tpu.memref_slice %arg4[%add3A_243, %dma_wait3A_244] : memref<40960x128xf32, #tpu.memory_space<hbm>> -> memref<80x128xf32, #tpu.memory_space<hbm>>
    %dma_wait3A_246 = arith.constant 0 : i32
    %dma_wait3A_247 = tpu.memref_slice %arg4[%add3A_243, %dma_wait3A_246] : memref<40960x128xf32, #tpu.memory_space<hbm>> -> memref<80x128xf32, #tpu.memory_space<hbm>>
    tpu.wait_dma2 semaphore(%arg23 : memref<!tpu.dma_semaphore, #tpu.memory_space<semaphore_mem>>) src(%arg10 : memref<80x128xf32, #tpu.memory_space<vmem>>) dst(%dma_wait3A_247 : memref<80x128xf32, #tpu.memory_space<hbm>>)
    %add3A_248 = arith.constant 560 : i32
    %add3A_249 = arith.addi %mul3A_2, %add3A_248 : i32
    "tpu.region"() ({
      %run_scoped3A = tpu.sem_alloc : memref<!tpu.dma_semaphore, #tpu.memory_space<semaphore_mem>>
      %dma_start3A_537 = arith.constant 0 : i32
      %dma_start3A_538 = tpu.memref_slice %arg12[%add3A_249, %dma_start3A_537] : memref<10240x128xf32, #tpu.memory_space<vmem_shared>> -> memref<80x128xf32, #tpu.memory_space<vmem_shared>>
      %dma_start3A_539 = arith.constant 0 : i32
      %dma_start3A_540 = tpu.memref_slice %arg12[%add3A_249, %dma_start3A_539] : memref<10240x128xf32, #tpu.memory_space<vmem_shared>> -> memref<80x128xf32, #tpu.memory_space<vmem_shared>>
      tpu.enqueue_dma source(%dma_start3A_540 : memref<80x128xf32, #tpu.memory_space<vmem_shared>>) target(%arg10 : memref<80x128xf32, #tpu.memory_space<vmem>>) target_semaphore(%run_scoped3A : memref<!tpu.dma_semaphore, #tpu.memory_space<semaphore_mem>>)
      %dma_wait3A_541 = arith.constant 0 : i32
      %dma_wait3A_542 = tpu.memref_slice %arg12[%add3A_249, %dma_wait3A_541] : memref<10240x128xf32, #tpu.memory_space<vmem_shared>> -> memref<80x128xf32, #tpu.memory_space<vmem_shared>>
      %dma_wait3A_543 = arith.constant 0 : i32
      %dma_wait3A_544 = tpu.memref_slice %arg12[%add3A_249, %dma_wait3A_543] : memref<10240x128xf32, #tpu.memory_space<vmem_shared>> -> memref<80x128xf32, #tpu.memory_space<vmem_shared>>
      tpu.wait_dma2 semaphore(%run_scoped3A : memref<!tpu.dma_semaphore, #tpu.memory_space<semaphore_mem>>) src(%dma_wait3A_544 : memref<80x128xf32, #tpu.memory_space<vmem_shared>>) dst(%arg10 : memref<80x128xf32, #tpu.memory_space<vmem>>)
      tpu.yield
    }) : () -> ()
    %add3A_250 = arith.constant 560 : i32
    %add3A_251 = arith.addi %add3A_155, %add3A_250 : i32
    %dma_start3A_252 = arith.constant 0 : i32
    %dma_start3A_253 = tpu.memref_slice %arg4[%add3A_251, %dma_start3A_252] : memref<40960x128xf32, #tpu.memory_space<hbm>> -> memref<80x128xf32, #tpu.memory_space<hbm>>
    %dma_start3A_254 = arith.constant 0 : i32
    %dma_start3A_255 = tpu.memref_slice %arg4[%add3A_251, %dma_start3A_254] : memref<40960x128xf32, #tpu.memory_space<hbm>> -> memref<80x128xf32, #tpu.memory_space<hbm>>
    tpu.enqueue_dma source(%arg10 : memref<80x128xf32, #tpu.memory_space<vmem>>) target(%dma_start3A_255 : memref<80x128xf32, #tpu.memory_space<hbm>>) target_semaphore(%arg23 : memref<!tpu.dma_semaphore, #tpu.memory_space<semaphore_mem>>)
    %add3A_256 = arith.constant 480 : i32
    %add3A_257 = arith.addi %add3A_155, %add3A_256 : i32
    %dma_wait3A_258 = arith.constant 0 : i32
    %dma_wait3A_259 = tpu.memref_slice %arg4[%add3A_257, %dma_wait3A_258] : memref<40960x128xf32, #tpu.memory_space<hbm>> -> memref<80x128xf32, #tpu.memory_space<hbm>>
    %dma_wait3A_260 = arith.constant 0 : i32
    %dma_wait3A_261 = tpu.memref_slice %arg4[%add3A_257, %dma_wait3A_260] : memref<40960x128xf32, #tpu.memory_space<hbm>> -> memref<80x128xf32, #tpu.memory_space<hbm>>
    tpu.wait_dma2 semaphore(%arg22 : memref<!tpu.dma_semaphore, #tpu.memory_space<semaphore_mem>>) src(%arg9 : memref<80x128xf32, #tpu.memory_space<vmem>>) dst(%dma_wait3A_261 : memref<80x128xf32, #tpu.memory_space<hbm>>)
    %add3A_262 = arith.constant 560 : i32
    %add3A_263 = arith.addi %add3A_155, %add3A_262 : i32
    %dma_wait3A_264 = arith.constant 0 : i32
    %dma_wait3A_265 = tpu.memref_slice %arg4[%add3A_263, %dma_wait3A_264] : memref<40960x128xf32, #tpu.memory_space<hbm>> -> memref<80x128xf32, #tpu.memory_space<hbm>>
    %dma_wait3A_266 = arith.constant 0 : i32
    %dma_wait3A_267 = tpu.memref_slice %arg4[%add3A_263, %dma_wait3A_266] : memref<40960x128xf32, #tpu.memory_space<hbm>> -> memref<80x128xf32, #tpu.memory_space<hbm>>
    tpu.wait_dma2 semaphore(%arg23 : memref<!tpu.dma_semaphore, #tpu.memory_space<semaphore_mem>>) src(%arg10 : memref<80x128xf32, #tpu.memory_space<vmem>>) dst(%dma_wait3A_267 : memref<80x128xf32, #tpu.memory_space<hbm>>)
    %mul3A_268 = arith.constant 2 : i32
    %mul3A_269 = arith.muli %arg0, %mul3A_268 : i32
    %add3A_270 = arith.constant 1 : i32
    %add3A_271 = arith.addi %mul3A_269, %add3A_270 : i32
    %mul3A_272 = arith.constant 10000 : i32
    %mul3A_273 = arith.muli %add3A_271, %mul3A_272 : i32
    %scan3A_274 = arith.constant 0 : i32
    %scan3A_275 = arith.constant 0 : i32
    %scan3A_276 = arith.constant 80 : i32
    %scan3A_277 = arith.addi %scan3A_275, %scan3A_276 : i32
    %scan3A_278 = arith.constant 1 : i32
    scf.for %scan3A_537 = %scan3A_275 to %scan3A_277 step %scan3A_278  : i32 {
      %swap3A = arith.index_cast %scan3A_537 : i32 to index
      %swap3A_538 = arith.constant 0 : index
      %swap3A_539 = tpu.vector_load %arg11[%swap3A, %swap3A_538] {strides = array<i32>} : memref<80x128xf32, #tpu.memory_space<vmem>>, vector<1x16xf32>,
      %swap3A_540 = vector.shape_cast %swap3A_539 : vector<1x16xf32> to vector<16xf32>
      %swap3A_541 = vector.shape_cast %broadcast_in_dim3A_3 : vector<16xf32> to vector<1x16xf32>
      tpu.vector_store %arg11[%swap3A, %swap3A_538], %swap3A_541 {strides = array<i32>} : memref<80x128xf32, #tpu.memory_space<vmem>>, vector<1x16xf32>,
      %swap3A_542 = arith.index_cast %scan3A_537 : i32 to index
      %swap3A_543 = arith.constant 16 : index
      %swap3A_544 = tpu.vector_load %arg11[%swap3A_542, %swap3A_543] {strides = array<i32>} : memref<80x128xf32, #tpu.memory_space<vmem>>, vector<1x16xf32>,
      %swap3A_545 = vector.shape_cast %swap3A_544 : vector<1x16xf32> to vector<16xf32>
      %swap3A_546 = vector.shape_cast %broadcast_in_dim3A_3 : vector<16xf32> to vector<1x16xf32>
      tpu.vector_store %arg11[%swap3A_542, %swap3A_543], %swap3A_546 {strides = array<i32>} : memref<80x128xf32, #tpu.memory_space<vmem>>, vector<1x16xf32>,
      %swap3A_547 = arith.index_cast %scan3A_537 : i32 to index
      %swap3A_548 = arith.constant 32 : index
      %swap3A_549 = tpu.vector_load %arg11[%swap3A_547, %swap3A_548] {strides = array<i32>} : memref<80x128xf32, #tpu.memory_space<vmem>>, vector<1x16xf32>,
      %swap3A_550 = vector.shape_cast %swap3A_549 : vector<1x16xf32> to vector<16xf32>
      %swap3A_551 = vector.shape_cast %broadcast_in_dim3A_3 : vector<16xf32> to vector<1x16xf32>
      tpu.vector_store %arg11[%swap3A_547, %swap3A_548], %swap3A_551 {strides = array<i32>} : memref<80x128xf32, #tpu.memory_space<vmem>>, vector<1x16xf32>,
      %swap3A_552 = arith.index_cast %scan3A_537 : i32 to index
      %swap3A_553 = arith.constant 48 : index
      %swap3A_554 = tpu.vector_load %arg11[%swap3A_552, %swap3A_553] {strides = array<i32>} : memref<80x128xf32, #tpu.memory_space<vmem>>, vector<1x16xf32>,
      %swap3A_555 = vector.shape_cast %swap3A_554 : vector<1x16xf32> to vector<16xf32>
      %swap3A_556 = vector.shape_cast %broadcast_in_dim3A_3 : vector<16xf32> to vector<1x16xf32>
      tpu.vector_store %arg11[%swap3A_552, %swap3A_553], %swap3A_556 {strides = array<i32>} : memref<80x128xf32, #tpu.memory_space<vmem>>, vector<1x16xf32>,
      %swap3A_557 = arith.index_cast %scan3A_537 : i32 to index
      %swap3A_558 = arith.constant 64 : index
      %swap3A_559 = tpu.vector_load %arg11[%swap3A_557, %swap3A_558] {strides = array<i32>} : memref<80x128xf32, #tpu.memory_space<vmem>>, vector<1x16xf32>,
      %swap3A_560 = vector.shape_cast %swap3A_559 : vector<1x16xf32> to vector<16xf32>
      %swap3A_561 = vector.shape_cast %broadcast_in_dim3A_3 : vector<16xf32> to vector<1x16xf32>
      tpu.vector_store %arg11[%swap3A_557, %swap3A_558], %swap3A_561 {strides = array<i32>} : memref<80x128xf32, #tpu.memory_space<vmem>>, vector<1x16xf32>,
      %swap3A_562 = arith.index_cast %scan3A_537 : i32 to index
      %swap3A_563 = arith.constant 80 : index
      %swap3A_564 = tpu.vector_load %arg11[%swap3A_562, %swap3A_563] {strides = array<i32>} : memref<80x128xf32, #tpu.memory_space<vmem>>, vector<1x16xf32>,
      %swap3A_565 = vector.shape_cast %swap3A_564 : vector<1x16xf32> to vector<16xf32>
      %swap3A_566 = vector.shape_cast %broadcast_in_dim3A_3 : vector<16xf32> to vector<1x16xf32>
      tpu.vector_store %arg11[%swap3A_562, %swap3A_563], %swap3A_566 {strides = array<i32>} : memref<80x128xf32, #tpu.memory_space<vmem>>, vector<1x16xf32>,
      %swap3A_567 = arith.index_cast %scan3A_537 : i32 to index
      %swap3A_568 = arith.constant 96 : index
      %swap3A_569 = tpu.vector_load %arg11[%swap3A_567, %swap3A_568] {strides = array<i32>} : memref<80x128xf32, #tpu.memory_space<vmem>>, vector<1x16xf32>,
      %swap3A_570 = vector.shape_cast %swap3A_569 : vector<1x16xf32> to vector<16xf32>
      %swap3A_571 = vector.shape_cast %broadcast_in_dim3A_3 : vector<16xf32> to vector<1x16xf32>
      tpu.vector_store %arg11[%swap3A_567, %swap3A_568], %swap3A_571 {strides = array<i32>} : memref<80x128xf32, #tpu.memory_space<vmem>>, vector<1x16xf32>,
      %swap3A_572 = arith.index_cast %scan3A_537 : i32 to index
      %swap3A_573 = arith.constant 112 : index
      %swap3A_574 = tpu.vector_load %arg11[%swap3A_572, %swap3A_573] {strides = array<i32>} : memref<80x128xf32, #tpu.memory_space<vmem>>, vector<1x16xf32>,
      %swap3A_575 = vector.shape_cast %swap3A_574 : vector<1x16xf32> to vector<16xf32>
      %swap3A_576 = vector.shape_cast %broadcast_in_dim3A_3 : vector<16xf32> to vector<1x16xf32>
      tpu.vector_store %arg11[%swap3A_572, %swap3A_573], %swap3A_576 {strides = array<i32>} : memref<80x128xf32, #tpu.memory_space<vmem>>, vector<1x16xf32>,
    }
    %scan3A_279 = arith.constant 80 : i32
    %scan3A_280 = arith.constant 0 : i32
    %scan3A_281 = arith.constant 0 : i32
    %scan3A_282 = arith.constant 8 : i32
    %scan3A_283 = arith.addi %scan3A_281, %scan3A_282 : i32
    %scan3A_284 = arith.constant 1 : i32
    scf.for %scan3A_537 = %scan3A_281 to %scan3A_283 step %scan3A_284  : i32 {
      %mul3A_538 = arith.constant 80 : i32
      %mul3A_539 = arith.muli %scan3A_537, %mul3A_538 : i32
      %add3A_540 = arith.addi %mul3A_2, %mul3A_539 : i32
      "tpu.region"() ({
        %run_scoped3A = tpu.sem_alloc : memref<!tpu.dma_semaphore, #tpu.memory_space<semaphore_mem>>
        %dma_start3A_541 = arith.constant 0 : i32
        %dma_start3A_542 = tpu.memref_slice %arg12[%add3A_540, %dma_start3A_541] : memref<10240x128xf32, #tpu.memory_space<vmem_shared>> -> memref<80x128xf32, #tpu.memory_space<vmem_shared>>
        %dma_start3A_543 = arith.constant 0 : i32
        %dma_start3A_544 = tpu.memref_slice %arg12[%add3A_540, %dma_start3A_543] : memref<10240x128xf32, #tpu.memory_space<vmem_shared>> -> memref<80x128xf32, #tpu.memory_space<vmem_shared>>
        tpu.enqueue_dma source(%arg11 : memref<80x128xf32, #tpu.memory_space<vmem>>) target(%dma_start3A_544 : memref<80x128xf32, #tpu.memory_space<vmem_shared>>) target_semaphore(%run_scoped3A : memref<!tpu.dma_semaphore, #tpu.memory_space<semaphore_mem>>)
        %dma_wait3A_545 = arith.constant 0 : i32
        %dma_wait3A_546 = tpu.memref_slice %arg12[%add3A_540, %dma_wait3A_545] : memref<10240x128xf32, #tpu.memory_space<vmem_shared>> -> memref<80x128xf32, #tpu.memory_space<vmem_shared>>
        %dma_wait3A_547 = arith.constant 0 : i32
        %dma_wait3A_548 = tpu.memref_slice %arg12[%add3A_540, %dma_wait3A_547] : memref<10240x128xf32, #tpu.memory_space<vmem_shared>> -> memref<80x128xf32, #tpu.memory_space<vmem_shared>>
        tpu.wait_dma2 semaphore(%run_scoped3A : memref<!tpu.dma_semaphore, #tpu.memory_space<semaphore_mem>>) src(%arg11 : memref<80x128xf32, #tpu.memory_space<vmem>>) dst(%dma_wait3A_548 : memref<80x128xf32, #tpu.memory_space<vmem_shared>>)
        tpu.yield
      }) : () -> ()
    }
    %scan3A_285 = arith.constant 8 : i32
    %add3A_286 = arith.constant 160000 : i32
    %add3A_287 = arith.addi %add3A_286, %mul3A_0 : i32
    "tpu.region"() ({
      %run_scoped3A = tpu.sem_alloc : memref<!tpu.dma_semaphore, #tpu.memory_space<semaphore_mem>>
      %dma_start3A_537 = tpu.memref_slice %arg3[%add3A_287] : memref<320000xi32, #tpu.memory_space<hbm>> -> memref<10000xi32, #tpu.memory_space<hbm>>
      %dma_start3A_538 = tpu.memref_slice %arg3[%add3A_287] : memref<320000xi32, #tpu.memory_space<hbm>> -> memref<10000xi32, #tpu.memory_space<hbm>>
      tpu.enqueue_dma source(%dma_start3A_538 : memref<10000xi32, #tpu.memory_space<hbm>>) target(%arg5 : memref<10000xi32, #tpu.memory_space<vmem>>) target_semaphore(%run_scoped3A : memref<!tpu.dma_semaphore, #tpu.memory_space<semaphore_mem>>)
      %dma_wait3A_539 = tpu.memref_slice %arg3[%add3A_287] : memref<320000xi32, #tpu.memory_space<hbm>> -> memref<10000xi32, #tpu.memory_space<hbm>>
      %dma_wait3A_540 = tpu.memref_slice %arg3[%add3A_287] : memref<320000xi32, #tpu.memory_space<hbm>> -> memref<10000xi32, #tpu.memory_space<hbm>>
      tpu.wait_dma2 semaphore(%run_scoped3A : memref<!tpu.dma_semaphore, #tpu.memory_space<semaphore_mem>>) src(%dma_wait3A_540 : memref<10000xi32, #tpu.memory_space<hbm>>) dst(%arg5 : memref<10000xi32, #tpu.memory_space<vmem>>)
      tpu.yield
    }) : () -> ()
    %scan3A_288 = arith.constant 0 : i32
    %scan3A_289 = arith.constant 0 : i32
    %scan3A_290 = arith.constant 625 : i32
    %scan3A_291 = arith.addi %scan3A_289, %scan3A_290 : i32
    %scan3A_292 = arith.constant 1 : i32
    scf.for %scan3A_537 = %scan3A_289 to %scan3A_291 step %scan3A_292  : i32 {
      %mul3A_538 = arith.constant 16 : i32
      %mul3A_539 = arith.muli %scan3A_537, %mul3A_538 : i32
      %get3A = arith.index_cast %mul3A_539 : i32 to index
      %get3A_540 = tpu.vector_load %arg5[%get3A] {strides = array<i32>} : memref<10000xi32, #tpu.memory_space<vmem>>, vector<16xi32>,
      %get3A_541 = vector.shape_cast %get3A_540 : vector<16xi32> to vector<16xi32>
      %add3A_542 = vector.broadcast %mul3A_273 : i32 to vector<16xi32>
      %add3A_543 = arith.addi %get3A_541, %add3A_542 : vector<16xi32>
      %swap3A = arith.index_cast %mul3A_539 : i32 to index
      %swap3A_544 = tpu.vector_load %arg5[%swap3A] {strides = array<i32>} : memref<10000xi32, #tpu.memory_space<vmem>>, vector<16xi32>,
      %swap3A_545 = vector.shape_cast %swap3A_544 : vector<16xi32> to vector<16xi32>
      %swap3A_546 = vector.shape_cast %add3A_543 : vector<16xi32> to vector<16xi32>
      tpu.vector_store %arg5[%swap3A], %swap3A_546 {strides = array<i32>} : memref<10000xi32, #tpu.memory_space<vmem>>, vector<16xi32>,
    }
    %scan3A_293 = arith.constant 625 : i32
    %barrier3A_294 = arith.constant 0 : index
    tpu.barrier barrier_id(%barrier3A_294)
    %add3A_295 = arith.constant 0 : i32
    %add3A_296 = arith.addi %mul3A_0, %add3A_295 : i32
    %dma_start3A_297 = tpu.memref_slice %arg3[%add3A_296] : memref<320000xi32, #tpu.memory_space<hbm>> -> memref<80xi32, #tpu.memory_space<hbm>>
    %dma_start3A_298 = tpu.memref_slice %arg3[%add3A_296] : memref<320000xi32, #tpu.memory_space<hbm>> -> memref<80xi32, #tpu.memory_space<hbm>>
    tpu.enqueue_dma source(%dma_start3A_298 : memref<80xi32, #tpu.memory_space<hbm>>) target(%arg6 : memref<80xi32, #tpu.memory_space<vmem>>) target_semaphore(%arg16 : memref<!tpu.dma_semaphore, #tpu.memory_space<semaphore_mem>>)
    %dma_start3A_299 = arith.constant 0 : i32
    %dma_start3A_300 = tpu.memref_slice %arg5[%dma_start3A_299] : memref<10000xi32, #tpu.memory_space<vmem>> -> memref<80xi32, #tpu.memory_space<vmem>>
    %dma_start3A_301 = arith.constant 0 : i32
    %dma_start3A_302 = arith.constant 0 : i32
    %dma_start3A_303 = tpu.memref_slice %arg2[%dma_start3A_301, %dma_start3A_302] : memref<40000x128xf32, #tpu.memory_space<hbm>> -> memref<40000x128xf32, #tpu.memory_space<hbm>>
    tpu.enqueue_indirect_dma source(%dma_start3A_303 : memref<40000x128xf32, #tpu.memory_space<hbm>>) target(%arg9 : memref<80x128xf32, #tpu.memory_space<vmem>>) offsets(%dma_start3A_300 : memref<80xi32, #tpu.memory_space<vmem>>) semaphore(%arg13 : memref<!tpu.dma_semaphore, #tpu.memory_space<semaphore_mem>>)
    %add3A_304 = arith.constant 80 : i32
    %add3A_305 = arith.addi %mul3A_0, %add3A_304 : i32
    %dma_start3A_306 = tpu.memref_slice %arg3[%add3A_305] : memref<320000xi32, #tpu.memory_space<hbm>> -> memref<80xi32, #tpu.memory_space<hbm>>
    %dma_start3A_307 = tpu.memref_slice %arg3[%add3A_305] : memref<320000xi32, #tpu.memory_space<hbm>> -> memref<80xi32, #tpu.memory_space<hbm>>
    tpu.enqueue_dma source(%dma_start3A_307 : memref<80xi32, #tpu.memory_space<hbm>>) target(%arg7 : memref<80xi32, #tpu.memory_space<vmem>>) target_semaphore(%arg17 : memref<!tpu.dma_semaphore, #tpu.memory_space<semaphore_mem>>)
    %dma_start3A_308 = arith.constant 80 : i32
    %dma_start3A_309 = tpu.memref_slice %arg5[%dma_start3A_308] : memref<10000xi32, #tpu.memory_space<vmem>> -> memref<80xi32, #tpu.memory_space<vmem>>
    %dma_start3A_310 = arith.constant 0 : i32
    %dma_start3A_311 = arith.constant 0 : i32
    %dma_start3A_312 = tpu.memref_slice %arg2[%dma_start3A_310, %dma_start3A_311] : memref<40000x128xf32, #tpu.memory_space<hbm>> -> memref<40000x128xf32, #tpu.memory_space<hbm>>
    tpu.enqueue_indirect_dma source(%dma_start3A_312 : memref<40000x128xf32, #tpu.memory_space<hbm>>) target(%arg10 : memref<80x128xf32, #tpu.memory_space<vmem>>) offsets(%dma_start3A_309 : memref<80xi32, #tpu.memory_space<vmem>>) semaphore(%arg14 : memref<!tpu.dma_semaphore, #tpu.memory_space<semaphore_mem>>)
    %add3A_313 = arith.constant 160 : i32
    %add3A_314 = arith.addi %mul3A_0, %add3A_313 : i32
    %dma_start3A_315 = tpu.memref_slice %arg3[%add3A_314] : memref<320000xi32, #tpu.memory_space<hbm>> -> memref<80xi32, #tpu.memory_space<hbm>>
    %dma_start3A_316 = tpu.memref_slice %arg3[%add3A_314] : memref<320000xi32, #tpu.memory_space<hbm>> -> memref<80xi32, #tpu.memory_space<hbm>>
    tpu.enqueue_dma source(%dma_start3A_316 : memref<80xi32, #tpu.memory_space<hbm>>) target(%arg8 : memref<80xi32, #tpu.memory_space<vmem>>) target_semaphore(%arg18 : memref<!tpu.dma_semaphore, #tpu.memory_space<semaphore_mem>>)
    %dma_start3A_317 = arith.constant 160 : i32
    %dma_start3A_318 = tpu.memref_slice %arg5[%dma_start3A_317] : memref<10000xi32, #tpu.memory_space<vmem>> -> memref<80xi32, #tpu.memory_space<vmem>>
    %dma_start3A_319 = arith.constant 0 : i32
    %dma_start3A_320 = arith.constant 0 : i32
    %dma_start3A_321 = tpu.memref_slice %arg2[%dma_start3A_319, %dma_start3A_320] : memref<40000x128xf32, #tpu.memory_space<hbm>> -> memref<40000x128xf32, #tpu.memory_space<hbm>>
    tpu.enqueue_indirect_dma source(%dma_start3A_321 : memref<40000x128xf32, #tpu.memory_space<hbm>>) target(%arg11 : memref<80x128xf32, #tpu.memory_space<vmem>>) offsets(%dma_start3A_318 : memref<80xi32, #tpu.memory_space<vmem>>) semaphore(%arg15 : memref<!tpu.dma_semaphore, #tpu.memory_space<semaphore_mem>>)
    %scan3A_322 = arith.constant 0 : i32
    %scan3A_323 = arith.constant 0 : i32
    %scan3A_324 = arith.constant 40 : i32
    %scan3A_325 = arith.addi %scan3A_323, %scan3A_324 : i32
    %scan3A_326 = arith.constant 1 : i32
    scf.for %scan3A_537 = %scan3A_323 to %scan3A_325 step %scan3A_326  : i32 {
      %mul3A_538 = arith.constant 3 : i32
      %mul3A_539 = arith.muli %mul3A_538, %scan3A_537 : i32
      %mul3A_540 = arith.constant 80 : i32
      %mul3A_541 = arith.muli %mul3A_539, %mul3A_540 : i32
      %dma_wait3A_542 = tpu.memref_slice %arg5[%mul3A_541] : memref<10000xi32, #tpu.memory_space<vmem>> -> memref<80xi32, #tpu.memory_space<vmem>>
      %dma_wait3A_543 = arith.constant 0 : i32
      %dma_wait3A_544 = arith.constant 0 : i32
      %dma_wait3A_545 = tpu.memref_slice %arg2[%dma_wait3A_543, %dma_wait3A_544] : memref<40000x128xf32, #tpu.memory_space<hbm>> -> memref<40000x128xf32, #tpu.memory_space<hbm>>
      tpu.wait_indirect_dma semaphore(%arg13 : memref<!tpu.dma_semaphore, #tpu.memory_space<semaphore_mem>>) src(%dma_wait3A_545 : memref<40000x128xf32, #tpu.memory_space<hbm>>) dst(%arg9 : memref<80x128xf32, #tpu.memory_space<vmem>>)
      %mul3A_546 = arith.constant 80 : i32
      %mul3A_547 = arith.muli %mul3A_539, %mul3A_546 : i32
      %add3A_548 = arith.addi %mul3A_0, %mul3A_547 : i32
      %dma_wait3A_549 = tpu.memref_slice %arg3[%add3A_548] : memref<320000xi32, #tpu.memory_space<hbm>> -> memref<80xi32, #tpu.memory_space<hbm>>
      %dma_wait3A_550 = tpu.memref_slice %arg3[%add3A_548] : memref<320000xi32, #tpu.memory_space<hbm>> -> memref<80xi32, #tpu.memory_space<hbm>>
      tpu.wait_dma2 semaphore(%arg16 : memref<!tpu.dma_semaphore, #tpu.memory_space<semaphore_mem>>) src(%dma_wait3A_550 : memref<80xi32, #tpu.memory_space<hbm>>) dst(%arg6 : memref<80xi32, #tpu.memory_space<vmem>>)
      %dma_start3A_551 = arith.constant 0 : i32
      %dma_start3A_552 = arith.constant 0 : i32
      %dma_start3A_553 = tpu.memref_slice %arg12[%dma_start3A_551, %dma_start3A_552] : memref<10240x128xf32, #tpu.memory_space<vmem_shared>> -> memref<10240x128xf32, #tpu.memory_space<vmem_shared>>
      tpu.enqueue_indirect_dma source(%arg9 : memref<80x128xf32, #tpu.memory_space<vmem>>) target(%dma_start3A_553 : memref<10240x128xf32, #tpu.memory_space<vmem_shared>>) offsets(%arg6 : memref<80xi32, #tpu.memory_space<vmem>>) semaphore(%arg19 : memref<!tpu.dma_semaphore, #tpu.memory_space<semaphore_mem>>) {add = true}
      %add3A_554 = arith.constant 3 : i32
      %add3A_555 = arith.addi %mul3A_539, %add3A_554 : i32
      %dma_wait3A_556 = arith.constant 0 : i32
      %dma_wait3A_557 = arith.constant 0 : i32
      %dma_wait3A_558 = tpu.memref_slice %arg12[%dma_wait3A_556, %dma_wait3A_557] : memref<10240x128xf32, #tpu.memory_space<vmem_shared>> -> memref<10240x128xf32, #tpu.memory_space<vmem_shared>>
      tpu.wait_indirect_dma semaphore(%arg19 : memref<!tpu.dma_semaphore, #tpu.memory_space<semaphore_mem>>) src(%arg9 : memref<80x128xf32, #tpu.memory_space<vmem>>) dst(%dma_wait3A_558 : memref<10240x128xf32, #tpu.memory_space<vmem_shared>>)
      %mul3A_559 = arith.constant 80 : i32
      %mul3A_560 = arith.muli %add3A_555, %mul3A_559 : i32
      %add3A_561 = arith.addi %mul3A_0, %mul3A_560 : i32
      %dma_start3A_562 = tpu.memref_slice %arg3[%add3A_561] : memref<320000xi32, #tpu.memory_space<hbm>> -> memref<80xi32, #tpu.memory_space<hbm>>
      %dma_start3A_563 = tpu.memref_slice %arg3[%add3A_561] : memref<320000xi32, #tpu.memory_space<hbm>> -> memref<80xi32, #tpu.memory_space<hbm>>
      tpu.enqueue_dma source(%dma_start3A_563 : memref<80xi32, #tpu.memory_space<hbm>>) target(%arg6 : memref<80xi32, #tpu.memory_space<vmem>>) target_semaphore(%arg16 : memref<!tpu.dma_semaphore, #tpu.memory_space<semaphore_mem>>)
      %mul3A_564 = arith.constant 80 : i32
      %mul3A_565 = arith.muli %add3A_555, %mul3A_564 : i32
      %dma_start3A_566 = tpu.memref_slice %arg5[%mul3A_565] : memref<10000xi32, #tpu.memory_space<vmem>> -> memref<80xi32, #tpu.memory_space<vmem>>
      %dma_start3A_567 = arith.constant 0 : i32
      %dma_start3A_568 = arith.constant 0 : i32
      %dma_start3A_569 = tpu.memref_slice %arg2[%dma_start3A_567, %dma_start3A_568] : memref<40000x128xf32, #tpu.memory_space<hbm>> -> memref<40000x128xf32, #tpu.memory_space<hbm>>
      tpu.enqueue_indirect_dma source(%dma_start3A_569 : memref<40000x128xf32, #tpu.memory_space<hbm>>) target(%arg9 : memref<80x128xf32, #tpu.memory_space<vmem>>) offsets(%dma_start3A_566 : memref<80xi32, #tpu.memory_space<vmem>>) semaphore(%arg13 : memref<!tpu.dma_semaphore, #tpu.memory_space<semaphore_mem>>)
      %add3A_570 = arith.constant 1 : i32
      %add3A_571 = arith.addi %mul3A_539, %add3A_570 : i32
      %mul3A_572 = arith.constant 80 : i32
      %mul3A_573 = arith.muli %add3A_571, %mul3A_572 : i32
      %dma_wait3A_574 = tpu.memref_slice %arg5[%mul3A_573] : memref<10000xi32, #tpu.memory_space<vmem>> -> memref<80xi32, #tpu.memory_space<vmem>>
      %dma_wait3A_575 = arith.constant 0 : i32
      %dma_wait3A_576 = arith.constant 0 : i32
      %dma_wait3A_577 = tpu.memref_slice %arg2[%dma_wait3A_575, %dma_wait3A_576] : memref<40000x128xf32, #tpu.memory_space<hbm>> -> memref<40000x128xf32, #tpu.memory_space<hbm>>
      tpu.wait_indirect_dma semaphore(%arg14 : memref<!tpu.dma_semaphore, #tpu.memory_space<semaphore_mem>>) src(%dma_wait3A_577 : memref<40000x128xf32, #tpu.memory_space<hbm>>) dst(%arg10 : memref<80x128xf32, #tpu.memory_space<vmem>>)
      %mul3A_578 = arith.constant 80 : i32
      %mul3A_579 = arith.muli %add3A_571, %mul3A_578 : i32
      %add3A_580 = arith.addi %mul3A_0, %mul3A_579 : i32
      %dma_wait3A_581 = tpu.memref_slice %arg3[%add3A_580] : memref<320000xi32, #tpu.memory_space<hbm>> -> memref<80xi32, #tpu.memory_space<hbm>>
      %dma_wait3A_582 = tpu.memref_slice %arg3[%add3A_580] : memref<320000xi32, #tpu.memory_space<hbm>> -> memref<80xi32, #tpu.memory_space<hbm>>
      tpu.wait_dma2 semaphore(%arg17 : memref<!tpu.dma_semaphore, #tpu.memory_space<semaphore_mem>>) src(%dma_wait3A_582 : memref<80xi32, #tpu.memory_space<hbm>>) dst(%arg7 : memref<80xi32, #tpu.memory_space<vmem>>)
      %dma_start3A_583 = arith.constant 0 : i32
      %dma_start3A_584 = arith.constant 0 : i32
      %dma_start3A_585 = tpu.memref_slice %arg12[%dma_start3A_583, %dma_start3A_584] : memref<10240x128xf32, #tpu.memory_space<vmem_shared>> -> memref<10240x128xf32, #tpu.memory_space<vmem_shared>>
      tpu.enqueue_indirect_dma source(%arg10 : memref<80x128xf32, #tpu.memory_space<vmem>>) target(%dma_start3A_585 : memref<10240x128xf32, #tpu.memory_space<vmem_shared>>) offsets(%arg7 : memref<80xi32, #tpu.memory_space<vmem>>) semaphore(%arg20 : memref<!tpu.dma_semaphore, #tpu.memory_space<semaphore_mem>>) {add = true}
      %add3A_586 = arith.constant 4 : i32
      %add3A_587 = arith.addi %mul3A_539, %add3A_586 : i32
      %dma_wait3A_588 = arith.constant 0 : i32
      %dma_wait3A_589 = arith.constant 0 : i32
      %dma_wait3A_590 = tpu.memref_slice %arg12[%dma_wait3A_588, %dma_wait3A_589] : memref<10240x128xf32, #tpu.memory_space<vmem_shared>> -> memref<10240x128xf32, #tpu.memory_space<vmem_shared>>
      tpu.wait_indirect_dma semaphore(%arg20 : memref<!tpu.dma_semaphore, #tpu.memory_space<semaphore_mem>>) src(%arg10 : memref<80x128xf32, #tpu.memory_space<vmem>>) dst(%dma_wait3A_590 : memref<10240x128xf32, #tpu.memory_space<vmem_shared>>)
      %mul3A_591 = arith.constant 80 : i32
      %mul3A_592 = arith.muli %add3A_587, %mul3A_591 : i32
      %add3A_593 = arith.addi %mul3A_0, %mul3A_592 : i32
      %dma_start3A_594 = tpu.memref_slice %arg3[%add3A_593] : memref<320000xi32, #tpu.memory_space<hbm>> -> memref<80xi32, #tpu.memory_space<hbm>>
      %dma_start3A_595 = tpu.memref_slice %arg3[%add3A_593] : memref<320000xi32, #tpu.memory_space<hbm>> -> memref<80xi32, #tpu.memory_space<hbm>>
      tpu.enqueue_dma source(%dma_start3A_595 : memref<80xi32, #tpu.memory_space<hbm>>) target(%arg7 : memref<80xi32, #tpu.memory_space<vmem>>) target_semaphore(%arg17 : memref<!tpu.dma_semaphore, #tpu.memory_space<semaphore_mem>>)
      %mul3A_596 = arith.constant 80 : i32
      %mul3A_597 = arith.muli %add3A_587, %mul3A_596 : i32
      %dma_start3A_598 = tpu.memref_slice %arg5[%mul3A_597] : memref<10000xi32, #tpu.memory_space<vmem>> -> memref<80xi32, #tpu.memory_space<vmem>>
      %dma_start3A_599 = arith.constant 0 : i32
      %dma_start3A_600 = arith.constant 0 : i32
      %dma_start3A_601 = tpu.memref_slice %arg2[%dma_start3A_599, %dma_start3A_600] : memref<40000x128xf32, #tpu.memory_space<hbm>> -> memref<40000x128xf32, #tpu.memory_space<hbm>>
      tpu.enqueue_indirect_dma source(%dma_start3A_601 : memref<40000x128xf32, #tpu.memory_space<hbm>>) target(%arg10 : memref<80x128xf32, #tpu.memory_space<vmem>>) offsets(%dma_start3A_598 : memref<80xi32, #tpu.memory_space<vmem>>) semaphore(%arg14 : memref<!tpu.dma_semaphore, #tpu.memory_space<semaphore_mem>>)
      %add3A_602 = arith.constant 2 : i32
      %add3A_603 = arith.addi %mul3A_539, %add3A_602 : i32
      %mul3A_604 = arith.constant 80 : i32
      %mul3A_605 = arith.muli %add3A_603, %mul3A_604 : i32
      %dma_wait3A_606 = tpu.memref_slice %arg5[%mul3A_605] : memref<10000xi32, #tpu.memory_space<vmem>> -> memref<80xi32, #tpu.memory_space<vmem>>
      %dma_wait3A_607 = arith.constant 0 : i32
      %dma_wait3A_608 = arith.constant 0 : i32
      %dma_wait3A_609 = tpu.memref_slice %arg2[%dma_wait3A_607, %dma_wait3A_608] : memref<40000x128xf32, #tpu.memory_space<hbm>> -> memref<40000x128xf32, #tpu.memory_space<hbm>>
      tpu.wait_indirect_dma semaphore(%arg15 : memref<!tpu.dma_semaphore, #tpu.memory_space<semaphore_mem>>) src(%dma_wait3A_609 : memref<40000x128xf32, #tpu.memory_space<hbm>>) dst(%arg11 : memref<80x128xf32, #tpu.memory_space<vmem>>)
      %mul3A_610 = arith.constant 80 : i32
      %mul3A_611 = arith.muli %add3A_603, %mul3A_610 : i32
      %add3A_612 = arith.addi %mul3A_0, %mul3A_611 : i32
      %dma_wait3A_613 = tpu.memref_slice %arg3[%add3A_612] : memref<320000xi32, #tpu.memory_space<hbm>> -> memref<80xi32, #tpu.memory_space<hbm>>
      %dma_wait3A_614 = tpu.memref_slice %arg3[%add3A_612] : memref<320000xi32, #tpu.memory_space<hbm>> -> memref<80xi32, #tpu.memory_space<hbm>>
      tpu.wait_dma2 semaphore(%arg18 : memref<!tpu.dma_semaphore, #tpu.memory_space<semaphore_mem>>) src(%dma_wait3A_614 : memref<80xi32, #tpu.memory_space<hbm>>) dst(%arg8 : memref<80xi32, #tpu.memory_space<vmem>>)
      %dma_start3A_615 = arith.constant 0 : i32
      %dma_start3A_616 = arith.constant 0 : i32
      %dma_start3A_617 = tpu.memref_slice %arg12[%dma_start3A_615, %dma_start3A_616] : memref<10240x128xf32, #tpu.memory_space<vmem_shared>> -> memref<10240x128xf32, #tpu.memory_space<vmem_shared>>
      tpu.enqueue_indirect_dma source(%arg11 : memref<80x128xf32, #tpu.memory_space<vmem>>) target(%dma_start3A_617 : memref<10240x128xf32, #tpu.memory_space<vmem_shared>>) offsets(%arg8 : memref<80xi32, #tpu.memory_space<vmem>>) semaphore(%arg21 : memref<!tpu.dma_semaphore, #tpu.memory_space<semaphore_mem>>) {add = true}
      %add3A_618 = arith.constant 5 : i32
      %add3A_619 = arith.addi %mul3A_539, %add3A_618 : i32
      %dma_wait3A_620 = arith.constant 0 : i32
      %dma_wait3A_621 = arith.constant 0 : i32
      %dma_wait3A_622 = tpu.memref_slice %arg12[%dma_wait3A_620, %dma_wait3A_621] : memref<10240x128xf32, #tpu.memory_space<vmem_shared>> -> memref<10240x128xf32, #tpu.memory_space<vmem_shared>>
      tpu.wait_indirect_dma semaphore(%arg21 : memref<!tpu.dma_semaphore, #tpu.memory_space<semaphore_mem>>) src(%arg11 : memref<80x128xf32, #tpu.memory_space<vmem>>) dst(%dma_wait3A_622 : memref<10240x128xf32, #tpu.memory_space<vmem_shared>>)
      %mul3A_623 = arith.constant 80 : i32
      %mul3A_624 = arith.muli %add3A_619, %mul3A_623 : i32
      %add3A_625 = arith.addi %mul3A_0, %mul3A_624 : i32
      %dma_start3A_626 = tpu.memref_slice %arg3[%add3A_625] : memref<320000xi32, #tpu.memory_space<hbm>> -> memref<80xi32, #tpu.memory_space<hbm>>
      %dma_start3A_627 = tpu.memref_slice %arg3[%add3A_625] : memref<320000xi32, #tpu.memory_space<hbm>> -> memref<80xi32, #tpu.memory_space<hbm>>
      tpu.enqueue_dma source(%dma_start3A_627 : memref<80xi32, #tpu.memory_space<hbm>>) target(%arg8 : memref<80xi32, #tpu.memory_space<vmem>>) target_semaphore(%arg18 : memref<!tpu.dma_semaphore, #tpu.memory_space<semaphore_mem>>)
      %mul3A_628 = arith.constant 80 : i32
      %mul3A_629 = arith.muli %add3A_619, %mul3A_628 : i32
      %dma_start3A_630 = tpu.memref_slice %arg5[%mul3A_629] : memref<10000xi32, #tpu.memory_space<vmem>> -> memref<80xi32, #tpu.memory_space<vmem>>
      %dma_start3A_631 = arith.constant 0 : i32
      %dma_start3A_632 = arith.constant 0 : i32
      %dma_start3A_633 = tpu.memref_slice %arg2[%dma_start3A_631, %dma_start3A_632] : memref<40000x128xf32, #tpu.memory_space<hbm>> -> memref<40000x128xf32, #tpu.memory_space<hbm>>
      tpu.enqueue_indirect_dma source(%dma_start3A_633 : memref<40000x128xf32, #tpu.memory_space<hbm>>) target(%arg11 : memref<80x128xf32, #tpu.memory_space<vmem>>) offsets(%dma_start3A_630 : memref<80xi32, #tpu.memory_space<vmem>>) semaphore(%arg15 : memref<!tpu.dma_semaphore, #tpu.memory_space<semaphore_mem>>)
    }
    %scan3A_327 = arith.constant 40 : i32
    %dma_wait3A_328 = arith.constant 9600 : i32
    %dma_wait3A_329 = tpu.memref_slice %arg5[%dma_wait3A_328] : memref<10000xi32, #tpu.memory_space<vmem>> -> memref<80xi32, #tpu.memory_space<vmem>>
    %dma_wait3A_330 = arith.constant 0 : i32
    %dma_wait3A_331 = arith.constant 0 : i32
    %dma_wait3A_332 = tpu.memref_slice %arg2[%dma_wait3A_330, %dma_wait3A_331] : memref<40000x128xf32, #tpu.memory_space<hbm>> -> memref<40000x128xf32, #tpu.memory_space<hbm>>
    tpu.wait_indirect_dma semaphore(%arg13 : memref<!tpu.dma_semaphore, #tpu.memory_space<semaphore_mem>>) src(%dma_wait3A_332 : memref<40000x128xf32, #tpu.memory_space<hbm>>) dst(%arg9 : memref<80x128xf32, #tpu.memory_space<vmem>>)
    %add3A_333 = arith.constant 9600 : i32
    %add3A_334 = arith.addi %mul3A_0, %add3A_333 : i32
    %dma_wait3A_335 = tpu.memref_slice %arg3[%add3A_334] : memref<320000xi32, #tpu.memory_space<hbm>> -> memref<80xi32, #tpu.memory_space<hbm>>
    %dma_wait3A_336 = tpu.memref_slice %arg3[%add3A_334] : memref<320000xi32, #tpu.memory_space<hbm>> -> memref<80xi32, #tpu.memory_space<hbm>>
    tpu.wait_dma2 semaphore(%arg16 : memref<!tpu.dma_semaphore, #tpu.memory_space<semaphore_mem>>) src(%dma_wait3A_336 : memref<80xi32, #tpu.memory_space<hbm>>) dst(%arg6 : memref<80xi32, #tpu.memory_space<vmem>>)
    %dma_start3A_337 = arith.constant 0 : i32
    %dma_start3A_338 = arith.constant 0 : i32
    %dma_start3A_339 = tpu.memref_slice %arg12[%dma_start3A_337, %dma_start3A_338] : memref<10240x128xf32, #tpu.memory_space<vmem_shared>> -> memref<10240x128xf32, #tpu.memory_space<vmem_shared>>
    tpu.enqueue_indirect_dma source(%arg9 : memref<80x128xf32, #tpu.memory_space<vmem>>) target(%dma_start3A_339 : memref<10240x128xf32, #tpu.memory_space<vmem_shared>>) offsets(%arg6 : memref<80xi32, #tpu.memory_space<vmem>>) semaphore(%arg19 : memref<!tpu.dma_semaphore, #tpu.memory_space<semaphore_mem>>) {add = true}
    %dma_wait3A_340 = arith.constant 0 : i32
    %dma_wait3A_341 = arith.constant 0 : i32
    %dma_wait3A_342 = tpu.memref_slice %arg12[%dma_wait3A_340, %dma_wait3A_341] : memref<10240x128xf32, #tpu.memory_space<vmem_shared>> -> memref<10240x128xf32, #tpu.memory_space<vmem_shared>>
    tpu.wait_indirect_dma semaphore(%arg19 : memref<!tpu.dma_semaphore, #tpu.memory_space<semaphore_mem>>) src(%arg9 : memref<80x128xf32, #tpu.memory_space<vmem>>) dst(%dma_wait3A_342 : memref<10240x128xf32, #tpu.memory_space<vmem_shared>>)
    %add3A_343 = arith.constant 9840 : i32
    %add3A_344 = arith.addi %mul3A_0, %add3A_343 : i32
    %dma_start3A_345 = tpu.memref_slice %arg3[%add3A_344] : memref<320000xi32, #tpu.memory_space<hbm>> -> memref<80xi32, #tpu.memory_space<hbm>>
    %dma_start3A_346 = tpu.memref_slice %arg3[%add3A_344] : memref<320000xi32, #tpu.memory_space<hbm>> -> memref<80xi32, #tpu.memory_space<hbm>>
    tpu.enqueue_dma source(%dma_start3A_346 : memref<80xi32, #tpu.memory_space<hbm>>) target(%arg6 : memref<80xi32, #tpu.memory_space<vmem>>) target_semaphore(%arg16 : memref<!tpu.dma_semaphore, #tpu.memory_space<semaphore_mem>>)
    %dma_start3A_347 = arith.constant 9840 : i32
    %dma_start3A_348 = tpu.memref_slice %arg5[%dma_start3A_347] : memref<10000xi32, #tpu.memory_space<vmem>> -> memref<80xi32, #tpu.memory_space<vmem>>
    %dma_start3A_349 = arith.constant 0 : i32
    %dma_start3A_350 = arith.constant 0 : i32
    %dma_start3A_351 = tpu.memref_slice %arg2[%dma_start3A_349, %dma_start3A_350] : memref<40000x128xf32, #tpu.memory_space<hbm>> -> memref<40000x128xf32, #tpu.memory_space<hbm>>
    tpu.enqueue_indirect_dma source(%dma_start3A_351 : memref<40000x128xf32, #tpu.memory_space<hbm>>) target(%arg9 : memref<80x128xf32, #tpu.memory_space<vmem>>) offsets(%dma_start3A_348 : memref<80xi32, #tpu.memory_space<vmem>>) semaphore(%arg13 : memref<!tpu.dma_semaphore, #tpu.memory_space<semaphore_mem>>)
    %dma_wait3A_352 = arith.constant 9680 : i32
    %dma_wait3A_353 = tpu.memref_slice %arg5[%dma_wait3A_352] : memref<10000xi32, #tpu.memory_space<vmem>> -> memref<80xi32, #tpu.memory_space<vmem>>
    %dma_wait3A_354 = arith.constant 0 : i32
    %dma_wait3A_355 = arith.constant 0 : i32
    %dma_wait3A_356 = tpu.memref_slice %arg2[%dma_wait3A_354, %dma_wait3A_355] : memref<40000x128xf32, #tpu.memory_space<hbm>> -> memref<40000x128xf32, #tpu.memory_space<hbm>>
    tpu.wait_indirect_dma semaphore(%arg14 : memref<!tpu.dma_semaphore, #tpu.memory_space<semaphore_mem>>) src(%dma_wait3A_356 : memref<40000x128xf32, #tpu.memory_space<hbm>>) dst(%arg10 : memref<80x128xf32, #tpu.memory_space<vmem>>)
    %add3A_357 = arith.constant 9680 : i32
    %add3A_358 = arith.addi %mul3A_0, %add3A_357 : i32
    %dma_wait3A_359 = tpu.memref_slice %arg3[%add3A_358] : memref<320000xi32, #tpu.memory_space<hbm>> -> memref<80xi32, #tpu.memory_space<hbm>>
    %dma_wait3A_360 = tpu.memref_slice %arg3[%add3A_358] : memref<320000xi32, #tpu.memory_space<hbm>> -> memref<80xi32, #tpu.memory_space<hbm>>
    tpu.wait_dma2 semaphore(%arg17 : memref<!tpu.dma_semaphore, #tpu.memory_space<semaphore_mem>>) src(%dma_wait3A_360 : memref<80xi32, #tpu.memory_space<hbm>>) dst(%arg7 : memref<80xi32, #tpu.memory_space<vmem>>)
    %dma_start3A_361 = arith.constant 0 : i32
    %dma_start3A_362 = arith.constant 0 : i32
    %dma_start3A_363 = tpu.memref_slice %arg12[%dma_start3A_361, %dma_start3A_362] : memref<10240x128xf32, #tpu.memory_space<vmem_shared>> -> memref<10240x128xf32, #tpu.memory_space<vmem_shared>>
    tpu.enqueue_indirect_dma source(%arg10 : memref<80x128xf32, #tpu.memory_space<vmem>>) target(%dma_start3A_363 : memref<10240x128xf32, #tpu.memory_space<vmem_shared>>) offsets(%arg7 : memref<80xi32, #tpu.memory_space<vmem>>) semaphore(%arg20 : memref<!tpu.dma_semaphore, #tpu.memory_space<semaphore_mem>>) {add = true}
    %dma_wait3A_364 = arith.constant 0 : i32
    %dma_wait3A_365 = arith.constant 0 : i32
    %dma_wait3A_366 = tpu.memref_slice %arg12[%dma_wait3A_364, %dma_wait3A_365] : memref<10240x128xf32, #tpu.memory_space<vmem_shared>> -> memref<10240x128xf32, #tpu.memory_space<vmem_shared>>
    tpu.wait_indirect_dma semaphore(%arg20 : memref<!tpu.dma_semaphore, #tpu.memory_space<semaphore_mem>>) src(%arg10 : memref<80x128xf32, #tpu.memory_space<vmem>>) dst(%dma_wait3A_366 : memref<10240x128xf32, #tpu.memory_space<vmem_shared>>)
    %add3A_367 = arith.constant 9920 : i32
    %add3A_368 = arith.addi %mul3A_0, %add3A_367 : i32
    %dma_start3A_369 = tpu.memref_slice %arg3[%add3A_368] : memref<320000xi32, #tpu.memory_space<hbm>> -> memref<80xi32, #tpu.memory_space<hbm>>
    %dma_start3A_370 = tpu.memref_slice %arg3[%add3A_368] : memref<320000xi32, #tpu.memory_space<hbm>> -> memref<80xi32, #tpu.memory_space<hbm>>
    tpu.enqueue_dma source(%dma_start3A_370 : memref<80xi32, #tpu.memory_space<hbm>>) target(%arg7 : memref<80xi32, #tpu.memory_space<vmem>>) target_semaphore(%arg17 : memref<!tpu.dma_semaphore, #tpu.memory_space<semaphore_mem>>)
    %dma_start3A_371 = arith.constant 9920 : i32
    %dma_start3A_372 = tpu.memref_slice %arg5[%dma_start3A_371] : memref<10000xi32, #tpu.memory_space<vmem>> -> memref<80xi32, #tpu.memory_space<vmem>>
    %dma_start3A_373 = arith.constant 0 : i32
    %dma_start3A_374 = arith.constant 0 : i32
    %dma_start3A_375 = tpu.memref_slice %arg2[%dma_start3A_373, %dma_start3A_374] : memref<40000x128xf32, #tpu.memory_space<hbm>> -> memref<40000x128xf32, #tpu.memory_space<hbm>>
    tpu.enqueue_indirect_dma source(%dma_start3A_375 : memref<40000x128xf32, #tpu.memory_space<hbm>>) target(%arg10 : memref<80x128xf32, #tpu.memory_space<vmem>>) offsets(%dma_start3A_372 : memref<80xi32, #tpu.memory_space<vmem>>) semaphore(%arg14 : memref<!tpu.dma_semaphore, #tpu.memory_space<semaphore_mem>>)
    %dma_wait3A_376 = arith.constant 9760 : i32
    %dma_wait3A_377 = tpu.memref_slice %arg5[%dma_wait3A_376] : memref<10000xi32, #tpu.memory_space<vmem>> -> memref<80xi32, #tpu.memory_space<vmem>>
    %dma_wait3A_378 = arith.constant 0 : i32
    %dma_wait3A_379 = arith.constant 0 : i32
    %dma_wait3A_380 = tpu.memref_slice %arg2[%dma_wait3A_378, %dma_wait3A_379] : memref<40000x128xf32, #tpu.memory_space<hbm>> -> memref<40000x128xf32, #tpu.memory_space<hbm>>
    tpu.wait_indirect_dma semaphore(%arg15 : memref<!tpu.dma_semaphore, #tpu.memory_space<semaphore_mem>>) src(%dma_wait3A_380 : memref<40000x128xf32, #tpu.memory_space<hbm>>) dst(%arg11 : memref<80x128xf32, #tpu.memory_space<vmem>>)
    %add3A_381 = arith.constant 9760 : i32
    %add3A_382 = arith.addi %mul3A_0, %add3A_381 : i32
    %dma_wait3A_383 = tpu.memref_slice %arg3[%add3A_382] : memref<320000xi32, #tpu.memory_space<hbm>> -> memref<80xi32, #tpu.memory_space<hbm>>
    %dma_wait3A_384 = tpu.memref_slice %arg3[%add3A_382] : memref<320000xi32, #tpu.memory_space<hbm>> -> memref<80xi32, #tpu.memory_space<hbm>>
    tpu.wait_dma2 semaphore(%arg18 : memref<!tpu.dma_semaphore, #tpu.memory_space<semaphore_mem>>) src(%dma_wait3A_384 : memref<80xi32, #tpu.memory_space<hbm>>) dst(%arg8 : memref<80xi32, #tpu.memory_space<vmem>>)
    %dma_start3A_385 = arith.constant 0 : i32
    %dma_start3A_386 = arith.constant 0 : i32
    %dma_start3A_387 = tpu.memref_slice %arg12[%dma_start3A_385, %dma_start3A_386] : memref<10240x128xf32, #tpu.memory_space<vmem_shared>> -> memref<10240x128xf32, #tpu.memory_space<vmem_shared>>
    tpu.enqueue_indirect_dma source(%arg11 : memref<80x128xf32, #tpu.memory_space<vmem>>) target(%dma_start3A_387 : memref<10240x128xf32, #tpu.memory_space<vmem_shared>>) offsets(%arg8 : memref<80xi32, #tpu.memory_space<vmem>>) semaphore(%arg21 : memref<!tpu.dma_semaphore, #tpu.memory_space<semaphore_mem>>) {add = true}
    %dma_wait3A_388 = arith.constant 9840 : i32
    %dma_wait3A_389 = tpu.memref_slice %arg5[%dma_wait3A_388] : memref<10000xi32, #tpu.memory_space<vmem>> -> memref<80xi32, #tpu.memory_space<vmem>>
    %dma_wait3A_390 = arith.constant 0 : i32
    %dma_wait3A_391 = arith.constant 0 : i32
    %dma_wait3A_392 = tpu.memref_slice %arg2[%dma_wait3A_390, %dma_wait3A_391] : memref<40000x128xf32, #tpu.memory_space<hbm>> -> memref<40000x128xf32, #tpu.memory_space<hbm>>
    tpu.wait_indirect_dma semaphore(%arg13 : memref<!tpu.dma_semaphore, #tpu.memory_space<semaphore_mem>>) src(%dma_wait3A_392 : memref<40000x128xf32, #tpu.memory_space<hbm>>) dst(%arg9 : memref<80x128xf32, #tpu.memory_space<vmem>>)
    %add3A_393 = arith.constant 9840 : i32
    %add3A_394 = arith.addi %mul3A_0, %add3A_393 : i32
    %dma_wait3A_395 = tpu.memref_slice %arg3[%add3A_394] : memref<320000xi32, #tpu.memory_space<hbm>> -> memref<80xi32, #tpu.memory_space<hbm>>
    %dma_wait3A_396 = tpu.memref_slice %arg3[%add3A_394] : memref<320000xi32, #tpu.memory_space<hbm>> -> memref<80xi32, #tpu.memory_space<hbm>>
    tpu.wait_dma2 semaphore(%arg16 : memref<!tpu.dma_semaphore, #tpu.memory_space<semaphore_mem>>) src(%dma_wait3A_396 : memref<80xi32, #tpu.memory_space<hbm>>) dst(%arg6 : memref<80xi32, #tpu.memory_space<vmem>>)
    %dma_start3A_397 = arith.constant 0 : i32
    %dma_start3A_398 = arith.constant 0 : i32
    %dma_start3A_399 = tpu.memref_slice %arg12[%dma_start3A_397, %dma_start3A_398] : memref<10240x128xf32, #tpu.memory_space<vmem_shared>> -> memref<10240x128xf32, #tpu.memory_space<vmem_shared>>
    tpu.enqueue_indirect_dma source(%arg9 : memref<80x128xf32, #tpu.memory_space<vmem>>) target(%dma_start3A_399 : memref<10240x128xf32, #tpu.memory_space<vmem_shared>>) offsets(%arg6 : memref<80xi32, #tpu.memory_space<vmem>>) semaphore(%arg19 : memref<!tpu.dma_semaphore, #tpu.memory_space<semaphore_mem>>) {add = true}
    %dma_wait3A_400 = arith.constant 9920 : i32
    %dma_wait3A_401 = tpu.memref_slice %arg5[%dma_wait3A_400] : memref<10000xi32, #tpu.memory_space<vmem>> -> memref<80xi32, #tpu.memory_space<vmem>>
    %dma_wait3A_402 = arith.constant 0 : i32
    %dma_wait3A_403 = arith.constant 0 : i32
    %dma_wait3A_404 = tpu.memref_slice %arg2[%dma_wait3A_402, %dma_wait3A_403] : memref<40000x128xf32, #tpu.memory_space<hbm>> -> memref<40000x128xf32, #tpu.memory_space<hbm>>
    tpu.wait_indirect_dma semaphore(%arg14 : memref<!tpu.dma_semaphore, #tpu.memory_space<semaphore_mem>>) src(%dma_wait3A_404 : memref<40000x128xf32, #tpu.memory_space<hbm>>) dst(%arg10 : memref<80x128xf32, #tpu.memory_space<vmem>>)
    %add3A_405 = arith.constant 9920 : i32
    %add3A_406 = arith.addi %mul3A_0, %add3A_405 : i32
    %dma_wait3A_407 = tpu.memref_slice %arg3[%add3A_406] : memref<320000xi32, #tpu.memory_space<hbm>> -> memref<80xi32, #tpu.memory_space<hbm>>
    %dma_wait3A_408 = tpu.memref_slice %arg3[%add3A_406] : memref<320000xi32, #tpu.memory_space<hbm>> -> memref<80xi32, #tpu.memory_space<hbm>>
    tpu.wait_dma2 semaphore(%arg17 : memref<!tpu.dma_semaphore, #tpu.memory_space<semaphore_mem>>) src(%dma_wait3A_408 : memref<80xi32, #tpu.memory_space<hbm>>) dst(%arg7 : memref<80xi32, #tpu.memory_space<vmem>>)
    %dma_start3A_409 = arith.constant 0 : i32
    %dma_start3A_410 = arith.constant 0 : i32
    %dma_start3A_411 = tpu.memref_slice %arg12[%dma_start3A_409, %dma_start3A_410] : memref<10240x128xf32, #tpu.memory_space<vmem_shared>> -> memref<10240x128xf32, #tpu.memory_space<vmem_shared>>
    tpu.enqueue_indirect_dma source(%arg10 : memref<80x128xf32, #tpu.memory_space<vmem>>) target(%dma_start3A_411 : memref<10240x128xf32, #tpu.memory_space<vmem_shared>>) offsets(%arg7 : memref<80xi32, #tpu.memory_space<vmem>>) semaphore(%arg20 : memref<!tpu.dma_semaphore, #tpu.memory_space<semaphore_mem>>) {add = true}
    %dma_wait3A_412 = arith.constant 0 : i32
    %dma_wait3A_413 = arith.constant 0 : i32
    %dma_wait3A_414 = tpu.memref_slice %arg12[%dma_wait3A_412, %dma_wait3A_413] : memref<10240x128xf32, #tpu.memory_space<vmem_shared>> -> memref<10240x128xf32, #tpu.memory_space<vmem_shared>>
    tpu.wait_indirect_dma semaphore(%arg19 : memref<!tpu.dma_semaphore, #tpu.memory_space<semaphore_mem>>) src(%arg9 : memref<80x128xf32, #tpu.memory_space<vmem>>) dst(%dma_wait3A_414 : memref<10240x128xf32, #tpu.memory_space<vmem_shared>>)
    %dma_wait3A_415 = arith.constant 0 : i32
    %dma_wait3A_416 = arith.constant 0 : i32
    %dma_wait3A_417 = tpu.memref_slice %arg12[%dma_wait3A_415, %dma_wait3A_416] : memref<10240x128xf32, #tpu.memory_space<vmem_shared>> -> memref<10240x128xf32, #tpu.memory_space<vmem_shared>>
    tpu.wait_indirect_dma semaphore(%arg20 : memref<!tpu.dma_semaphore, #tpu.memory_space<semaphore_mem>>) src(%arg10 : memref<80x128xf32, #tpu.memory_space<vmem>>) dst(%dma_wait3A_417 : memref<10240x128xf32, #tpu.memory_space<vmem_shared>>)
    %dma_wait3A_418 = arith.constant 0 : i32
    %dma_wait3A_419 = arith.constant 0 : i32
    %dma_wait3A_420 = tpu.memref_slice %arg12[%dma_wait3A_418, %dma_wait3A_419] : memref<10240x128xf32, #tpu.memory_space<vmem_shared>> -> memref<10240x128xf32, #tpu.memory_space<vmem_shared>>
    tpu.wait_indirect_dma semaphore(%arg21 : memref<!tpu.dma_semaphore, #tpu.memory_space<semaphore_mem>>) src(%arg11 : memref<80x128xf32, #tpu.memory_space<vmem>>) dst(%dma_wait3A_420 : memref<10240x128xf32, #tpu.memory_space<vmem_shared>>)
    %barrier3A_421 = arith.constant 0 : index
    tpu.barrier barrier_id(%barrier3A_421)
    %mul3A_422 = arith.constant 10240 : i32
    %mul3A_423 = arith.muli %add3A_271, %mul3A_422 : i32
    %add3A_424 = arith.addi %mul3A_423, %mul3A_2 : i32
    %add3A_425 = arith.constant 0 : i32
    %add3A_426 = arith.addi %mul3A_2, %add3A_425 : i32
    "tpu.region"() ({
      %run_scoped3A = tpu.sem_alloc : memref<!tpu.dma_semaphore, #tpu.memory_space<semaphore_mem>>
      %dma_start3A_537 = arith.constant 0 : i32
      %dma_start3A_538 = tpu.memref_slice %arg12[%add3A_426, %dma_start3A_537] : memref<10240x128xf32, #tpu.memory_space<vmem_shared>> -> memref<80x128xf32, #tpu.memory_space<vmem_shared>>
      %dma_start3A_539 = arith.constant 0 : i32
      %dma_start3A_540 = tpu.memref_slice %arg12[%add3A_426, %dma_start3A_539] : memref<10240x128xf32, #tpu.memory_space<vmem_shared>> -> memref<80x128xf32, #tpu.memory_space<vmem_shared>>
      tpu.enqueue_dma source(%dma_start3A_540 : memref<80x128xf32, #tpu.memory_space<vmem_shared>>) target(%arg9 : memref<80x128xf32, #tpu.memory_space<vmem>>) target_semaphore(%run_scoped3A : memref<!tpu.dma_semaphore, #tpu.memory_space<semaphore_mem>>)
      %dma_wait3A_541 = arith.constant 0 : i32
      %dma_wait3A_542 = tpu.memref_slice %arg12[%add3A_426, %dma_wait3A_541] : memref<10240x128xf32, #tpu.memory_space<vmem_shared>> -> memref<80x128xf32, #tpu.memory_space<vmem_shared>>
      %dma_wait3A_543 = arith.constant 0 : i32
      %dma_wait3A_544 = tpu.memref_slice %arg12[%add3A_426, %dma_wait3A_543] : memref<10240x128xf32, #tpu.memory_space<vmem_shared>> -> memref<80x128xf32, #tpu.memory_space<vmem_shared>>
      tpu.wait_dma2 semaphore(%run_scoped3A : memref<!tpu.dma_semaphore, #tpu.memory_space<semaphore_mem>>) src(%dma_wait3A_544 : memref<80x128xf32, #tpu.memory_space<vmem_shared>>) dst(%arg9 : memref<80x128xf32, #tpu.memory_space<vmem>>)
      tpu.yield
    }) : () -> ()
    %add3A_427 = arith.constant 0 : i32
    %add3A_428 = arith.addi %add3A_424, %add3A_427 : i32
    %dma_start3A_429 = arith.constant 0 : i32
    %dma_start3A_430 = tpu.memref_slice %arg4[%add3A_428, %dma_start3A_429] : memref<40960x128xf32, #tpu.memory_space<hbm>> -> memref<80x128xf32, #tpu.memory_space<hbm>>
    %dma_start3A_431 = arith.constant 0 : i32
    %dma_start3A_432 = tpu.memref_slice %arg4[%add3A_428, %dma_start3A_431] : memref<40960x128xf32, #tpu.memory_space<hbm>> -> memref<80x128xf32, #tpu.memory_space<hbm>>
    tpu.enqueue_dma source(%arg9 : memref<80x128xf32, #tpu.memory_space<vmem>>) target(%dma_start3A_432 : memref<80x128xf32, #tpu.memory_space<hbm>>) target_semaphore(%arg22 : memref<!tpu.dma_semaphore, #tpu.memory_space<semaphore_mem>>)
    %add3A_433 = arith.constant 80 : i32
    %add3A_434 = arith.addi %mul3A_2, %add3A_433 : i32
    "tpu.region"() ({
      %run_scoped3A = tpu.sem_alloc : memref<!tpu.dma_semaphore, #tpu.memory_space<semaphore_mem>>
      %dma_start3A_537 = arith.constant 0 : i32
      %dma_start3A_538 = tpu.memref_slice %arg12[%add3A_434, %dma_start3A_537] : memref<10240x128xf32, #tpu.memory_space<vmem_shared>> -> memref<80x128xf32, #tpu.memory_space<vmem_shared>>
      %dma_start3A_539 = arith.constant 0 : i32
      %dma_start3A_540 = tpu.memref_slice %arg12[%add3A_434, %dma_start3A_539] : memref<10240x128xf32, #tpu.memory_space<vmem_shared>> -> memref<80x128xf32, #tpu.memory_space<vmem_shared>>
      tpu.enqueue_dma source(%dma_start3A_540 : memref<80x128xf32, #tpu.memory_space<vmem_shared>>) target(%arg10 : memref<80x128xf32, #tpu.memory_space<vmem>>) target_semaphore(%run_scoped3A : memref<!tpu.dma_semaphore, #tpu.memory_space<semaphore_mem>>)
      %dma_wait3A_541 = arith.constant 0 : i32
      %dma_wait3A_542 = tpu.memref_slice %arg12[%add3A_434, %dma_wait3A_541] : memref<10240x128xf32, #tpu.memory_space<vmem_shared>> -> memref<80x128xf32, #tpu.memory_space<vmem_shared>>
      %dma_wait3A_543 = arith.constant 0 : i32
      %dma_wait3A_544 = tpu.memref_slice %arg12[%add3A_434, %dma_wait3A_543] : memref<10240x128xf32, #tpu.memory_space<vmem_shared>> -> memref<80x128xf32, #tpu.memory_space<vmem_shared>>
      tpu.wait_dma2 semaphore(%run_scoped3A : memref<!tpu.dma_semaphore, #tpu.memory_space<semaphore_mem>>) src(%dma_wait3A_544 : memref<80x128xf32, #tpu.memory_space<vmem_shared>>) dst(%arg10 : memref<80x128xf32, #tpu.memory_space<vmem>>)
      tpu.yield
    }) : () -> ()
    %add3A_435 = arith.constant 80 : i32
    %add3A_436 = arith.addi %add3A_424, %add3A_435 : i32
    %dma_start3A_437 = arith.constant 0 : i32
    %dma_start3A_438 = tpu.memref_slice %arg4[%add3A_436, %dma_start3A_437] : memref<40960x128xf32, #tpu.memory_space<hbm>> -> memref<80x128xf32, #tpu.memory_space<hbm>>
    %dma_start3A_439 = arith.constant 0 : i32
    %dma_start3A_440 = tpu.memref_slice %arg4[%add3A_436, %dma_start3A_439] : memref<40960x128xf32, #tpu.memory_space<hbm>> -> memref<80x128xf32, #tpu.memory_space<hbm>>
    tpu.enqueue_dma source(%arg10 : memref<80x128xf32, #tpu.memory_space<vmem>>) target(%dma_start3A_440 : memref<80x128xf32, #tpu.memory_space<hbm>>) target_semaphore(%arg23 : memref<!tpu.dma_semaphore, #tpu.memory_space<semaphore_mem>>)
    %add3A_441 = arith.constant 0 : i32
    %add3A_442 = arith.addi %add3A_424, %add3A_441 : i32
    %dma_wait3A_443 = arith.constant 0 : i32
    %dma_wait3A_444 = tpu.memref_slice %arg4[%add3A_442, %dma_wait3A_443] : memref<40960x128xf32, #tpu.memory_space<hbm>> -> memref<80x128xf32, #tpu.memory_space<hbm>>
    %dma_wait3A_445 = arith.constant 0 : i32
    %dma_wait3A_446 = tpu.memref_slice %arg4[%add3A_442, %dma_wait3A_445] : memref<40960x128xf32, #tpu.memory_space<hbm>> -> memref<80x128xf32, #tpu.memory_space<hbm>>
    tpu.wait_dma2 semaphore(%arg22 : memref<!tpu.dma_semaphore, #tpu.memory_space<semaphore_mem>>) src(%arg9 : memref<80x128xf32, #tpu.memory_space<vmem>>) dst(%dma_wait3A_446 : memref<80x128xf32, #tpu.memory_space<hbm>>)
    %add3A_447 = arith.constant 160 : i32
    %add3A_448 = arith.addi %mul3A_2, %add3A_447 : i32
    "tpu.region"() ({
      %run_scoped3A = tpu.sem_alloc : memref<!tpu.dma_semaphore, #tpu.memory_space<semaphore_mem>>
      %dma_start3A_537 = arith.constant 0 : i32
      %dma_start3A_538 = tpu.memref_slice %arg12[%add3A_448, %dma_start3A_537] : memref<10240x128xf32, #tpu.memory_space<vmem_shared>> -> memref<80x128xf32, #tpu.memory_space<vmem_shared>>
      %dma_start3A_539 = arith.constant 0 : i32
      %dma_start3A_540 = tpu.memref_slice %arg12[%add3A_448, %dma_start3A_539] : memref<10240x128xf32, #tpu.memory_space<vmem_shared>> -> memref<80x128xf32, #tpu.memory_space<vmem_shared>>
      tpu.enqueue_dma source(%dma_start3A_540 : memref<80x128xf32, #tpu.memory_space<vmem_shared>>) target(%arg9 : memref<80x128xf32, #tpu.memory_space<vmem>>) target_semaphore(%run_scoped3A : memref<!tpu.dma_semaphore, #tpu.memory_space<semaphore_mem>>)
      %dma_wait3A_541 = arith.constant 0 : i32
      %dma_wait3A_542 = tpu.memref_slice %arg12[%add3A_448, %dma_wait3A_541] : memref<10240x128xf32, #tpu.memory_space<vmem_shared>> -> memref<80x128xf32, #tpu.memory_space<vmem_shared>>
      %dma_wait3A_543 = arith.constant 0 : i32
      %dma_wait3A_544 = tpu.memref_slice %arg12[%add3A_448, %dma_wait3A_543] : memref<10240x128xf32, #tpu.memory_space<vmem_shared>> -> memref<80x128xf32, #tpu.memory_space<vmem_shared>>
      tpu.wait_dma2 semaphore(%run_scoped3A : memref<!tpu.dma_semaphore, #tpu.memory_space<semaphore_mem>>) src(%dma_wait3A_544 : memref<80x128xf32, #tpu.memory_space<vmem_shared>>) dst(%arg9 : memref<80x128xf32, #tpu.memory_space<vmem>>)
      tpu.yield
    }) : () -> ()
    %add3A_449 = arith.constant 160 : i32
    %add3A_450 = arith.addi %add3A_424, %add3A_449 : i32
    %dma_start3A_451 = arith.constant 0 : i32
    %dma_start3A_452 = tpu.memref_slice %arg4[%add3A_450, %dma_start3A_451] : memref<40960x128xf32, #tpu.memory_space<hbm>> -> memref<80x128xf32, #tpu.memory_space<hbm>>
    %dma_start3A_453 = arith.constant 0 : i32
    %dma_start3A_454 = tpu.memref_slice %arg4[%add3A_450, %dma_start3A_453] : memref<40960x128xf32, #tpu.memory_space<hbm>> -> memref<80x128xf32, #tpu.memory_space<hbm>>
    tpu.enqueue_dma source(%arg9 : memref<80x128xf32, #tpu.memory_space<vmem>>) target(%dma_start3A_454 : memref<80x128xf32, #tpu.memory_space<hbm>>) target_semaphore(%arg22 : memref<!tpu.dma_semaphore, #tpu.memory_space<semaphore_mem>>)
    %add3A_455 = arith.constant 80 : i32
    %add3A_456 = arith.addi %add3A_424, %add3A_455 : i32
    %dma_wait3A_457 = arith.constant 0 : i32
    %dma_wait3A_458 = tpu.memref_slice %arg4[%add3A_456, %dma_wait3A_457] : memref<40960x128xf32, #tpu.memory_space<hbm>> -> memref<80x128xf32, #tpu.memory_space<hbm>>
    %dma_wait3A_459 = arith.constant 0 : i32
    %dma_wait3A_460 = tpu.memref_slice %arg4[%add3A_456, %dma_wait3A_459] : memref<40960x128xf32, #tpu.memory_space<hbm>> -> memref<80x128xf32, #tpu.memory_space<hbm>>
    tpu.wait_dma2 semaphore(%arg23 : memref<!tpu.dma_semaphore, #tpu.memory_space<semaphore_mem>>) src(%arg10 : memref<80x128xf32, #tpu.memory_space<vmem>>) dst(%dma_wait3A_460 : memref<80x128xf32, #tpu.memory_space<hbm>>)
    %add3A_461 = arith.constant 240 : i32
    %add3A_462 = arith.addi %mul3A_2, %add3A_461 : i32
    "tpu.region"() ({
      %run_scoped3A = tpu.sem_alloc : memref<!tpu.dma_semaphore, #tpu.memory_space<semaphore_mem>>
      %dma_start3A_537 = arith.constant 0 : i32
      %dma_start3A_538 = tpu.memref_slice %arg12[%add3A_462, %dma_start3A_537] : memref<10240x128xf32, #tpu.memory_space<vmem_shared>> -> memref<80x128xf32, #tpu.memory_space<vmem_shared>>
      %dma_start3A_539 = arith.constant 0 : i32
      %dma_start3A_540 = tpu.memref_slice %arg12[%add3A_462, %dma_start3A_539] : memref<10240x128xf32, #tpu.memory_space<vmem_shared>> -> memref<80x128xf32, #tpu.memory_space<vmem_shared>>
      tpu.enqueue_dma source(%dma_start3A_540 : memref<80x128xf32, #tpu.memory_space<vmem_shared>>) target(%arg10 : memref<80x128xf32, #tpu.memory_space<vmem>>) target_semaphore(%run_scoped3A : memref<!tpu.dma_semaphore, #tpu.memory_space<semaphore_mem>>)
      %dma_wait3A_541 = arith.constant 0 : i32
      %dma_wait3A_542 = tpu.memref_slice %arg12[%add3A_462, %dma_wait3A_541] : memref<10240x128xf32, #tpu.memory_space<vmem_shared>> -> memref<80x128xf32, #tpu.memory_space<vmem_shared>>
      %dma_wait3A_543 = arith.constant 0 : i32
      %dma_wait3A_544 = tpu.memref_slice %arg12[%add3A_462, %dma_wait3A_543] : memref<10240x128xf32, #tpu.memory_space<vmem_shared>> -> memref<80x128xf32, #tpu.memory_space<vmem_shared>>
      tpu.wait_dma2 semaphore(%run_scoped3A : memref<!tpu.dma_semaphore, #tpu.memory_space<semaphore_mem>>) src(%dma_wait3A_544 : memref<80x128xf32, #tpu.memory_space<vmem_shared>>) dst(%arg10 : memref<80x128xf32, #tpu.memory_space<vmem>>)
      tpu.yield
    }) : () -> ()
    %add3A_463 = arith.constant 240 : i32
    %add3A_464 = arith.addi %add3A_424, %add3A_463 : i32
    %dma_start3A_465 = arith.constant 0 : i32
    %dma_start3A_466 = tpu.memref_slice %arg4[%add3A_464, %dma_start3A_465] : memref<40960x128xf32, #tpu.memory_space<hbm>> -> memref<80x128xf32, #tpu.memory_space<hbm>>
    %dma_start3A_467 = arith.constant 0 : i32
    %dma_start3A_468 = tpu.memref_slice %arg4[%add3A_464, %dma_start3A_467] : memref<40960x128xf32, #tpu.memory_space<hbm>> -> memref<80x128xf32, #tpu.memory_space<hbm>>
    tpu.enqueue_dma source(%arg10 : memref<80x128xf32, #tpu.memory_space<vmem>>) target(%dma_start3A_468 : memref<80x128xf32, #tpu.memory_space<hbm>>) target_semaphore(%arg23 : memref<!tpu.dma_semaphore, #tpu.memory_space<semaphore_mem>>)
    %add3A_469 = arith.constant 160 : i32
    %add3A_470 = arith.addi %add3A_424, %add3A_469 : i32
    %dma_wait3A_471 = arith.constant 0 : i32
    %dma_wait3A_472 = tpu.memref_slice %arg4[%add3A_470, %dma_wait3A_471] : memref<40960x128xf32, #tpu.memory_space<hbm>> -> memref<80x128xf32, #tpu.memory_space<hbm>>
    %dma_wait3A_473 = arith.constant 0 : i32
    %dma_wait3A_474 = tpu.memref_slice %arg4[%add3A_470, %dma_wait3A_473] : memref<40960x128xf32, #tpu.memory_space<hbm>> -> memref<80x128xf32, #tpu.memory_space<hbm>>
    tpu.wait_dma2 semaphore(%arg22 : memref<!tpu.dma_semaphore, #tpu.memory_space<semaphore_mem>>) src(%arg9 : memref<80x128xf32, #tpu.memory_space<vmem>>) dst(%dma_wait3A_474 : memref<80x128xf32, #tpu.memory_space<hbm>>)
    %add3A_475 = arith.constant 320 : i32
    %add3A_476 = arith.addi %mul3A_2, %add3A_475 : i32
    "tpu.region"() ({
      %run_scoped3A = tpu.sem_alloc : memref<!tpu.dma_semaphore, #tpu.memory_space<semaphore_mem>>
      %dma_start3A_537 = arith.constant 0 : i32
      %dma_start3A_538 = tpu.memref_slice %arg12[%add3A_476, %dma_start3A_537] : memref<10240x128xf32, #tpu.memory_space<vmem_shared>> -> memref<80x128xf32, #tpu.memory_space<vmem_shared>>
      %dma_start3A_539 = arith.constant 0 : i32
      %dma_start3A_540 = tpu.memref_slice %arg12[%add3A_476, %dma_start3A_539] : memref<10240x128xf32, #tpu.memory_space<vmem_shared>> -> memref<80x128xf32, #tpu.memory_space<vmem_shared>>
      tpu.enqueue_dma source(%dma_start3A_540 : memref<80x128xf32, #tpu.memory_space<vmem_shared>>) target(%arg9 : memref<80x128xf32, #tpu.memory_space<vmem>>) target_semaphore(%run_scoped3A : memref<!tpu.dma_semaphore, #tpu.memory_space<semaphore_mem>>)
      %dma_wait3A_541 = arith.constant 0 : i32
      %dma_wait3A_542 = tpu.memref_slice %arg12[%add3A_476, %dma_wait3A_541] : memref<10240x128xf32, #tpu.memory_space<vmem_shared>> -> memref<80x128xf32, #tpu.memory_space<vmem_shared>>
      %dma_wait3A_543 = arith.constant 0 : i32
      %dma_wait3A_544 = tpu.memref_slice %arg12[%add3A_476, %dma_wait3A_543] : memref<10240x128xf32, #tpu.memory_space<vmem_shared>> -> memref<80x128xf32, #tpu.memory_space<vmem_shared>>
      tpu.wait_dma2 semaphore(%run_scoped3A : memref<!tpu.dma_semaphore, #tpu.memory_space<semaphore_mem>>) src(%dma_wait3A_544 : memref<80x128xf32, #tpu.memory_space<vmem_shared>>) dst(%arg9 : memref<80x128xf32, #tpu.memory_space<vmem>>)
      tpu.yield
    }) : () -> ()
    %add3A_477 = arith.constant 320 : i32
    %add3A_478 = arith.addi %add3A_424, %add3A_477 : i32
    %dma_start3A_479 = arith.constant 0 : i32
    %dma_start3A_480 = tpu.memref_slice %arg4[%add3A_478, %dma_start3A_479] : memref<40960x128xf32, #tpu.memory_space<hbm>> -> memref<80x128xf32, #tpu.memory_space<hbm>>
    %dma_start3A_481 = arith.constant 0 : i32
    %dma_start3A_482 = tpu.memref_slice %arg4[%add3A_478, %dma_start3A_481] : memref<40960x128xf32, #tpu.memory_space<hbm>> -> memref<80x128xf32, #tpu.memory_space<hbm>>
    tpu.enqueue_dma source(%arg9 : memref<80x128xf32, #tpu.memory_space<vmem>>) target(%dma_start3A_482 : memref<80x128xf32, #tpu.memory_space<hbm>>) target_semaphore(%arg22 : memref<!tpu.dma_semaphore, #tpu.memory_space<semaphore_mem>>)
    %add3A_483 = arith.constant 240 : i32
    %add3A_484 = arith.addi %add3A_424, %add3A_483 : i32
    %dma_wait3A_485 = arith.constant 0 : i32
    %dma_wait3A_486 = tpu.memref_slice %arg4[%add3A_484, %dma_wait3A_485] : memref<40960x128xf32, #tpu.memory_space<hbm>> -> memref<80x128xf32, #tpu.memory_space<hbm>>
    %dma_wait3A_487 = arith.constant 0 : i32
    %dma_wait3A_488 = tpu.memref_slice %arg4[%add3A_484, %dma_wait3A_487] : memref<40960x128xf32, #tpu.memory_space<hbm>> -> memref<80x128xf32, #tpu.memory_space<hbm>>
    tpu.wait_dma2 semaphore(%arg23 : memref<!tpu.dma_semaphore, #tpu.memory_space<semaphore_mem>>) src(%arg10 : memref<80x128xf32, #tpu.memory_space<vmem>>) dst(%dma_wait3A_488 : memref<80x128xf32, #tpu.memory_space<hbm>>)
    %add3A_489 = arith.constant 400 : i32
    %add3A_490 = arith.addi %mul3A_2, %add3A_489 : i32
    "tpu.region"() ({
      %run_scoped3A = tpu.sem_alloc : memref<!tpu.dma_semaphore, #tpu.memory_space<semaphore_mem>>
      %dma_start3A_537 = arith.constant 0 : i32
      %dma_start3A_538 = tpu.memref_slice %arg12[%add3A_490, %dma_start3A_537] : memref<10240x128xf32, #tpu.memory_space<vmem_shared>> -> memref<80x128xf32, #tpu.memory_space<vmem_shared>>
      %dma_start3A_539 = arith.constant 0 : i32
      %dma_start3A_540 = tpu.memref_slice %arg12[%add3A_490, %dma_start3A_539] : memref<10240x128xf32, #tpu.memory_space<vmem_shared>> -> memref<80x128xf32, #tpu.memory_space<vmem_shared>>
      tpu.enqueue_dma source(%dma_start3A_540 : memref<80x128xf32, #tpu.memory_space<vmem_shared>>) target(%arg10 : memref<80x128xf32, #tpu.memory_space<vmem>>) target_semaphore(%run_scoped3A : memref<!tpu.dma_semaphore, #tpu.memory_space<semaphore_mem>>)
      %dma_wait3A_541 = arith.constant 0 : i32
      %dma_wait3A_542 = tpu.memref_slice %arg12[%add3A_490, %dma_wait3A_541] : memref<10240x128xf32, #tpu.memory_space<vmem_shared>> -> memref<80x128xf32, #tpu.memory_space<vmem_shared>>
      %dma_wait3A_543 = arith.constant 0 : i32
      %dma_wait3A_544 = tpu.memref_slice %arg12[%add3A_490, %dma_wait3A_543] : memref<10240x128xf32, #tpu.memory_space<vmem_shared>> -> memref<80x128xf32, #tpu.memory_space<vmem_shared>>
      tpu.wait_dma2 semaphore(%run_scoped3A : memref<!tpu.dma_semaphore, #tpu.memory_space<semaphore_mem>>) src(%dma_wait3A_544 : memref<80x128xf32, #tpu.memory_space<vmem_shared>>) dst(%arg10 : memref<80x128xf32, #tpu.memory_space<vmem>>)
      tpu.yield
    }) : () -> ()
    %add3A_491 = arith.constant 400 : i32
    %add3A_492 = arith.addi %add3A_424, %add3A_491 : i32
    %dma_start3A_493 = arith.constant 0 : i32
    %dma_start3A_494 = tpu.memref_slice %arg4[%add3A_492, %dma_start3A_493] : memref<40960x128xf32, #tpu.memory_space<hbm>> -> memref<80x128xf32, #tpu.memory_space<hbm>>
    %dma_start3A_495 = arith.constant 0 : i32
    %dma_start3A_496 = tpu.memref_slice %arg4[%add3A_492, %dma_start3A_495] : memref<40960x128xf32, #tpu.memory_space<hbm>> -> memref<80x128xf32, #tpu.memory_space<hbm>>
    tpu.enqueue_dma source(%arg10 : memref<80x128xf32, #tpu.memory_space<vmem>>) target(%dma_start3A_496 : memref<80x128xf32, #tpu.memory_space<hbm>>) target_semaphore(%arg23 : memref<!tpu.dma_semaphore, #tpu.memory_space<semaphore_mem>>)
    %add3A_497 = arith.constant 320 : i32
    %add3A_498 = arith.addi %add3A_424, %add3A_497 : i32
    %dma_wait3A_499 = arith.constant 0 : i32
    %dma_wait3A_500 = tpu.memref_slice %arg4[%add3A_498, %dma_wait3A_499] : memref<40960x128xf32, #tpu.memory_space<hbm>> -> memref<80x128xf32, #tpu.memory_space<hbm>>
    %dma_wait3A_501 = arith.constant 0 : i32
    %dma_wait3A_502 = tpu.memref_slice %arg4[%add3A_498, %dma_wait3A_501] : memref<40960x128xf32, #tpu.memory_space<hbm>> -> memref<80x128xf32, #tpu.memory_space<hbm>>
    tpu.wait_dma2 semaphore(%arg22 : memref<!tpu.dma_semaphore, #tpu.memory_space<semaphore_mem>>) src(%arg9 : memref<80x128xf32, #tpu.memory_space<vmem>>) dst(%dma_wait3A_502 : memref<80x128xf32, #tpu.memory_space<hbm>>)
    %add3A_503 = arith.constant 480 : i32
    %add3A_504 = arith.addi %mul3A_2, %add3A_503 : i32
    "tpu.region"() ({
      %run_scoped3A = tpu.sem_alloc : memref<!tpu.dma_semaphore, #tpu.memory_space<semaphore_mem>>
      %dma_start3A_537 = arith.constant 0 : i32
      %dma_start3A_538 = tpu.memref_slice %arg12[%add3A_504, %dma_start3A_537] : memref<10240x128xf32, #tpu.memory_space<vmem_shared>> -> memref<80x128xf32, #tpu.memory_space<vmem_shared>>
      %dma_start3A_539 = arith.constant 0 : i32
      %dma_start3A_540 = tpu.memref_slice %arg12[%add3A_504, %dma_start3A_539] : memref<10240x128xf32, #tpu.memory_space<vmem_shared>> -> memref<80x128xf32, #tpu.memory_space<vmem_shared>>
      tpu.enqueue_dma source(%dma_start3A_540 : memref<80x128xf32, #tpu.memory_space<vmem_shared>>) target(%arg9 : memref<80x128xf32, #tpu.memory_space<vmem>>) target_semaphore(%run_scoped3A : memref<!tpu.dma_semaphore, #tpu.memory_space<semaphore_mem>>)
      %dma_wait3A_541 = arith.constant 0 : i32
      %dma_wait3A_542 = tpu.memref_slice %arg12[%add3A_504, %dma_wait3A_541] : memref<10240x128xf32, #tpu.memory_space<vmem_shared>> -> memref<80x128xf32, #tpu.memory_space<vmem_shared>>
      %dma_wait3A_543 = arith.constant 0 : i32
      %dma_wait3A_544 = tpu.memref_slice %arg12[%add3A_504, %dma_wait3A_543] : memref<10240x128xf32, #tpu.memory_space<vmem_shared>> -> memref<80x128xf32, #tpu.memory_space<vmem_shared>>
      tpu.wait_dma2 semaphore(%run_scoped3A : memref<!tpu.dma_semaphore, #tpu.memory_space<semaphore_mem>>) src(%dma_wait3A_544 : memref<80x128xf32, #tpu.memory_space<vmem_shared>>) dst(%arg9 : memref<80x128xf32, #tpu.memory_space<vmem>>)
      tpu.yield
    }) : () -> ()
    %add3A_505 = arith.constant 480 : i32
    %add3A_506 = arith.addi %add3A_424, %add3A_505 : i32
    %dma_start3A_507 = arith.constant 0 : i32
    %dma_start3A_508 = tpu.memref_slice %arg4[%add3A_506, %dma_start3A_507] : memref<40960x128xf32, #tpu.memory_space<hbm>> -> memref<80x128xf32, #tpu.memory_space<hbm>>
    %dma_start3A_509 = arith.constant 0 : i32
    %dma_start3A_510 = tpu.memref_slice %arg4[%add3A_506, %dma_start3A_509] : memref<40960x128xf32, #tpu.memory_space<hbm>> -> memref<80x128xf32, #tpu.memory_space<hbm>>
    tpu.enqueue_dma source(%arg9 : memref<80x128xf32, #tpu.memory_space<vmem>>) target(%dma_start3A_510 : memref<80x128xf32, #tpu.memory_space<hbm>>) target_semaphore(%arg22 : memref<!tpu.dma_semaphore, #tpu.memory_space<semaphore_mem>>)
    %add3A_511 = arith.constant 400 : i32
    %add3A_512 = arith.addi %add3A_424, %add3A_511 : i32
    %dma_wait3A_513 = arith.constant 0 : i32
    %dma_wait3A_514 = tpu.memref_slice %arg4[%add3A_512, %dma_wait3A_513] : memref<40960x128xf32, #tpu.memory_space<hbm>> -> memref<80x128xf32, #tpu.memory_space<hbm>>
    %dma_wait3A_515 = arith.constant 0 : i32
    %dma_wait3A_516 = tpu.memref_slice %arg4[%add3A_512, %dma_wait3A_515] : memref<40960x128xf32, #tpu.memory_space<hbm>> -> memref<80x128xf32, #tpu.memory_space<hbm>>
    tpu.wait_dma2 semaphore(%arg23 : memref<!tpu.dma_semaphore, #tpu.memory_space<semaphore_mem>>) src(%arg10 : memref<80x128xf32, #tpu.memory_space<vmem>>) dst(%dma_wait3A_516 : memref<80x128xf32, #tpu.memory_space<hbm>>)
    %add3A_517 = arith.constant 560 : i32
    %add3A_518 = arith.addi %mul3A_2, %add3A_517 : i32
    "tpu.region"() ({
      %run_scoped3A = tpu.sem_alloc : memref<!tpu.dma_semaphore, #tpu.memory_space<semaphore_mem>>
      %dma_start3A_537 = arith.constant 0 : i32
      %dma_start3A_538 = tpu.memref_slice %arg12[%add3A_518, %dma_start3A_537] : memref<10240x128xf32, #tpu.memory_space<vmem_shared>> -> memref<80x128xf32, #tpu.memory_space<vmem_shared>>
      %dma_start3A_539 = arith.constant 0 : i32
      %dma_start3A_540 = tpu.memref_slice %arg12[%add3A_518, %dma_start3A_539] : memref<10240x128xf32, #tpu.memory_space<vmem_shared>> -> memref<80x128xf32, #tpu.memory_space<vmem_shared>>
      tpu.enqueue_dma source(%dma_start3A_540 : memref<80x128xf32, #tpu.memory_space<vmem_shared>>) target(%arg10 : memref<80x128xf32, #tpu.memory_space<vmem>>) target_semaphore(%run_scoped3A : memref<!tpu.dma_semaphore, #tpu.memory_space<semaphore_mem>>)
      %dma_wait3A_541 = arith.constant 0 : i32
      %dma_wait3A_542 = tpu.memref_slice %arg12[%add3A_518, %dma_wait3A_541] : memref<10240x128xf32, #tpu.memory_space<vmem_shared>> -> memref<80x128xf32, #tpu.memory_space<vmem_shared>>
      %dma_wait3A_543 = arith.constant 0 : i32
      %dma_wait3A_544 = tpu.memref_slice %arg12[%add3A_518, %dma_wait3A_543] : memref<10240x128xf32, #tpu.memory_space<vmem_shared>> -> memref<80x128xf32, #tpu.memory_space<vmem_shared>>
      tpu.wait_dma2 semaphore(%run_scoped3A : memref<!tpu.dma_semaphore, #tpu.memory_space<semaphore_mem>>) src(%dma_wait3A_544 : memref<80x128xf32, #tpu.memory_space<vmem_shared>>) dst(%arg10 : memref<80x128xf32, #tpu.memory_space<vmem>>)
      tpu.yield
    }) : () -> ()
    %add3A_519 = arith.constant 560 : i32
    %add3A_520 = arith.addi %add3A_424, %add3A_519 : i32
    %dma_start3A_521 = arith.constant 0 : i32
    %dma_start3A_522 = tpu.memref_slice %arg4[%add3A_520, %dma_start3A_521] : memref<40960x128xf32, #tpu.memory_space<hbm>> -> memref<80x128xf32, #tpu.memory_space<hbm>>
    %dma_start3A_523 = arith.constant 0 : i32
    %dma_start3A_524 = tpu.memref_slice %arg4[%add3A_520, %dma_start3A_523] : memref<40960x128xf32, #tpu.memory_space<hbm>> -> memref<80x128xf32, #tpu.memory_space<hbm>>
    tpu.enqueue_dma source(%arg10 : memref<80x128xf32, #tpu.memory_space<vmem>>) target(%dma_start3A_524 : memref<80x128xf32, #tpu.memory_space<hbm>>) target_semaphore(%arg23 : memref<!tpu.dma_semaphore, #tpu.memory_space<semaphore_mem>>)
    %add3A_525 = arith.constant 480 : i32
    %add3A_526 = arith.addi %add3A_424, %add3A_525 : i32
    %dma_wait3A_527 = arith.constant 0 : i32
    %dma_wait3A_528 = tpu.memref_slice %arg4[%add3A_526, %dma_wait3A_527] : memref<40960x128xf32, #tpu.memory_space<hbm>> -> memref<80x128xf32, #tpu.memory_space<hbm>>
    %dma_wait3A_529 = arith.constant 0 : i32
    %dma_wait3A_530 = tpu.memref_slice %arg4[%add3A_526, %dma_wait3A_529] : memref<40960x128xf32, #tpu.memory_space<hbm>> -> memref<80x128xf32, #tpu.memory_space<hbm>>
    tpu.wait_dma2 semaphore(%arg22 : memref<!tpu.dma_semaphore, #tpu.memory_space<semaphore_mem>>) src(%arg9 : memref<80x128xf32, #tpu.memory_space<vmem>>) dst(%dma_wait3A_530 : memref<80x128xf32, #tpu.memory_space<hbm>>)
    %add3A_531 = arith.constant 560 : i32
    %add3A_532 = arith.addi %add3A_424, %add3A_531 : i32
    %dma_wait3A_533 = arith.constant 0 : i32
    %dma_wait3A_534 = tpu.memref_slice %arg4[%add3A_532, %dma_wait3A_533] : memref<40960x128xf32, #tpu.memory_space<hbm>> -> memref<80x128xf32, #tpu.memory_space<hbm>>
    %dma_wait3A_535 = arith.constant 0 : i32
    %dma_wait3A_536 = tpu.memref_slice %arg4[%add3A_532, %dma_wait3A_535] : memref<40960x128xf32, #tpu.memory_space<hbm>> -> memref<80x128xf32, #tpu.memory_space<hbm>>
    tpu.wait_dma2 semaphore(%arg23 : memref<!tpu.dma_semaphore, #tpu.memory_space<semaphore_mem>>) src(%arg10 : memref<80x128xf32, #tpu.memory_space<vmem>>) dst(%dma_wait3A_536 : memref<80x128xf32, #tpu.memory_space<hbm>>)
    return
  }
}

module attributes {stable_mosaic.version = 14 : i64} {
  func.func @_emb_body(%arg0: i32, %arg1: memref<2000x256xf32, #tpu.memory_space<vmem>>, %arg2: memref<512x256xf32, #tpu.memory_space<vmem>>, %arg3: memref<1x512xf32, #tpu.memory_space<vmem>>, %arg4: memref<4x2000x128xf32, #tpu.memory_space<vmem>>) attributes {dimension_semantics = [#tpu.dimension_semantics<arbitrary>], iteration_bounds = array<i64: 5>, scalar_prefetch = 0 : i64, scratch_operands = 0 : i64, tpu.core_type = #tpu.core_type<tc>, window_params = [{transform_indices = @transform_0, window_bounds = array<i64: 2000, 256>}, {pipeline_mode = #tpu.pipeline_mode<synchronous>, transform_indices = @transform_1, window_bounds = array<i64: 512, 256>}, {pipeline_mode = #tpu.pipeline_mode<synchronous>, transform_indices = @transform_2, window_bounds = array<i64: 1, 512>}, {transform_indices = @transform_3, window_bounds = array<i64: 4, 2000, 128>}]} {
    %get3A = arith.constant 0 : index
    %get3A_0 = arith.constant 0 : index
    %get3A_1 = vector.load %arg1[%get3A, %get3A_0] : memref<2000x256xf32, #tpu.memory_space<vmem>>, vector<2000x256xf32>
    %convert_element_type3A = arith.truncf %get3A_1 : vector<2000x256xf32> to vector<2000x256xbf16>
    %get3A_2 = arith.constant 0 : index
    %get3A_3 = arith.constant 0 : index
    %get3A_4 = vector.load %arg2[%get3A_2, %get3A_3] : memref<512x256xf32, #tpu.memory_space<vmem>>, vector<512x256xf32>
    %convert_element_type3A_5 = arith.truncf %get3A_4 : vector<512x256xf32> to vector<512x256xbf16>
    %dot_general3A = arith.constant dense<0.000000e+00> : vector<2000x512xf32>
    %dot_general3A_6 = tpu.matmul %convert_element_type3A, %convert_element_type3A_5, %dot_general3A {dimension_numbers = #tpu.dot_dimension_numbers<[1], [1], [0], [0], [0, 0, 1, 0], [], []>, transpose_lhs_hint = false} : vector<2000x256xbf16>, vector<512x256xbf16>, vector<2000x512xf32> -> vector<2000x512xf32>
    %get3A_7 = arith.constant 0 : index
    %get3A_8 = arith.constant 0 : index
    %get3A_9 = vector.load %arg3[%get3A_7, %get3A_8] : memref<1x512xf32, #tpu.memory_space<vmem>>, vector<1x512xf32>
    %add3A = vector.broadcast %get3A_9 : vector<1x512xf32> to vector<2000x512xf32>
    %add3A_10 = arith.addf %dot_general3A_6, %add3A : vector<2000x512xf32>
    %slice3A = vector.extract_strided_slice %add3A_10 {offsets = [0, 0], sizes = [2000, 128], strides = [1, 1]} : vector<2000x512xf32> to vector<2000x128xf32>
    %swap3A = arith.constant 0 : index
    %swap3A_11 = arith.constant 0 : index
    %swap3A_12 = arith.constant 0 : index
    %swap3A_13 = vector.load %arg4[%swap3A, %swap3A_11, %swap3A_12] : memref<4x2000x128xf32, #tpu.memory_space<vmem>>, vector<1x2000x128xf32>
    %swap3A_14 = vector.shape_cast %swap3A_13 : vector<1x2000x128xf32> to vector<2000x128xf32>
    %swap3A_15 = vector.shape_cast %slice3A : vector<2000x128xf32> to vector<1x2000x128xf32>
    tpu.vector_store %arg4[%swap3A, %swap3A_11, %swap3A_12], %swap3A_15 {strides = array<i32>} : memref<4x2000x128xf32, #tpu.memory_space<vmem>>, vector<1x2000x128xf32>,
    %slice3A_16 = vector.extract_strided_slice %add3A_10 {offsets = [0, 128], sizes = [2000, 128], strides = [1, 1]} : vector<2000x512xf32> to vector<2000x128xf32>
    %swap3A_17 = arith.constant 1 : index
    %swap3A_18 = arith.constant 0 : index
    %swap3A_19 = arith.constant 0 : index
    %swap3A_20 = vector.load %arg4[%swap3A_17, %swap3A_18, %swap3A_19] : memref<4x2000x128xf32, #tpu.memory_space<vmem>>, vector<1x2000x128xf32>
    %swap3A_21 = vector.shape_cast %swap3A_20 : vector<1x2000x128xf32> to vector<2000x128xf32>
    %swap3A_22 = vector.shape_cast %slice3A_16 : vector<2000x128xf32> to vector<1x2000x128xf32>
    tpu.vector_store %arg4[%swap3A_17, %swap3A_18, %swap3A_19], %swap3A_22 {strides = array<i32>} : memref<4x2000x128xf32, #tpu.memory_space<vmem>>, vector<1x2000x128xf32>,
    %slice3A_23 = vector.extract_strided_slice %add3A_10 {offsets = [0, 256], sizes = [2000, 128], strides = [1, 1]} : vector<2000x512xf32> to vector<2000x128xf32>
    %swap3A_24 = arith.constant 2 : index
    %swap3A_25 = arith.constant 0 : index
    %swap3A_26 = arith.constant 0 : index
    %swap3A_27 = vector.load %arg4[%swap3A_24, %swap3A_25, %swap3A_26] : memref<4x2000x128xf32, #tpu.memory_space<vmem>>, vector<1x2000x128xf32>
    %swap3A_28 = vector.shape_cast %swap3A_27 : vector<1x2000x128xf32> to vector<2000x128xf32>
    %swap3A_29 = vector.shape_cast %slice3A_23 : vector<2000x128xf32> to vector<1x2000x128xf32>
    tpu.vector_store %arg4[%swap3A_24, %swap3A_25, %swap3A_26], %swap3A_29 {strides = array<i32>} : memref<4x2000x128xf32, #tpu.memory_space<vmem>>, vector<1x2000x128xf32>,
    %slice3A_30 = vector.extract_strided_slice %add3A_10 {offsets = [0, 384], sizes = [2000, 128], strides = [1, 1]} : vector<2000x512xf32> to vector<2000x128xf32>
    %swap3A_31 = arith.constant 3 : index
    %swap3A_32 = arith.constant 0 : index
    %swap3A_33 = arith.constant 0 : index
    %swap3A_34 = vector.load %arg4[%swap3A_31, %swap3A_32, %swap3A_33] : memref<4x2000x128xf32, #tpu.memory_space<vmem>>, vector<1x2000x128xf32>
    %swap3A_35 = vector.shape_cast %swap3A_34 : vector<1x2000x128xf32> to vector<2000x128xf32>
    %swap3A_36 = vector.shape_cast %slice3A_30 : vector<2000x128xf32> to vector<1x2000x128xf32>
    tpu.vector_store %arg4[%swap3A_31, %swap3A_32, %swap3A_33], %swap3A_36 {strides = array<i32>} : memref<4x2000x128xf32, #tpu.memory_space<vmem>>, vector<1x2000x128xf32>,
    return
  }
  func.func @transform_0(%arg0: i32) -> (i32, i32) {
    %c0_i32 = arith.constant 0 : i32
    %c0_i32_0 = arith.constant 0 : i32
    return %arg0, %c0_i32 : i32, i32
  }
  func.func @transform_1(%arg0: i32) -> (i32, i32) {
    %c0_i32 = arith.constant 0 : i32
    %c0_i32_0 = arith.constant 0 : i32
    %c0_i32_1 = arith.constant 0 : i32
    return %c0_i32, %c0_i32_0 : i32, i32
  }
  func.func @transform_2(%arg0: i32) -> (i32, i32) {
    %c0_i32 = arith.constant 0 : i32
    %c0_i32_0 = arith.constant 0 : i32
    %c0_i32_1 = arith.constant 0 : i32
    return %c0_i32, %c0_i32_0 : i32, i32
  }
  func.func @transform_3(%arg0: i32) -> (i32, i32, i32) {
    %c0_i32 = arith.constant 0 : i32
    %c0_i32_0 = arith.constant 0 : i32
    %c0_i32_1 = arith.constant 0 : i32
    return %c0_i32, %arg0, %c0_i32_0 : i32, i32, i32
  }
}

module attributes {stable_mosaic.version = 14 : i64} {
  func.func @_final_body(%arg0: i32, %arg1: memref<4x2000x128xf32, #tpu.memory_space<vmem>>, %arg2: memref<4x2000x128xf32, #tpu.memory_space<vmem>>, %arg3: memref<512x512xf32, #tpu.memory_space<vmem>>, %arg4: memref<1x512xf32, #tpu.memory_space<vmem>>, %arg5: memref<1x512xf32, #tpu.memory_space<vmem>>, %arg6: memref<1x1xf32, #tpu.memory_space<vmem>>, %arg7: memref<1x512xf32, #tpu.memory_space<vmem>>, %arg8: memref<1x1xf32, #tpu.memory_space<vmem>>, %arg9: memref<2000x1xf32, #tpu.memory_space<vmem>>) attributes {dimension_semantics = [#tpu.dimension_semantics<arbitrary>], iteration_bounds = array<i64: 5>, scalar_prefetch = 0 : i64, scratch_operands = 0 : i64, tpu.core_type = #tpu.core_type<tc>, window_params = [{transform_indices = @transform_0, window_bounds = array<i64: 4, 2000, 128>}, {transform_indices = @transform_1, window_bounds = array<i64: 4, 2000, 128>}, {pipeline_mode = #tpu.pipeline_mode<synchronous>, transform_indices = @transform_2, window_bounds = array<i64: 512, 512>}, {pipeline_mode = #tpu.pipeline_mode<synchronous>, transform_indices = @transform_3, window_bounds = array<i64: 1, 512>}, {pipeline_mode = #tpu.pipeline_mode<synchronous>, transform_indices = @transform_4, window_bounds = array<i64: 1, 512>}, {pipeline_mode = #tpu.pipeline_mode<synchronous>, transform_indices = @transform_5, window_bounds = array<i64: 1, 1>}, {pipeline_mode = #tpu.pipeline_mode<synchronous>, transform_indices = @transform_6, window_bounds = array<i64: 1, 512>}, {pipeline_mode = #tpu.pipeline_mode<synchronous>, transform_indices = @transform_7, window_bounds = array<i64: 1, 1>}, {transform_indices = @transform_8, window_bounds = array<i64: 2000, 1>}]} {
    %get3A = arith.constant 0 : index
    %get3A_0 = arith.constant 0 : index
    %get3A_1 = arith.constant 0 : index
    %get3A_2 = vector.load %arg1[%get3A, %get3A_0, %get3A_1] : memref<4x2000x128xf32, #tpu.memory_space<vmem>>, vector<4x2000x128xf32>
    %get3A_3 = arith.constant 0 : index
    %get3A_4 = arith.constant 0 : index
    %get3A_5 = arith.constant 0 : index
    %get3A_6 = vector.load %arg2[%get3A_3, %get3A_4, %get3A_5] : memref<4x2000x128xf32, #tpu.memory_space<vmem>>, vector<4x2000x128xf32>
    %get3A_7 = arith.constant 0 : index
    %get3A_8 = arith.constant 0 : index
    %get3A_9 = vector.load %arg3[%get3A_7, %get3A_8] : memref<512x512xf32, #tpu.memory_space<vmem>>, vector<512x512xf32>
    %get3A_10 = arith.constant 0 : index
    %get3A_11 = arith.constant 0 : index
    %get3A_12 = vector.load %arg4[%get3A_10, %get3A_11] : memref<1x512xf32, #tpu.memory_space<vmem>>, vector<1x512xf32>
    %get3A_13 = arith.constant 0 : index
    %get3A_14 = arith.constant 0 : index
    %get3A_15 = vector.load %arg5[%get3A_13, %get3A_14] : memref<1x512xf32, #tpu.memory_space<vmem>>, vector<1x512xf32>
    %get3A_16 = arith.constant 0 : index
    %get3A_17 = arith.constant 0 : index
    %get3A_18 = vector.load %arg6[%get3A_16, %get3A_17] : memref<1x1xf32, #tpu.memory_space<vmem>>, vector<1x1xf32>
    %get3A_19 = vector.extract %get3A_18[0, 0] : f32 from vector<1x1xf32>
    %slice3A = vector.extract_strided_slice %get3A_2 {offsets = [0, 0, 0], sizes = [1, 2000, 128], strides = [1, 1, 1]} : vector<4x2000x128xf32> to vector<1x2000x128xf32>
    %squeeze3A = vector.shape_cast %slice3A : vector<1x2000x128xf32> to vector<2000x128xf32>
    %convert_element_type3A = arith.truncf %squeeze3A : vector<2000x128xf32> to vector<2000x128xbf16>
    %slice3A_20 = vector.extract_strided_slice %get3A_9 {offsets = [0, 0], sizes = [512, 128], strides = [1, 1]} : vector<512x512xf32> to vector<512x128xf32>
    %convert_element_type3A_21 = arith.truncf %slice3A_20 : vector<512x128xf32> to vector<512x128xbf16>
    %dot_general3A = arith.constant dense<0.000000e+00> : vector<2000x512xf32>
    %dot_general3A_22 = tpu.matmul %convert_element_type3A, %convert_element_type3A_21, %dot_general3A {dimension_numbers = #tpu.dot_dimension_numbers<[1], [1], [0], [0], [0, 0, 1, 0], [], []>, transpose_lhs_hint = false} : vector<2000x128xbf16>, vector<512x128xbf16>, vector<2000x512xf32> -> vector<2000x512xf32>
    %slice3A_23 = vector.extract_strided_slice %get3A_2 {offsets = [1, 0, 0], sizes = [1, 2000, 128], strides = [1, 1, 1]} : vector<4x2000x128xf32> to vector<1x2000x128xf32>
    %squeeze3A_24 = vector.shape_cast %slice3A_23 : vector<1x2000x128xf32> to vector<2000x128xf32>
    %convert_element_type3A_25 = arith.truncf %squeeze3A_24 : vector<2000x128xf32> to vector<2000x128xbf16>
    %slice3A_26 = vector.extract_strided_slice %get3A_9 {offsets = [0, 128], sizes = [512, 128], strides = [1, 1]} : vector<512x512xf32> to vector<512x128xf32>
    %convert_element_type3A_27 = arith.truncf %slice3A_26 : vector<512x128xf32> to vector<512x128xbf16>
    %dot_general3A_28 = arith.constant dense<0.000000e+00> : vector<2000x512xf32>
    %dot_general3A_29 = tpu.matmul %convert_element_type3A_25, %convert_element_type3A_27, %dot_general3A_28 {dimension_numbers = #tpu.dot_dimension_numbers<[1], [1], [0], [0], [0, 0, 1, 0], [], []>, transpose_lhs_hint = false} : vector<2000x128xbf16>, vector<512x128xbf16>, vector<2000x512xf32> -> vector<2000x512xf32>
    %add3A = arith.addf %dot_general3A_22, %dot_general3A_29 : vector<2000x512xf32>
    %slice3A_30 = vector.extract_strided_slice %get3A_2 {offsets = [2, 0, 0], sizes = [1, 2000, 128], strides = [1, 1, 1]} : vector<4x2000x128xf32> to vector<1x2000x128xf32>
    %squeeze3A_31 = vector.shape_cast %slice3A_30 : vector<1x2000x128xf32> to vector<2000x128xf32>
    %convert_element_type3A_32 = arith.truncf %squeeze3A_31 : vector<2000x128xf32> to vector<2000x128xbf16>
    %slice3A_33 = vector.extract_strided_slice %get3A_9 {offsets = [0, 256], sizes = [512, 128], strides = [1, 1]} : vector<512x512xf32> to vector<512x128xf32>
    %convert_element_type3A_34 = arith.truncf %slice3A_33 : vector<512x128xf32> to vector<512x128xbf16>
    %dot_general3A_35 = arith.constant dense<0.000000e+00> : vector<2000x512xf32>
    %dot_general3A_36 = tpu.matmul %convert_element_type3A_32, %convert_element_type3A_34, %dot_general3A_35 {dimension_numbers = #tpu.dot_dimension_numbers<[1], [1], [0], [0], [0, 0, 1, 0], [], []>, transpose_lhs_hint = false} : vector<2000x128xbf16>, vector<512x128xbf16>, vector<2000x512xf32> -> vector<2000x512xf32>
    %add3A_37 = arith.addf %add3A, %dot_general3A_36 : vector<2000x512xf32>
    %slice3A_38 = vector.extract_strided_slice %get3A_2 {offsets = [3, 0, 0], sizes = [1, 2000, 128], strides = [1, 1, 1]} : vector<4x2000x128xf32> to vector<1x2000x128xf32>
    %squeeze3A_39 = vector.shape_cast %slice3A_38 : vector<1x2000x128xf32> to vector<2000x128xf32>
    %convert_element_type3A_40 = arith.truncf %squeeze3A_39 : vector<2000x128xf32> to vector<2000x128xbf16>
    %slice3A_41 = vector.extract_strided_slice %get3A_9 {offsets = [0, 384], sizes = [512, 128], strides = [1, 1]} : vector<512x512xf32> to vector<512x128xf32>
    %convert_element_type3A_42 = arith.truncf %slice3A_41 : vector<512x128xf32> to vector<512x128xbf16>
    %dot_general3A_43 = arith.constant dense<0.000000e+00> : vector<2000x512xf32>
    %dot_general3A_44 = tpu.matmul %convert_element_type3A_40, %convert_element_type3A_42, %dot_general3A_43 {dimension_numbers = #tpu.dot_dimension_numbers<[1], [1], [0], [0], [0, 0, 1, 0], [], []>, transpose_lhs_hint = false} : vector<2000x128xbf16>, vector<512x128xbf16>, vector<2000x512xf32> -> vector<2000x512xf32>
    %add3A_45 = arith.addf %add3A_37, %dot_general3A_44 : vector<2000x512xf32>
    %jit3A = arith.constant -1.000000e+01 : f32
    %jit3A_46 = arith.constant 1.000000e+01 : f32
    %max3A = vector.broadcast %jit3A : f32 to vector<2000x512xf32>
    %max3A_47 = arith.maximumf %max3A, %add3A_45 : vector<2000x512xf32>
    %min3A = vector.broadcast %jit3A_46 : f32 to vector<2000x512xf32>
    %min3A_48 = arith.minimumf %min3A, %max3A_47 : vector<2000x512xf32>
    %mul3A = arith.mulf %min3A_48, %min3A_48 : vector<2000x512xf32>
    %div3A = arith.constant 5.000000e-01 : f32
    %div3A_49 = arith.divf %get3A_19, %div3A : f32
    %mul3A_50 = arith.mulf %mul3A, %mul3A : vector<2000x512xf32>
    %mul3A_51 = arith.constant 0.00999999977 : f32
    %mul3A_52 = vector.broadcast %mul3A_51 : f32 to vector<2000x512xf32>
    %mul3A_53 = arith.mulf %mul3A_50, %mul3A_52 : vector<2000x512xf32>
    %sub3A = vector.broadcast %div3A_49 : f32 to vector<2000x512xf32>
    %sub3A_54 = arith.subf %sub3A, %mul3A_53 : vector<2000x512xf32>
    %logistic3A = arith.negf %sub3A_54 : vector<2000x512xf32>
    %logistic3A_55 = math.exp %logistic3A : vector<2000x512xf32>
    %logistic3A_56 = arith.constant 1.000000e+00 : f32
    %logistic3A_57 = vector.broadcast %logistic3A_56 : f32 to vector<2000x512xf32>
    %logistic3A_58 = arith.addf %logistic3A_57, %logistic3A_55 : vector<2000x512xf32>
    %logistic3A_59 = arith.divf %logistic3A_57, %logistic3A_58 : vector<2000x512xf32>
    %mul3A_60 = arith.mulf %add3A_45, %logistic3A_59 : vector<2000x512xf32>
    %slice3A_61 = vector.extract_strided_slice %get3A_6 {offsets = [0, 0, 0], sizes = [1, 2000, 128], strides = [1, 1, 1]} : vector<4x2000x128xf32> to vector<1x2000x128xf32>
    %squeeze3A_62 = vector.shape_cast %slice3A_61 : vector<1x2000x128xf32> to vector<2000x128xf32>
    %slice3A_63 = vector.extract_strided_slice %get3A_6 {offsets = [1, 0, 0], sizes = [1, 2000, 128], strides = [1, 1, 1]} : vector<4x2000x128xf32> to vector<1x2000x128xf32>
    %squeeze3A_64 = vector.shape_cast %slice3A_63 : vector<1x2000x128xf32> to vector<2000x128xf32>
    %slice3A_65 = vector.extract_strided_slice %get3A_6 {offsets = [2, 0, 0], sizes = [1, 2000, 128], strides = [1, 1, 1]} : vector<4x2000x128xf32> to vector<1x2000x128xf32>
    %squeeze3A_66 = vector.shape_cast %slice3A_65 : vector<1x2000x128xf32> to vector<2000x128xf32>
    %slice3A_67 = vector.extract_strided_slice %get3A_6 {offsets = [3, 0, 0], sizes = [1, 2000, 128], strides = [1, 1, 1]} : vector<4x2000x128xf32> to vector<1x2000x128xf32>
    %squeeze3A_68 = vector.shape_cast %slice3A_67 : vector<1x2000x128xf32> to vector<2000x128xf32>
    %concatenate3A = tpu.concatenate %squeeze3A_62, %squeeze3A_64, %squeeze3A_66, %squeeze3A_68 in 1 : vector<2000x128xf32>, vector<2000x128xf32>, vector<2000x128xf32>, vector<2000x128xf32> -> vector<2000x512xf32>
    %add3A_69 = arith.addf %mul3A_60, %concatenate3A : vector<2000x512xf32>
    %reduce_sum3A = arith.constant dense<0.000000e+00> : vector<2000xf32>
    %reduce_sum3A_70 = vector.multi_reduction <add>, %add3A_69, %reduce_sum3A [1] : vector<2000x512xf32> to vector<2000xf32>
    %broadcast_in_dim3A = vector.shape_cast %reduce_sum3A_70 : vector<2000xf32> to vector<2000x1xf32>
    %div3A_71 = arith.constant 5.120000e+02 : f32
    %div3A_72 = vector.broadcast %div3A_71 : f32 to vector<2000x1xf32>
    %div3A_73 = arith.divf %broadcast_in_dim3A, %div3A_72 : vector<2000x1xf32>
    %sub3A_74 = vector.broadcast %div3A_73 : vector<2000x1xf32> to vector<2000x512xf32>
    %sub3A_75 = arith.subf %add3A_69, %sub3A_74 : vector<2000x512xf32>
    %integer_pow3A = arith.mulf %sub3A_75, %sub3A_75 : vector<2000x512xf32>
    %reduce_sum3A_76 = arith.constant dense<0.000000e+00> : vector<2000xf32>
    %reduce_sum3A_77 = vector.multi_reduction <add>, %integer_pow3A, %reduce_sum3A_76 [1] : vector<2000x512xf32> to vector<2000xf32>
    %broadcast_in_dim3A_78 = vector.shape_cast %reduce_sum3A_77 : vector<2000xf32> to vector<2000x1xf32>
    %div3A_79 = arith.constant 5.120000e+02 : f32
    %div3A_80 = vector.broadcast %div3A_79 : f32 to vector<2000x1xf32>
    %div3A_81 = arith.divf %broadcast_in_dim3A_78, %div3A_80 : vector<2000x1xf32>
    %sub3A_82 = vector.broadcast %div3A_73 : vector<2000x1xf32> to vector<2000x512xf32>
    %sub3A_83 = arith.subf %add3A_69, %sub3A_82 : vector<2000x512xf32>
    %add3A_84 = arith.constant 9.99999974E-6 : f32
    %add3A_85 = vector.broadcast %add3A_84 : f32 to vector<2000x1xf32>
    %add3A_86 = arith.addf %div3A_81, %add3A_85 : vector<2000x1xf32>
    %sqrt3A = math.sqrt %add3A_86 : vector<2000x1xf32>
    %div3A_87 = vector.broadcast %sqrt3A : vector<2000x1xf32> to vector<2000x512xf32>
    %div3A_88 = arith.divf %sub3A_83, %div3A_87 : vector<2000x512xf32>
    %mul3A_89 = vector.broadcast %get3A_12 : vector<1x512xf32> to vector<2000x512xf32>
    %mul3A_90 = arith.mulf %div3A_88, %mul3A_89 : vector<2000x512xf32>
    %add3A_91 = vector.broadcast %get3A_15 : vector<1x512xf32> to vector<2000x512xf32>
    %add3A_92 = arith.addf %mul3A_90, %add3A_91 : vector<2000x512xf32>
    %get3A_93 = arith.constant 0 : index
    %get3A_94 = arith.constant 0 : index
    %get3A_95 = vector.load %arg7[%get3A_93, %get3A_94] : memref<1x512xf32, #tpu.memory_space<vmem>>, vector<1x512xf32>
    %mul3A_96 = vector.broadcast %get3A_95 : vector<1x512xf32> to vector<2000x512xf32>
    %mul3A_97 = arith.mulf %add3A_92, %mul3A_96 : vector<2000x512xf32>
    %reduce_sum3A_98 = arith.constant dense<0.000000e+00> : vector<2000xf32>
    %reduce_sum3A_99 = vector.multi_reduction <add>, %mul3A_97, %reduce_sum3A_98 [1] : vector<2000x512xf32> to vector<2000xf32>
    %broadcast_in_dim3A_100 = vector.shape_cast %reduce_sum3A_99 : vector<2000xf32> to vector<2000x1xf32>
    %get3A_101 = arith.constant 0 : index
    %get3A_102 = arith.constant 0 : index
    %get3A_103 = vector.load %arg8[%get3A_101, %get3A_102] : memref<1x1xf32, #tpu.memory_space<vmem>>, vector<1x1xf32>
    %get3A_104 = vector.extract %get3A_103[0, 0] : f32 from vector<1x1xf32>
    %add3A_105 = vector.broadcast %get3A_104 : f32 to vector<2000x1xf32>
    %add3A_106 = arith.addf %broadcast_in_dim3A_100, %add3A_105 : vector<2000x1xf32>
    %logistic3A_107 = arith.negf %add3A_106 : vector<2000x1xf32>
    %logistic3A_108 = math.exp %logistic3A_107 : vector<2000x1xf32>
    %logistic3A_109 = arith.constant 1.000000e+00 : f32
    %logistic3A_110 = vector.broadcast %logistic3A_109 : f32 to vector<2000x1xf32>
    %logistic3A_111 = arith.addf %logistic3A_110, %logistic3A_108 : vector<2000x1xf32>
    %logistic3A_112 = arith.divf %logistic3A_110, %logistic3A_111 : vector<2000x1xf32>
    %swap3A = arith.constant 0 : index
    %swap3A_113 = arith.constant 0 : index
    %swap3A_114 = vector.load %arg9[%swap3A, %swap3A_113] : memref<2000x1xf32, #tpu.memory_space<vmem>>, vector<2000x1xf32>
    tpu.vector_store %arg9[%swap3A, %swap3A_113], %logistic3A_112 {strides = array<i32>} : memref<2000x1xf32, #tpu.memory_space<vmem>>, vector<2000x1xf32>,
    return
  }
  func.func @transform_0(%arg0: i32) -> (i32, i32, i32) {
    %c0_i32 = arith.constant 0 : i32
    %c0_i32_0 = arith.constant 0 : i32
    %c0_i32_1 = arith.constant 0 : i32
    return %c0_i32, %arg0, %c0_i32_0 : i32, i32, i32
  }
  func.func @transform_1(%arg0: i32) -> (i32, i32, i32) {
    %c0_i32 = arith.constant 0 : i32
    %c0_i32_0 = arith.constant 0 : i32
    %c0_i32_1 = arith.constant 0 : i32
    return %c0_i32, %arg0, %c0_i32_0 : i32, i32, i32
  }
  func.func @transform_2(%arg0: i32) -> (i32, i32) {
    %c0_i32 = arith.constant 0 : i32
    %c0_i32_0 = arith.constant 0 : i32
    %c0_i32_1 = arith.constant 0 : i32
    return %c0_i32, %c0_i32_0 : i32, i32
  }
  func.func @transform_3(%arg0: i32) -> (i32, i32) {
    %c0_i32 = arith.constant 0 : i32
    %c0_i32_0 = arith.constant 0 : i32
    %c0_i32_1 = arith.constant 0 : i32
    return %c0_i32, %c0_i32_0 : i32, i32
  }
  func.func @transform_4(%arg0: i32) -> (i32, i32) {
    %c0_i32 = arith.constant 0 : i32
    %c0_i32_0 = arith.constant 0 : i32
    %c0_i32_1 = arith.constant 0 : i32
    return %c0_i32, %c0_i32_0 : i32, i32
  }
  func.func @transform_5(%arg0: i32) -> (i32, i32) {
    %c0_i32 = arith.constant 0 : i32
    %c0_i32_0 = arith.constant 0 : i32
    %c0_i32_1 = arith.constant 0 : i32
    return %c0_i32, %c0_i32_0 : i32, i32
  }
  func.func @transform_6(%arg0: i32) -> (i32, i32) {
    %c0_i32 = arith.constant 0 : i32
    %c0_i32_0 = arith.constant 0 : i32
    %c0_i32_1 = arith.constant 0 : i32
    return %c0_i32, %c0_i32_0 : i32, i32
  }
  func.func @transform_7(%arg0: i32) -> (i32, i32) {
    %c0_i32 = arith.constant 0 : i32
    %c0_i32_0 = arith.constant 0 : i32
    %c0_i32_1 = arith.constant 0 : i32
    return %c0_i32, %c0_i32_0 : i32, i32
  }
  func.func @transform_8(%arg0: i32) -> (i32, i32) {
    %c0_i32 = arith.constant 0 : i32
    %c0_i32_0 = arith.constant 0 : i32
    return %arg0, %c0_i32 : i32, i32
  }
}

module attributes {stable_mosaic.version = 14 : i64} {
  func.func @_mid_body(%arg0: i32, %arg1: memref<4x2000x128xf32, #tpu.memory_space<vmem>>, %arg2: memref<4x2000x128xf32, #tpu.memory_space<vmem>>, %arg3: memref<512x512xf32, #tpu.memory_space<vmem>>, %arg4: memref<1x512xf32, #tpu.memory_space<vmem>>, %arg5: memref<1x512xf32, #tpu.memory_space<vmem>>, %arg6: memref<1x1xf32, #tpu.memory_space<vmem>>, %arg7: memref<4x2000x128xf32, #tpu.memory_space<vmem>>) attributes {dimension_semantics = [#tpu.dimension_semantics<arbitrary>], iteration_bounds = array<i64: 5>, scalar_prefetch = 0 : i64, scratch_operands = 0 : i64, tpu.core_type = #tpu.core_type<tc>, window_params = [{transform_indices = @transform_0, window_bounds = array<i64: 4, 2000, 128>}, {transform_indices = @transform_1, window_bounds = array<i64: 4, 2000, 128>}, {pipeline_mode = #tpu.pipeline_mode<synchronous>, transform_indices = @transform_2, window_bounds = array<i64: 512, 512>}, {pipeline_mode = #tpu.pipeline_mode<synchronous>, transform_indices = @transform_3, window_bounds = array<i64: 1, 512>}, {pipeline_mode = #tpu.pipeline_mode<synchronous>, transform_indices = @transform_4, window_bounds = array<i64: 1, 512>}, {pipeline_mode = #tpu.pipeline_mode<synchronous>, transform_indices = @transform_5, window_bounds = array<i64: 1, 1>}, {transform_indices = @transform_6, window_bounds = array<i64: 4, 2000, 128>}]} {
    %get3A = arith.constant 0 : index
    %get3A_0 = arith.constant 0 : index
    %get3A_1 = arith.constant 0 : index
    %get3A_2 = vector.load %arg1[%get3A, %get3A_0, %get3A_1] : memref<4x2000x128xf32, #tpu.memory_space<vmem>>, vector<4x2000x128xf32>
    %get3A_3 = arith.constant 0 : index
    %get3A_4 = arith.constant 0 : index
    %get3A_5 = arith.constant 0 : index
    %get3A_6 = vector.load %arg2[%get3A_3, %get3A_4, %get3A_5] : memref<4x2000x128xf32, #tpu.memory_space<vmem>>, vector<4x2000x128xf32>
    %get3A_7 = arith.constant 0 : index
    %get3A_8 = arith.constant 0 : index
    %get3A_9 = vector.load %arg3[%get3A_7, %get3A_8] : memref<512x512xf32, #tpu.memory_space<vmem>>, vector<512x512xf32>
    %get3A_10 = arith.constant 0 : index
    %get3A_11 = arith.constant 0 : index
    %get3A_12 = vector.load %arg4[%get3A_10, %get3A_11] : memref<1x512xf32, #tpu.memory_space<vmem>>, vector<1x512xf32>
    %get3A_13 = arith.constant 0 : index
    %get3A_14 = arith.constant 0 : index
    %get3A_15 = vector.load %arg5[%get3A_13, %get3A_14] : memref<1x512xf32, #tpu.memory_space<vmem>>, vector<1x512xf32>
    %get3A_16 = arith.constant 0 : index
    %get3A_17 = arith.constant 0 : index
    %get3A_18 = vector.load %arg6[%get3A_16, %get3A_17] : memref<1x1xf32, #tpu.memory_space<vmem>>, vector<1x1xf32>
    %get3A_19 = vector.extract %get3A_18[0, 0] : f32 from vector<1x1xf32>
    %slice3A = vector.extract_strided_slice %get3A_2 {offsets = [0, 0, 0], sizes = [1, 2000, 128], strides = [1, 1, 1]} : vector<4x2000x128xf32> to vector<1x2000x128xf32>
    %squeeze3A = vector.shape_cast %slice3A : vector<1x2000x128xf32> to vector<2000x128xf32>
    %convert_element_type3A = arith.truncf %squeeze3A : vector<2000x128xf32> to vector<2000x128xbf16>
    %slice3A_20 = vector.extract_strided_slice %get3A_9 {offsets = [0, 0], sizes = [512, 128], strides = [1, 1]} : vector<512x512xf32> to vector<512x128xf32>
    %convert_element_type3A_21 = arith.truncf %slice3A_20 : vector<512x128xf32> to vector<512x128xbf16>
    %dot_general3A = arith.constant dense<0.000000e+00> : vector<2000x512xf32>
    %dot_general3A_22 = tpu.matmul %convert_element_type3A, %convert_element_type3A_21, %dot_general3A {dimension_numbers = #tpu.dot_dimension_numbers<[1], [1], [0], [0], [0, 0, 1, 0], [], []>, transpose_lhs_hint = false} : vector<2000x128xbf16>, vector<512x128xbf16>, vector<2000x512xf32> -> vector<2000x512xf32>
    %slice3A_23 = vector.extract_strided_slice %get3A_2 {offsets = [1, 0, 0], sizes = [1, 2000, 128], strides = [1, 1, 1]} : vector<4x2000x128xf32> to vector<1x2000x128xf32>
    %squeeze3A_24 = vector.shape_cast %slice3A_23 : vector<1x2000x128xf32> to vector<2000x128xf32>
    %convert_element_type3A_25 = arith.truncf %squeeze3A_24 : vector<2000x128xf32> to vector<2000x128xbf16>
    %slice3A_26 = vector.extract_strided_slice %get3A_9 {offsets = [0, 128], sizes = [512, 128], strides = [1, 1]} : vector<512x512xf32> to vector<512x128xf32>
    %convert_element_type3A_27 = arith.truncf %slice3A_26 : vector<512x128xf32> to vector<512x128xbf16>
    %dot_general3A_28 = arith.constant dense<0.000000e+00> : vector<2000x512xf32>
    %dot_general3A_29 = tpu.matmul %convert_element_type3A_25, %convert_element_type3A_27, %dot_general3A_28 {dimension_numbers = #tpu.dot_dimension_numbers<[1], [1], [0], [0], [0, 0, 1, 0], [], []>, transpose_lhs_hint = false} : vector<2000x128xbf16>, vector<512x128xbf16>, vector<2000x512xf32> -> vector<2000x512xf32>
    %add3A = arith.addf %dot_general3A_22, %dot_general3A_29 : vector<2000x512xf32>
    %slice3A_30 = vector.extract_strided_slice %get3A_2 {offsets = [2, 0, 0], sizes = [1, 2000, 128], strides = [1, 1, 1]} : vector<4x2000x128xf32> to vector<1x2000x128xf32>
    %squeeze3A_31 = vector.shape_cast %slice3A_30 : vector<1x2000x128xf32> to vector<2000x128xf32>
    %convert_element_type3A_32 = arith.truncf %squeeze3A_31 : vector<2000x128xf32> to vector<2000x128xbf16>
    %slice3A_33 = vector.extract_strided_slice %get3A_9 {offsets = [0, 256], sizes = [512, 128], strides = [1, 1]} : vector<512x512xf32> to vector<512x128xf32>
    %convert_element_type3A_34 = arith.truncf %slice3A_33 : vector<512x128xf32> to vector<512x128xbf16>
    %dot_general3A_35 = arith.constant dense<0.000000e+00> : vector<2000x512xf32>
    %dot_general3A_36 = tpu.matmul %convert_element_type3A_32, %convert_element_type3A_34, %dot_general3A_35 {dimension_numbers = #tpu.dot_dimension_numbers<[1], [1], [0], [0], [0, 0, 1, 0], [], []>, transpose_lhs_hint = false} : vector<2000x128xbf16>, vector<512x128xbf16>, vector<2000x512xf32> -> vector<2000x512xf32>
    %add3A_37 = arith.addf %add3A, %dot_general3A_36 : vector<2000x512xf32>
    %slice3A_38 = vector.extract_strided_slice %get3A_2 {offsets = [3, 0, 0], sizes = [1, 2000, 128], strides = [1, 1, 1]} : vector<4x2000x128xf32> to vector<1x2000x128xf32>
    %squeeze3A_39 = vector.shape_cast %slice3A_38 : vector<1x2000x128xf32> to vector<2000x128xf32>
    %convert_element_type3A_40 = arith.truncf %squeeze3A_39 : vector<2000x128xf32> to vector<2000x128xbf16>
    %slice3A_41 = vector.extract_strided_slice %get3A_9 {offsets = [0, 384], sizes = [512, 128], strides = [1, 1]} : vector<512x512xf32> to vector<512x128xf32>
    %convert_element_type3A_42 = arith.truncf %slice3A_41 : vector<512x128xf32> to vector<512x128xbf16>
    %dot_general3A_43 = arith.constant dense<0.000000e+00> : vector<2000x512xf32>
    %dot_general3A_44 = tpu.matmul %convert_element_type3A_40, %convert_element_type3A_42, %dot_general3A_43 {dimension_numbers = #tpu.dot_dimension_numbers<[1], [1], [0], [0], [0, 0, 1, 0], [], []>, transpose_lhs_hint = false} : vector<2000x128xbf16>, vector<512x128xbf16>, vector<2000x512xf32> -> vector<2000x512xf32>
    %add3A_45 = arith.addf %add3A_37, %dot_general3A_44 : vector<2000x512xf32>
    %jit3A = arith.constant -1.000000e+01 : f32
    %jit3A_46 = arith.constant 1.000000e+01 : f32
    %max3A = vector.broadcast %jit3A : f32 to vector<2000x512xf32>
    %max3A_47 = arith.maximumf %max3A, %add3A_45 : vector<2000x512xf32>
    %min3A = vector.broadcast %jit3A_46 : f32 to vector<2000x512xf32>
    %min3A_48 = arith.minimumf %min3A, %max3A_47 : vector<2000x512xf32>
    %mul3A = arith.mulf %min3A_48, %min3A_48 : vector<2000x512xf32>
    %div3A = arith.constant 5.000000e-01 : f32
    %div3A_49 = arith.divf %get3A_19, %div3A : f32
    %mul3A_50 = arith.mulf %mul3A, %mul3A : vector<2000x512xf32>
    %mul3A_51 = arith.constant 0.00999999977 : f32
    %mul3A_52 = vector.broadcast %mul3A_51 : f32 to vector<2000x512xf32>
    %mul3A_53 = arith.mulf %mul3A_50, %mul3A_52 : vector<2000x512xf32>
    %sub3A = vector.broadcast %div3A_49 : f32 to vector<2000x512xf32>
    %sub3A_54 = arith.subf %sub3A, %mul3A_53 : vector<2000x512xf32>
    %logistic3A = arith.negf %sub3A_54 : vector<2000x512xf32>
    %logistic3A_55 = math.exp %logistic3A : vector<2000x512xf32>
    %logistic3A_56 = arith.constant 1.000000e+00 : f32
    %logistic3A_57 = vector.broadcast %logistic3A_56 : f32 to vector<2000x512xf32>
    %logistic3A_58 = arith.addf %logistic3A_57, %logistic3A_55 : vector<2000x512xf32>
    %logistic3A_59 = arith.divf %logistic3A_57, %logistic3A_58 : vector<2000x512xf32>
    %mul3A_60 = arith.mulf %add3A_45, %logistic3A_59 : vector<2000x512xf32>
    %slice3A_61 = vector.extract_strided_slice %get3A_6 {offsets = [0, 0, 0], sizes = [1, 2000, 128], strides = [1, 1, 1]} : vector<4x2000x128xf32> to vector<1x2000x128xf32>
    %squeeze3A_62 = vector.shape_cast %slice3A_61 : vector<1x2000x128xf32> to vector<2000x128xf32>
    %slice3A_63 = vector.extract_strided_slice %get3A_6 {offsets = [1, 0, 0], sizes = [1, 2000, 128], strides = [1, 1, 1]} : vector<4x2000x128xf32> to vector<1x2000x128xf32>
    %squeeze3A_64 = vector.shape_cast %slice3A_63 : vector<1x2000x128xf32> to vector<2000x128xf32>
    %slice3A_65 = vector.extract_strided_slice %get3A_6 {offsets = [2, 0, 0], sizes = [1, 2000, 128], strides = [1, 1, 1]} : vector<4x2000x128xf32> to vector<1x2000x128xf32>
    %squeeze3A_66 = vector.shape_cast %slice3A_65 : vector<1x2000x128xf32> to vector<2000x128xf32>
    %slice3A_67 = vector.extract_strided_slice %get3A_6 {offsets = [3, 0, 0], sizes = [1, 2000, 128], strides = [1, 1, 1]} : vector<4x2000x128xf32> to vector<1x2000x128xf32>
    %squeeze3A_68 = vector.shape_cast %slice3A_67 : vector<1x2000x128xf32> to vector<2000x128xf32>
    %concatenate3A = tpu.concatenate %squeeze3A_62, %squeeze3A_64, %squeeze3A_66, %squeeze3A_68 in 1 : vector<2000x128xf32>, vector<2000x128xf32>, vector<2000x128xf32>, vector<2000x128xf32> -> vector<2000x512xf32>
    %add3A_69 = arith.addf %mul3A_60, %concatenate3A : vector<2000x512xf32>
    %reduce_sum3A = arith.constant dense<0.000000e+00> : vector<2000xf32>
    %reduce_sum3A_70 = vector.multi_reduction <add>, %add3A_69, %reduce_sum3A [1] : vector<2000x512xf32> to vector<2000xf32>
    %broadcast_in_dim3A = vector.shape_cast %reduce_sum3A_70 : vector<2000xf32> to vector<2000x1xf32>
    %div3A_71 = arith.constant 5.120000e+02 : f32
    %div3A_72 = vector.broadcast %div3A_71 : f32 to vector<2000x1xf32>
    %div3A_73 = arith.divf %broadcast_in_dim3A, %div3A_72 : vector<2000x1xf32>
    %sub3A_74 = vector.broadcast %div3A_73 : vector<2000x1xf32> to vector<2000x512xf32>
    %sub3A_75 = arith.subf %add3A_69, %sub3A_74 : vector<2000x512xf32>
    %integer_pow3A = arith.mulf %sub3A_75, %sub3A_75 : vector<2000x512xf32>
    %reduce_sum3A_76 = arith.constant dense<0.000000e+00> : vector<2000xf32>
    %reduce_sum3A_77 = vector.multi_reduction <add>, %integer_pow3A, %reduce_sum3A_76 [1] : vector<2000x512xf32> to vector<2000xf32>
    %broadcast_in_dim3A_78 = vector.shape_cast %reduce_sum3A_77 : vector<2000xf32> to vector<2000x1xf32>
    %div3A_79 = arith.constant 5.120000e+02 : f32
    %div3A_80 = vector.broadcast %div3A_79 : f32 to vector<2000x1xf32>
    %div3A_81 = arith.divf %broadcast_in_dim3A_78, %div3A_80 : vector<2000x1xf32>
    %sub3A_82 = vector.broadcast %div3A_73 : vector<2000x1xf32> to vector<2000x512xf32>
    %sub3A_83 = arith.subf %add3A_69, %sub3A_82 : vector<2000x512xf32>
    %add3A_84 = arith.constant 9.99999974E-6 : f32
    %add3A_85 = vector.broadcast %add3A_84 : f32 to vector<2000x1xf32>
    %add3A_86 = arith.addf %div3A_81, %add3A_85 : vector<2000x1xf32>
    %sqrt3A = math.sqrt %add3A_86 : vector<2000x1xf32>
    %div3A_87 = vector.broadcast %sqrt3A : vector<2000x1xf32> to vector<2000x512xf32>
    %div3A_88 = arith.divf %sub3A_83, %div3A_87 : vector<2000x512xf32>
    %mul3A_89 = vector.broadcast %get3A_12 : vector<1x512xf32> to vector<2000x512xf32>
    %mul3A_90 = arith.mulf %div3A_88, %mul3A_89 : vector<2000x512xf32>
    %add3A_91 = vector.broadcast %get3A_15 : vector<1x512xf32> to vector<2000x512xf32>
    %add3A_92 = arith.addf %mul3A_90, %add3A_91 : vector<2000x512xf32>
    %slice3A_93 = vector.extract_strided_slice %add3A_92 {offsets = [0, 0], sizes = [2000, 128], strides = [1, 1]} : vector<2000x512xf32> to vector<2000x128xf32>
    %swap3A = arith.constant 0 : index
    %swap3A_94 = arith.constant 0 : index
    %swap3A_95 = arith.constant 0 : index
    %swap3A_96 = vector.load %arg7[%swap3A, %swap3A_94, %swap3A_95] : memref<4x2000x128xf32, #tpu.memory_space<vmem>>, vector<1x2000x128xf32>
    %swap3A_97 = vector.shape_cast %swap3A_96 : vector<1x2000x128xf32> to vector<2000x128xf32>
    %swap3A_98 = vector.shape_cast %slice3A_93 : vector<2000x128xf32> to vector<1x2000x128xf32>
    tpu.vector_store %arg7[%swap3A, %swap3A_94, %swap3A_95], %swap3A_98 {strides = array<i32>} : memref<4x2000x128xf32, #tpu.memory_space<vmem>>, vector<1x2000x128xf32>,
    %slice3A_99 = vector.extract_strided_slice %add3A_92 {offsets = [0, 128], sizes = [2000, 128], strides = [1, 1]} : vector<2000x512xf32> to vector<2000x128xf32>
    %swap3A_100 = arith.constant 1 : index
    %swap3A_101 = arith.constant 0 : index
    %swap3A_102 = arith.constant 0 : index
    %swap3A_103 = vector.load %arg7[%swap3A_100, %swap3A_101, %swap3A_102] : memref<4x2000x128xf32, #tpu.memory_space<vmem>>, vector<1x2000x128xf32>
    %swap3A_104 = vector.shape_cast %swap3A_103 : vector<1x2000x128xf32> to vector<2000x128xf32>
    %swap3A_105 = vector.shape_cast %slice3A_99 : vector<2000x128xf32> to vector<1x2000x128xf32>
    tpu.vector_store %arg7[%swap3A_100, %swap3A_101, %swap3A_102], %swap3A_105 {strides = array<i32>} : memref<4x2000x128xf32, #tpu.memory_space<vmem>>, vector<1x2000x128xf32>,
    %slice3A_106 = vector.extract_strided_slice %add3A_92 {offsets = [0, 256], sizes = [2000, 128], strides = [1, 1]} : vector<2000x512xf32> to vector<2000x128xf32>
    %swap3A_107 = arith.constant 2 : index
    %swap3A_108 = arith.constant 0 : index
    %swap3A_109 = arith.constant 0 : index
    %swap3A_110 = vector.load %arg7[%swap3A_107, %swap3A_108, %swap3A_109] : memref<4x2000x128xf32, #tpu.memory_space<vmem>>, vector<1x2000x128xf32>
    %swap3A_111 = vector.shape_cast %swap3A_110 : vector<1x2000x128xf32> to vector<2000x128xf32>
    %swap3A_112 = vector.shape_cast %slice3A_106 : vector<2000x128xf32> to vector<1x2000x128xf32>
    tpu.vector_store %arg7[%swap3A_107, %swap3A_108, %swap3A_109], %swap3A_112 {strides = array<i32>} : memref<4x2000x128xf32, #tpu.memory_space<vmem>>, vector<1x2000x128xf32>,
    %slice3A_113 = vector.extract_strided_slice %add3A_92 {offsets = [0, 384], sizes = [2000, 128], strides = [1, 1]} : vector<2000x512xf32> to vector<2000x128xf32>
    %swap3A_114 = arith.constant 3 : index
    %swap3A_115 = arith.constant 0 : index
    %swap3A_116 = arith.constant 0 : index
    %swap3A_117 = vector.load %arg7[%swap3A_114, %swap3A_115, %swap3A_116] : memref<4x2000x128xf32, #tpu.memory_space<vmem>>, vector<1x2000x128xf32>
    %swap3A_118 = vector.shape_cast %swap3A_117 : vector<1x2000x128xf32> to vector<2000x128xf32>
    %swap3A_119 = vector.shape_cast %slice3A_113 : vector<2000x128xf32> to vector<1x2000x128xf32>
    tpu.vector_store %arg7[%swap3A_114, %swap3A_115, %swap3A_116], %swap3A_119 {strides = array<i32>} : memref<4x2000x128xf32, #tpu.memory_space<vmem>>, vector<1x2000x128xf32>,
    return
  }
  func.func @transform_0(%arg0: i32) -> (i32, i32, i32) {
    %c0_i32 = arith.constant 0 : i32
    %c0_i32_0 = arith.constant 0 : i32
    %c0_i32_1 = arith.constant 0 : i32
    return %c0_i32, %arg0, %c0_i32_0 : i32, i32, i32
  }
  func.func @transform_1(%arg0: i32) -> (i32, i32, i32) {
    %c0_i32 = arith.constant 0 : i32
    %c0_i32_0 = arith.constant 0 : i32
    %c0_i32_1 = arith.constant 0 : i32
    return %c0_i32, %arg0, %c0_i32_0 : i32, i32, i32
  }
  func.func @transform_2(%arg0: i32) -> (i32, i32) {
    %c0_i32 = arith.constant 0 : i32
    %c0_i32_0 = arith.constant 0 : i32
    %c0_i32_1 = arith.constant 0 : i32
    return %c0_i32, %c0_i32_0 : i32, i32
  }
  func.func @transform_3(%arg0: i32) -> (i32, i32) {
    %c0_i32 = arith.constant 0 : i32
    %c0_i32_0 = arith.constant 0 : i32
    %c0_i32_1 = arith.constant 0 : i32
    return %c0_i32, %c0_i32_0 : i32, i32
  }
  func.func @transform_4(%arg0: i32) -> (i32, i32) {
    %c0_i32 = arith.constant 0 : i32
    %c0_i32_0 = arith.constant 0 : i32
    %c0_i32_1 = arith.constant 0 : i32
    return %c0_i32, %c0_i32_0 : i32, i32
  }
  func.func @transform_5(%arg0: i32) -> (i32, i32) {
    %c0_i32 = arith.constant 0 : i32
    %c0_i32_0 = arith.constant 0 : i32
    %c0_i32_1 = arith.constant 0 : i32
    return %c0_i32, %c0_i32_0 : i32, i32
  }
  func.func @transform_6(%arg0: i32) -> (i32, i32, i32) {
    %c0_i32 = arith.constant 0 : i32
    %c0_i32_0 = arith.constant 0 : i32
    %c0_i32_1 = arith.constant 0 : i32
    return %c0_i32, %arg0, %c0_i32_0 : i32, i32, i32
  }
}

</mosaic_0001>

<sc_bundles>
// kernel: kernel.10.cloned.1.call-start
scs
__scs_entry_jumppad:
0x0: {  	(pc) =	sbr.rel $0x88, $3  }
0x1: {  	(tag) =	ssettag $0x0;
	lr =	simm.s32 $0x1  }
0x2: {  	[smem:$0x3F97] =	sst lr;
	_ =	strace $0xD0000000  }
0x3: {  	_ = 	snop  }
0x4: {  	_ = 	snop  }
0x5: {  	_ = 	snop  }
0x6: {  	_ = 	snop  }
0x7: {  	_ = 	snop  }
__scs_overlays_trampoline_lowered:
0x8: {  	[smem:$0x3FA6] =	sst s0  }
0x9: {  	[smem:$0x3FA7] =	sst s1  }
0xa: {  	[smem:$0x3FA8] =	sst s2  }
0xb: {  	[smem:$0x3FA9] =	sst s3  }
0xc: {  	[smem:$0x3FAA] =	sst s4  }
0xd: {  	[smem:$0x3FAB] =	sst s5  }
0xe: {  	[smem:$0x3FAC] =	sst s6  }
0xf: {  	[smem:$0x3FAD] =	sst s7  }
0x10: {  	[smem:$0x3FAE] =	sst s8  }
0x11: {  	[smem:$0x3FAF] =	sst s9;
	s0 =	simm.s32 @!p0 $0x0  }
0x12: {  	s1 =	sld [smem:$0x3F95];
	s0 =	simm.s32 @p0 $0x1  }
0x13: {  	[smem:$0x3FB0] =	sst s0;
	s0 =	simm.s32 @!p1 $0x0  }
0x14: {  	s2 =	sld [smem:$0x3F94];
	s0 =	simm.s32 @p1 $0x1  }
0x15: {  	[smem:$0x3FB1] =	sst s0;
	s0 =	simm.s32 @!p2 $0x0  }
0x16: {  	s3 =	sld [smem:$0x3FDB];
	s0 =	simm.s32 @p2 $0x1  }
0x17: {  	s4 =	simm.s32 $0x1BF5;
	[smem:$0x3FB3] =	sst s0  }
0x18: {  	s0 =	sld [smem:$0x3F96];
	_ =	swait.ge [sflag:s4], $0x0  }
0x19: {  	s7 =	sld [smem:$0x3F97]  }
0x1a: {  	s8 =	sadd.s32 $0xFFFFE003, lr  }
0x1b: {  	s9 =	sadd.s32 $0xFFFFFEF7, lr;
	s5 =	simm.s32 $0xFFFFFFFF;
	p2 =	slt.u32 s8, $0xFFFFF086  }
0x1c: {  	p1 =	slt.u32 s9, $0xF7A;
	s5 =	simm.s32 @!p2 $0x0  }
0x1d: {  	s5 =	simm.s32 @p1 $0x1;
	p0 =	seq.s32 s7, s2  }
0x1e: {  	s7 =	smul.u32 @!p0 $0xF7A, s2;
	p2 =	seq.s32 @!p0 s5, $0x0  }
0x1f: {  	s9 =	smul.u32 $0xF7A, s1;
	s8 =	simm.s32 @!p0 $0x1BF5;
	p2 =	por !p2, p0  }
0x20: {  	[sflag:s8] =	ssyncset.s32 @!p0 $0xFFFFF086;
	s6 =	sadd.s32 @!p0 s3, s7;
	s7 =	simm.s32 @!p0 $0x108  }
0x21: {  	s3 =	sadd.s32 s3, s9;
	s6 =	sadd.s32 @!p0 $0x88, s6;
	s7 =	simm.s32 @p2 $0x1082  }
0x22: {  	[simem:s7], [sflag:s8] =	dma.local @!p0 [hbm:s6], $0xF7A  }
0x23: {  	s9 =	sor.u32 $0xD0000000, s2;
	s6 =	simm.s32 $0x108;
	_ =	swait.ge @!p0 [sflag:s8], $0x0  }
0x24: {  	s3 =	sadd.s32 $0x88, s3;
	s6 =	simm.s32 @!p1 $0x1082;
	[sflag:s4] =	ssyncset.s32 $0xFFFFF086  }
0x25: {  	[simem:s6], [sflag:s4] =	dma.local [hbm:s3], $0xF7A  }
0x26: {  	[smem:$0x3F97] =	sst s1;
	(tag) =	ssettag s2;
	_ =	strace s9  }
0x27: {  	s1 =	sld [smem:$0x3FA7]  }
0x28: {  	s2 =	sld [smem:$0x3FA8]  }
0x29: {  	s4 =	sld [smem:$0x3FAA]  }
0x2a: {  	p0 =	seq.s32 s5, $0x0;
	s5 =	sld [smem:$0x3FAB]  }
0x2b: {  	s6 =	sld [smem:$0x3FAC]  }
0x2c: {  	s7 =	sld [smem:$0x3FAD]  }
0x2d: {  	s3 =	simm.s32 $0x108;
	s8 =	sld [smem:$0x3FAE]  }
0x2e: {  	s3 =	simm.s32 @!p0 $0x1082;
	s9 =	sld [smem:$0x3FAF]  }
0x2f: {  	lr =	sadd.s32 s0, s3;
	s0 =	sld [smem:$0x3FA6]  }
0x30: {  	s3 =	sld [smem:$0x3FA9]  }
0x31: {  	[smem:$0x3FB2] =	sst s10  }
0x32: {  	s10 =	sld [smem:$0x3FB0];
	_ =	sdelay $0x3  }
0x33: {  	p0 =	seq.s32 s10, $0x1;
	s10 =	sld [smem:$0x3FB2];
	_ =	sdelay $0x3  }
0x34: {  	[smem:$0x3FB2] =	sst s10  }
0x35: {  	s10 =	sld [smem:$0x3FB1];
	_ =	sdelay $0x3  }
0x36: {  	p1 =	seq.s32 s10, $0x1;
	s10 =	sld [smem:$0x3FB2];
	_ =	sdelay $0x3  }
0x37: {  	[smem:$0x3FB2] =	sst s10  }
0x38: {  	s10 =	sld [smem:$0x3FB3]  }
0x39: {  	_ = 	snop;
	(pc) =	sbr.ind lr, $3  }
0x3a: {  	_ = 	snop  }
0x3b: {  	_ = 	snop  }
0x3c: {  	p2 =	seq.s32 s10, $0x1;
	s10 =	sld [smem:$0x3FB2]  }
0x3d: {  	_ =	shalt  }
0x3e: {  	_ =	shalt  }
0x3f: {  	_ =	shalt  }
0x40: {  	_ =	shalt  }
0x41: {  	_ =	shalt  }
0x42: {  	_ =	shalt  }
0x43: {  	_ =	shalt  }
0x44: {  	_ =	shalt  }
0x45: {  	_ =	shalt  }
0x46: {  	_ =	shalt  }
0x47: {  	_ =	shalt  }
0x48: {  	_ =	shalt  }
0x49: {  	_ =	shalt  }
0x4a: {  	_ =	shalt  }
0x4b: {  	_ =	shalt  }
0x4c: {  	_ =	shalt  }
0x4d: {  	_ =	shalt  }
0x4e: {  	_ =	shalt  }
0x4f: {  	_ =	shalt  }
0x50: {  	_ =	shalt  }
0x51: {  	_ =	shalt  }
0x52: {  	_ =	shalt  }
0x53: {  	_ =	shalt  }
0x54: {  	_ =	shalt  }
0x55: {  	_ =	shalt  }
0x56: {  	_ =	shalt  }
0x57: {  	_ =	shalt  }
0x58: {  	_ =	shalt  }
0x59: {  	_ =	shalt  }
0x5a: {  	_ =	shalt  }
0x5b: {  	_ =	shalt  }
0x5c: {  	_ =	shalt  }
0x5d: {  	_ =	shalt  }
0x5e: {  	_ =	shalt  }
0x5f: {  	_ =	shalt  }
0x60: {  	_ =	shalt  }
0x61: {  	_ =	shalt  }
0x62: {  	_ =	shalt  }
0x63: {  	_ =	shalt  }
0x64: {  	_ =	shalt  }
0x65: {  	_ =	shalt  }
0x66: {  	_ =	shalt  }
0x67: {  	_ =	shalt  }
0x68: {  	_ =	shalt  }
0x69: {  	_ =	shalt  }
0x6a: {  	_ =	shalt  }
0x6b: {  	_ =	shalt  }
0x6c: {  	_ =	shalt  }
0x6d: {  	_ =	shalt  }
0x6e: {  	_ =	shalt  }
0x6f: {  	_ =	shalt  }
0x70: {  	_ =	shalt  }
0x71: {  	_ =	shalt  }
0x72: {  	_ =	shalt  }
0x73: {  	_ =	shalt  }
0x74: {  	_ =	shalt  }
0x75: {  	_ =	shalt  }
0x76: {  	_ =	shalt  }
0x77: {  	_ =	shalt  }
0x78: {  	_ =	shalt  }
0x79: {  	_ =	shalt  }
0x7a: {  	_ =	shalt  }
0x7b: {  	_ =	shalt  }
0x7c: {  	_ =	shalt  }
0x7d: {  	_ =	shalt  }
0x7e: {  	_ =	shalt  }
0x7f: {  	_ =	shalt  }
0x80: {  	_ =	shalt  }
0x81: {  	_ =	shalt  }
0x82: {  	_ =	shalt  }
0x83: {  	_ =	shalt  }
0x84: {  	_ =	shalt  }
0x85: {  	_ =	shalt  }
0x86: {  	_ =	shalt  }
0x87: {  	_ =	shalt  }
.Lfunc_end0:
.L_simem_size_0:
called_computation.1_lowered:
.L_overlay_start_0:
0x88: {  	s2 =	sld [smem:$0x3FD9]  }
0x89: {  	s3 =	sld [smem:$0x3FFE];
	_ =	sdelay $0x1  }
0x8a: {  	s1 =	srdreg.scid  }
0x8b: {  	s0 =	sand.u32 $0x1, s1  }
0x8c: {  	s16 =	sshll.u32 s0, $0xA;
	s2 =	sadd.s32 s3, s2  }
0x8d: {  	s2 =	sadd.s32 s2, s16  }
0x8e: {  	[smem:$0x3FBE] =	sst s2  }
0x8f: {  	_ = 	snop  }
0x90: {  	(tm) =	ssettm $0x1  }
0x91: {  	s17 =	sld [smem:$0x3FFB];
	_ =	sdelay $0x3  }
0x92: {  	_ =	strace s17  }
0x93: {  	s2 =	sld [smem:$0x3FFC];
	_ =	sdelay $0x3  }
0x94: {  	_ =	strace s2  }
0x95: {  	s2 =	sld [smem:$0x3FFD];
	_ =	sdelay $0x3  }
0x96: {  	_ =	strace s2  }
0x97: {  	_ =	strace $0x8FFFFFFF  }
0x98: {  	s18 =	sld [smem:$0x3FDB];
	_ =	sdelay $0x1  }
0x99: {  	s19 =	simm.s32 $_scs_section_size  }
0x9a: {  	s4 =	simm.s32 $_size__tile_overlayer_lowered;
	s5 =	simm.s32 $_tile_overlayer_lowered  }
0x9b: {  	s22 =	simm.s32 $0x1BFF;
	s21 =	sshll.u32 s5, $0x1;
	s2 =	sadd.s32 s19, s18  }
0x9c: {  	s6 =	simm.s32 $0x0;
	s20 =	sshll.u32 s4, $0x1;
	s4 =	sadd.s32 s21, s2  }
0x9d: {  	[timem:s6], [sflag:s22] =	dma.local [hbm:s4], s20  }
0x9e: {  	_ =	swait.ge [sflag:s22], s20  }
0x9f: {  	s3 =	ssub.s32 $0x0, s20;
	[sflag:s22] =	ssyncset.done $0x0  }
0xa0: {  	[sflag:s22] =	ssyncadd.s32 s3;
	_ =	sdelay $0x1  }
0xa1: {  	s23 =	simm.s32 $0x1B8B  }
0xa2: {  	_ =	swait.ge [sflag:s23], $0x1  }
0xa3: {  	[sflag:s23] =	ssyncset.done $0x0  }
0xa4: {  	s25 =	simm.s32 $0x1B8E;
	s24 =	sld [smem:$0x3FFE];
	[sflag:s23] =	ssyncadd.s32 $0xFFFFFFFF  }
0xa5: {  	s26 =	simm.s32 $execute0_lowered;
	[smem:$0x3FD2] =	sst s25  }
0xa6: {  	s4 =	sshll.u32 s26, $0x1;
	_ =	strace $0x80000049;
	[dreg:$0x1] =	wrdreg $0xFFFFFFFF  }
0xa7: {  	s28 =	simm.s32 $_size_execute0_lowered;
	s2 =	sadd.s32 s2, s4;
	[dreg:$0x0] =	wrdreg $0x0  }
0xa8: {  	s4 =	sshll.u32 s28, $0x1;
	[dreg:$0x2] =	wrdreg s2  }
0xa9: {  	[dreg:$0x3] =	wrdreg s4  }
0xaa: {  	[dreg:$0x4] =	wrdreg $0xC0  }
0xab: {  	_ =	task [dreg:s6], $0x5FFFF  }
0xac: {  	[dreg:$0x1] =	wrdreg $0xFFFFFFFF  }
0xad: {  	[dreg:$0x0] =	wrdreg $0x60  }
0xae: {  	[dreg:$0x2] =	wrdreg s24  }
0xaf: {  	[dreg:$0x3] =	wrdreg $0xA1000  }
0xb0: {  	[dreg:$0x4] =	wrdreg $0x9  }
0xb1: {  	_ =	task.clear_ibuf [dreg:s6], $0x5FFFF;
	_ =	strace $0x90000049  }
0xb2: {  	s29 =	simm.s32 $0x9;
	_ =	strace $0x8000004B  }
0xb3: {  	_ =	swait.ge [sflag:s29], $0x1  }
0xb4: {  	[sflag:s29] =	ssyncadd.s32 $0xFFFFFFFF  }
0xb5: {  	_ =	strace $0x9000004B  }
0xb6: {  	_ =	sfence  }
0xb7: {  	s30 =	sld [smem:$0x0];
	_ =	sdelay $0x2  }
0xb8: {  	s31 =	sshll.u32 s1, $0xD;
	s1 =	sshrl.u32 s1, $0x2  }
0xb9: {  	s3 =	sand.u32 $0x4000, s31;
	s1 =	sadd.s32 s1, s30  }
0xba: {  	s0 =	sor.u32 s3, s0;
	s1 =	sshll.u32 s1, $0x11  }
0xbb: {  	s0 =	sor.u32 s1, s0  }
0xbc: {  	s0 =	sadd.s32 $0x8F2B, s0  }
0xbd: {  	[sflag:s0] =	ssyncadd.remote.s32 $0x1  }
0xbe: {  	_ =	sfence.sel $0xFFFF  }
0xbf: {  	[dreg:$0x0] =	wrdreg $0xFFFFFFFF;
	(pc) =	sbr.abs _section_cstart, $3  }
0xc0: {  	[dreg:$0x1] =	wrdreg $0xFFFFFFFF  }
0xc1: {  	_ =	task.clear_ibuf [dreg:s6], $0x2FFFF;
	_ =	strace $0x9FFFFFFF  }
0xc2: {  	(tm) =	ssettm $0x7FFFFFFF  }
0xc3: {  	_ =	shalt  }
tec
execute0_lowered:
.L_overlay_start_1:
0x0: {  	(tag) =	ssettag $0x1  }
0x1: {  	s0 =	rddreg [dreg:$0x0]  }
0x2: {  	s1 =	rddreg [dreg:$0x1];
	s3 =	simm.s32 $0x0;
	s2 =	srdreg.scid  }
0x3: {  	s13 =	stileid.u32;
	[smem:$0x7FF] =	sst s3  }
0x4: {  	s4 =	sadd.s32 $0xB600, s0;
	s2 =	sand.u32 $0x1, s2;
	s5 =	smul.u32 $0x2710, s13  }
0x5: {  	s6 =	sadd.s32 $0x1800, s0;
	s7 =	sadd.s32 $0xA7A00, s0;
	s10 =	smul.u32 $0x280, s13  }
0x6: {  	s19 =	smul.u32 $0x50000, s13;
	s0 =	sadd.s32 $0xA7F00, s0;
	s11 =	sshrl.u32 s5, $0x3  }
0x7: {  	s23 =	smul.u32 $0x4E2, s13;
	_ =	strace $0x8000004A;
	s12 =	sadd.s32 s6, s11  }
0x8: {  	s8 =	ssub.s32 $0x2, s2;
	s15 =	sadd.s32 $0x4E20, s12;
	[dreg:$0x3] =	wrdreg s12  }
0x9: {  	s17 =	smul.u32 $0x5000, s2;
	s16 =	sadd.s32 $0xA, s12;
	[dreg:$0x4] =	wrdreg s15  }
0xa: {  	s9 =	sshrl.u32 s8, $0x1;
	s11 =	sadd.s32 $0x14, s12;
	[dreg:$0x5] =	wrdreg s16  }
0xb: {  	s8 =	ssub.s32 s8, s9;
	s18 =	sadd.s32 $0x4CE, s12;
	[dreg:$0x6] =	wrdreg s11  }
0xc: {  	s9 =	sadd.s32 s10, s17;
	s12 =	sadd.s32 $0x4D8, s12;
	[dreg:$0x7] =	wrdreg s18  }
0xd: {  	s9 =	sshll.u32 s9, $0x4;
	s8 =	smax.u32 s8, $0x1;
	[dreg:$0x8] =	wrdreg s12  }
0xe: {  	s14 =	sadd.s32 s7, s9;
	s9 =	sadd.s32 s9, s0;
	[dreg:$0x13] =	wrdreg s8  }
0xf: {  	s29 =	simm.s32 $0x50;
	s5 =	smul.u32 $0x4E20, s2;
	[dreg:$0xb] =	wrdreg s9  }
0x10: {  	s2 =	sshllo.u32 s2, $0x1;
	s24 =	sadd.s32 $0xA00, s14;
	[dreg:$0x9] =	wrdreg s14  }
0x11: {  	s20 =	smul.u32 $0x2800, s2;
	s26 =	sadd.s32 $0xF00, s14;
	[dreg:$0xd] =	wrdreg s24  }
0x12: {  	s11 =	sshrl.u32 s19, $0x2;
	s13 =	sadd.s32 $0x1900, s14;
	[dreg:$0x11] =	wrdreg s26  }
0x13: {  	s21 =	sadd.s32 s10, s20;
	s16 =	sadd.s32 $0x1E00, s14;
	[dreg:$0x16] =	wrdreg s13  }
0x14: {  	s9 =	sshll.u32 s21, $0x4;
	s17 =	sadd.s32 $0x2300, s14;
	[dreg:$0x18] =	wrdreg s16  }
0x15: {  	s11 =	sadd.s32 s11, s1;
	s0 =	sadd.s32 s9, s0;
	[dreg:$0x19] =	wrdreg s17  }
0x16: {  	s21 =	sadd.s32 s23, s6;
	s6 =	sadd.s32 $0xA000, s11;
	[dreg:$0x10] =	wrdreg s0  }
0x17: {  	s7 =	sadd.s32 s7, s9;
	s9 =	sadd.s32 $0x1400, s14;
	[dreg:$0x12] =	wrdreg s6  }
0x18: {  	s31 =	simm.s32 $0x2900;
	s12 =	sadd.s32 $0xC800, s11;
	[dreg:$0x14] =	wrdreg s9  }
0x19: {  	v0 =	vmov s5;
	s5 =	simm.s32 $0xB;
	s15 =	sadd.s32 $0xF000, s11;
	[dreg:$0x15] =	wrdreg s12  }
0x1a: {  	s10 =	smul.u32 $0x2710, s2;
	s2 =	simm.s32 $0x5100;
	[dreg:$0x17] =	wrdreg s15  }
0x1b: {  	s8 =	simm.s32 $0x6;
	s22 =	sadd.s32 $0x2800, s11;
	[dreg:$0xf] =	wrdreg s7  }
0x1c: {  	s25 =	sadd.s32 $0x5000, s11;
	s28 =	sadd.s32 $0x7800, s11;
	[dreg:$0xa] =	wrdreg s22  }
0x1d: {  	s30 =	sadd.s32 $0x11800, s11;
	s14 =	simm.s32 $0x2880;
	[dreg:$0xc] =	wrdreg s25  }
0x1e: {  	s16 =	simm.s32 $0x1;
	s18 =	sadd.s32 $0xA00, s7;
	[dreg:$0xe] =	wrdreg s28  }
0x1f: {  	v1 =	vmov s10;
	s10 =	simm.s32 $0xA;
	s19 =	sadd.s32 $0xF00, s7;
	[dreg:$0x1a] =	wrdreg s18  }
0x20: {  	s13 =	simm.s32 $0x0;
	s20 =	sadd.s32 $0x1400, s7;
	[dreg:$0x1b] =	wrdreg s19  }
0x21: {  	s23 =	sadd.s32 $0x1900, s7;
	s24 =	sadd.s32 $0x1E00, s7;
	[dreg:$0x1c] =	wrdreg s20  }
0x22: {  	s26 =	sadd.s32 $0x2300, s7;
	s0 =	simm.s32 $0x2800;
	[dreg:$0x1d] =	wrdreg s23  }
0x23: {  	s12 =	simm.s32 $0x2;
	s6 =	simm.s32 $0x8;
	[dreg:$0x1e] =	wrdreg s24  }
0x24: {  	s7 =	simm.s32 $0x3;
	s9 =	simm.s32 $0x9;
	[dreg:$0x1f] =	wrdreg s26  }
0x25: {  	s23 =	simm.s32 $0x7900;
	s24 =	simm.s32 $0xC;
	s26 =	simm.s32 $0x2780  }
0x26: {  	v2 =	vimm.f32 $0.0e+00;
	s19 =	simm.s32 $0x4;
	s20 =	simm.s32 $0x7;
	s18 =	simm.s32 $0x5  }
.LBB2_1:
0x27: {  	s15 =	simm.s32 $0x0;
	s17 =	simm.s32 $0x200  }
.LBB2_2:
0x28: {  	p0 =	sne.s32 s17, $0x9E00;
	[tilespmem:s15+$0x7970] =	vst v2  }
0x29: {  	[tilespmem:s15+$0x7900] =	vst v2  }
0x2a: {  	[tilespmem:s15+$0x7910] =	vst v2  }
.Ltmp0:
0x2b: {  	[tilespmem:s15+$0x7920] =	vst v2;
	(pc) =	sbr.rel @p0 .LBB2_2-.Ltmp0, $4  }
0x2c: {  	[tilespmem:s15+$0x7930] =	vst v2  }
0x2d: {  	[tilespmem:s15+$0x7940] =	vst v2  }
0x2e: {  	[tilespmem:s15+$0x7950] =	vst v2  }
0x2f: {  	[tilespmem:s15+$0x7960] =	vst v2;
	s15 =	sshra.s32 s17, $0x2;
	s17 =	sadd.s32 $0x200, s17  }
0x30: {  	[tilespmem:s15+$0x7970] =	vst v2  }
0x31: {  	[tilespmem:s15+$0x7900] =	vst v2  }
0x32: {  	[tilespmem:s15+$0x7910] =	vst v2  }
0x33: {  	[tilespmem:s15+$0x7920] =	vst v2  }
0x34: {  	[tilespmem:s15+$0x7930] =	vst v2  }
0x35: {  	[tilespmem:s15+$0x7940] =	vst v2  }
0x36: {  	[tilespmem:s15+$0x7950] =	vst v2  }
0x37: {  	[tilespmem:s15+$0x7960] =	vst v2  }
0x38: {  	[spmem:s11] =	stream.linear.scatter [tilespmem:s23], [sflag:$0xC], $0x2800, $0x38;
	[tilespmem:$0x1E100] =	vst v63  }
0x39: {  	_ =	swait.ge [sflag:s24], $0x2800  }
0x3a: {  	[sflag:s24] =	ssyncset.done $0x0  }
0x3b: {  	[sflag:s24] =	ssyncadd.s32 $0xFFFFD800  }
0x3c: {  	[spmem:s22] =	stream.linear.scatter [tilespmem:s23], [sflag:$0xC], $0x2800, $0x38;
	[tilespmem:$0x1E100] =	vst v63  }
0x3d: {  	_ =	swait.ge [sflag:s24], $0x2800  }
0x3e: {  	[sflag:s24] =	ssyncset.done $0x0  }
0x3f: {  	[sflag:s24] =	ssyncadd.s32 $0xFFFFD800  }
0x40: {  	[spmem:s25] =	stream.linear.scatter [tilespmem:s23], [sflag:$0xC], $0x2800, $0x38;
	[tilespmem:$0x1E100] =	vst v63  }
0x41: {  	_ =	swait.ge [sflag:s24], $0x2800  }
0x42: {  	[sflag:s24] =	ssyncset.done $0x0  }
0x43: {  	[sflag:s24] =	ssyncadd.s32 $0xFFFFD800  }
0x44: {  	[spmem:s28] =	stream.linear.scatter [tilespmem:s23], [sflag:$0xC], $0x2800, $0x38;
	[tilespmem:$0x1E100] =	vst v63  }
0x45: {  	_ =	swait.ge [sflag:s24], $0x2800  }
0x46: {  	[sflag:s24] =	ssyncset.done $0x0  }
0x47: {  	s17 =	rddreg [dreg:$0x12];
	[sflag:s24] =	ssyncadd.s32 $0xFFFFD800  }
0x48: {  	[spmem:s17] =	stream.linear.scatter [tilespmem:s23], [sflag:$0xC], $0x2800, $0x38;
	[tilespmem:$0x1E100] =	vst v63  }
0x49: {  	_ =	swait.ge [sflag:s24], $0x2800  }
0x4a: {  	[sflag:s24] =	ssyncset.done $0x0  }
0x4b: {  	s22 =	rddreg [dreg:$0x15];
	[sflag:s24] =	ssyncadd.s32 $0xFFFFD800  }
0x4c: {  	[spmem:s22] =	stream.linear.scatter [tilespmem:s23], [sflag:$0xC], $0x2800, $0x38;
	[tilespmem:$0x1E100] =	vst v63  }
0x4d: {  	_ =	swait.ge [sflag:s24], $0x2800  }
0x4e: {  	[sflag:s24] =	ssyncset.done $0x0  }
0x4f: {  	s25 =	rddreg [dreg:$0x17];
	[sflag:s24] =	ssyncadd.s32 $0xFFFFD800  }
0x50: {  	[spmem:s25] =	stream.linear.scatter [tilespmem:s23], [sflag:$0xC], $0x2800, $0x38;
	[tilespmem:$0x1E100] =	vst v63  }
0x51: {  	_ =	swait.ge [sflag:s24], $0x2800  }
0x52: {  	[sflag:s24] =	ssyncset.done $0x0  }
0x53: {  	[sflag:s24] =	ssyncadd.s32 $0xFFFFD800  }
0x54: {  	[spmem:s30] =	stream.linear.scatter [tilespmem:s23], [sflag:$0xC], $0x2800, $0x38;
	[tilespmem:$0x1E100] =	vst v63  }
0x55: {  	_ =	swait.ge [sflag:s24], $0x2800  }
0x56: {  	[sflag:s24] =	ssyncset.done $0x0  }
0x57: {  	s28 =	simm.s32 $0x0;
	s17 =	rddreg [dreg:$0x4];
	[sflag:s24] =	ssyncadd.s32 $0xFFFFD800  }
0x58: {  	[tilespmem:s28], [sflag:$0xC] =	stream.linear.gather [hbm4b:s17+s28], $0x2710, $0x38;
	[tilespmem:$0x1E100] =	vst v63  }
0x59: {  	_ =	swait.ge [sflag:s24], $0x2710  }
0x5a: {  	[sflag:s24] =	ssyncset.done $0x0  }
0x5b: {  	s15 =	simm.s32 $0x0;
	s17 =	simm.s32 $0x40;
	[sflag:s24] =	ssyncadd.s32 $0xFFFFD8F0  }
.LBB2_4:
0x5c: {  	p0 =	sne.s32 s17, $0x9C00;
	v3 =	vld [tilespmem:s15+$0x0];
	_ =	sdelay $0x1  }
.Ltmp1:
0x5d: {  	(pc) =	sbr.rel @p0 .LBB2_4-.Ltmp1, $3  }
0x5e: {  	_ =	sdelay $0x1  }
0x5f: {  	v3 =	vadd.s32 v0, v3  }
0x60: {  	[tilespmem:s15+$0x0] =	vst v3;
	s15 =	sshra.s32 s17, $0x2;
	s17 =	sadd.s32 $0x40, s17  }
0x61: {  	v3 =	vld [tilespmem:s15+$0x0];
	_ =	sdelay $0x4  }
0x62: {  	v3 =	vadd.s32 v0, v3  }
0x63: {  	[tilespmem:s15+$0x0] =	vst v3  }
0x64: {  	[bflag:$0x0] =	sbarrier.arrive $0xFFFF  }
0x65: {  	s25 =	simm.s32 $0x0;
	s17 =	rddreg [dreg:$0x3]  }
0x66: {  	[tilespmem:s26], [sflag:$0x4] =	stream.linear.gather [hbm4b:s17+s25], $0x50, $0x38;
	[tilespmem:$0x1E100] =	vst v63  }
0x67: {  	_ = 	snop  }
0x68: {  	[tilespmem:s31], [sflag:$0x1] =	stream.indirect.gather [hbm4b:s4+s29], $0x80, s25, s29, $0xb8;
	[tilespmem:$0x1E100] =	vst v63  }
0x69: {  	s28 =	rddreg [dreg:$0x5]  }
0x6a: {  	[tilespmem:s0], [sflag:$0x5] =	stream.linear.gather [hbm4b:s28+s25], $0x50, $0x38;
	[tilespmem:$0x1E100] =	vst v63  }
0x6b: {  	_ = 	snop  }
0x6c: {  	[tilespmem:s2], [sflag:$0x2] =	stream.indirect.gather [hbm4b:s4+s29], $0x80, s29, s29, $0xb8;
	[tilespmem:$0x1E100] =	vst v63  }
0x6d: {  	s22 =	rddreg [dreg:$0x6]  }
0x6e: {  	[tilespmem:s14], [sflag:$0x6] =	stream.linear.gather [hbm4b:s22+s25], $0x50, $0x38;
	[tilespmem:$0x1E100] =	vst v63  }
0x6f: {  	s25 =	simm.s32 $0xA0  }
0x70: {  	[tilespmem:s23], [sflag:$0x3] =	stream.indirect.gather [hbm4b:s4+s29], $0x80, s25, s29, $0xb8;
	[tilespmem:$0x1E100] =	vst v63  }
0x71: {  	_ =	swait.ge [sflag:s16], $0x2800  }
0x72: {  	[sflag:s16] =	ssyncset.done $0x0  }
0x73: {  	[sflag:s16] =	ssyncadd.s32 $0xFFFFD800  }
0x74: {  	_ =	swait.ge [sflag:s19], $0x50  }
0x75: {  	[sflag:s19] =	ssyncset.done $0x0  }
0x76: {  	[sflag:s19] =	ssyncadd.s32 $0xFFFFFFB0  }
0x77: {  	[spmem:s1] =	stream.indirect.scatter.add.f32 [tilespmem:s31], [sflag:$0x7], $0x80, s26, s29, $0xb8;
	[tilespmem:$0x1E100] =	vst v63  }
0x78: {  	_ =	swait.ge [sflag:s20], $0x2800  }
0x79: {  	s15 =	sadd.s32 $0x0, s21;
	[sflag:s20] =	ssyncset.done $0x0  }
0x7a: {  	s28 =	sadd.s32 $0x1E, s15;
	[sflag:s20] =	ssyncadd.s32 $0xFFFFD800  }
0x7b: {  	[tilespmem:s26], [sflag:$0x4] =	stream.linear.gather [hbm4b:s28+s3], $0x50, $0x38;
	[tilespmem:$0x1E100] =	vst v63  }
0x7c: {  	s22 =	simm.s32 $0xF0  }
0x7d: {  	[tilespmem:s31], [sflag:$0x1] =	stream.indirect.gather [hbm4b:s4+s29], $0x80, s22, s29, $0xb8;
	[tilespmem:$0x1E100] =	vst v63  }
0x7e: {  	_ =	swait.ge [sflag:s12], $0x2800  }
0x7f: {  	[sflag:s12] =	ssyncset.done $0x0  }
0x80: {  	[sflag:s12] =	ssyncadd.s32 $0xFFFFD800  }
0x81: {  	_ =	swait.ge [sflag:s18], $0x50  }
0x82: {  	[sflag:s18] =	ssyncset.done $0x0  }
0x83: {  	[sflag:s18] =	ssyncadd.s32 $0xFFFFFFB0  }
0x84: {  	[spmem:s1] =	stream.indirect.scatter.add.f32 [tilespmem:s2], [sflag:$0x8], $0x80, s0, s29, $0xb8;
	[tilespmem:$0x1E100] =	vst v63  }
0x85: {  	_ =	swait.ge [sflag:s6], $0x2800  }
0x86: {  	[sflag:s6] =	ssyncset.done $0x0  }
0x87: {  	s25 =	sadd.s32 $0x28, s15;
	[sflag:s6] =	ssyncadd.s32 $0xFFFFD800  }
0x88: {  	[tilespmem:s0], [sflag:$0x5] =	stream.linear.gather [hbm4b:s25+s3], $0x50, $0x38;
	[tilespmem:$0x1E100] =	vst v63  }
0x89: {  	s28 =	simm.s32 $0x140  }
0x8a: {  	[tilespmem:s2], [sflag:$0x2] =	stream.indirect.gather [hbm4b:s4+s29], $0x80, s28, s29, $0xb8;
	[tilespmem:$0x1E100] =	vst v63  }
0x8b: {  	_ =	swait.ge [sflag:s7], $0x2800  }
0x8c: {  	[sflag:s7] =	ssyncset.done $0x0  }
0x8d: {  	[sflag:s7] =	ssyncadd.s32 $0xFFFFD800  }
0x8e: {  	_ =	swait.ge [sflag:s8], $0x50  }
0x8f: {  	[sflag:s8] =	ssyncset.done $0x0  }
0x90: {  	[sflag:s8] =	ssyncadd.s32 $0xFFFFFFB0  }
0x91: {  	[spmem:s1] =	stream.indirect.scatter.add.f32 [tilespmem:s23], [sflag:$0x9], $0x80, s14, s29, $0xb8;
	[tilespmem:$0x1E100] =	vst v63  }
0x92: {  	_ =	swait.ge [sflag:s9], $0x2800  }
0x93: {  	[sflag:s9] =	ssyncset.done $0x0  }
0x94: {  	s15 =	sadd.s32 $0x32, s15;
	[sflag:s9] =	ssyncadd.s32 $0xFFFFD800  }
0x95: {  	[tilespmem:s14], [sflag:$0x6] =	stream.linear.gather [hbm4b:s15+s3], $0x50, $0x38;
	[tilespmem:$0x1E100] =	vst v63  }
0x96: {  	s17 =	simm.s32 $0x1E;
	s22 =	simm.s32 $0x280;
	s15 =	simm.s32 $0x190  }
.LBB2_6:
0x97: {  	[tilespmem:s23], [sflag:$0x3] =	stream.indirect.gather [hbm4b:s4+s29], $0x80, s15, s29, $0xb8;
	[tilespmem:$0x1E100] =	vst v63  }
0x98: {  	s25 =	smov.u32 s17;
	s15 =	smov.u32 s22  }
0x99: {  	p0 =	sne.s32 s17, $0x492;
	s17 =	sadd.s32 $0x1E, s17;
	_ =	swait.ge [sflag:s16], $0x2800  }
0x9a: {  	[sflag:s16] =	ssyncset.done $0x0  }
0x9b: {  	[sflag:s16] =	ssyncadd.s32 $0xFFFFD800  }
0x9c: {  	_ =	swait.ge [sflag:s19], $0x50  }
0x9d: {  	[sflag:s19] =	ssyncset.done $0x0  }
0x9e: {  	[sflag:s19] =	ssyncadd.s32 $0xFFFFFFB0  }
0x9f: {  	[spmem:s1] =	stream.indirect.scatter.add.f32 [tilespmem:s31], [sflag:$0x7], $0x80, s26, s29, $0xb8;
	[tilespmem:$0x1E100] =	vst v63  }
0xa0: {  	_ =	swait.ge [sflag:s20], $0x2800  }
0xa1: {  	s25 =	sadd.s32 s25, s21;
	[sflag:s20] =	ssyncset.done $0x0  }
0xa2: {  	s28 =	sadd.s32 $0x1E, s25;
	[sflag:s20] =	ssyncadd.s32 $0xFFFFD800  }
0xa3: {  	[tilespmem:s26], [sflag:$0x4] =	stream.linear.gather [hbm4b:s28+s3], $0x50, $0x38;
	[tilespmem:$0x1E100] =	vst v63  }
0xa4: {  	s28 =	sadd.s32 $0xFFFFFF60, s22  }
0xa5: {  	[tilespmem:s31], [sflag:$0x1] =	stream.indirect.gather [hbm4b:s4+s29], $0x80, s28, s29, $0xb8;
	[tilespmem:$0x1E100] =	vst v63  }
0xa6: {  	_ =	swait.ge [sflag:s12], $0x2800  }
0xa7: {  	[sflag:s12] =	ssyncset.done $0x0  }
0xa8: {  	[sflag:s12] =	ssyncadd.s32 $0xFFFFD800  }
0xa9: {  	_ =	swait.ge [sflag:s18], $0x50  }
0xaa: {  	[sflag:s18] =	ssyncset.done $0x0  }
0xab: {  	[sflag:s18] =	ssyncadd.s32 $0xFFFFFFB0  }
0xac: {  	[spmem:s1] =	stream.indirect.scatter.add.f32 [tilespmem:s2], [sflag:$0x8], $0x80, s0, s29, $0xb8;
	[tilespmem:$0x1E100] =	vst v63  }
0xad: {  	_ =	swait.ge [sflag:s6], $0x2800  }
0xae: {  	[sflag:s6] =	ssyncset.done $0x0  }
0xaf: {  	s28 =	sadd.s32 $0x28, s25;
	[sflag:s6] =	ssyncadd.s32 $0xFFFFD800  }
0xb0: {  	[tilespmem:s0], [sflag:$0x5] =	stream.linear.gather [hbm4b:s28+s3], $0x50, $0x38;
	[tilespmem:$0x1E100] =	vst v63  }
0xb1: {  	s28 =	sadd.s32 $0xFFFFFFB0, s22  }
0xb2: {  	[tilespmem:s2], [sflag:$0x2] =	stream.indirect.gather [hbm4b:s4+s29], $0x80, s28, s29, $0xb8;
	[tilespmem:$0x1E100] =	vst v63  }
0xb3: {  	_ =	swait.ge [sflag:s7], $0x2800  }
0xb4: {  	[sflag:s7] =	ssyncset.done $0x0  }
0xb5: {  	[sflag:s7] =	ssyncadd.s32 $0xFFFFD800  }
0xb6: {  	_ =	swait.ge [sflag:s8], $0x50  }
0xb7: {  	[sflag:s8] =	ssyncset.done $0x0  }
0xb8: {  	[sflag:s8] =	ssyncadd.s32 $0xFFFFFFB0  }
0xb9: {  	[spmem:s1] =	stream.indirect.scatter.add.f32 [tilespmem:s23], [sflag:$0x9], $0x80, s14, s29, $0xb8;
	[tilespmem:$0x1E100] =	vst v63  }
.Ltmp2:
0xba: {  	_ =	swait.ge [sflag:s9], $0x2800;
	(pc) =	sbr.rel @p0 .LBB2_6-.Ltmp2, $4  }
0xbb: {  	[sflag:s9] =	ssyncset.done $0x0  }
0xbc: {  	s25 =	sadd.s32 $0x32, s25;
	[sflag:s9] =	ssyncadd.s32 $0xFFFFD800  }
0xbd: {  	[tilespmem:s14], [sflag:$0x6] =	stream.linear.gather [hbm4b:s25+s3], $0x50, $0x38;
	[tilespmem:$0x1E100] =	vst v63  }
0xbe: {  	s22 =	sadd.s32 $0xF0, s22  }
0xbf: {  	[tilespmem:s23], [sflag:$0x3] =	stream.indirect.gather [hbm4b:s4+s29], $0x80, s15, s29, $0xb8;
	[tilespmem:$0x1E100] =	vst v63  }
0xc0: {  	_ =	swait.ge [sflag:s16], $0x2800  }
0xc1: {  	[sflag:s16] =	ssyncset.done $0x0  }
0xc2: {  	[sflag:s16] =	ssyncadd.s32 $0xFFFFD800  }
0xc3: {  	_ =	swait.ge [sflag:s19], $0x50  }
0xc4: {  	[sflag:s19] =	ssyncset.done $0x0  }
0xc5: {  	[sflag:s19] =	ssyncadd.s32 $0xFFFFFFB0  }
0xc6: {  	[spmem:s1] =	stream.indirect.scatter.add.f32 [tilespmem:s31], [sflag:$0x7], $0x80, s26, s29, $0xb8;
	[tilespmem:$0x1E100] =	vst v63  }
0xc7: {  	_ =	swait.ge [sflag:s20], $0x2800  }
0xc8: {  	[sflag:s20] =	ssyncset.done $0x0  }
0xc9: {  	s15 =	simm.s32 $0x0;
	s17 =	rddreg [dreg:$0x7];
	[sflag:s20] =	ssyncadd.s32 $0xFFFFD800  }
0xca: {  	[tilespmem:s26], [sflag:$0x4] =	stream.linear.gather [hbm4b:s17+s15], $0x50, $0x38;
	[tilespmem:$0x1E100] =	vst v63  }
0xcb: {  	s25 =	simm.s32 $0x2670  }
0xcc: {  	[tilespmem:s31], [sflag:$0x1] =	stream.indirect.gather [hbm4b:s4+s29], $0x80, s25, s29, $0xb8;
	[tilespmem:$0x1E100] =	vst v63  }
0xcd: {  	_ =	swait.ge [sflag:s12], $0x2800  }
0xce: {  	[sflag:s12] =	ssyncset.done $0x0  }
0xcf: {  	[sflag:s12] =	ssyncadd.s32 $0xFFFFD800  }
0xd0: {  	_ =	swait.ge [sflag:s18], $0x50  }
0xd1: {  	[sflag:s18] =	ssyncset.done $0x0  }
0xd2: {  	[sflag:s18] =	ssyncadd.s32 $0xFFFFFFB0  }
0xd3: {  	[spmem:s1] =	stream.indirect.scatter.add.f32 [tilespmem:s2], [sflag:$0x8], $0x80, s0, s29, $0xb8;
	[tilespmem:$0x1E100] =	vst v63  }
0xd4: {  	_ =	swait.ge [sflag:s6], $0x2800  }
0xd5: {  	[sflag:s6] =	ssyncset.done $0x0  }
0xd6: {  	s22 =	rddreg [dreg:$0x8];
	[sflag:s6] =	ssyncadd.s32 $0xFFFFD800  }
0xd7: {  	[tilespmem:s0], [sflag:$0x5] =	stream.linear.gather [hbm4b:s22+s15], $0x50, $0x38;
	[tilespmem:$0x1E100] =	vst v63  }
0xd8: {  	s25 =	simm.s32 $0x26C0  }
0xd9: {  	[tilespmem:s2], [sflag:$0x2] =	stream.indirect.gather [hbm4b:s4+s29], $0x80, s25, s29, $0xb8;
	[tilespmem:$0x1E100] =	vst v63  }
0xda: {  	_ =	swait.ge [sflag:s7], $0x2800  }
0xdb: {  	[sflag:s7] =	ssyncset.done $0x0  }
0xdc: {  	[sflag:s7] =	ssyncadd.s32 $0xFFFFD800  }
0xdd: {  	_ =	swait.ge [sflag:s8], $0x50  }
0xde: {  	[sflag:s8] =	ssyncset.done $0x0  }
0xdf: {  	[sflag:s8] =	ssyncadd.s32 $0xFFFFFFB0  }
0xe0: {  	[spmem:s1] =	stream.indirect.scatter.add.f32 [tilespmem:s23], [sflag:$0x9], $0x80, s14, s29, $0xb8;
	[tilespmem:$0x1E100] =	vst v63  }
0xe1: {  	_ =	swait.ge [sflag:s16], $0x2800  }
0xe2: {  	[sflag:s16] =	ssyncset.done $0x0  }
0xe3: {  	[sflag:s16] =	ssyncadd.s32 $0xFFFFD800  }
0xe4: {  	_ =	swait.ge [sflag:s19], $0x50  }
0xe5: {  	[sflag:s19] =	ssyncset.done $0x0  }
0xe6: {  	[sflag:s19] =	ssyncadd.s32 $0xFFFFFFB0  }
0xe7: {  	[spmem:s1] =	stream.indirect.scatter.add.f32 [tilespmem:s31], [sflag:$0x7], $0x80, s26, s29, $0xb8;
	[tilespmem:$0x1E100] =	vst v63  }
0xe8: {  	_ =	swait.ge [sflag:s12], $0x2800  }
0xe9: {  	[sflag:s12] =	ssyncset.done $0x0  }
0xea: {  	[sflag:s12] =	ssyncadd.s32 $0xFFFFD800  }
0xeb: {  	_ =	swait.ge [sflag:s18], $0x50  }
0xec: {  	[sflag:s18] =	ssyncset.done $0x0  }
0xed: {  	[sflag:s18] =	ssyncadd.s32 $0xFFFFFFB0  }
0xee: {  	[spmem:s1] =	stream.indirect.scatter.add.f32 [tilespmem:s2], [sflag:$0x8], $0x80, s0, s29, $0xb8;
	[tilespmem:$0x1E100] =	vst v63  }
0xef: {  	_ =	swait.ge [sflag:s20], $0x2800  }
0xf0: {  	[sflag:s20] =	ssyncset.done $0x0  }
0xf1: {  	[sflag:s20] =	ssyncadd.s32 $0xFFFFD800  }
0xf2: {  	_ =	swait.ge [sflag:s6], $0x2800  }
0xf3: {  	[sflag:s6] =	ssyncset.done $0x0  }
0xf4: {  	[sflag:s6] =	ssyncadd.s32 $0xFFFFD800  }
0xf5: {  	_ =	swait.ge [sflag:s9], $0x2800  }
0xf6: {  	[sflag:s9] =	ssyncset.done $0x0  }
0xf7: {  	[sflag:s9] =	ssyncadd.s32 $0xFFFFD800  }
0xf8: {  	[bflag:$0x0] =	sbarrier.arrive $0xFFFF  }
0xf9: {  	[tilespmem:s31], [sflag:$0xC] =	stream.linear.gather [spmem:s11], $0x2800, $0x38;
	[tilespmem:$0x1E100] =	vst v63  }
0xfa: {  	_ =	swait.ge [sflag:s24], $0x2800  }
0xfb: {  	[sflag:s24] =	ssyncset.done $0x0  }
0xfc: {  	s22 =	rddreg [dreg:$0x9];
	[sflag:s24] =	ssyncadd.s32 $0xFFFFD800  }
0xfd: {  	[hbm4b:s22+s15] =	stream.linear.scatter [tilespmem:s31], [sflag:$0xA], $0x2800, $0x38;
	[tilespmem:$0x1E100] =	vst v63  }
0xfe: {  	s22 =	rddreg [dreg:$0xa]  }
0xff: {  	[tilespmem:s2], [sflag:$0xC] =	stream.linear.gather [spmem:s22], $0x2800, $0x38;
	[tilespmem:$0x1E100] =	vst v63  }
0x100: {  	_ =	swait.ge [sflag:s24], $0x2800  }
0x101: {  	[sflag:s24] =	ssyncset.done $0x0  }
0x102: {  	s25 =	rddreg [dreg:$0xb];
	[sflag:s24] =	ssyncadd.s32 $0xFFFFD800  }
0x103: {  	[hbm4b:s25+s15] =	stream.linear.scatter [tilespmem:s2], [sflag:$0xB], $0x2800, $0x38;
	[tilespmem:$0x1E100] =	vst v63  }
0x104: {  	_ =	swait.ge [sflag:s10], $0x2800  }
0x105: {  	[sflag:s10] =	ssyncset.done $0x0  }
0x106: {  	s25 =	rddreg [dreg:$0xc];
	[sflag:s10] =	ssyncadd.s32 $0xFFFFD800  }
0x107: {  	[tilespmem:s31], [sflag:$0xC] =	stream.linear.gather [spmem:s25], $0x2800, $0x38;
	[tilespmem:$0x1E100] =	vst v63  }
0x108: {  	_ =	swait.ge [sflag:s24], $0x2800  }
0x109: {  	[sflag:s24] =	ssyncset.done $0x0  }
0x10a: {  	s17 =	rddreg [dreg:$0xd];
	[sflag:s24] =	ssyncadd.s32 $0xFFFFD800  }
0x10b: {  	[hbm4b:s17+s15] =	stream.linear.scatter [tilespmem:s31], [sflag:$0xA], $0x2800, $0x38;
	[tilespmem:$0x1E100] =	vst v63  }
0x10c: {  	_ =	swait.ge [sflag:s5], $0x2800  }
0x10d: {  	[sflag:s5] =	ssyncset.done $0x0  }
0x10e: {  	s28 =	rddreg [dreg:$0xe];
	[sflag:s5] =	ssyncadd.s32 $0xFFFFD800  }
0x10f: {  	[tilespmem:s2], [sflag:$0xC] =	stream.linear.gather [spmem:s28], $0x2800, $0x38;
	[tilespmem:$0x1E100] =	vst v63  }
0x110: {  	_ =	swait.ge [sflag:s24], $0x2800  }
0x111: {  	[sflag:s24] =	ssyncset.done $0x0  }
0x112: {  	s17 =	rddreg [dreg:$0x11];
	[sflag:s24] =	ssyncadd.s32 $0xFFFFD800  }
0x113: {  	[hbm4b:s17+s15] =	stream.linear.scatter [tilespmem:s2], [sflag:$0xB], $0x2800, $0x38;
	[tilespmem:$0x1E100] =	vst v63  }
0x114: {  	_ =	swait.ge [sflag:s10], $0x2800  }
0x115: {  	[sflag:s10] =	ssyncset.done $0x0  }
0x116: {  	s17 =	rddreg [dreg:$0x12];
	[sflag:s10] =	ssyncadd.s32 $0xFFFFD800  }
0x117: {  	[tilespmem:s31], [sflag:$0xC] =	stream.linear.gather [spmem:s17], $0x2800, $0x38;
	[tilespmem:$0x1E100] =	vst v63  }
0x118: {  	_ =	swait.ge [sflag:s24], $0x2800  }
0x119: {  	[sflag:s24] =	ssyncset.done $0x0  }
0x11a: {  	s17 =	rddreg [dreg:$0x14];
	[sflag:s24] =	ssyncadd.s32 $0xFFFFD800  }
0x11b: {  	[hbm4b:s17+s15] =	stream.linear.scatter [tilespmem:s31], [sflag:$0xA], $0x2800, $0x38;
	[tilespmem:$0x1E100] =	vst v63  }
0x11c: {  	_ =	swait.ge [sflag:s5], $0x2800  }
0x11d: {  	[sflag:s5] =	ssyncset.done $0x0  }
0x11e: {  	s17 =	rddreg [dreg:$0x15];
	[sflag:s5] =	ssyncadd.s32 $0xFFFFD800  }
0x11f: {  	[tilespmem:s2], [sflag:$0xC] =	stream.linear.gather [spmem:s17], $0x2800, $0x38;
	[tilespmem:$0x1E100] =	vst v63  }
0x120: {  	_ =	swait.ge [sflag:s24], $0x2800  }
0x121: {  	[sflag:s24] =	ssyncset.done $0x0  }
0x122: {  	s17 =	rddreg [dreg:$0x16];
	[sflag:s24] =	ssyncadd.s32 $0xFFFFD800  }
0x123: {  	[hbm4b:s17+s15] =	stream.linear.scatter [tilespmem:s2], [sflag:$0xB], $0x2800, $0x38;
	[tilespmem:$0x1E100] =	vst v63  }
0x124: {  	_ =	swait.ge [sflag:s10], $0x2800  }
0x125: {  	[sflag:s10] =	ssyncset.done $0x0  }
0x126: {  	s17 =	rddreg [dreg:$0x17];
	[sflag:s10] =	ssyncadd.s32 $0xFFFFD800  }
0x127: {  	[tilespmem:s31], [sflag:$0xC] =	stream.linear.gather [spmem:s17], $0x2800, $0x38;
	[tilespmem:$0x1E100] =	vst v63  }
0x128: {  	_ =	swait.ge [sflag:s24], $0x2800  }
0x129: {  	[sflag:s24] =	ssyncset.done $0x0  }
0x12a: {  	s17 =	rddreg [dreg:$0x18];
	[sflag:s24] =	ssyncadd.s32 $0xFFFFD800  }
0x12b: {  	[hbm4b:s17+s15] =	stream.linear.scatter [tilespmem:s31], [sflag:$0xA], $0x2800, $0x38;
	[tilespmem:$0x1E100] =	vst v63  }
0x12c: {  	_ =	swait.ge [sflag:s5], $0x2800  }
0x12d: {  	[sflag:s5] =	ssyncset.done $0x0  }
0x12e: {  	[sflag:s5] =	ssyncadd.s32 $0xFFFFD800  }
0x12f: {  	[tilespmem:s2], [sflag:$0xC] =	stream.linear.gather [spmem:s30], $0x2800, $0x38;
	[tilespmem:$0x1E100] =	vst v63  }
0x130: {  	_ =	swait.ge [sflag:s24], $0x2800  }
0x131: {  	[sflag:s24] =	ssyncset.done $0x0  }
0x132: {  	s17 =	rddreg [dreg:$0x19];
	[sflag:s24] =	ssyncadd.s32 $0xFFFFD800  }
0x133: {  	[hbm4b:s17+s15] =	stream.linear.scatter [tilespmem:s2], [sflag:$0xB], $0x2800, $0x38;
	[tilespmem:$0x1E100] =	vst v63  }
0x134: {  	_ =	swait.ge [sflag:s10], $0x2800  }
0x135: {  	[sflag:s10] =	ssyncset.done $0x0  }
0x136: {  	[sflag:s10] =	ssyncadd.s32 $0xFFFFD800  }
0x137: {  	_ =	swait.ge [sflag:s5], $0x2800  }
0x138: {  	[sflag:s5] =	ssyncset.done $0x0  }
0x139: {  	s15 =	simm.s32 $0x0;
	s17 =	simm.s32 $0x200;
	[sflag:s5] =	ssyncadd.s32 $0xFFFFD800  }
.LBB2_8:
0x13a: {  	p0 =	sne.s32 s17, $0x9E00;
	[tilespmem:s15+$0x7970] =	vst v2  }
0x13b: {  	[tilespmem:s15+$0x7900] =	vst v2  }
0x13c: {  	[tilespmem:s15+$0x7910] =	vst v2  }
.Ltmp3:
0x13d: {  	[tilespmem:s15+$0x7920] =	vst v2;
	(pc) =	sbr.rel @p0 .LBB2_8-.Ltmp3, $4  }
0x13e: {  	[tilespmem:s15+$0x7930] =	vst v2  }
0x13f: {  	[tilespmem:s15+$0x7940] =	vst v2  }
0x140: {  	[tilespmem:s15+$0x7950] =	vst v2  }
0x141: {  	[tilespmem:s15+$0x7960] =	vst v2;
	s15 =	sshra.s32 s17, $0x2;
	s17 =	sadd.s32 $0x200, s17  }
0x142: {  	[tilespmem:s15+$0x7970] =	vst v2  }
0x143: {  	[tilespmem:s15+$0x7900] =	vst v2  }
0x144: {  	[tilespmem:s15+$0x7910] =	vst v2  }
0x145: {  	[tilespmem:s15+$0x7920] =	vst v2  }
0x146: {  	[tilespmem:s15+$0x7930] =	vst v2  }
0x147: {  	[tilespmem:s15+$0x7940] =	vst v2  }
0x148: {  	[tilespmem:s15+$0x7950] =	vst v2  }
0x149: {  	[tilespmem:s15+$0x7960] =	vst v2  }
0x14a: {  	[spmem:s11] =	stream.linear.scatter [tilespmem:s23], [sflag:$0xC], $0x2800, $0x38;
	[tilespmem:$0x1E100] =	vst v63  }
0x14b: {  	_ =	swait.ge [sflag:s24], $0x2800  }
0x14c: {  	[sflag:s24] =	ssyncset.done $0x0  }
0x14d: {  	[sflag:s24] =	ssyncadd.s32 $0xFFFFD800  }
0x14e: {  	[spmem:s22] =	stream.linear.scatter [tilespmem:s23], [sflag:$0xC], $0x2800, $0x38;
	[tilespmem:$0x1E100] =	vst v63  }
0x14f: {  	_ =	swait.ge [sflag:s24], $0x2800  }
0x150: {  	[sflag:s24] =	ssyncset.done $0x0  }
0x151: {  	[sflag:s24] =	ssyncadd.s32 $0xFFFFD800  }
0x152: {  	[spmem:s25] =	stream.linear.scatter [tilespmem:s23], [sflag:$0xC], $0x2800, $0x38;
	[tilespmem:$0x1E100] =	vst v63  }
0x153: {  	_ =	swait.ge [sflag:s24], $0x2800  }
0x154: {  	[sflag:s24] =	ssyncset.done $0x0  }
0x155: {  	[sflag:s24] =	ssyncadd.s32 $0xFFFFD800  }
0x156: {  	[spmem:s28] =	stream.linear.scatter [tilespmem:s23], [sflag:$0xC], $0x2800, $0x38;
	[tilespmem:$0x1E100] =	vst v63  }
0x157: {  	_ =	swait.ge [sflag:s24], $0x2800  }
0x158: {  	[sflag:s24] =	ssyncset.done $0x0  }
0x159: {  	s17 =	rddreg [dreg:$0x12];
	[sflag:s24] =	ssyncadd.s32 $0xFFFFD800  }
0x15a: {  	[spmem:s17] =	stream.linear.scatter [tilespmem:s23], [sflag:$0xC], $0x2800, $0x38;
	[tilespmem:$0x1E100] =	vst v63  }
0x15b: {  	_ =	swait.ge [sflag:s24], $0x2800  }
0x15c: {  	[sflag:s24] =	ssyncset.done $0x0  }
0x15d: {  	s22 =	rddreg [dreg:$0x15];
	[sflag:s24] =	ssyncadd.s32 $0xFFFFD800  }
0x15e: {  	[spmem:s22] =	stream.linear.scatter [tilespmem:s23], [sflag:$0xC], $0x2800, $0x38;
	[tilespmem:$0x1E100] =	vst v63  }
0x15f: {  	_ =	swait.ge [sflag:s24], $0x2800  }
0x160: {  	[sflag:s24] =	ssyncset.done $0x0  }
0x161: {  	s25 =	rddreg [dreg:$0x17];
	[sflag:s24] =	ssyncadd.s32 $0xFFFFD800  }
0x162: {  	[spmem:s25] =	stream.linear.scatter [tilespmem:s23], [sflag:$0xC], $0x2800, $0x38;
	[tilespmem:$0x1E100] =	vst v63  }
0x163: {  	_ =	swait.ge [sflag:s24], $0x2800  }
0x164: {  	[sflag:s24] =	ssyncset.done $0x0  }
0x165: {  	[sflag:s24] =	ssyncadd.s32 $0xFFFFD800  }
0x166: {  	[spmem:s30] =	stream.linear.scatter [tilespmem:s23], [sflag:$0xC], $0x2800, $0x38;
	[tilespmem:$0x1E100] =	vst v63  }
0x167: {  	_ =	swait.ge [sflag:s24], $0x2800  }
0x168: {  	[sflag:s24] =	ssyncset.done $0x0  }
0x169: {  	s28 =	simm.s32 $0x0;
	s17 =	rddreg [dreg:$0x4];
	[sflag:s24] =	ssyncadd.s32 $0xFFFFD800  }
0x16a: {  	[tilespmem:s28], [sflag:$0xC] =	stream.linear.gather [hbm4b:s17+s28], $0x2710, $0x38;
	[tilespmem:$0x1E100] =	vst v63  }
0x16b: {  	_ =	swait.ge [sflag:s24], $0x2710  }
0x16c: {  	[sflag:s24] =	ssyncset.done $0x0  }
0x16d: {  	s15 =	simm.s32 $0x0;
	s17 =	simm.s32 $0x40;
	[sflag:s24] =	ssyncadd.s32 $0xFFFFD8F0  }
.LBB2_10:
0x16e: {  	p0 =	sne.s32 s17, $0x9C00;
	v3 =	vld [tilespmem:s15+$0x0];
	_ =	sdelay $0x1  }
.Ltmp4:
0x16f: {  	(pc) =	sbr.rel @p0 .LBB2_10-.Ltmp4, $3  }
0x170: {  	_ =	sdelay $0x1  }
0x171: {  	v3 =	vadd.s32 v1, v3  }
0x172: {  	[tilespmem:s15+$0x0] =	vst v3;
	s15 =	sshra.s32 s17, $0x2;
	s17 =	sadd.s32 $0x40, s17  }
0x173: {  	v3 =	vld [tilespmem:s15+$0x0];
	_ =	sdelay $0x4  }
0x174: {  	v3 =	vadd.s32 v1, v3  }
0x175: {  	[tilespmem:s15+$0x0] =	vst v3  }
0x176: {  	[bflag:$0x0] =	sbarrier.arrive $0xFFFF  }
0x177: {  	s25 =	simm.s32 $0x0;
	s17 =	rddreg [dreg:$0x3]  }
0x178: {  	[tilespmem:s26], [sflag:$0x4] =	stream.linear.gather [hbm4b:s17+s25], $0x50, $0x38;
	[tilespmem:$0x1E100] =	vst v63  }
0x179: {  	_ = 	snop  }
0x17a: {  	[tilespmem:s31], [sflag:$0x1] =	stream.indirect.gather [hbm4b:s4+s29], $0x80, s25, s29, $0xb8;
	[tilespmem:$0x1E100] =	vst v63  }
0x17b: {  	s28 =	rddreg [dreg:$0x5]  }
0x17c: {  	[tilespmem:s0], [sflag:$0x5] =	stream.linear.gather [hbm4b:s28+s25], $0x50, $0x38;
	[tilespmem:$0x1E100] =	vst v63  }
0x17d: {  	_ = 	snop  }
0x17e: {  	[tilespmem:s2], [sflag:$0x2] =	stream.indirect.gather [hbm4b:s4+s29], $0x80, s29, s29, $0xb8;
	[tilespmem:$0x1E100] =	vst v63  }
0x17f: {  	s22 =	rddreg [dreg:$0x6]  }
0x180: {  	[tilespmem:s14], [sflag:$0x6] =	stream.linear.gather [hbm4b:s22+s25], $0x50, $0x38;
	[tilespmem:$0x1E100] =	vst v63  }
0x181: {  	s25 =	simm.s32 $0xA0  }
0x182: {  	[tilespmem:s23], [sflag:$0x3] =	stream.indirect.gather [hbm4b:s4+s29], $0x80, s25, s29, $0xb8;
	[tilespmem:$0x1E100] =	vst v63  }
0x183: {  	_ =	swait.ge [sflag:s16], $0x2800  }
0x184: {  	[sflag:s16] =	ssyncset.done $0x0  }
0x185: {  	[sflag:s16] =	ssyncadd.s32 $0xFFFFD800  }
0x186: {  	_ =	swait.ge [sflag:s19], $0x50  }
0x187: {  	[sflag:s19] =	ssyncset.done $0x0  }
0x188: {  	[sflag:s19] =	ssyncadd.s32 $0xFFFFFFB0  }
0x189: {  	[spmem:s1] =	stream.indirect.scatter.add.f32 [tilespmem:s31], [sflag:$0x7], $0x80, s26, s29, $0xb8;
	[tilespmem:$0x1E100] =	vst v63  }
0x18a: {  	_ =	swait.ge [sflag:s20], $0x2800  }
0x18b: {  	s15 =	sadd.s32 $0x0, s21;
	[sflag:s20] =	ssyncset.done $0x0  }
0x18c: {  	s28 =	sadd.s32 $0x1E, s15;
	[sflag:s20] =	ssyncadd.s32 $0xFFFFD800  }
0x18d: {  	[tilespmem:s26], [sflag:$0x4] =	stream.linear.gather [hbm4b:s28+s3], $0x50, $0x38;
	[tilespmem:$0x1E100] =	vst v63  }
0x18e: {  	s22 =	simm.s32 $0xF0  }
0x18f: {  	[tilespmem:s31], [sflag:$0x1] =	stream.indirect.gather [hbm4b:s4+s29], $0x80, s22, s29, $0xb8;
	[tilespmem:$0x1E100] =	vst v63  }
0x190: {  	_ =	swait.ge [sflag:s12], $0x2800  }
0x191: {  	[sflag:s12] =	ssyncset.done $0x0  }
0x192: {  	[sflag:s12] =	ssyncadd.s32 $0xFFFFD800  }
0x193: {  	_ =	swait.ge [sflag:s18], $0x50  }
0x194: {  	[sflag:s18] =	ssyncset.done $0x0  }
0x195: {  	[sflag:s18] =	ssyncadd.s32 $0xFFFFFFB0  }
0x196: {  	[spmem:s1] =	stream.indirect.scatter.add.f32 [tilespmem:s2], [sflag:$0x8], $0x80, s0, s29, $0xb8;
	[tilespmem:$0x1E100] =	vst v63  }
0x197: {  	_ =	swait.ge [sflag:s6], $0x2800  }
0x198: {  	[sflag:s6] =	ssyncset.done $0x0  }
0x199: {  	s25 =	sadd.s32 $0x28, s15;
	[sflag:s6] =	ssyncadd.s32 $0xFFFFD800  }
0x19a: {  	[tilespmem:s0], [sflag:$0x5] =	stream.linear.gather [hbm4b:s25+s3], $0x50, $0x38;
	[tilespmem:$0x1E100] =	vst v63  }
0x19b: {  	s28 =	simm.s32 $0x140  }
0x19c: {  	[tilespmem:s2], [sflag:$0x2] =	stream.indirect.gather [hbm4b:s4+s29], $0x80, s28, s29, $0xb8;
	[tilespmem:$0x1E100] =	vst v63  }
0x19d: {  	_ =	swait.ge [sflag:s7], $0x2800  }
0x19e: {  	[sflag:s7] =	ssyncset.done $0x0  }
0x19f: {  	[sflag:s7] =	ssyncadd.s32 $0xFFFFD800  }
0x1a0: {  	_ =	swait.ge [sflag:s8], $0x50  }
0x1a1: {  	[sflag:s8] =	ssyncset.done $0x0  }
0x1a2: {  	[sflag:s8] =	ssyncadd.s32 $0xFFFFFFB0  }
0x1a3: {  	[spmem:s1] =	stream.indirect.scatter.add.f32 [tilespmem:s23], [sflag:$0x9], $0x80, s14, s29, $0xb8;
	[tilespmem:$0x1E100] =	vst v63  }
0x1a4: {  	_ =	swait.ge [sflag:s9], $0x2800  }
0x1a5: {  	[sflag:s9] =	ssyncset.done $0x0  }
0x1a6: {  	s15 =	sadd.s32 $0x32, s15;
	[sflag:s9] =	ssyncadd.s32 $0xFFFFD800  }
0x1a7: {  	[tilespmem:s14], [sflag:$0x6] =	stream.linear.gather [hbm4b:s15+s3], $0x50, $0x38;
	[tilespmem:$0x1E100] =	vst v63  }
0x1a8: {  	s17 =	simm.s32 $0x1E;
	s22 =	simm.s32 $0x280;
	s15 =	simm.s32 $0x190  }
.LBB2_12:
0x1a9: {  	[tilespmem:s23], [sflag:$0x3] =	stream.indirect.gather [hbm4b:s4+s29], $0x80, s15, s29, $0xb8;
	[tilespmem:$0x1E100] =	vst v63  }
0x1aa: {  	s25 =	smov.u32 s17;
	s15 =	smov.u32 s22  }
0x1ab: {  	p0 =	sne.s32 s17, $0x492;
	s17 =	sadd.s32 $0x1E, s17;
	_ =	swait.ge [sflag:s16], $0x2800  }
0x1ac: {  	[sflag:s16] =	ssyncset.done $0x0  }
0x1ad: {  	[sflag:s16] =	ssyncadd.s32 $0xFFFFD800  }
0x1ae: {  	_ =	swait.ge [sflag:s19], $0x50  }
0x1af: {  	[sflag:s19] =	ssyncset.done $0x0  }
0x1b0: {  	[sflag:s19] =	ssyncadd.s32 $0xFFFFFFB0  }
0x1b1: {  	[spmem:s1] =	stream.indirect.scatter.add.f32 [tilespmem:s31], [sflag:$0x7], $0x80, s26, s29, $0xb8;
	[tilespmem:$0x1E100] =	vst v63  }
0x1b2: {  	_ =	swait.ge [sflag:s20], $0x2800  }
0x1b3: {  	s25 =	sadd.s32 s25, s21;
	[sflag:s20] =	ssyncset.done $0x0  }
0x1b4: {  	s28 =	sadd.s32 $0x1E, s25;
	[sflag:s20] =	ssyncadd.s32 $0xFFFFD800  }
0x1b5: {  	[tilespmem:s26], [sflag:$0x4] =	stream.linear.gather [hbm4b:s28+s3], $0x50, $0x38;
	[tilespmem:$0x1E100] =	vst v63  }
0x1b6: {  	s28 =	sadd.s32 $0xFFFFFF60, s22  }
0x1b7: {  	[tilespmem:s31], [sflag:$0x1] =	stream.indirect.gather [hbm4b:s4+s29], $0x80, s28, s29, $0xb8;
	[tilespmem:$0x1E100] =	vst v63  }
0x1b8: {  	_ =	swait.ge [sflag:s12], $0x2800  }
0x1b9: {  	[sflag:s12] =	ssyncset.done $0x0  }
0x1ba: {  	[sflag:s12] =	ssyncadd.s32 $0xFFFFD800  }
0x1bb: {  	_ =	swait.ge [sflag:s18], $0x50  }
0x1bc: {  	[sflag:s18] =	ssyncset.done $0x0  }
0x1bd: {  	[sflag:s18] =	ssyncadd.s32 $0xFFFFFFB0  }
0x1be: {  	[spmem:s1] =	stream.indirect.scatter.add.f32 [tilespmem:s2], [sflag:$0x8], $0x80, s0, s29, $0xb8;
	[tilespmem:$0x1E100] =	vst v63  }
0x1bf: {  	_ =	swait.ge [sflag:s6], $0x2800  }
0x1c0: {  	[sflag:s6] =	ssyncset.done $0x0  }
0x1c1: {  	s28 =	sadd.s32 $0x28, s25;
	[sflag:s6] =	ssyncadd.s32 $0xFFFFD800  }
0x1c2: {  	[tilespmem:s0], [sflag:$0x5] =	stream.linear.gather [hbm4b:s28+s3], $0x50, $0x38;
	[tilespmem:$0x1E100] =	vst v63  }
0x1c3: {  	s28 =	sadd.s32 $0xFFFFFFB0, s22  }
0x1c4: {  	[tilespmem:s2], [sflag:$0x2] =	stream.indirect.gather [hbm4b:s4+s29], $0x80, s28, s29, $0xb8;
	[tilespmem:$0x1E100] =	vst v63  }
0x1c5: {  	_ =	swait.ge [sflag:s7], $0x2800  }
0x1c6: {  	[sflag:s7] =	ssyncset.done $0x0  }
0x1c7: {  	[sflag:s7] =	ssyncadd.s32 $0xFFFFD800  }
0x1c8: {  	_ =	swait.ge [sflag:s8], $0x50  }
0x1c9: {  	[sflag:s8] =	ssyncset.done $0x0  }
0x1ca: {  	[sflag:s8] =	ssyncadd.s32 $0xFFFFFFB0  }
0x1cb: {  	[spmem:s1] =	stream.indirect.scatter.add.f32 [tilespmem:s23], [sflag:$0x9], $0x80, s14, s29, $0xb8;
	[tilespmem:$0x1E100] =	vst v63  }
.Ltmp5:
0x1cc: {  	_ =	swait.ge [sflag:s9], $0x2800;
	(pc) =	sbr.rel @p0 .LBB2_12-.Ltmp5, $4  }
0x1cd: {  	[sflag:s9] =	ssyncset.done $0x0  }
0x1ce: {  	s25 =	sadd.s32 $0x32, s25;
	[sflag:s9] =	ssyncadd.s32 $0xFFFFD800  }
0x1cf: {  	[tilespmem:s14], [sflag:$0x6] =	stream.linear.gather [hbm4b:s25+s3], $0x50, $0x38;
	[tilespmem:$0x1E100] =	vst v63  }
0x1d0: {  	s22 =	sadd.s32 $0xF0, s22  }
0x1d1: {  	[tilespmem:s23], [sflag:$0x3] =	stream.indirect.gather [hbm4b:s4+s29], $0x80, s15, s29, $0xb8;
	[tilespmem:$0x1E100] =	vst v63  }
0x1d2: {  	_ =	swait.ge [sflag:s16], $0x2800  }
0x1d3: {  	[sflag:s16] =	ssyncset.done $0x0  }
0x1d4: {  	[sflag:s16] =	ssyncadd.s32 $0xFFFFD800  }
0x1d5: {  	_ =	swait.ge [sflag:s19], $0x50  }
0x1d6: {  	[sflag:s19] =	ssyncset.done $0x0  }
0x1d7: {  	[sflag:s19] =	ssyncadd.s32 $0xFFFFFFB0  }
0x1d8: {  	[spmem:s1] =	stream.indirect.scatter.add.f32 [tilespmem:s31], [sflag:$0x7], $0x80, s26, s29, $0xb8;
	[tilespmem:$0x1E100] =	vst v63  }
0x1d9: {  	_ =	swait.ge [sflag:s20], $0x2800  }
0x1da: {  	[sflag:s20] =	ssyncset.done $0x0  }
0x1db: {  	s17 =	rddreg [dreg:$0x7];
	[sflag:s20] =	ssyncadd.s32 $0xFFFFD800  }
0x1dc: {  	[tilespmem:s26], [sflag:$0x4] =	stream.linear.gather [hbm4b:s17+s3], $0x50, $0x38;
	[tilespmem:$0x1E100] =	vst v63  }
0x1dd: {  	s22 =	simm.s32 $0x2670  }
0x1de: {  	[tilespmem:s31], [sflag:$0x1] =	stream.indirect.gather [hbm4b:s4+s29], $0x80, s22, s29, $0xb8;
	[tilespmem:$0x1E100] =	vst v63  }
0x1df: {  	_ =	swait.ge [sflag:s12], $0x2800  }
0x1e0: {  	[sflag:s12] =	ssyncset.done $0x0  }
0x1e1: {  	[sflag:s12] =	ssyncadd.s32 $0xFFFFD800  }
0x1e2: {  	_ =	swait.ge [sflag:s18], $0x50  }
0x1e3: {  	[sflag:s18] =	ssyncset.done $0x0  }
0x1e4: {  	[sflag:s18] =	ssyncadd.s32 $0xFFFFFFB0  }
0x1e5: {  	[spmem:s1] =	stream.indirect.scatter.add.f32 [tilespmem:s2], [sflag:$0x8], $0x80, s0, s29, $0xb8;
	[tilespmem:$0x1E100] =	vst v63  }
0x1e6: {  	_ =	swait.ge [sflag:s6], $0x2800  }
0x1e7: {  	[sflag:s6] =	ssyncset.done $0x0  }
0x1e8: {  	s25 =	rddreg [dreg:$0x8];
	[sflag:s6] =	ssyncadd.s32 $0xFFFFD800  }
0x1e9: {  	[tilespmem:s0], [sflag:$0x5] =	stream.linear.gather [hbm4b:s25+s3], $0x50, $0x38;
	[tilespmem:$0x1E100] =	vst v63  }
0x1ea: {  	s17 =	simm.s32 $0x26C0  }
0x1eb: {  	[tilespmem:s2], [sflag:$0x2] =	stream.indirect.gather [hbm4b:s4+s29], $0x80, s17, s29, $0xb8;
	[tilespmem:$0x1E100] =	vst v63  }
0x1ec: {  	_ =	swait.ge [sflag:s7], $0x2800  }
0x1ed: {  	[sflag:s7] =	ssyncset.done $0x0  }
0x1ee: {  	[sflag:s7] =	ssyncadd.s32 $0xFFFFD800  }
0x1ef: {  	_ =	swait.ge [sflag:s8], $0x50  }
0x1f0: {  	[sflag:s8] =	ssyncset.done $0x0  }
0x1f1: {  	[sflag:s8] =	ssyncadd.s32 $0xFFFFFFB0  }
0x1f2: {  	[spmem:s1] =	stream.indirect.scatter.add.f32 [tilespmem:s23], [sflag:$0x9], $0x80, s14, s29, $0xb8;
	[tilespmem:$0x1E100] =	vst v63  }
0x1f3: {  	_ =	swait.ge [sflag:s16], $0x2800  }
0x1f4: {  	[sflag:s16] =	ssyncset.done $0x0  }
0x1f5: {  	[sflag:s16] =	ssyncadd.s32 $0xFFFFD800  }
0x1f6: {  	_ =	swait.ge [sflag:s19], $0x50  }
0x1f7: {  	[sflag:s19] =	ssyncset.done $0x0  }
0x1f8: {  	[sflag:s19] =	ssyncadd.s32 $0xFFFFFFB0  }
0x1f9: {  	[spmem:s1] =	stream.indirect.scatter.add.f32 [tilespmem:s31], [sflag:$0x7], $0x80, s26, s29, $0xb8;
	[tilespmem:$0x1E100] =	vst v63  }
0x1fa: {  	_ =	swait.ge [sflag:s12], $0x2800  }
0x1fb: {  	[sflag:s12] =	ssyncset.done $0x0  }
0x1fc: {  	[sflag:s12] =	ssyncadd.s32 $0xFFFFD800  }
0x1fd: {  	_ =	swait.ge [sflag:s18], $0x50  }
0x1fe: {  	[sflag:s18] =	ssyncset.done $0x0  }
0x1ff: {  	[sflag:s18] =	ssyncadd.s32 $0xFFFFFFB0  }
0x200: {  	[spmem:s1] =	stream.indirect.scatter.add.f32 [tilespmem:s2], [sflag:$0x8], $0x80, s0, s29, $0xb8;
	[tilespmem:$0x1E100] =	vst v63  }
0x201: {  	_ =	swait.ge [sflag:s20], $0x2800  }
0x202: {  	[sflag:s20] =	ssyncset.done $0x0  }
0x203: {  	[sflag:s20] =	ssyncadd.s32 $0xFFFFD800  }
0x204: {  	_ =	swait.ge [sflag:s6], $0x2800  }
0x205: {  	[sflag:s6] =	ssyncset.done $0x0  }
0x206: {  	[sflag:s6] =	ssyncadd.s32 $0xFFFFD800  }
0x207: {  	_ =	swait.ge [sflag:s9], $0x2800  }
0x208: {  	[sflag:s9] =	ssyncset.done $0x0  }
0x209: {  	[sflag:s9] =	ssyncadd.s32 $0xFFFFD800  }
0x20a: {  	[bflag:$0x0] =	sbarrier.arrive $0xFFFF  }
0x20b: {  	[tilespmem:s31], [sflag:$0xC] =	stream.linear.gather [spmem:s11], $0x2800, $0x38;
	[tilespmem:$0x1E100] =	vst v63  }
0x20c: {  	_ =	swait.ge [sflag:s24], $0x2800  }
0x20d: {  	[sflag:s24] =	ssyncset.done $0x0  }
0x20e: {  	s22 =	rddreg [dreg:$0xf];
	[sflag:s24] =	ssyncadd.s32 $0xFFFFD800  }
0x20f: {  	[hbm4b:s22+s3] =	stream.linear.scatter [tilespmem:s31], [sflag:$0xA], $0x2800, $0x38;
	[tilespmem:$0x1E100] =	vst v63  }
0x210: {  	s22 =	rddreg [dreg:$0xa]  }
0x211: {  	[tilespmem:s2], [sflag:$0xC] =	stream.linear.gather [spmem:s22], $0x2800, $0x38;
	[tilespmem:$0x1E100] =	vst v63  }
0x212: {  	_ =	swait.ge [sflag:s24], $0x2800  }
0x213: {  	[sflag:s24] =	ssyncset.done $0x0  }
0x214: {  	s25 =	rddreg [dreg:$0x10];
	[sflag:s24] =	ssyncadd.s32 $0xFFFFD800  }
0x215: {  	[hbm4b:s25+s3] =	stream.linear.scatter [tilespmem:s2], [sflag:$0xB], $0x2800, $0x38;
	[tilespmem:$0x1E100] =	vst v63  }
0x216: {  	_ =	swait.ge [sflag:s10], $0x2800  }
0x217: {  	[sflag:s10] =	ssyncset.done $0x0  }
0x218: {  	s25 =	rddreg [dreg:$0xc];
	[sflag:s10] =	ssyncadd.s32 $0xFFFFD800  }
0x219: {  	[tilespmem:s31], [sflag:$0xC] =	stream.linear.gather [spmem:s25], $0x2800, $0x38;
	[tilespmem:$0x1E100] =	vst v63  }
0x21a: {  	_ =	swait.ge [sflag:s24], $0x2800  }
0x21b: {  	[sflag:s24] =	ssyncset.done $0x0  }
0x21c: {  	s17 =	rddreg [dreg:$0x1a];
	[sflag:s24] =	ssyncadd.s32 $0xFFFFD800  }
0x21d: {  	[hbm4b:s17+s3] =	stream.linear.scatter [tilespmem:s31], [sflag:$0xA], $0x2800, $0x38;
	[tilespmem:$0x1E100] =	vst v63  }
0x21e: {  	_ =	swait.ge [sflag:s5], $0x2800  }
0x21f: {  	[sflag:s5] =	ssyncset.done $0x0  }
0x220: {  	s28 =	rddreg [dreg:$0xe];
	[sflag:s5] =	ssyncadd.s32 $0xFFFFD800  }
0x221: {  	[tilespmem:s2], [sflag:$0xC] =	stream.linear.gather [spmem:s28], $0x2800, $0x38;
	[tilespmem:$0x1E100] =	vst v63  }
0x222: {  	_ =	swait.ge [sflag:s24], $0x2800  }
0x223: {  	[sflag:s24] =	ssyncset.done $0x0  }
0x224: {  	s17 =	rddreg [dreg:$0x1b];
	[sflag:s24] =	ssyncadd.s32 $0xFFFFD800  }
0x225: {  	[hbm4b:s17+s3] =	stream.linear.scatter [tilespmem:s2], [sflag:$0xB], $0x2800, $0x38;
	[tilespmem:$0x1E100] =	vst v63  }
0x226: {  	_ =	swait.ge [sflag:s10], $0x2800  }
0x227: {  	[sflag:s10] =	ssyncset.done $0x0  }
0x228: {  	s17 =	rddreg [dreg:$0x12];
	[sflag:s10] =	ssyncadd.s32 $0xFFFFD800  }
0x229: {  	[tilespmem:s31], [sflag:$0xC] =	stream.linear.gather [spmem:s17], $0x2800, $0x38;
	[tilespmem:$0x1E100] =	vst v63  }
0x22a: {  	_ =	swait.ge [sflag:s24], $0x2800  }
0x22b: {  	[sflag:s24] =	ssyncset.done $0x0  }
0x22c: {  	s17 =	rddreg [dreg:$0x1c];
	[sflag:s24] =	ssyncadd.s32 $0xFFFFD800  }
0x22d: {  	[hbm4b:s17+s3] =	stream.linear.scatter [tilespmem:s31], [sflag:$0xA], $0x2800, $0x38;
	[tilespmem:$0x1E100] =	vst v63  }
0x22e: {  	_ =	swait.ge [sflag:s5], $0x2800  }
0x22f: {  	[sflag:s5] =	ssyncset.done $0x0  }
0x230: {  	s17 =	rddreg [dreg:$0x15];
	[sflag:s5] =	ssyncadd.s32 $0xFFFFD800  }
0x231: {  	[tilespmem:s2], [sflag:$0xC] =	stream.linear.gather [spmem:s17], $0x2800, $0x38;
	[tilespmem:$0x1E100] =	vst v63  }
0x232: {  	_ =	swait.ge [sflag:s24], $0x2800  }
0x233: {  	[sflag:s24] =	ssyncset.done $0x0  }
0x234: {  	s17 =	rddreg [dreg:$0x1d];
	[sflag:s24] =	ssyncadd.s32 $0xFFFFD800  }
0x235: {  	[hbm4b:s17+s3] =	stream.linear.scatter [tilespmem:s2], [sflag:$0xB], $0x2800, $0x38;
	[tilespmem:$0x1E100] =	vst v63  }
0x236: {  	_ =	swait.ge [sflag:s10], $0x2800  }
0x237: {  	[sflag:s10] =	ssyncset.done $0x0  }
0x238: {  	s17 =	rddreg [dreg:$0x17];
	[sflag:s10] =	ssyncadd.s32 $0xFFFFD800  }
0x239: {  	[tilespmem:s31], [sflag:$0xC] =	stream.linear.gather [spmem:s17], $0x2800, $0x38;
	[tilespmem:$0x1E100] =	vst v63  }
0x23a: {  	_ =	swait.ge [sflag:s24], $0x2800  }
0x23b: {  	[sflag:s24] =	ssyncset.done $0x0  }
0x23c: {  	s17 =	rddreg [dreg:$0x1e];
	[sflag:s24] =	ssyncadd.s32 $0xFFFFD800  }
0x23d: {  	[hbm4b:s17+s3] =	stream.linear.scatter [tilespmem:s31], [sflag:$0xA], $0x2800, $0x38;
	[tilespmem:$0x1E100] =	vst v63  }
0x23e: {  	_ =	swait.ge [sflag:s5], $0x2800  }
0x23f: {  	[sflag:s5] =	ssyncset.done $0x0  }
0x240: {  	[sflag:s5] =	ssyncadd.s32 $0xFFFFD800  }
0x241: {  	[tilespmem:s2], [sflag:$0xC] =	stream.linear.gather [spmem:s30], $0x2800, $0x38;
	[tilespmem:$0x1E100] =	vst v63  }
0x242: {  	_ =	swait.ge [sflag:s24], $0x2800  }
0x243: {  	[sflag:s24] =	ssyncset.done $0x0  }
0x244: {  	s17 =	rddreg [dreg:$0x1f];
	[sflag:s24] =	ssyncadd.s32 $0xFFFFD800  }
0x245: {  	[hbm4b:s17+s3] =	stream.linear.scatter [tilespmem:s2], [sflag:$0xB], $0x2800, $0x38;
	[tilespmem:$0x1E100] =	vst v63  }
0x246: {  	_ =	swait.ge [sflag:s10], $0x2800  }
0x247: {  	[sflag:s10] =	ssyncset.done $0x0  }
0x248: {  	[sflag:s10] =	ssyncadd.s32 $0xFFFFD800  }
0x249: {  	_ =	swait.ge [sflag:s5], $0x2800  }
0x24a: {  	s13 =	sadd.s32 $0x1, s13;
	s17 =	rddreg [dreg:$0x13]  }
0x24b: {  	p0 =	sne.s32 s13, s17  }
.Ltmp6:
0x24c: {  	_ = 	snop;
	(pc) =	sbr.rel @p0 .LBB2_1-.Ltmp6, $3  }
0x24d: {  	_ =	sdelay $0x1  }
0x24e: {  	[sflag:s5] =	ssyncset.done $0x0  }
0x24f: {  	[sflag:s5] =	ssyncadd.s32 $0xFFFFD800  }
0x250: {  	_ =	sfence.sel $0x180000  }
0x251: {  	[bflag:$0x0] =	sbarrier.arrive $0xFFFF  }
0x252: {  	_ =	strace $0x9000004A  }
0x253: {  	s0 =	stileid.u32;
	[bflag:$0x2] =	sbarrier.arrive $0xFFFF  }
0x254: {  	p0 =	sne.s32 s0, $0x0;
	s0 =	rddreg [dreg:$0x2]  }
0x255: {  	s0 =	sadd.s32 @!p0 $0x100000, s0  }
0x256: {  	[sflag:s0] =	ssyncadd.tile.s32 @!p0 $0x1;
	_ =	shalt  }
.Lfunc_end2:
_tile_overlayer_lowered:
.L_overlay_start_2:
0x257: {  	(tag) =	ssettag $0x2  }
0x258: {  	s0 =	rddreg [dreg:$0x0];
	s2 =	stileid.u32  }
0x259: {  	s1 =	rddreg [dreg:$0x1];
	p0 =	sne.s32 s2, $0x0  }
0x25a: {  	s3 =	rddreg [dreg:$0x2];
	[bflag:$0x3] =	sbarrier.arrive $0xFFFF;
	s2 =	simm.s32 @!p0 $0x1C0C  }
0x25b: {  	[timem:s3], [sflag:s2] =	dma.local @!p0 [hbm:s0], s1  }
0x25c: {  	s0 =	simm.s32 @!p0 $0xC  }
0x25d: {  	_ =	swait.ge @!p0 [sflag:s0], s1  }
0x25e: {  	s1 =	ssub.s32 @!p0 $0x0, s1;
	[sflag:s0] =	ssyncset.done @!p0 $0x0  }
0x25f: {  	[sflag:s0] =	ssyncadd.s32 @!p0 s1  }
0x260: {  	[bflag:$0x3] =	sbarrier.arrive $0xFFFF  }
0x261: {  	_ =	shalt  }

// kernel: kernel.7.cloned.1.call-start
scs
__scs_entry_jumppad:
0x0: {  	(pc) =	sbr.rel $0x88, $3  }
0x1: {  	(tag) =	ssettag $0x0;
	lr =	simm.s32 $0x1  }
0x2: {  	[smem:$0x3F97] =	sst lr;
	_ =	strace $0xD0000000  }
0x3: {  	_ = 	snop  }
0x4: {  	_ = 	snop  }
0x5: {  	_ = 	snop  }
0x6: {  	_ = 	snop  }
0x7: {  	_ = 	snop  }
__scs_overlays_trampoline_lowered:
0x8: {  	[smem:$0x3FA6] =	sst s0  }
0x9: {  	[smem:$0x3FA7] =	sst s1  }
0xa: {  	[smem:$0x3FA8] =	sst s2  }
0xb: {  	[smem:$0x3FA9] =	sst s3  }
0xc: {  	[smem:$0x3FAA] =	sst s4  }
0xd: {  	[smem:$0x3FAB] =	sst s5  }
0xe: {  	[smem:$0x3FAC] =	sst s6  }
0xf: {  	[smem:$0x3FAD] =	sst s7  }
0x10: {  	[smem:$0x3FAE] =	sst s8  }
0x11: {  	[smem:$0x3FAF] =	sst s9;
	s0 =	simm.s32 @!p0 $0x0  }
0x12: {  	s1 =	sld [smem:$0x3F95];
	s0 =	simm.s32 @p0 $0x1  }
0x13: {  	[smem:$0x3FB0] =	sst s0;
	s0 =	simm.s32 @!p1 $0x0  }
0x14: {  	s2 =	sld [smem:$0x3F94];
	s0 =	simm.s32 @p1 $0x1  }
0x15: {  	[smem:$0x3FB1] =	sst s0;
	s0 =	simm.s32 @!p2 $0x0  }
0x16: {  	s3 =	sld [smem:$0x3FDB];
	s0 =	simm.s32 @p2 $0x1  }
0x17: {  	s4 =	simm.s32 $0x1BF5;
	[smem:$0x3FB3] =	sst s0  }
0x18: {  	s0 =	sld [smem:$0x3F96];
	_ =	swait.ge [sflag:s4], $0x0  }
0x19: {  	s7 =	sld [smem:$0x3F97]  }
0x1a: {  	s8 =	sadd.s32 $0xFFFFE003, lr  }
0x1b: {  	s9 =	sadd.s32 $0xFFFFFEF7, lr;
	s5 =	simm.s32 $0xFFFFFFFF;
	p2 =	slt.u32 s8, $0xFFFFF086  }
0x1c: {  	p1 =	slt.u32 s9, $0xF7A;
	s5 =	simm.s32 @!p2 $0x0  }
0x1d: {  	s5 =	simm.s32 @p1 $0x1;
	p0 =	seq.s32 s7, s2  }
0x1e: {  	s7 =	smul.u32 @!p0 $0xF7A, s2;
	p2 =	seq.s32 @!p0 s5, $0x0  }
0x1f: {  	s9 =	smul.u32 $0xF7A, s1;
	s8 =	simm.s32 @!p0 $0x1BF5;
	p2 =	por !p2, p0  }
0x20: {  	[sflag:s8] =	ssyncset.s32 @!p0 $0xFFFFF086;
	s6 =	sadd.s32 @!p0 s3, s7;
	s7 =	simm.s32 @!p0 $0x108  }
0x21: {  	s3 =	sadd.s32 s3, s9;
	s6 =	sadd.s32 @!p0 $0x88, s6;
	s7 =	simm.s32 @p2 $0x1082  }
0x22: {  	[simem:s7], [sflag:s8] =	dma.local @!p0 [hbm:s6], $0xF7A  }
0x23: {  	s9 =	sor.u32 $0xD0000000, s2;
	s6 =	simm.s32 $0x108;
	_ =	swait.ge @!p0 [sflag:s8], $0x0  }
0x24: {  	s3 =	sadd.s32 $0x88, s3;
	s6 =	simm.s32 @!p1 $0x1082;
	[sflag:s4] =	ssyncset.s32 $0xFFFFF086  }
0x25: {  	[simem:s6], [sflag:s4] =	dma.local [hbm:s3], $0xF7A  }
0x26: {  	[smem:$0x3F97] =	sst s1;
	(tag) =	ssettag s2;
	_ =	strace s9  }
0x27: {  	s1 =	sld [smem:$0x3FA7]  }
0x28: {  	s2 =	sld [smem:$0x3FA8]  }
0x29: {  	s4 =	sld [smem:$0x3FAA]  }
0x2a: {  	p0 =	seq.s32 s5, $0x0;
	s5 =	sld [smem:$0x3FAB]  }
0x2b: {  	s6 =	sld [smem:$0x3FAC]  }
0x2c: {  	s7 =	sld [smem:$0x3FAD]  }
0x2d: {  	s3 =	simm.s32 $0x108;
	s8 =	sld [smem:$0x3FAE]  }
0x2e: {  	s3 =	simm.s32 @!p0 $0x1082;
	s9 =	sld [smem:$0x3FAF]  }
0x2f: {  	lr =	sadd.s32 s0, s3;
	s0 =	sld [smem:$0x3FA6]  }
0x30: {  	s3 =	sld [smem:$0x3FA9]  }
0x31: {  	[smem:$0x3FB2] =	sst s10  }
0x32: {  	s10 =	sld [smem:$0x3FB0];
	_ =	sdelay $0x3  }
0x33: {  	p0 =	seq.s32 s10, $0x1;
	s10 =	sld [smem:$0x3FB2];
	_ =	sdelay $0x3  }
0x34: {  	[smem:$0x3FB2] =	sst s10  }
0x35: {  	s10 =	sld [smem:$0x3FB1];
	_ =	sdelay $0x3  }
0x36: {  	p1 =	seq.s32 s10, $0x1;
	s10 =	sld [smem:$0x3FB2];
	_ =	sdelay $0x3  }
0x37: {  	[smem:$0x3FB2] =	sst s10  }
0x38: {  	s10 =	sld [smem:$0x3FB3]  }
0x39: {  	_ = 	snop;
	(pc) =	sbr.ind lr, $3  }
0x3a: {  	_ = 	snop  }
0x3b: {  	_ = 	snop  }
0x3c: {  	p2 =	seq.s32 s10, $0x1;
	s10 =	sld [smem:$0x3FB2]  }
0x3d: {  	_ =	shalt  }
0x3e: {  	_ =	shalt  }
0x3f: {  	_ =	shalt  }
0x40: {  	_ =	shalt  }
0x41: {  	_ =	shalt  }
0x42: {  	_ =	shalt  }
0x43: {  	_ =	shalt  }
0x44: {  	_ =	shalt  }
0x45: {  	_ =	shalt  }
0x46: {  	_ =	shalt  }
0x47: {  	_ =	shalt  }
0x48: {  	_ =	shalt  }
0x49: {  	_ =	shalt  }
0x4a: {  	_ =	shalt  }
0x4b: {  	_ =	shalt  }
0x4c: {  	_ =	shalt  }
0x4d: {  	_ =	shalt  }
0x4e: {  	_ =	shalt  }
0x4f: {  	_ =	shalt  }
0x50: {  	_ =	shalt  }
0x51: {  	_ =	shalt  }
0x52: {  	_ =	shalt  }
0x53: {  	_ =	shalt  }
0x54: {  	_ =	shalt  }
0x55: {  	_ =	shalt  }
0x56: {  	_ =	shalt  }
0x57: {  	_ =	shalt  }
0x58: {  	_ =	shalt  }
0x59: {  	_ =	shalt  }
0x5a: {  	_ =	shalt  }
0x5b: {  	_ =	shalt  }
0x5c: {  	_ =	shalt  }
0x5d: {  	_ =	shalt  }
0x5e: {  	_ =	shalt  }
0x5f: {  	_ =	shalt  }
0x60: {  	_ =	shalt  }
0x61: {  	_ =	shalt  }
0x62: {  	_ =	shalt  }
0x63: {  	_ =	shalt  }
0x64: {  	_ =	shalt  }
0x65: {  	_ =	shalt  }
0x66: {  	_ =	shalt  }
0x67: {  	_ =	shalt  }
0x68: {  	_ =	shalt  }
0x69: {  	_ =	shalt  }
0x6a: {  	_ =	shalt  }
0x6b: {  	_ =	shalt  }
0x6c: {  	_ =	shalt  }
0x6d: {  	_ =	shalt  }
0x6e: {  	_ =	shalt  }
0x6f: {  	_ =	shalt  }
0x70: {  	_ =	shalt  }
0x71: {  	_ =	shalt  }
0x72: {  	_ =	shalt  }
0x73: {  	_ =	shalt  }
0x74: {  	_ =	shalt  }
0x75: {  	_ =	shalt  }
0x76: {  	_ =	shalt  }
0x77: {  	_ =	shalt  }
0x78: {  	_ =	shalt  }
0x79: {  	_ =	shalt  }
0x7a: {  	_ =	shalt  }
0x7b: {  	_ =	shalt  }
0x7c: {  	_ =	shalt  }
0x7d: {  	_ =	shalt  }
0x7e: {  	_ =	shalt  }
0x7f: {  	_ =	shalt  }
0x80: {  	_ =	shalt  }
0x81: {  	_ =	shalt  }
0x82: {  	_ =	shalt  }
0x83: {  	_ =	shalt  }
0x84: {  	_ =	shalt  }
0x85: {  	_ =	shalt  }
0x86: {  	_ =	shalt  }
0x87: {  	_ =	shalt  }
.Lfunc_end0:
.L_simem_size_0:
called_computation_lowered:
.L_overlay_start_0:
0x88: {  	s2 =	sld [smem:$0x3FD9]  }
0x89: {  	s3 =	sld [smem:$0x3FFE];
	_ =	sdelay $0x1  }
0x8a: {  	s1 =	srdreg.scid  }
0x8b: {  	s0 =	sand.u32 $0x1, s1  }
0x8c: {  	s16 =	sshll.u32 s0, $0xA;
	s2 =	sadd.s32 s3, s2  }
0x8d: {  	s2 =	sadd.s32 s2, s16  }
0x8e: {  	[smem:$0x3FBE] =	sst s2  }
0x8f: {  	_ = 	snop  }
0x90: {  	(tm) =	ssettm $0x1  }
0x91: {  	s17 =	sld [smem:$0x3FFB];
	_ =	sdelay $0x3  }
0x92: {  	_ =	strace s17  }
0x93: {  	s2 =	sld [smem:$0x3FFC];
	_ =	sdelay $0x3  }
0x94: {  	_ =	strace s2  }
0x95: {  	s2 =	sld [smem:$0x3FFD];
	_ =	sdelay $0x3  }
0x96: {  	_ =	strace s2  }
0x97: {  	_ =	strace $0x8FFFFFFF  }
0x98: {  	s18 =	sld [smem:$0x3FDB];
	_ =	sdelay $0x1  }
0x99: {  	s19 =	simm.s32 $_scs_section_size  }
0x9a: {  	s4 =	simm.s32 $_size__tile_overlayer_lowered;
	s5 =	simm.s32 $_tile_overlayer_lowered  }
0x9b: {  	s22 =	simm.s32 $0x1BFF;
	s21 =	sshll.u32 s5, $0x1;
	s2 =	sadd.s32 s19, s18  }
0x9c: {  	s6 =	simm.s32 $0x0;
	s20 =	sshll.u32 s4, $0x1;
	s4 =	sadd.s32 s21, s2  }
0x9d: {  	[timem:s6], [sflag:s22] =	dma.local [hbm:s4], s20  }
0x9e: {  	_ =	swait.ge [sflag:s22], s20  }
0x9f: {  	s3 =	ssub.s32 $0x0, s20;
	[sflag:s22] =	ssyncset.done $0x0  }
0xa0: {  	[sflag:s22] =	ssyncadd.s32 s3;
	_ =	sdelay $0x1  }
0xa1: {  	s23 =	simm.s32 $0x1B8B  }
0xa2: {  	_ =	swait.ge [sflag:s23], $0x1  }
0xa3: {  	[sflag:s23] =	ssyncset.done $0x0  }
0xa4: {  	s25 =	simm.s32 $0x1B8E;
	s24 =	sld [smem:$0x3FFE];
	[sflag:s23] =	ssyncadd.s32 $0xFFFFFFFF  }
0xa5: {  	s26 =	simm.s32 $execute0_lowered;
	[smem:$0x3FD2] =	sst s25  }
0xa6: {  	s4 =	sshll.u32 s26, $0x1;
	_ =	strace $0x80000046;
	[dreg:$0x1] =	wrdreg $0xFFFFFFFF  }
0xa7: {  	s28 =	simm.s32 $_size_execute0_lowered;
	s2 =	sadd.s32 s2, s4;
	[dreg:$0x0] =	wrdreg $0x0  }
0xa8: {  	s4 =	sshll.u32 s28, $0x1;
	[dreg:$0x2] =	wrdreg s2  }
0xa9: {  	[dreg:$0x3] =	wrdreg s4  }
0xaa: {  	[dreg:$0x4] =	wrdreg $0xC0  }
0xab: {  	_ =	task [dreg:s6], $0x5FFFF  }
0xac: {  	[dreg:$0x1] =	wrdreg $0xFFFFFFFF  }
0xad: {  	[dreg:$0x0] =	wrdreg $0x60  }
0xae: {  	[dreg:$0x2] =	wrdreg s24  }
0xaf: {  	[dreg:$0x3] =	wrdreg $0xA1000  }
0xb0: {  	[dreg:$0x4] =	wrdreg $0x9  }
0xb1: {  	_ =	task.clear_ibuf [dreg:s6], $0x5FFFF;
	_ =	strace $0x90000046  }
0xb2: {  	s29 =	simm.s32 $0x9;
	_ =	strace $0x80000048  }
0xb3: {  	_ =	swait.ge [sflag:s29], $0x1  }
0xb4: {  	[sflag:s29] =	ssyncadd.s32 $0xFFFFFFFF  }
0xb5: {  	_ =	strace $0x90000048  }
0xb6: {  	_ =	sfence  }
0xb7: {  	s30 =	sld [smem:$0x0];
	_ =	sdelay $0x2  }
0xb8: {  	s31 =	sshll.u32 s1, $0xD;
	s1 =	sshrl.u32 s1, $0x2  }
0xb9: {  	s3 =	sand.u32 $0x4000, s31;
	s1 =	sadd.s32 s1, s30  }
0xba: {  	s0 =	sor.u32 s3, s0;
	s1 =	sshll.u32 s1, $0x11  }
0xbb: {  	s0 =	sor.u32 s1, s0  }
0xbc: {  	s0 =	sadd.s32 $0x8F2B, s0  }
0xbd: {  	[sflag:s0] =	ssyncadd.remote.s32 $0x1  }
0xbe: {  	_ =	sfence.sel $0xFFFF  }
0xbf: {  	[dreg:$0x0] =	wrdreg $0xFFFFFFFF;
	(pc) =	sbr.abs _section_cstart, $3  }
0xc0: {  	[dreg:$0x1] =	wrdreg $0xFFFFFFFF  }
0xc1: {  	_ =	task.clear_ibuf [dreg:s6], $0x2FFFF;
	_ =	strace $0x9FFFFFFF  }
0xc2: {  	(tm) =	ssettm $0x7FFFFFFF  }
0xc3: {  	_ =	shalt  }
tec
execute0_lowered:
.L_overlay_start_1:
0x0: {  	(tag) =	ssettag $0x1  }
0x1: {  	s0 =	rddreg [dreg:$0x0]  }
0x2: {  	s1 =	rddreg [dreg:$0x1];
	s3 =	simm.s32 $0x0;
	s2 =	srdreg.scid  }
0x3: {  	s13 =	stileid.u32;
	[smem:$0x7FF] =	sst s3  }
0x4: {  	s4 =	sadd.s32 $0xB600, s0;
	s2 =	sand.u32 $0x1, s2;
	s5 =	smul.u32 $0x2710, s13  }
0x5: {  	s6 =	sadd.s32 $0x1800, s0;
	s7 =	sadd.s32 $0xA7A00, s0;
	s10 =	smul.u32 $0x280, s13  }
0x6: {  	s19 =	smul.u32 $0x50000, s13;
	s0 =	sadd.s32 $0xA7F00, s0;
	s11 =	sshrl.u32 s5, $0x3  }
0x7: {  	s23 =	smul.u32 $0x4E2, s13;
	_ =	strace $0x80000047;
	s12 =	sadd.s32 s6, s11  }
0x8: {  	s8 =	ssub.s32 $0x2, s2;
	s15 =	sadd.s32 $0x4E20, s12;
	[dreg:$0x3] =	wrdreg s12  }
0x9: {  	s17 =	smul.u32 $0x5000, s2;
	s16 =	sadd.s32 $0xA, s12;
	[dreg:$0x4] =	wrdreg s15  }
0xa: {  	s9 =	sshrl.u32 s8, $0x1;
	s11 =	sadd.s32 $0x14, s12;
	[dreg:$0x5] =	wrdreg s16  }
0xb: {  	s8 =	ssub.s32 s8, s9;
	s18 =	sadd.s32 $0x4CE, s12;
	[dreg:$0x6] =	wrdreg s11  }
0xc: {  	s9 =	sadd.s32 s10, s17;
	s12 =	sadd.s32 $0x4D8, s12;
	[dreg:$0x7] =	wrdreg s18  }
0xd: {  	s9 =	sshll.u32 s9, $0x4;
	s8 =	smax.u32 s8, $0x1;
	[dreg:$0x8] =	wrdreg s12  }
0xe: {  	s14 =	sadd.s32 s7, s9;
	s9 =	sadd.s32 s9, s0;
	[dreg:$0x13] =	wrdreg s8  }
0xf: {  	s29 =	simm.s32 $0x50;
	s5 =	smul.u32 $0x4E20, s2;
	[dreg:$0xb] =	wrdreg s9  }
0x10: {  	s2 =	sshllo.u32 s2, $0x1;
	s24 =	sadd.s32 $0xA00, s14;
	[dreg:$0x9] =	wrdreg s14  }
0x11: {  	s20 =	smul.u32 $0x2800, s2;
	s26 =	sadd.s32 $0xF00, s14;
	[dreg:$0xd] =	wrdreg s24  }
0x12: {  	s11 =	sshrl.u32 s19, $0x2;
	s13 =	sadd.s32 $0x1900, s14;
	[dreg:$0x11] =	wrdreg s26  }
0x13: {  	s21 =	sadd.s32 s10, s20;
	s16 =	sadd.s32 $0x1E00, s14;
	[dreg:$0x16] =	wrdreg s13  }
0x14: {  	s9 =	sshll.u32 s21, $0x4;
	s17 =	sadd.s32 $0x2300, s14;
	[dreg:$0x18] =	wrdreg s16  }
0x15: {  	s11 =	sadd.s32 s11, s1;
	s0 =	sadd.s32 s9, s0;
	[dreg:$0x19] =	wrdreg s17  }
0x16: {  	s21 =	sadd.s32 s23, s6;
	s6 =	sadd.s32 $0xA000, s11;
	[dreg:$0x10] =	wrdreg s0  }
0x17: {  	s7 =	sadd.s32 s7, s9;
	s9 =	sadd.s32 $0x1400, s14;
	[dreg:$0x12] =	wrdreg s6  }
0x18: {  	s31 =	simm.s32 $0x2900;
	s12 =	sadd.s32 $0xC800, s11;
	[dreg:$0x14] =	wrdreg s9  }
0x19: {  	v0 =	vmov s5;
	s5 =	simm.s32 $0xB;
	s15 =	sadd.s32 $0xF000, s11;
	[dreg:$0x15] =	wrdreg s12  }
0x1a: {  	s10 =	smul.u32 $0x2710, s2;
	s2 =	simm.s32 $0x5100;
	[dreg:$0x17] =	wrdreg s15  }
0x1b: {  	s8 =	simm.s32 $0x6;
	s22 =	sadd.s32 $0x2800, s11;
	[dreg:$0xf] =	wrdreg s7  }
0x1c: {  	s25 =	sadd.s32 $0x5000, s11;
	s28 =	sadd.s32 $0x7800, s11;
	[dreg:$0xa] =	wrdreg s22  }
0x1d: {  	s30 =	sadd.s32 $0x11800, s11;
	s14 =	simm.s32 $0x2880;
	[dreg:$0xc] =	wrdreg s25  }
0x1e: {  	s16 =	simm.s32 $0x1;
	s18 =	sadd.s32 $0xA00, s7;
	[dreg:$0xe] =	wrdreg s28  }
0x1f: {  	v1 =	vmov s10;
	s10 =	simm.s32 $0xA;
	s19 =	sadd.s32 $0xF00, s7;
	[dreg:$0x1a] =	wrdreg s18  }
0x20: {  	s13 =	simm.s32 $0x0;
	s20 =	sadd.s32 $0x1400, s7;
	[dreg:$0x1b] =	wrdreg s19  }
0x21: {  	s23 =	sadd.s32 $0x1900, s7;
	s24 =	sadd.s32 $0x1E00, s7;
	[dreg:$0x1c] =	wrdreg s20  }
0x22: {  	s26 =	sadd.s32 $0x2300, s7;
	s0 =	simm.s32 $0x2800;
	[dreg:$0x1d] =	wrdreg s23  }
0x23: {  	s12 =	simm.s32 $0x2;
	s6 =	simm.s32 $0x8;
	[dreg:$0x1e] =	wrdreg s24  }
0x24: {  	s7 =	simm.s32 $0x3;
	s9 =	simm.s32 $0x9;
	[dreg:$0x1f] =	wrdreg s26  }
0x25: {  	s23 =	simm.s32 $0x7900;
	s24 =	simm.s32 $0xC;
	s26 =	simm.s32 $0x2780  }
0x26: {  	v2 =	vimm.f32 $0.0e+00;
	s19 =	simm.s32 $0x4;
	s20 =	simm.s32 $0x7;
	s18 =	simm.s32 $0x5  }
.LBB2_1:
0x27: {  	s15 =	simm.s32 $0x0;
	s17 =	simm.s32 $0x200  }
.LBB2_2:
0x28: {  	p0 =	sne.s32 s17, $0x9E00;
	[tilespmem:s15+$0x7970] =	vst v2  }
0x29: {  	[tilespmem:s15+$0x7900] =	vst v2  }
0x2a: {  	[tilespmem:s15+$0x7910] =	vst v2  }
.Ltmp0:
0x2b: {  	[tilespmem:s15+$0x7920] =	vst v2;
	(pc) =	sbr.rel @p0 .LBB2_2-.Ltmp0, $4  }
0x2c: {  	[tilespmem:s15+$0x7930] =	vst v2  }
0x2d: {  	[tilespmem:s15+$0x7940] =	vst v2  }
0x2e: {  	[tilespmem:s15+$0x7950] =	vst v2  }
0x2f: {  	[tilespmem:s15+$0x7960] =	vst v2;
	s15 =	sshra.s32 s17, $0x2;
	s17 =	sadd.s32 $0x200, s17  }
0x30: {  	[tilespmem:s15+$0x7970] =	vst v2  }
0x31: {  	[tilespmem:s15+$0x7900] =	vst v2  }
0x32: {  	[tilespmem:s15+$0x7910] =	vst v2  }
0x33: {  	[tilespmem:s15+$0x7920] =	vst v2  }
0x34: {  	[tilespmem:s15+$0x7930] =	vst v2  }
0x35: {  	[tilespmem:s15+$0x7940] =	vst v2  }
0x36: {  	[tilespmem:s15+$0x7950] =	vst v2  }
0x37: {  	[tilespmem:s15+$0x7960] =	vst v2  }
0x38: {  	[spmem:s11] =	stream.linear.scatter [tilespmem:s23], [sflag:$0xC], $0x2800, $0x38;
	[tilespmem:$0x1E100] =	vst v63  }
0x39: {  	_ =	swait.ge [sflag:s24], $0x2800  }
0x3a: {  	[sflag:s24] =	ssyncset.done $0x0  }
0x3b: {  	[sflag:s24] =	ssyncadd.s32 $0xFFFFD800  }
0x3c: {  	[spmem:s22] =	stream.linear.scatter [tilespmem:s23], [sflag:$0xC], $0x2800, $0x38;
	[tilespmem:$0x1E100] =	vst v63  }
0x3d: {  	_ =	swait.ge [sflag:s24], $0x2800  }
0x3e: {  	[sflag:s24] =	ssyncset.done $0x0  }
0x3f: {  	[sflag:s24] =	ssyncadd.s32 $0xFFFFD800  }
0x40: {  	[spmem:s25] =	stream.linear.scatter [tilespmem:s23], [sflag:$0xC], $0x2800, $0x38;
	[tilespmem:$0x1E100] =	vst v63  }
0x41: {  	_ =	swait.ge [sflag:s24], $0x2800  }
0x42: {  	[sflag:s24] =	ssyncset.done $0x0  }
0x43: {  	[sflag:s24] =	ssyncadd.s32 $0xFFFFD800  }
0x44: {  	[spmem:s28] =	stream.linear.scatter [tilespmem:s23], [sflag:$0xC], $0x2800, $0x38;
	[tilespmem:$0x1E100] =	vst v63  }
0x45: {  	_ =	swait.ge [sflag:s24], $0x2800  }
0x46: {  	[sflag:s24] =	ssyncset.done $0x0  }
0x47: {  	s17 =	rddreg [dreg:$0x12];
	[sflag:s24] =	ssyncadd.s32 $0xFFFFD800  }
0x48: {  	[spmem:s17] =	stream.linear.scatter [tilespmem:s23], [sflag:$0xC], $0x2800, $0x38;
	[tilespmem:$0x1E100] =	vst v63  }
0x49: {  	_ =	swait.ge [sflag:s24], $0x2800  }
0x4a: {  	[sflag:s24] =	ssyncset.done $0x0  }
0x4b: {  	s22 =	rddreg [dreg:$0x15];
	[sflag:s24] =	ssyncadd.s32 $0xFFFFD800  }
0x4c: {  	[spmem:s22] =	stream.linear.scatter [tilespmem:s23], [sflag:$0xC], $0x2800, $0x38;
	[tilespmem:$0x1E100] =	vst v63  }
0x4d: {  	_ =	swait.ge [sflag:s24], $0x2800  }
0x4e: {  	[sflag:s24] =	ssyncset.done $0x0  }
0x4f: {  	s25 =	rddreg [dreg:$0x17];
	[sflag:s24] =	ssyncadd.s32 $0xFFFFD800  }
0x50: {  	[spmem:s25] =	stream.linear.scatter [tilespmem:s23], [sflag:$0xC], $0x2800, $0x38;
	[tilespmem:$0x1E100] =	vst v63  }
0x51: {  	_ =	swait.ge [sflag:s24], $0x2800  }
0x52: {  	[sflag:s24] =	ssyncset.done $0x0  }
0x53: {  	[sflag:s24] =	ssyncadd.s32 $0xFFFFD800  }
0x54: {  	[spmem:s30] =	stream.linear.scatter [tilespmem:s23], [sflag:$0xC], $0x2800, $0x38;
	[tilespmem:$0x1E100] =	vst v63  }
0x55: {  	_ =	swait.ge [sflag:s24], $0x2800  }
0x56: {  	[sflag:s24] =	ssyncset.done $0x0  }
0x57: {  	s28 =	simm.s32 $0x0;
	s17 =	rddreg [dreg:$0x4];
	[sflag:s24] =	ssyncadd.s32 $0xFFFFD800  }
0x58: {  	[tilespmem:s28], [sflag:$0xC] =	stream.linear.gather [hbm4b:s17+s28], $0x2710, $0x38;
	[tilespmem:$0x1E100] =	vst v63  }
0x59: {  	_ =	swait.ge [sflag:s24], $0x2710  }
0x5a: {  	[sflag:s24] =	ssyncset.done $0x0  }
0x5b: {  	s15 =	simm.s32 $0x0;
	s17 =	simm.s32 $0x40;
	[sflag:s24] =	ssyncadd.s32 $0xFFFFD8F0  }
.LBB2_4:
0x5c: {  	p0 =	sne.s32 s17, $0x9C00;
	v3 =	vld [tilespmem:s15+$0x0];
	_ =	sdelay $0x1  }
.Ltmp1:
0x5d: {  	(pc) =	sbr.rel @p0 .LBB2_4-.Ltmp1, $3  }
0x5e: {  	_ =	sdelay $0x1  }
0x5f: {  	v3 =	vadd.s32 v0, v3  }
0x60: {  	[tilespmem:s15+$0x0] =	vst v3;
	s15 =	sshra.s32 s17, $0x2;
	s17 =	sadd.s32 $0x40, s17  }
0x61: {  	v3 =	vld [tilespmem:s15+$0x0];
	_ =	sdelay $0x4  }
0x62: {  	v3 =	vadd.s32 v0, v3  }
0x63: {  	[tilespmem:s15+$0x0] =	vst v3  }
0x64: {  	[bflag:$0x0] =	sbarrier.arrive $0xFFFF  }
0x65: {  	s25 =	simm.s32 $0x0;
	s17 =	rddreg [dreg:$0x3]  }
0x66: {  	[tilespmem:s26], [sflag:$0x4] =	stream.linear.gather [hbm4b:s17+s25], $0x50, $0x38;
	[tilespmem:$0x1E100] =	vst v63  }
0x67: {  	_ = 	snop  }
0x68: {  	[tilespmem:s31], [sflag:$0x1] =	stream.indirect.gather [hbm4b:s4+s29], $0x80, s25, s29, $0xb8;
	[tilespmem:$0x1E100] =	vst v63  }
0x69: {  	s28 =	rddreg [dreg:$0x5]  }
0x6a: {  	[tilespmem:s0], [sflag:$0x5] =	stream.linear.gather [hbm4b:s28+s25], $0x50, $0x38;
	[tilespmem:$0x1E100] =	vst v63  }
0x6b: {  	_ = 	snop  }
0x6c: {  	[tilespmem:s2], [sflag:$0x2] =	stream.indirect.gather [hbm4b:s4+s29], $0x80, s29, s29, $0xb8;
	[tilespmem:$0x1E100] =	vst v63  }
0x6d: {  	s22 =	rddreg [dreg:$0x6]  }
0x6e: {  	[tilespmem:s14], [sflag:$0x6] =	stream.linear.gather [hbm4b:s22+s25], $0x50, $0x38;
	[tilespmem:$0x1E100] =	vst v63  }
0x6f: {  	s25 =	simm.s32 $0xA0  }
0x70: {  	[tilespmem:s23], [sflag:$0x3] =	stream.indirect.gather [hbm4b:s4+s29], $0x80, s25, s29, $0xb8;
	[tilespmem:$0x1E100] =	vst v63  }
0x71: {  	_ =	swait.ge [sflag:s16], $0x2800  }
0x72: {  	[sflag:s16] =	ssyncset.done $0x0  }
0x73: {  	[sflag:s16] =	ssyncadd.s32 $0xFFFFD800  }
0x74: {  	_ =	swait.ge [sflag:s19], $0x50  }
0x75: {  	[sflag:s19] =	ssyncset.done $0x0  }
0x76: {  	[sflag:s19] =	ssyncadd.s32 $0xFFFFFFB0  }
0x77: {  	[spmem:s1] =	stream.indirect.scatter.add.f32 [tilespmem:s31], [sflag:$0x7], $0x80, s26, s29, $0xb8;
	[tilespmem:$0x1E100] =	vst v63  }
0x78: {  	_ =	swait.ge [sflag:s20], $0x2800  }
0x79: {  	s15 =	sadd.s32 $0x0, s21;
	[sflag:s20] =	ssyncset.done $0x0  }
0x7a: {  	s28 =	sadd.s32 $0x1E, s15;
	[sflag:s20] =	ssyncadd.s32 $0xFFFFD800  }
0x7b: {  	[tilespmem:s26], [sflag:$0x4] =	stream.linear.gather [hbm4b:s28+s3], $0x50, $0x38;
	[tilespmem:$0x1E100] =	vst v63  }
0x7c: {  	s22 =	simm.s32 $0xF0  }
0x7d: {  	[tilespmem:s31], [sflag:$0x1] =	stream.indirect.gather [hbm4b:s4+s29], $0x80, s22, s29, $0xb8;
	[tilespmem:$0x1E100] =	vst v63  }
0x7e: {  	_ =	swait.ge [sflag:s12], $0x2800  }
0x7f: {  	[sflag:s12] =	ssyncset.done $0x0  }
0x80: {  	[sflag:s12] =	ssyncadd.s32 $0xFFFFD800  }
0x81: {  	_ =	swait.ge [sflag:s18], $0x50  }
0x82: {  	[sflag:s18] =	ssyncset.done $0x0  }
0x83: {  	[sflag:s18] =	ssyncadd.s32 $0xFFFFFFB0  }
0x84: {  	[spmem:s1] =	stream.indirect.scatter.add.f32 [tilespmem:s2], [sflag:$0x8], $0x80, s0, s29, $0xb8;
	[tilespmem:$0x1E100] =	vst v63  }
0x85: {  	_ =	swait.ge [sflag:s6], $0x2800  }
0x86: {  	[sflag:s6] =	ssyncset.done $0x0  }
0x87: {  	s25 =	sadd.s32 $0x28, s15;
	[sflag:s6] =	ssyncadd.s32 $0xFFFFD800  }
0x88: {  	[tilespmem:s0], [sflag:$0x5] =	stream.linear.gather [hbm4b:s25+s3], $0x50, $0x38;
	[tilespmem:$0x1E100] =	vst v63  }
0x89: {  	s28 =	simm.s32 $0x140  }
0x8a: {  	[tilespmem:s2], [sflag:$0x2] =	stream.indirect.gather [hbm4b:s4+s29], $0x80, s28, s29, $0xb8;
	[tilespmem:$0x1E100] =	vst v63  }
0x8b: {  	_ =	swait.ge [sflag:s7], $0x2800  }
0x8c: {  	[sflag:s7] =	ssyncset.done $0x0  }
0x8d: {  	[sflag:s7] =	ssyncadd.s32 $0xFFFFD800  }
0x8e: {  	_ =	swait.ge [sflag:s8], $0x50  }
0x8f: {  	[sflag:s8] =	ssyncset.done $0x0  }
0x90: {  	[sflag:s8] =	ssyncadd.s32 $0xFFFFFFB0  }
0x91: {  	[spmem:s1] =	stream.indirect.scatter.add.f32 [tilespmem:s23], [sflag:$0x9], $0x80, s14, s29, $0xb8;
	[tilespmem:$0x1E100] =	vst v63  }
0x92: {  	_ =	swait.ge [sflag:s9], $0x2800  }
0x93: {  	[sflag:s9] =	ssyncset.done $0x0  }
0x94: {  	s15 =	sadd.s32 $0x32, s15;
	[sflag:s9] =	ssyncadd.s32 $0xFFFFD800  }
0x95: {  	[tilespmem:s14], [sflag:$0x6] =	stream.linear.gather [hbm4b:s15+s3], $0x50, $0x38;
	[tilespmem:$0x1E100] =	vst v63  }
0x96: {  	s17 =	simm.s32 $0x1E;
	s22 =	simm.s32 $0x280;
	s15 =	simm.s32 $0x190  }
.LBB2_6:
0x97: {  	[tilespmem:s23], [sflag:$0x3] =	stream.indirect.gather [hbm4b:s4+s29], $0x80, s15, s29, $0xb8;
	[tilespmem:$0x1E100] =	vst v63  }
0x98: {  	s25 =	smov.u32 s17;
	s15 =	smov.u32 s22  }
0x99: {  	p0 =	sne.s32 s17, $0x492;
	s17 =	sadd.s32 $0x1E, s17;
	_ =	swait.ge [sflag:s16], $0x2800  }
0x9a: {  	[sflag:s16] =	ssyncset.done $0x0  }
0x9b: {  	[sflag:s16] =	ssyncadd.s32 $0xFFFFD800  }
0x9c: {  	_ =	swait.ge [sflag:s19], $0x50  }
0x9d: {  	[sflag:s19] =	ssyncset.done $0x0  }
0x9e: {  	[sflag:s19] =	ssyncadd.s32 $0xFFFFFFB0  }
0x9f: {  	[spmem:s1] =	stream.indirect.scatter.add.f32 [tilespmem:s31], [sflag:$0x7], $0x80, s26, s29, $0xb8;
	[tilespmem:$0x1E100] =	vst v63  }
0xa0: {  	_ =	swait.ge [sflag:s20], $0x2800  }
0xa1: {  	s25 =	sadd.s32 s25, s21;
	[sflag:s20] =	ssyncset.done $0x0  }
0xa2: {  	s28 =	sadd.s32 $0x1E, s25;
	[sflag:s20] =	ssyncadd.s32 $0xFFFFD800  }
0xa3: {  	[tilespmem:s26], [sflag:$0x4] =	stream.linear.gather [hbm4b:s28+s3], $0x50, $0x38;
	[tilespmem:$0x1E100] =	vst v63  }
0xa4: {  	s28 =	sadd.s32 $0xFFFFFF60, s22  }
0xa5: {  	[tilespmem:s31], [sflag:$0x1] =	stream.indirect.gather [hbm4b:s4+s29], $0x80, s28, s29, $0xb8;
	[tilespmem:$0x1E100] =	vst v63  }
0xa6: {  	_ =	swait.ge [sflag:s12], $0x2800  }
0xa7: {  	[sflag:s12] =	ssyncset.done $0x0  }
0xa8: {  	[sflag:s12] =	ssyncadd.s32 $0xFFFFD800  }
0xa9: {  	_ =	swait.ge [sflag:s18], $0x50  }
0xaa: {  	[sflag:s18] =	ssyncset.done $0x0  }
0xab: {  	[sflag:s18] =	ssyncadd.s32 $0xFFFFFFB0  }
0xac: {  	[spmem:s1] =	stream.indirect.scatter.add.f32 [tilespmem:s2], [sflag:$0x8], $0x80, s0, s29, $0xb8;
	[tilespmem:$0x1E100] =	vst v63  }
0xad: {  	_ =	swait.ge [sflag:s6], $0x2800  }
0xae: {  	[sflag:s6] =	ssyncset.done $0x0  }
0xaf: {  	s28 =	sadd.s32 $0x28, s25;
	[sflag:s6] =	ssyncadd.s32 $0xFFFFD800  }
0xb0: {  	[tilespmem:s0], [sflag:$0x5] =	stream.linear.gather [hbm4b:s28+s3], $0x50, $0x38;
	[tilespmem:$0x1E100] =	vst v63  }
0xb1: {  	s28 =	sadd.s32 $0xFFFFFFB0, s22  }
0xb2: {  	[tilespmem:s2], [sflag:$0x2] =	stream.indirect.gather [hbm4b:s4+s29], $0x80, s28, s29, $0xb8;
	[tilespmem:$0x1E100] =	vst v63  }
0xb3: {  	_ =	swait.ge [sflag:s7], $0x2800  }
0xb4: {  	[sflag:s7] =	ssyncset.done $0x0  }
0xb5: {  	[sflag:s7] =	ssyncadd.s32 $0xFFFFD800  }
0xb6: {  	_ =	swait.ge [sflag:s8], $0x50  }
0xb7: {  	[sflag:s8] =	ssyncset.done $0x0  }
0xb8: {  	[sflag:s8] =	ssyncadd.s32 $0xFFFFFFB0  }
0xb9: {  	[spmem:s1] =	stream.indirect.scatter.add.f32 [tilespmem:s23], [sflag:$0x9], $0x80, s14, s29, $0xb8;
	[tilespmem:$0x1E100] =	vst v63  }
.Ltmp2:
0xba: {  	_ =	swait.ge [sflag:s9], $0x2800;
	(pc) =	sbr.rel @p0 .LBB2_6-.Ltmp2, $4  }
0xbb: {  	[sflag:s9] =	ssyncset.done $0x0  }
0xbc: {  	s25 =	sadd.s32 $0x32, s25;
	[sflag:s9] =	ssyncadd.s32 $0xFFFFD800  }
0xbd: {  	[tilespmem:s14], [sflag:$0x6] =	stream.linear.gather [hbm4b:s25+s3], $0x50, $0x38;
	[tilespmem:$0x1E100] =	vst v63  }
0xbe: {  	s22 =	sadd.s32 $0xF0, s22  }
0xbf: {  	[tilespmem:s23], [sflag:$0x3] =	stream.indirect.gather [hbm4b:s4+s29], $0x80, s15, s29, $0xb8;
	[tilespmem:$0x1E100] =	vst v63  }
0xc0: {  	_ =	swait.ge [sflag:s16], $0x2800  }
0xc1: {  	[sflag:s16] =	ssyncset.done $0x0  }
0xc2: {  	[sflag:s16] =	ssyncadd.s32 $0xFFFFD800  }
0xc3: {  	_ =	swait.ge [sflag:s19], $0x50  }
0xc4: {  	[sflag:s19] =	ssyncset.done $0x0  }
0xc5: {  	[sflag:s19] =	ssyncadd.s32 $0xFFFFFFB0  }
0xc6: {  	[spmem:s1] =	stream.indirect.scatter.add.f32 [tilespmem:s31], [sflag:$0x7], $0x80, s26, s29, $0xb8;
	[tilespmem:$0x1E100] =	vst v63  }
0xc7: {  	_ =	swait.ge [sflag:s20], $0x2800  }
0xc8: {  	[sflag:s20] =	ssyncset.done $0x0  }
0xc9: {  	s15 =	simm.s32 $0x0;
	s17 =	rddreg [dreg:$0x7];
	[sflag:s20] =	ssyncadd.s32 $0xFFFFD800  }
0xca: {  	[tilespmem:s26], [sflag:$0x4] =	stream.linear.gather [hbm4b:s17+s15], $0x50, $0x38;
	[tilespmem:$0x1E100] =	vst v63  }
0xcb: {  	s25 =	simm.s32 $0x2670  }
0xcc: {  	[tilespmem:s31], [sflag:$0x1] =	stream.indirect.gather [hbm4b:s4+s29], $0x80, s25, s29, $0xb8;
	[tilespmem:$0x1E100] =	vst v63  }
0xcd: {  	_ =	swait.ge [sflag:s12], $0x2800  }
0xce: {  	[sflag:s12] =	ssyncset.done $0x0  }
0xcf: {  	[sflag:s12] =	ssyncadd.s32 $0xFFFFD800  }
0xd0: {  	_ =	swait.ge [sflag:s18], $0x50  }
0xd1: {  	[sflag:s18] =	ssyncset.done $0x0  }
0xd2: {  	[sflag:s18] =	ssyncadd.s32 $0xFFFFFFB0  }
0xd3: {  	[spmem:s1] =	stream.indirect.scatter.add.f32 [tilespmem:s2], [sflag:$0x8], $0x80, s0, s29, $0xb8;
	[tilespmem:$0x1E100] =	vst v63  }
0xd4: {  	_ =	swait.ge [sflag:s6], $0x2800  }
0xd5: {  	[sflag:s6] =	ssyncset.done $0x0  }
0xd6: {  	s22 =	rddreg [dreg:$0x8];
	[sflag:s6] =	ssyncadd.s32 $0xFFFFD800  }
0xd7: {  	[tilespmem:s0], [sflag:$0x5] =	stream.linear.gather [hbm4b:s22+s15], $0x50, $0x38;
	[tilespmem:$0x1E100] =	vst v63  }
0xd8: {  	s25 =	simm.s32 $0x26C0  }
0xd9: {  	[tilespmem:s2], [sflag:$0x2] =	stream.indirect.gather [hbm4b:s4+s29], $0x80, s25, s29, $0xb8;
	[tilespmem:$0x1E100] =	vst v63  }
0xda: {  	_ =	swait.ge [sflag:s7], $0x2800  }
0xdb: {  	[sflag:s7] =	ssyncset.done $0x0  }
0xdc: {  	[sflag:s7] =	ssyncadd.s32 $0xFFFFD800  }
0xdd: {  	_ =	swait.ge [sflag:s8], $0x50  }
0xde: {  	[sflag:s8] =	ssyncset.done $0x0  }
0xdf: {  	[sflag:s8] =	ssyncadd.s32 $0xFFFFFFB0  }
0xe0: {  	[spmem:s1] =	stream.indirect.scatter.add.f32 [tilespmem:s23], [sflag:$0x9], $0x80, s14, s29, $0xb8;
	[tilespmem:$0x1E100] =	vst v63  }
0xe1: {  	_ =	swait.ge [sflag:s16], $0x2800  }
0xe2: {  	[sflag:s16] =	ssyncset.done $0x0  }
0xe3: {  	[sflag:s16] =	ssyncadd.s32 $0xFFFFD800  }
0xe4: {  	_ =	swait.ge [sflag:s19], $0x50  }
0xe5: {  	[sflag:s19] =	ssyncset.done $0x0  }
0xe6: {  	[sflag:s19] =	ssyncadd.s32 $0xFFFFFFB0  }
0xe7: {  	[spmem:s1] =	stream.indirect.scatter.add.f32 [tilespmem:s31], [sflag:$0x7], $0x80, s26, s29, $0xb8;
	[tilespmem:$0x1E100] =	vst v63  }
0xe8: {  	_ =	swait.ge [sflag:s12], $0x2800  }
0xe9: {  	[sflag:s12] =	ssyncset.done $0x0  }
0xea: {  	[sflag:s12] =	ssyncadd.s32 $0xFFFFD800  }
0xeb: {  	_ =	swait.ge [sflag:s18], $0x50  }
0xec: {  	[sflag:s18] =	ssyncset.done $0x0  }
0xed: {  	[sflag:s18] =	ssyncadd.s32 $0xFFFFFFB0  }
0xee: {  	[spmem:s1] =	stream.indirect.scatter.add.f32 [tilespmem:s2], [sflag:$0x8], $0x80, s0, s29, $0xb8;
	[tilespmem:$0x1E100] =	vst v63  }
0xef: {  	_ =	swait.ge [sflag:s20], $0x2800  }
0xf0: {  	[sflag:s20] =	ssyncset.done $0x0  }
0xf1: {  	[sflag:s20] =	ssyncadd.s32 $0xFFFFD800  }
0xf2: {  	_ =	swait.ge [sflag:s6], $0x2800  }
0xf3: {  	[sflag:s6] =	ssyncset.done $0x0  }
0xf4: {  	[sflag:s6] =	ssyncadd.s32 $0xFFFFD800  }
0xf5: {  	_ =	swait.ge [sflag:s9], $0x2800  }
0xf6: {  	[sflag:s9] =	ssyncset.done $0x0  }
0xf7: {  	[sflag:s9] =	ssyncadd.s32 $0xFFFFD800  }
0xf8: {  	[bflag:$0x0] =	sbarrier.arrive $0xFFFF  }
0xf9: {  	[tilespmem:s31], [sflag:$0xC] =	stream.linear.gather [spmem:s11], $0x2800, $0x38;
	[tilespmem:$0x1E100] =	vst v63  }
0xfa: {  	_ =	swait.ge [sflag:s24], $0x2800  }
0xfb: {  	[sflag:s24] =	ssyncset.done $0x0  }
0xfc: {  	s22 =	rddreg [dreg:$0x9];
	[sflag:s24] =	ssyncadd.s32 $0xFFFFD800  }
0xfd: {  	[hbm4b:s22+s15] =	stream.linear.scatter [tilespmem:s31], [sflag:$0xA], $0x2800, $0x38;
	[tilespmem:$0x1E100] =	vst v63  }
0xfe: {  	s22 =	rddreg [dreg:$0xa]  }
0xff: {  	[tilespmem:s2], [sflag:$0xC] =	stream.linear.gather [spmem:s22], $0x2800, $0x38;
	[tilespmem:$0x1E100] =	vst v63  }
0x100: {  	_ =	swait.ge [sflag:s24], $0x2800  }
0x101: {  	[sflag:s24] =	ssyncset.done $0x0  }
0x102: {  	s25 =	rddreg [dreg:$0xb];
	[sflag:s24] =	ssyncadd.s32 $0xFFFFD800  }
0x103: {  	[hbm4b:s25+s15] =	stream.linear.scatter [tilespmem:s2], [sflag:$0xB], $0x2800, $0x38;
	[tilespmem:$0x1E100] =	vst v63  }
0x104: {  	_ =	swait.ge [sflag:s10], $0x2800  }
0x105: {  	[sflag:s10] =	ssyncset.done $0x0  }
0x106: {  	s25 =	rddreg [dreg:$0xc];
	[sflag:s10] =	ssyncadd.s32 $0xFFFFD800  }
0x107: {  	[tilespmem:s31], [sflag:$0xC] =	stream.linear.gather [spmem:s25], $0x2800, $0x38;
	[tilespmem:$0x1E100] =	vst v63  }
0x108: {  	_ =	swait.ge [sflag:s24], $0x2800  }
0x109: {  	[sflag:s24] =	ssyncset.done $0x0  }
0x10a: {  	s17 =	rddreg [dreg:$0xd];
	[sflag:s24] =	ssyncadd.s32 $0xFFFFD800  }
0x10b: {  	[hbm4b:s17+s15] =	stream.linear.scatter [tilespmem:s31], [sflag:$0xA], $0x2800, $0x38;
	[tilespmem:$0x1E100] =	vst v63  }
0x10c: {  	_ =	swait.ge [sflag:s5], $0x2800  }
0x10d: {  	[sflag:s5] =	ssyncset.done $0x0  }
0x10e: {  	s28 =	rddreg [dreg:$0xe];
	[sflag:s5] =	ssyncadd.s32 $0xFFFFD800  }
0x10f: {  	[tilespmem:s2], [sflag:$0xC] =	stream.linear.gather [spmem:s28], $0x2800, $0x38;
	[tilespmem:$0x1E100] =	vst v63  }
0x110: {  	_ =	swait.ge [sflag:s24], $0x2800  }
0x111: {  	[sflag:s24] =	ssyncset.done $0x0  }
0x112: {  	s17 =	rddreg [dreg:$0x11];
	[sflag:s24] =	ssyncadd.s32 $0xFFFFD800  }
0x113: {  	[hbm4b:s17+s15] =	stream.linear.scatter [tilespmem:s2], [sflag:$0xB], $0x2800, $0x38;
	[tilespmem:$0x1E100] =	vst v63  }
0x114: {  	_ =	swait.ge [sflag:s10], $0x2800  }
0x115: {  	[sflag:s10] =	ssyncset.done $0x0  }
0x116: {  	s17 =	rddreg [dreg:$0x12];
	[sflag:s10] =	ssyncadd.s32 $0xFFFFD800  }
0x117: {  	[tilespmem:s31], [sflag:$0xC] =	stream.linear.gather [spmem:s17], $0x2800, $0x38;
	[tilespmem:$0x1E100] =	vst v63  }
0x118: {  	_ =	swait.ge [sflag:s24], $0x2800  }
0x119: {  	[sflag:s24] =	ssyncset.done $0x0  }
0x11a: {  	s17 =	rddreg [dreg:$0x14];
	[sflag:s24] =	ssyncadd.s32 $0xFFFFD800  }
0x11b: {  	[hbm4b:s17+s15] =	stream.linear.scatter [tilespmem:s31], [sflag:$0xA], $0x2800, $0x38;
	[tilespmem:$0x1E100] =	vst v63  }
0x11c: {  	_ =	swait.ge [sflag:s5], $0x2800  }
0x11d: {  	[sflag:s5] =	ssyncset.done $0x0  }
0x11e: {  	s17 =	rddreg [dreg:$0x15];
	[sflag:s5] =	ssyncadd.s32 $0xFFFFD800  }
0x11f: {  	[tilespmem:s2], [sflag:$0xC] =	stream.linear.gather [spmem:s17], $0x2800, $0x38;
	[tilespmem:$0x1E100] =	vst v63  }
0x120: {  	_ =	swait.ge [sflag:s24], $0x2800  }
0x121: {  	[sflag:s24] =	ssyncset.done $0x0  }
0x122: {  	s17 =	rddreg [dreg:$0x16];
	[sflag:s24] =	ssyncadd.s32 $0xFFFFD800  }
0x123: {  	[hbm4b:s17+s15] =	stream.linear.scatter [tilespmem:s2], [sflag:$0xB], $0x2800, $0x38;
	[tilespmem:$0x1E100] =	vst v63  }
0x124: {  	_ =	swait.ge [sflag:s10], $0x2800  }
0x125: {  	[sflag:s10] =	ssyncset.done $0x0  }
0x126: {  	s17 =	rddreg [dreg:$0x17];
	[sflag:s10] =	ssyncadd.s32 $0xFFFFD800  }
0x127: {  	[tilespmem:s31], [sflag:$0xC] =	stream.linear.gather [spmem:s17], $0x2800, $0x38;
	[tilespmem:$0x1E100] =	vst v63  }
0x128: {  	_ =	swait.ge [sflag:s24], $0x2800  }
0x129: {  	[sflag:s24] =	ssyncset.done $0x0  }
0x12a: {  	s17 =	rddreg [dreg:$0x18];
	[sflag:s24] =	ssyncadd.s32 $0xFFFFD800  }
0x12b: {  	[hbm4b:s17+s15] =	stream.linear.scatter [tilespmem:s31], [sflag:$0xA], $0x2800, $0x38;
	[tilespmem:$0x1E100] =	vst v63  }
0x12c: {  	_ =	swait.ge [sflag:s5], $0x2800  }
0x12d: {  	[sflag:s5] =	ssyncset.done $0x0  }
0x12e: {  	[sflag:s5] =	ssyncadd.s32 $0xFFFFD800  }
0x12f: {  	[tilespmem:s2], [sflag:$0xC] =	stream.linear.gather [spmem:s30], $0x2800, $0x38;
	[tilespmem:$0x1E100] =	vst v63  }
0x130: {  	_ =	swait.ge [sflag:s24], $0x2800  }
0x131: {  	[sflag:s24] =	ssyncset.done $0x0  }
0x132: {  	s17 =	rddreg [dreg:$0x19];
	[sflag:s24] =	ssyncadd.s32 $0xFFFFD800  }
0x133: {  	[hbm4b:s17+s15] =	stream.linear.scatter [tilespmem:s2], [sflag:$0xB], $0x2800, $0x38;
	[tilespmem:$0x1E100] =	vst v63  }
0x134: {  	_ =	swait.ge [sflag:s10], $0x2800  }
0x135: {  	[sflag:s10] =	ssyncset.done $0x0  }
0x136: {  	[sflag:s10] =	ssyncadd.s32 $0xFFFFD800  }
0x137: {  	_ =	swait.ge [sflag:s5], $0x2800  }
0x138: {  	[sflag:s5] =	ssyncset.done $0x0  }
0x139: {  	s15 =	simm.s32 $0x0;
	s17 =	simm.s32 $0x200;
	[sflag:s5] =	ssyncadd.s32 $0xFFFFD800  }
.LBB2_8:
0x13a: {  	p0 =	sne.s32 s17, $0x9E00;
	[tilespmem:s15+$0x7970] =	vst v2  }
0x13b: {  	[tilespmem:s15+$0x7900] =	vst v2  }
0x13c: {  	[tilespmem:s15+$0x7910] =	vst v2  }
.Ltmp3:
0x13d: {  	[tilespmem:s15+$0x7920] =	vst v2;
	(pc) =	sbr.rel @p0 .LBB2_8-.Ltmp3, $4  }
0x13e: {  	[tilespmem:s15+$0x7930] =	vst v2  }
0x13f: {  	[tilespmem:s15+$0x7940] =	vst v2  }
0x140: {  	[tilespmem:s15+$0x7950] =	vst v2  }
0x141: {  	[tilespmem:s15+$0x7960] =	vst v2;
	s15 =	sshra.s32 s17, $0x2;
	s17 =	sadd.s32 $0x200, s17  }
0x142: {  	[tilespmem:s15+$0x7970] =	vst v2  }
0x143: {  	[tilespmem:s15+$0x7900] =	vst v2  }
0x144: {  	[tilespmem:s15+$0x7910] =	vst v2  }
0x145: {  	[tilespmem:s15+$0x7920] =	vst v2  }
0x146: {  	[tilespmem:s15+$0x7930] =	vst v2  }
0x147: {  	[tilespmem:s15+$0x7940] =	vst v2  }
0x148: {  	[tilespmem:s15+$0x7950] =	vst v2  }
0x149: {  	[tilespmem:s15+$0x7960] =	vst v2  }
0x14a: {  	[spmem:s11] =	stream.linear.scatter [tilespmem:s23], [sflag:$0xC], $0x2800, $0x38;
	[tilespmem:$0x1E100] =	vst v63  }
0x14b: {  	_ =	swait.ge [sflag:s24], $0x2800  }
0x14c: {  	[sflag:s24] =	ssyncset.done $0x0  }
0x14d: {  	[sflag:s24] =	ssyncadd.s32 $0xFFFFD800  }
0x14e: {  	[spmem:s22] =	stream.linear.scatter [tilespmem:s23], [sflag:$0xC], $0x2800, $0x38;
	[tilespmem:$0x1E100] =	vst v63  }
0x14f: {  	_ =	swait.ge [sflag:s24], $0x2800  }
0x150: {  	[sflag:s24] =	ssyncset.done $0x0  }
0x151: {  	[sflag:s24] =	ssyncadd.s32 $0xFFFFD800  }
0x152: {  	[spmem:s25] =	stream.linear.scatter [tilespmem:s23], [sflag:$0xC], $0x2800, $0x38;
	[tilespmem:$0x1E100] =	vst v63  }
0x153: {  	_ =	swait.ge [sflag:s24], $0x2800  }
0x154: {  	[sflag:s24] =	ssyncset.done $0x0  }
0x155: {  	[sflag:s24] =	ssyncadd.s32 $0xFFFFD800  }
0x156: {  	[spmem:s28] =	stream.linear.scatter [tilespmem:s23], [sflag:$0xC], $0x2800, $0x38;
	[tilespmem:$0x1E100] =	vst v63  }
0x157: {  	_ =	swait.ge [sflag:s24], $0x2800  }
0x158: {  	[sflag:s24] =	ssyncset.done $0x0  }
0x159: {  	s17 =	rddreg [dreg:$0x12];
	[sflag:s24] =	ssyncadd.s32 $0xFFFFD800  }
0x15a: {  	[spmem:s17] =	stream.linear.scatter [tilespmem:s23], [sflag:$0xC], $0x2800, $0x38;
	[tilespmem:$0x1E100] =	vst v63  }
0x15b: {  	_ =	swait.ge [sflag:s24], $0x2800  }
0x15c: {  	[sflag:s24] =	ssyncset.done $0x0  }
0x15d: {  	s22 =	rddreg [dreg:$0x15];
	[sflag:s24] =	ssyncadd.s32 $0xFFFFD800  }
0x15e: {  	[spmem:s22] =	stream.linear.scatter [tilespmem:s23], [sflag:$0xC], $0x2800, $0x38;
	[tilespmem:$0x1E100] =	vst v63  }
0x15f: {  	_ =	swait.ge [sflag:s24], $0x2800  }
0x160: {  	[sflag:s24] =	ssyncset.done $0x0  }
0x161: {  	s25 =	rddreg [dreg:$0x17];
	[sflag:s24] =	ssyncadd.s32 $0xFFFFD800  }
0x162: {  	[spmem:s25] =	stream.linear.scatter [tilespmem:s23], [sflag:$0xC], $0x2800, $0x38;
	[tilespmem:$0x1E100] =	vst v63  }
0x163: {  	_ =	swait.ge [sflag:s24], $0x2800  }
0x164: {  	[sflag:s24] =	ssyncset.done $0x0  }
0x165: {  	[sflag:s24] =	ssyncadd.s32 $0xFFFFD800  }
0x166: {  	[spmem:s30] =	stream.linear.scatter [tilespmem:s23], [sflag:$0xC], $0x2800, $0x38;
	[tilespmem:$0x1E100] =	vst v63  }
0x167: {  	_ =	swait.ge [sflag:s24], $0x2800  }
0x168: {  	[sflag:s24] =	ssyncset.done $0x0  }
0x169: {  	s28 =	simm.s32 $0x0;
	s17 =	rddreg [dreg:$0x4];
	[sflag:s24] =	ssyncadd.s32 $0xFFFFD800  }
0x16a: {  	[tilespmem:s28], [sflag:$0xC] =	stream.linear.gather [hbm4b:s17+s28], $0x2710, $0x38;
	[tilespmem:$0x1E100] =	vst v63  }
0x16b: {  	_ =	swait.ge [sflag:s24], $0x2710  }
0x16c: {  	[sflag:s24] =	ssyncset.done $0x0  }
0x16d: {  	s15 =	simm.s32 $0x0;
	s17 =	simm.s32 $0x40;
	[sflag:s24] =	ssyncadd.s32 $0xFFFFD8F0  }
.LBB2_10:
0x16e: {  	p0 =	sne.s32 s17, $0x9C00;
	v3 =	vld [tilespmem:s15+$0x0];
	_ =	sdelay $0x1  }
.Ltmp4:
0x16f: {  	(pc) =	sbr.rel @p0 .LBB2_10-.Ltmp4, $3  }
0x170: {  	_ =	sdelay $0x1  }
0x171: {  	v3 =	vadd.s32 v1, v3  }
0x172: {  	[tilespmem:s15+$0x0] =	vst v3;
	s15 =	sshra.s32 s17, $0x2;
	s17 =	sadd.s32 $0x40, s17  }
0x173: {  	v3 =	vld [tilespmem:s15+$0x0];
	_ =	sdelay $0x4  }
0x174: {  	v3 =	vadd.s32 v1, v3  }
0x175: {  	[tilespmem:s15+$0x0] =	vst v3  }
0x176: {  	[bflag:$0x0] =	sbarrier.arrive $0xFFFF  }
0x177: {  	s25 =	simm.s32 $0x0;
	s17 =	rddreg [dreg:$0x3]  }
0x178: {  	[tilespmem:s26], [sflag:$0x4] =	stream.linear.gather [hbm4b:s17+s25], $0x50, $0x38;
	[tilespmem:$0x1E100] =	vst v63  }
0x179: {  	_ = 	snop  }
0x17a: {  	[tilespmem:s31], [sflag:$0x1] =	stream.indirect.gather [hbm4b:s4+s29], $0x80, s25, s29, $0xb8;
	[tilespmem:$0x1E100] =	vst v63  }
0x17b: {  	s28 =	rddreg [dreg:$0x5]  }
0x17c: {  	[tilespmem:s0], [sflag:$0x5] =	stream.linear.gather [hbm4b:s28+s25], $0x50, $0x38;
	[tilespmem:$0x1E100] =	vst v63  }
0x17d: {  	_ = 	snop  }
0x17e: {  	[tilespmem:s2], [sflag:$0x2] =	stream.indirect.gather [hbm4b:s4+s29], $0x80, s29, s29, $0xb8;
	[tilespmem:$0x1E100] =	vst v63  }
0x17f: {  	s22 =	rddreg [dreg:$0x6]  }
0x180: {  	[tilespmem:s14], [sflag:$0x6] =	stream.linear.gather [hbm4b:s22+s25], $0x50, $0x38;
	[tilespmem:$0x1E100] =	vst v63  }
0x181: {  	s25 =	simm.s32 $0xA0  }
0x182: {  	[tilespmem:s23], [sflag:$0x3] =	stream.indirect.gather [hbm4b:s4+s29], $0x80, s25, s29, $0xb8;
	[tilespmem:$0x1E100] =	vst v63  }
0x183: {  	_ =	swait.ge [sflag:s16], $0x2800  }
0x184: {  	[sflag:s16] =	ssyncset.done $0x0  }
0x185: {  	[sflag:s16] =	ssyncadd.s32 $0xFFFFD800  }
0x186: {  	_ =	swait.ge [sflag:s19], $0x50  }
0x187: {  	[sflag:s19] =	ssyncset.done $0x0  }
0x188: {  	[sflag:s19] =	ssyncadd.s32 $0xFFFFFFB0  }
0x189: {  	[spmem:s1] =	stream.indirect.scatter.add.f32 [tilespmem:s31], [sflag:$0x7], $0x80, s26, s29, $0xb8;
	[tilespmem:$0x1E100] =	vst v63  }
0x18a: {  	_ =	swait.ge [sflag:s20], $0x2800  }
0x18b: {  	s15 =	sadd.s32 $0x0, s21;
	[sflag:s20] =	ssyncset.done $0x0  }
0x18c: {  	s28 =	sadd.s32 $0x1E, s15;
	[sflag:s20] =	ssyncadd.s32 $0xFFFFD800  }
0x18d: {  	[tilespmem:s26], [sflag:$0x4] =	stream.linear.gather [hbm4b:s28+s3], $0x50, $0x38;
	[tilespmem:$0x1E100] =	vst v63  }
0x18e: {  	s22 =	simm.s32 $0xF0  }
0x18f: {  	[tilespmem:s31], [sflag:$0x1] =	stream.indirect.gather [hbm4b:s4+s29], $0x80, s22, s29, $0xb8;
	[tilespmem:$0x1E100] =	vst v63  }
0x190: {  	_ =	swait.ge [sflag:s12], $0x2800  }
0x191: {  	[sflag:s12] =	ssyncset.done $0x0  }
0x192: {  	[sflag:s12] =	ssyncadd.s32 $0xFFFFD800  }
0x193: {  	_ =	swait.ge [sflag:s18], $0x50  }
0x194: {  	[sflag:s18] =	ssyncset.done $0x0  }
0x195: {  	[sflag:s18] =	ssyncadd.s32 $0xFFFFFFB0  }
0x196: {  	[spmem:s1] =	stream.indirect.scatter.add.f32 [tilespmem:s2], [sflag:$0x8], $0x80, s0, s29, $0xb8;
	[tilespmem:$0x1E100] =	vst v63  }
0x197: {  	_ =	swait.ge [sflag:s6], $0x2800  }
0x198: {  	[sflag:s6] =	ssyncset.done $0x0  }
0x199: {  	s25 =	sadd.s32 $0x28, s15;
	[sflag:s6] =	ssyncadd.s32 $0xFFFFD800  }
0x19a: {  	[tilespmem:s0], [sflag:$0x5] =	stream.linear.gather [hbm4b:s25+s3], $0x50, $0x38;
	[tilespmem:$0x1E100] =	vst v63  }
0x19b: {  	s28 =	simm.s32 $0x140  }
0x19c: {  	[tilespmem:s2], [sflag:$0x2] =	stream.indirect.gather [hbm4b:s4+s29], $0x80, s28, s29, $0xb8;
	[tilespmem:$0x1E100] =	vst v63  }
0x19d: {  	_ =	swait.ge [sflag:s7], $0x2800  }
0x19e: {  	[sflag:s7] =	ssyncset.done $0x0  }
0x19f: {  	[sflag:s7] =	ssyncadd.s32 $0xFFFFD800  }
0x1a0: {  	_ =	swait.ge [sflag:s8], $0x50  }
0x1a1: {  	[sflag:s8] =	ssyncset.done $0x0  }
0x1a2: {  	[sflag:s8] =	ssyncadd.s32 $0xFFFFFFB0  }
0x1a3: {  	[spmem:s1] =	stream.indirect.scatter.add.f32 [tilespmem:s23], [sflag:$0x9], $0x80, s14, s29, $0xb8;
	[tilespmem:$0x1E100] =	vst v63  }
0x1a4: {  	_ =	swait.ge [sflag:s9], $0x2800  }
0x1a5: {  	[sflag:s9] =	ssyncset.done $0x0  }
0x1a6: {  	s15 =	sadd.s32 $0x32, s15;
	[sflag:s9] =	ssyncadd.s32 $0xFFFFD800  }
0x1a7: {  	[tilespmem:s14], [sflag:$0x6] =	stream.linear.gather [hbm4b:s15+s3], $0x50, $0x38;
	[tilespmem:$0x1E100] =	vst v63  }
0x1a8: {  	s17 =	simm.s32 $0x1E;
	s22 =	simm.s32 $0x280;
	s15 =	simm.s32 $0x190  }
.LBB2_12:
0x1a9: {  	[tilespmem:s23], [sflag:$0x3] =	stream.indirect.gather [hbm4b:s4+s29], $0x80, s15, s29, $0xb8;
	[tilespmem:$0x1E100] =	vst v63  }
0x1aa: {  	s25 =	smov.u32 s17;
	s15 =	smov.u32 s22  }
0x1ab: {  	p0 =	sne.s32 s17, $0x492;
	s17 =	sadd.s32 $0x1E, s17;
	_ =	swait.ge [sflag:s16], $0x2800  }
0x1ac: {  	[sflag:s16] =	ssyncset.done $0x0  }
0x1ad: {  	[sflag:s16] =	ssyncadd.s32 $0xFFFFD800  }
0x1ae: {  	_ =	swait.ge [sflag:s19], $0x50  }
0x1af: {  	[sflag:s19] =	ssyncset.done $0x0  }
0x1b0: {  	[sflag:s19] =	ssyncadd.s32 $0xFFFFFFB0  }
0x1b1: {  	[spmem:s1] =	stream.indirect.scatter.add.f32 [tilespmem:s31], [sflag:$0x7], $0x80, s26, s29, $0xb8;
	[tilespmem:$0x1E100] =	vst v63  }
0x1b2: {  	_ =	swait.ge [sflag:s20], $0x2800  }
0x1b3: {  	s25 =	sadd.s32 s25, s21;
	[sflag:s20] =	ssyncset.done $0x0  }
0x1b4: {  	s28 =	sadd.s32 $0x1E, s25;
	[sflag:s20] =	ssyncadd.s32 $0xFFFFD800  }
0x1b5: {  	[tilespmem:s26], [sflag:$0x4] =	stream.linear.gather [hbm4b:s28+s3], $0x50, $0x38;
	[tilespmem:$0x1E100] =	vst v63  }
0x1b6: {  	s28 =	sadd.s32 $0xFFFFFF60, s22  }
0x1b7: {  	[tilespmem:s31], [sflag:$0x1] =	stream.indirect.gather [hbm4b:s4+s29], $0x80, s28, s29, $0xb8;
	[tilespmem:$0x1E100] =	vst v63  }
0x1b8: {  	_ =	swait.ge [sflag:s12], $0x2800  }
0x1b9: {  	[sflag:s12] =	ssyncset.done $0x0  }
0x1ba: {  	[sflag:s12] =	ssyncadd.s32 $0xFFFFD800  }
0x1bb: {  	_ =	swait.ge [sflag:s18], $0x50  }
0x1bc: {  	[sflag:s18] =	ssyncset.done $0x0  }
0x1bd: {  	[sflag:s18] =	ssyncadd.s32 $0xFFFFFFB0  }
0x1be: {  	[spmem:s1] =	stream.indirect.scatter.add.f32 [tilespmem:s2], [sflag:$0x8], $0x80, s0, s29, $0xb8;
	[tilespmem:$0x1E100] =	vst v63  }
0x1bf: {  	_ =	swait.ge [sflag:s6], $0x2800  }
0x1c0: {  	[sflag:s6] =	ssyncset.done $0x0  }
0x1c1: {  	s28 =	sadd.s32 $0x28, s25;
	[sflag:s6] =	ssyncadd.s32 $0xFFFFD800  }
0x1c2: {  	[tilespmem:s0], [sflag:$0x5] =	stream.linear.gather [hbm4b:s28+s3], $0x50, $0x38;
	[tilespmem:$0x1E100] =	vst v63  }
0x1c3: {  	s28 =	sadd.s32 $0xFFFFFFB0, s22  }
0x1c4: {  	[tilespmem:s2], [sflag:$0x2] =	stream.indirect.gather [hbm4b:s4+s29], $0x80, s28, s29, $0xb8;
	[tilespmem:$0x1E100] =	vst v63  }
0x1c5: {  	_ =	swait.ge [sflag:s7], $0x2800  }
0x1c6: {  	[sflag:s7] =	ssyncset.done $0x0  }
0x1c7: {  	[sflag:s7] =	ssyncadd.s32 $0xFFFFD800  }
0x1c8: {  	_ =	swait.ge [sflag:s8], $0x50  }
0x1c9: {  	[sflag:s8] =	ssyncset.done $0x0  }
0x1ca: {  	[sflag:s8] =	ssyncadd.s32 $0xFFFFFFB0  }
0x1cb: {  	[spmem:s1] =	stream.indirect.scatter.add.f32 [tilespmem:s23], [sflag:$0x9], $0x80, s14, s29, $0xb8;
	[tilespmem:$0x1E100] =	vst v63  }
.Ltmp5:
0x1cc: {  	_ =	swait.ge [sflag:s9], $0x2800;
	(pc) =	sbr.rel @p0 .LBB2_12-.Ltmp5, $4  }
0x1cd: {  	[sflag:s9] =	ssyncset.done $0x0  }
0x1ce: {  	s25 =	sadd.s32 $0x32, s25;
	[sflag:s9] =	ssyncadd.s32 $0xFFFFD800  }
0x1cf: {  	[tilespmem:s14], [sflag:$0x6] =	stream.linear.gather [hbm4b:s25+s3], $0x50, $0x38;
	[tilespmem:$0x1E100] =	vst v63  }
0x1d0: {  	s22 =	sadd.s32 $0xF0, s22  }
0x1d1: {  	[tilespmem:s23], [sflag:$0x3] =	stream.indirect.gather [hbm4b:s4+s29], $0x80, s15, s29, $0xb8;
	[tilespmem:$0x1E100] =	vst v63  }
0x1d2: {  	_ =	swait.ge [sflag:s16], $0x2800  }
0x1d3: {  	[sflag:s16] =	ssyncset.done $0x0  }
0x1d4: {  	[sflag:s16] =	ssyncadd.s32 $0xFFFFD800  }
0x1d5: {  	_ =	swait.ge [sflag:s19], $0x50  }
0x1d6: {  	[sflag:s19] =	ssyncset.done $0x0  }
0x1d7: {  	[sflag:s19] =	ssyncadd.s32 $0xFFFFFFB0  }
0x1d8: {  	[spmem:s1] =	stream.indirect.scatter.add.f32 [tilespmem:s31], [sflag:$0x7], $0x80, s26, s29, $0xb8;
	[tilespmem:$0x1E100] =	vst v63  }
0x1d9: {  	_ =	swait.ge [sflag:s20], $0x2800  }
0x1da: {  	[sflag:s20] =	ssyncset.done $0x0  }
0x1db: {  	s17 =	rddreg [dreg:$0x7];
	[sflag:s20] =	ssyncadd.s32 $0xFFFFD800  }
0x1dc: {  	[tilespmem:s26], [sflag:$0x4] =	stream.linear.gather [hbm4b:s17+s3], $0x50, $0x38;
	[tilespmem:$0x1E100] =	vst v63  }
0x1dd: {  	s22 =	simm.s32 $0x2670  }
0x1de: {  	[tilespmem:s31], [sflag:$0x1] =	stream.indirect.gather [hbm4b:s4+s29], $0x80, s22, s29, $0xb8;
	[tilespmem:$0x1E100] =	vst v63  }
0x1df: {  	_ =	swait.ge [sflag:s12], $0x2800  }
0x1e0: {  	[sflag:s12] =	ssyncset.done $0x0  }
0x1e1: {  	[sflag:s12] =	ssyncadd.s32 $0xFFFFD800  }
0x1e2: {  	_ =	swait.ge [sflag:s18], $0x50  }
0x1e3: {  	[sflag:s18] =	ssyncset.done $0x0  }
0x1e4: {  	[sflag:s18] =	ssyncadd.s32 $0xFFFFFFB0  }
0x1e5: {  	[spmem:s1] =	stream.indirect.scatter.add.f32 [tilespmem:s2], [sflag:$0x8], $0x80, s0, s29, $0xb8;
	[tilespmem:$0x1E100] =	vst v63  }
0x1e6: {  	_ =	swait.ge [sflag:s6], $0x2800  }
0x1e7: {  	[sflag:s6] =	ssyncset.done $0x0  }
0x1e8: {  	s25 =	rddreg [dreg:$0x8];
	[sflag:s6] =	ssyncadd.s32 $0xFFFFD800  }
0x1e9: {  	[tilespmem:s0], [sflag:$0x5] =	stream.linear.gather [hbm4b:s25+s3], $0x50, $0x38;
	[tilespmem:$0x1E100] =	vst v63  }
0x1ea: {  	s17 =	simm.s32 $0x26C0  }
0x1eb: {  	[tilespmem:s2], [sflag:$0x2] =	stream.indirect.gather [hbm4b:s4+s29], $0x80, s17, s29, $0xb8;
	[tilespmem:$0x1E100] =	vst v63  }
0x1ec: {  	_ =	swait.ge [sflag:s7], $0x2800  }
0x1ed: {  	[sflag:s7] =	ssyncset.done $0x0  }
0x1ee: {  	[sflag:s7] =	ssyncadd.s32 $0xFFFFD800  }
0x1ef: {  	_ =	swait.ge [sflag:s8], $0x50  }
0x1f0: {  	[sflag:s8] =	ssyncset.done $0x0  }
0x1f1: {  	[sflag:s8] =	ssyncadd.s32 $0xFFFFFFB0  }
0x1f2: {  	[spmem:s1] =	stream.indirect.scatter.add.f32 [tilespmem:s23], [sflag:$0x9], $0x80, s14, s29, $0xb8;
	[tilespmem:$0x1E100] =	vst v63  }
0x1f3: {  	_ =	swait.ge [sflag:s16], $0x2800  }
0x1f4: {  	[sflag:s16] =	ssyncset.done $0x0  }
0x1f5: {  	[sflag:s16] =	ssyncadd.s32 $0xFFFFD800  }
0x1f6: {  	_ =	swait.ge [sflag:s19], $0x50  }
0x1f7: {  	[sflag:s19] =	ssyncset.done $0x0  }
0x1f8: {  	[sflag:s19] =	ssyncadd.s32 $0xFFFFFFB0  }
0x1f9: {  	[spmem:s1] =	stream.indirect.scatter.add.f32 [tilespmem:s31], [sflag:$0x7], $0x80, s26, s29, $0xb8;
	[tilespmem:$0x1E100] =	vst v63  }
0x1fa: {  	_ =	swait.ge [sflag:s12], $0x2800  }
0x1fb: {  	[sflag:s12] =	ssyncset.done $0x0  }
0x1fc: {  	[sflag:s12] =	ssyncadd.s32 $0xFFFFD800  }
0x1fd: {  	_ =	swait.ge [sflag:s18], $0x50  }
0x1fe: {  	[sflag:s18] =	ssyncset.done $0x0  }
0x1ff: {  	[sflag:s18] =	ssyncadd.s32 $0xFFFFFFB0  }
0x200: {  	[spmem:s1] =	stream.indirect.scatter.add.f32 [tilespmem:s2], [sflag:$0x8], $0x80, s0, s29, $0xb8;
	[tilespmem:$0x1E100] =	vst v63  }
0x201: {  	_ =	swait.ge [sflag:s20], $0x2800  }
0x202: {  	[sflag:s20] =	ssyncset.done $0x0  }
0x203: {  	[sflag:s20] =	ssyncadd.s32 $0xFFFFD800  }
0x204: {  	_ =	swait.ge [sflag:s6], $0x2800  }
0x205: {  	[sflag:s6] =	ssyncset.done $0x0  }
0x206: {  	[sflag:s6] =	ssyncadd.s32 $0xFFFFD800  }
0x207: {  	_ =	swait.ge [sflag:s9], $0x2800  }
0x208: {  	[sflag:s9] =	ssyncset.done $0x0  }
0x209: {  	[sflag:s9] =	ssyncadd.s32 $0xFFFFD800  }
0x20a: {  	[bflag:$0x0] =	sbarrier.arrive $0xFFFF  }
0x20b: {  	[tilespmem:s31], [sflag:$0xC] =	stream.linear.gather [spmem:s11], $0x2800, $0x38;
	[tilespmem:$0x1E100] =	vst v63  }
0x20c: {  	_ =	swait.ge [sflag:s24], $0x2800  }
0x20d: {  	[sflag:s24] =	ssyncset.done $0x0  }
0x20e: {  	s22 =	rddreg [dreg:$0xf];
	[sflag:s24] =	ssyncadd.s32 $0xFFFFD800  }
0x20f: {  	[hbm4b:s22+s3] =	stream.linear.scatter [tilespmem:s31], [sflag:$0xA], $0x2800, $0x38;
	[tilespmem:$0x1E100] =	vst v63  }
0x210: {  	s22 =	rddreg [dreg:$0xa]  }
0x211: {  	[tilespmem:s2], [sflag:$0xC] =	stream.linear.gather [spmem:s22], $0x2800, $0x38;
	[tilespmem:$0x1E100] =	vst v63  }
0x212: {  	_ =	swait.ge [sflag:s24], $0x2800  }
0x213: {  	[sflag:s24] =	ssyncset.done $0x0  }
0x214: {  	s25 =	rddreg [dreg:$0x10];
	[sflag:s24] =	ssyncadd.s32 $0xFFFFD800  }
0x215: {  	[hbm4b:s25+s3] =	stream.linear.scatter [tilespmem:s2], [sflag:$0xB], $0x2800, $0x38;
	[tilespmem:$0x1E100] =	vst v63  }
0x216: {  	_ =	swait.ge [sflag:s10], $0x2800  }
0x217: {  	[sflag:s10] =	ssyncset.done $0x0  }
0x218: {  	s25 =	rddreg [dreg:$0xc];
	[sflag:s10] =	ssyncadd.s32 $0xFFFFD800  }
0x219: {  	[tilespmem:s31], [sflag:$0xC] =	stream.linear.gather [spmem:s25], $0x2800, $0x38;
	[tilespmem:$0x1E100] =	vst v63  }
0x21a: {  	_ =	swait.ge [sflag:s24], $0x2800  }
0x21b: {  	[sflag:s24] =	ssyncset.done $0x0  }
0x21c: {  	s17 =	rddreg [dreg:$0x1a];
	[sflag:s24] =	ssyncadd.s32 $0xFFFFD800  }
0x21d: {  	[hbm4b:s17+s3] =	stream.linear.scatter [tilespmem:s31], [sflag:$0xA], $0x2800, $0x38;
	[tilespmem:$0x1E100] =	vst v63  }
0x21e: {  	_ =	swait.ge [sflag:s5], $0x2800  }
0x21f: {  	[sflag:s5] =	ssyncset.done $0x0  }
0x220: {  	s28 =	rddreg [dreg:$0xe];
	[sflag:s5] =	ssyncadd.s32 $0xFFFFD800  }
0x221: {  	[tilespmem:s2], [sflag:$0xC] =	stream.linear.gather [spmem:s28], $0x2800, $0x38;
	[tilespmem:$0x1E100] =	vst v63  }
0x222: {  	_ =	swait.ge [sflag:s24], $0x2800  }
0x223: {  	[sflag:s24] =	ssyncset.done $0x0  }
0x224: {  	s17 =	rddreg [dreg:$0x1b];
	[sflag:s24] =	ssyncadd.s32 $0xFFFFD800  }
0x225: {  	[hbm4b:s17+s3] =	stream.linear.scatter [tilespmem:s2], [sflag:$0xB], $0x2800, $0x38;
	[tilespmem:$0x1E100] =	vst v63  }
0x226: {  	_ =	swait.ge [sflag:s10], $0x2800  }
0x227: {  	[sflag:s10] =	ssyncset.done $0x0  }
0x228: {  	s17 =	rddreg [dreg:$0x12];
	[sflag:s10] =	ssyncadd.s32 $0xFFFFD800  }
0x229: {  	[tilespmem:s31], [sflag:$0xC] =	stream.linear.gather [spmem:s17], $0x2800, $0x38;
	[tilespmem:$0x1E100] =	vst v63  }
0x22a: {  	_ =	swait.ge [sflag:s24], $0x2800  }
0x22b: {  	[sflag:s24] =	ssyncset.done $0x0  }
0x22c: {  	s17 =	rddreg [dreg:$0x1c];
	[sflag:s24] =	ssyncadd.s32 $0xFFFFD800  }
0x22d: {  	[hbm4b:s17+s3] =	stream.linear.scatter [tilespmem:s31], [sflag:$0xA], $0x2800, $0x38;
	[tilespmem:$0x1E100] =	vst v63  }
0x22e: {  	_ =	swait.ge [sflag:s5], $0x2800  }
0x22f: {  	[sflag:s5] =	ssyncset.done $0x0  }
0x230: {  	s17 =	rddreg [dreg:$0x15];
	[sflag:s5] =	ssyncadd.s32 $0xFFFFD800  }
0x231: {  	[tilespmem:s2], [sflag:$0xC] =	stream.linear.gather [spmem:s17], $0x2800, $0x38;
	[tilespmem:$0x1E100] =	vst v63  }
0x232: {  	_ =	swait.ge [sflag:s24], $0x2800  }
0x233: {  	[sflag:s24] =	ssyncset.done $0x0  }
0x234: {  	s17 =	rddreg [dreg:$0x1d];
	[sflag:s24] =	ssyncadd.s32 $0xFFFFD800  }
0x235: {  	[hbm4b:s17+s3] =	stream.linear.scatter [tilespmem:s2], [sflag:$0xB], $0x2800, $0x38;
	[tilespmem:$0x1E100] =	vst v63  }
0x236: {  	_ =	swait.ge [sflag:s10], $0x2800  }
0x237: {  	[sflag:s10] =	ssyncset.done $0x0  }
0x238: {  	s17 =	rddreg [dreg:$0x17];
	[sflag:s10] =	ssyncadd.s32 $0xFFFFD800  }
0x239: {  	[tilespmem:s31], [sflag:$0xC] =	stream.linear.gather [spmem:s17], $0x2800, $0x38;
	[tilespmem:$0x1E100] =	vst v63  }
0x23a: {  	_ =	swait.ge [sflag:s24], $0x2800  }
0x23b: {  	[sflag:s24] =	ssyncset.done $0x0  }
0x23c: {  	s17 =	rddreg [dreg:$0x1e];
	[sflag:s24] =	ssyncadd.s32 $0xFFFFD800  }
0x23d: {  	[hbm4b:s17+s3] =	stream.linear.scatter [tilespmem:s31], [sflag:$0xA], $0x2800, $0x38;
	[tilespmem:$0x1E100] =	vst v63  }
0x23e: {  	_ =	swait.ge [sflag:s5], $0x2800  }
0x23f: {  	[sflag:s5] =	ssyncset.done $0x0  }
0x240: {  	[sflag:s5] =	ssyncadd.s32 $0xFFFFD800  }
0x241: {  	[tilespmem:s2], [sflag:$0xC] =	stream.linear.gather [spmem:s30], $0x2800, $0x38;
	[tilespmem:$0x1E100] =	vst v63  }
0x242: {  	_ =	swait.ge [sflag:s24], $0x2800  }
0x243: {  	[sflag:s24] =	ssyncset.done $0x0  }
0x244: {  	s17 =	rddreg [dreg:$0x1f];
	[sflag:s24] =	ssyncadd.s32 $0xFFFFD800  }
0x245: {  	[hbm4b:s17+s3] =	stream.linear.scatter [tilespmem:s2], [sflag:$0xB], $0x2800, $0x38;
	[tilespmem:$0x1E100] =	vst v63  }
0x246: {  	_ =	swait.ge [sflag:s10], $0x2800  }
0x247: {  	[sflag:s10] =	ssyncset.done $0x0  }
0x248: {  	[sflag:s10] =	ssyncadd.s32 $0xFFFFD800  }
0x249: {  	_ =	swait.ge [sflag:s5], $0x2800  }
0x24a: {  	s13 =	sadd.s32 $0x1, s13;
	s17 =	rddreg [dreg:$0x13]  }
0x24b: {  	p0 =	sne.s32 s13, s17  }
.Ltmp6:
0x24c: {  	_ = 	snop;
	(pc) =	sbr.rel @p0 .LBB2_1-.Ltmp6, $3  }
0x24d: {  	_ =	sdelay $0x1  }
0x24e: {  	[sflag:s5] =	ssyncset.done $0x0  }
0x24f: {  	[sflag:s5] =	ssyncadd.s32 $0xFFFFD800  }
0x250: {  	_ =	sfence.sel $0x180000  }
0x251: {  	[bflag:$0x0] =	sbarrier.arrive $0xFFFF  }
0x252: {  	_ =	strace $0x90000047  }
0x253: {  	s0 =	stileid.u32;
	[bflag:$0x2] =	sbarrier.arrive $0xFFFF  }
0x254: {  	p0 =	sne.s32 s0, $0x0;
	s0 =	rddreg [dreg:$0x2]  }
0x255: {  	s0 =	sadd.s32 @!p0 $0x100000, s0  }
0x256: {  	[sflag:s0] =	ssyncadd.tile.s32 @!p0 $0x1;
	_ =	shalt  }
.Lfunc_end2:
_tile_overlayer_lowered:
.L_overlay_start_2:
0x257: {  	(tag) =	ssettag $0x2  }
0x258: {  	s0 =	rddreg [dreg:$0x0];
	s2 =	stileid.u32  }
0x259: {  	s1 =	rddreg [dreg:$0x1];
	p0 =	sne.s32 s2, $0x0  }
0x25a: {  	s3 =	rddreg [dreg:$0x2];
	[bflag:$0x3] =	sbarrier.arrive $0xFFFF;
	s2 =	simm.s32 @!p0 $0x1C0C  }
0x25b: {  	[timem:s3], [sflag:s2] =	dma.local @!p0 [hbm:s0], s1  }
0x25c: {  	s0 =	simm.s32 @!p0 $0xC  }
0x25d: {  	_ =	swait.ge @!p0 [sflag:s0], s1  }
0x25e: {  	s1 =	ssub.s32 @!p0 $0x0, s1;
	[sflag:s0] =	ssyncset.done @!p0 $0x0  }
0x25f: {  	[sflag:s0] =	ssyncadd.s32 @!p0 s1  }
0x260: {  	[bflag:$0x3] =	sbarrier.arrive $0xFFFF  }
0x261: {  	_ =	shalt  }

</sc_bundles>
